<compile_context>
chip_gen: v7x
topology: tpu7x:2x2x1
jax: 0.10.2.dev20260603
libtpu: 0.0.44.dev20260713+nightly
codegen_flags: <defaults>
</compile_context>

<pallas_src>
import functools

import jax
import jax.numpy as jnp
from jax import lax
from jax.experimental import pallas as pl
from jax.experimental.pallas import tpu as pltpu
from jax.experimental.pallas import tpu_sc as plsc

_SPLITS = 4
_LEN_SPLIT = 8
_SPLIT_EMBED = 16
_NUM_EMBEDDING = 1 << _LEN_SPLIT
_NUM_TABLES = 2 * _SPLITS
_N = 425984
_D = _NUM_TABLES * _SPLIT_EMBED

_NC, _NS, _L = 2, 16, 16
_NW = _NC * _NS
_PER_W = _N // _NW
_C = 128
_CHUNKS = _PER_W // _C
_NBUF = 3
_CH = _C * _D
_TAB = _NUM_TABLES * _NUM_EMBEDDING * _SPLIT_EMBED


def _body(x_hbm, tab_hbm, out_hbm, tab_v, x_v, stg_v, sem):
  wid = lax.axis_index("s") * _NC + lax.axis_index("c")
  pltpu.sync_copy(tab_hbm, tab_v)
  pltpu.sync_copy(x_hbm.at[pl.ds(wid * _PER_W, _PER_W)], x_v)

  zeros = jnp.zeros((_L,), jnp.int32)
  four = jnp.full((_L,), 4, jnp.int32)
  maskff0 = jnp.full((_L,), 0xFF0, jnp.int32)
  shr = [jnp.full((_L,), 8 * i - 4, jnp.int32) for i in range(1, _SPLITS)]
  iota16 = lax.iota(jnp.int32, _L)
  ctv = [iota16 + t * _NUM_EMBEDDING * _SPLIT_EMBED
         for t in range(_NUM_TABLES)]
  offs = [jnp.full((_L,), j, jnp.int32) for j in range(_L)]
  all_true = jnp.full((_L,), True, jnp.bool_)
  out_base0 = wid * (_PER_W * _D)

  def chunk(g, carry):
    cur = lax.rem(g, _NBUF)
    stg_off = cur * _CH

    @pl.when(g >= _NBUF)
    def _drain():
      pltpu.make_async_copy(
          stg_v.at[pl.ds(stg_off, _CH)],
          out_hbm.at[pl.ds(out_base0, _CH)],
          sem,
      ).wait()

    def group(b, carry2):
      xs = [x_v[pl.ds(g * _C + b * (2 * _L) + k * _L, _L)] for k in range(2)]
      off0 = stg_off + b * (2 * _L * _D)
      pend = []
      for e in range(2 * _L):
        xb = xs[e // _L].at[offs[e % _L]].get(mode="promise_in_bounds")
        neg = xb < zeros
        xa = jnp.abs(xb)
        off_e = off0 + e * _D
        p4s = [lax.shift_left(xa, four) & maskff0]
        for i in range(1, _SPLITS):
          p4s.append(lax.shift_right_arithmetic(xa, shr[i - 1]) & maskff0)
        for t in range(_NUM_TABLES):
          adr = p4s[t % _SPLITS] + ctv[t]
          base = jnp.where(neg, ctv[t], adr) if t < _SPLITS else jnp.where(
              neg, adr, ctv[t])
          val = plsc.load_gather(tab_v, [base], mask=all_true)
          pend.append((off_e + t * _SPLIT_EMBED, val))
          if len(pend) > 6:
            o, v = pend.pop(0)
            stg_v[pl.ds(o, _SPLIT_EMBED)] = v
      for o, v in pend:
        stg_v[pl.ds(o, _SPLIT_EMBED)] = v
      return carry2

    lax.fori_loop(0, _C // (2 * _L), group, 0)
    pltpu.async_copy(
        stg_v.at[pl.ds(stg_off, _CH)],
        out_hbm.at[pl.ds(out_base0 + g * _CH, _CH)],
        sem,
    )
    return carry

  lax.fori_loop(0, _CHUNKS, chunk, 0)
  for _ in range(_NBUF):
    pltpu.make_async_copy(
        stg_v.at[pl.ds(0, _CH)],
        out_hbm.at[pl.ds(out_base0, _CH)],
        sem,
    ).wait()


_gather = functools.partial(
    pl.kernel,
    out_type=jax.ShapeDtypeStruct((_N * _D,), jnp.float32),
    mesh=plsc.VectorSubcoreMesh(core_axis_name="c", subcore_axis_name="s"),
    compiler_params=pltpu.CompilerParams(
        needs_layout_passes=False, use_tc_tiling_on_sc=False),
    scratch_types=[
        pltpu.VMEM((_TAB,), jnp.float32),
        pltpu.VMEM((_PER_W,), jnp.int32),
        pltpu.VMEM((_NBUF * _CH,), jnp.float32),
        pltpu.SemaphoreType.DMA,
    ],
)(_body)


@jax.jit
def kernel(X, tables):
  out = _gather(X, tables.reshape(-1))
  return out.reshape(_N, _D)

# --- scband reference (transcript-rebuilt; emitter-appended) ---
"""Pipeline reference for scband-bitsplit-embedding-10823317586380 (READ-ONLY COPY).

The authoritative reference and input builder live on the scoring server;
editing this copy changes nothing except your own understanding.
"""

import jax, jax.numpy as jnp
import numpy as np

SPLITS = 4
LEN_SPLIT = 8  # num_bits=32 / splits=4
SPLIT_EMBED = 16  # embedding_dim=64 / splits=4
NUM_EMBEDDING = 1 << LEN_SPLIT  # 256
NUM_TABLES = 2 * SPLITS  # signed=True -> 8
N = 425984


def bit_split(X, splits, len_split, signed=True):
    signs = (X >= 0).astype(X.dtype)[:, None]
    Xa = jnp.abs(X)
    mask = (1 << len_split) - 1
    parts = []
    for _ in range(splits):
        parts.append(jnp.bitwise_and(Xa, mask)[:, None])
        Xa = jnp.right_shift(Xa, len_split)
    out = jnp.concatenate(parts, axis=1)
    if signed:
        out = jnp.concatenate([out * signs, out * (1 - signs)], axis=1)
    return out


def setup_inputs(seed: int = 0) -> dict:
    key = jax.random.key(seed)
    k1, k2 = jax.random.split(key)
    X = jax.random.randint(k1, (N,), 0, 1000000, dtype=jnp.int32)
    # 8 embedding tables, each [256, 16], stacked
    tables = jax.random.normal(k2, (NUM_TABLES, NUM_EMBEDDING, SPLIT_EMBED), dtype=jnp.float32)
    return {"X": X, "tables": tables}


def reference(X, tables):
    Xs = bit_split(X, SPLITS, LEN_SPLIT, signed=True)  # [N, 8]
    embed_list = []
    for i in range(NUM_TABLES):
        embed_list.append(jnp.take(tables[i], Xs[:, i], axis=0))  # [N, 16]
    out = jnp.concatenate(embed_list, axis=-1)  # [N, 128]
    return out

if __name__ == "__main__":
    import jax
    _d = setup_inputs()
    print(jax.jit(kernel)(*tuple(_d.values())))

</pallas_src>

<mosaic_0001>
#map = affine_map<(d0, d1) -> (0)>
module attributes {stable_mosaic.version = 14 : i64} {
  func.func @_body(%arg0: i32, %arg1: i32, %arg2: memref<425984xi32, #tpu.memory_space<hbm>>, %arg3: memref<32768xf32, #tpu.memory_space<hbm>>, %arg4: memref<54525952xf32, #tpu.memory_space<hbm>>, %arg5: memref<32768xf32, #tpu.memory_space<vmem>>, %arg6: memref<13312xi32, #tpu.memory_space<vmem>>, %arg7: memref<49152xf32, #tpu.memory_space<vmem>>, %arg8: memref<!tpu.dma_semaphore, #tpu.memory_space<semaphore_mem>>) attributes {dimension_semantics = [#tpu.dimension_semantics<core_parallel>, #tpu.dimension_semantics<subcore_parallel>], iteration_bounds = array<i64: 2, 16>, scalar_prefetch = 0 : i64, scratch_operands = 4 : i64, tpu.core_type = #tpu.core_type<sc_vector_subcore>, window_params = [{transform_indices = #map}, {transform_indices = #map}, {transform_indices = #map}]} {
    %mul3A = arith.constant 2 : i32
    %mul3A_0 = arith.muli %arg1, %mul3A : i32
    %add3A = arith.addi %mul3A_0, %arg0 : i32
    "tpu.region"() ({
      %run_scoped3A = tpu.sem_alloc : memref<!tpu.dma_semaphore, #tpu.memory_space<semaphore_mem>>
      tpu.enqueue_dma source(%arg3 : memref<32768xf32, #tpu.memory_space<hbm>>) target(%arg5 : memref<32768xf32, #tpu.memory_space<vmem>>) target_semaphore(%run_scoped3A : memref<!tpu.dma_semaphore, #tpu.memory_space<semaphore_mem>>)
      tpu.wait_dma2 semaphore(%run_scoped3A : memref<!tpu.dma_semaphore, #tpu.memory_space<semaphore_mem>>) src(%arg3 : memref<32768xf32, #tpu.memory_space<hbm>>) dst(%arg5 : memref<32768xf32, #tpu.memory_space<vmem>>)
      tpu.yield
    }) : () -> ()
    %mul3A_1 = arith.constant 13312 : i32
    %mul3A_2 = arith.muli %add3A, %mul3A_1 : i32
    "tpu.region"() ({
      %run_scoped3A = tpu.sem_alloc : memref<!tpu.dma_semaphore, #tpu.memory_space<semaphore_mem>>
      %dma_start3A = tpu.memref_slice %arg2[%mul3A_2] : memref<425984xi32, #tpu.memory_space<hbm>> -> memref<13312xi32, #tpu.memory_space<hbm>>
      %dma_start3A_96 = tpu.memref_slice %arg2[%mul3A_2] : memref<425984xi32, #tpu.memory_space<hbm>> -> memref<13312xi32, #tpu.memory_space<hbm>>
      tpu.enqueue_dma source(%dma_start3A_96 : memref<13312xi32, #tpu.memory_space<hbm>>) target(%arg6 : memref<13312xi32, #tpu.memory_space<vmem>>) target_semaphore(%run_scoped3A : memref<!tpu.dma_semaphore, #tpu.memory_space<semaphore_mem>>)
      %dma_wait3A_97 = tpu.memref_slice %arg2[%mul3A_2] : memref<425984xi32, #tpu.memory_space<hbm>> -> memref<13312xi32, #tpu.memory_space<hbm>>
      %dma_wait3A_98 = tpu.memref_slice %arg2[%mul3A_2] : memref<425984xi32, #tpu.memory_space<hbm>> -> memref<13312xi32, #tpu.memory_space<hbm>>
      tpu.wait_dma2 semaphore(%run_scoped3A : memref<!tpu.dma_semaphore, #tpu.memory_space<semaphore_mem>>) src(%dma_wait3A_98 : memref<13312xi32, #tpu.memory_space<hbm>>) dst(%arg6 : memref<13312xi32, #tpu.memory_space<vmem>>)
      tpu.yield
    }) : () -> ()
    %broadcast_in_dim3A = arith.constant 0 : i32
    %broadcast_in_dim3A_3 = vector.broadcast %broadcast_in_dim3A : i32 to vector<16xi32>
    %broadcast_in_dim3A_4 = arith.constant 4 : i32
    %broadcast_in_dim3A_5 = vector.broadcast %broadcast_in_dim3A_4 : i32 to vector<16xi32>
    %broadcast_in_dim3A_6 = arith.constant 4080 : i32
    %broadcast_in_dim3A_7 = vector.broadcast %broadcast_in_dim3A_6 : i32 to vector<16xi32>
    %broadcast_in_dim3A_8 = arith.constant 4 : i32
    %broadcast_in_dim3A_9 = vector.broadcast %broadcast_in_dim3A_8 : i32 to vector<16xi32>
    %broadcast_in_dim3A_10 = arith.constant 12 : i32
    %broadcast_in_dim3A_11 = vector.broadcast %broadcast_in_dim3A_10 : i32 to vector<16xi32>
    %broadcast_in_dim3A_12 = arith.constant 20 : i32
    %broadcast_in_dim3A_13 = vector.broadcast %broadcast_in_dim3A_12 : i32 to vector<16xi32>
    %iota3A = tpu.iota {dimensions = array<i32: 0>} : vector<16xi32>
    %add3A_14 = arith.constant 0 : i32
    %add3A_15 = vector.broadcast %add3A_14 : i32 to vector<16xi32>
    %add3A_16 = arith.addi %iota3A, %add3A_15 : vector<16xi32>
    %add3A_17 = arith.constant 4096 : i32
    %add3A_18 = vector.broadcast %add3A_17 : i32 to vector<16xi32>
    %add3A_19 = arith.addi %iota3A, %add3A_18 : vector<16xi32>
    %add3A_20 = arith.constant 8192 : i32
    %add3A_21 = vector.broadcast %add3A_20 : i32 to vector<16xi32>
    %add3A_22 = arith.addi %iota3A, %add3A_21 : vector<16xi32>
    %add3A_23 = arith.constant 12288 : i32
    %add3A_24 = vector.broadcast %add3A_23 : i32 to vector<16xi32>
    %add3A_25 = arith.addi %iota3A, %add3A_24 : vector<16xi32>
    %add3A_26 = arith.constant 16384 : i32
    %add3A_27 = vector.broadcast %add3A_26 : i32 to vector<16xi32>
    %add3A_28 = arith.addi %iota3A, %add3A_27 : vector<16xi32>
    %add3A_29 = arith.constant 20480 : i32
    %add3A_30 = vector.broadcast %add3A_29 : i32 to vector<16xi32>
    %add3A_31 = arith.addi %iota3A, %add3A_30 : vector<16xi32>
    %add3A_32 = arith.constant 24576 : i32
    %add3A_33 = vector.broadcast %add3A_32 : i32 to vector<16xi32>
    %add3A_34 = arith.addi %iota3A, %add3A_33 : vector<16xi32>
    %add3A_35 = arith.constant 28672 : i32
    %add3A_36 = vector.broadcast %add3A_35 : i32 to vector<16xi32>
    %add3A_37 = arith.addi %iota3A, %add3A_36 : vector<16xi32>
    %broadcast_in_dim3A_38 = arith.constant 0 : i32
    %broadcast_in_dim3A_39 = vector.broadcast %broadcast_in_dim3A_38 : i32 to vector<16xi32>
    %broadcast_in_dim3A_40 = arith.constant 1 : i32
    %broadcast_in_dim3A_41 = vector.broadcast %broadcast_in_dim3A_40 : i32 to vector<16xi32>
    %broadcast_in_dim3A_42 = arith.constant 2 : i32
    %broadcast_in_dim3A_43 = vector.broadcast %broadcast_in_dim3A_42 : i32 to vector<16xi32>
    %broadcast_in_dim3A_44 = arith.constant 3 : i32
    %broadcast_in_dim3A_45 = vector.broadcast %broadcast_in_dim3A_44 : i32 to vector<16xi32>
    %broadcast_in_dim3A_46 = arith.constant 4 : i32
    %broadcast_in_dim3A_47 = vector.broadcast %broadcast_in_dim3A_46 : i32 to vector<16xi32>
    %broadcast_in_dim3A_48 = arith.constant 5 : i32
    %broadcast_in_dim3A_49 = vector.broadcast %broadcast_in_dim3A_48 : i32 to vector<16xi32>
    %broadcast_in_dim3A_50 = arith.constant 6 : i32
    %broadcast_in_dim3A_51 = vector.broadcast %broadcast_in_dim3A_50 : i32 to vector<16xi32>
    %broadcast_in_dim3A_52 = arith.constant 7 : i32
    %broadcast_in_dim3A_53 = vector.broadcast %broadcast_in_dim3A_52 : i32 to vector<16xi32>
    %broadcast_in_dim3A_54 = arith.constant 8 : i32
    %broadcast_in_dim3A_55 = vector.broadcast %broadcast_in_dim3A_54 : i32 to vector<16xi32>
    %broadcast_in_dim3A_56 = arith.constant 9 : i32
    %broadcast_in_dim3A_57 = vector.broadcast %broadcast_in_dim3A_56 : i32 to vector<16xi32>
    %broadcast_in_dim3A_58 = arith.constant 10 : i32
    %broadcast_in_dim3A_59 = vector.broadcast %broadcast_in_dim3A_58 : i32 to vector<16xi32>
    %broadcast_in_dim3A_60 = arith.constant 11 : i32
    %broadcast_in_dim3A_61 = vector.broadcast %broadcast_in_dim3A_60 : i32 to vector<16xi32>
    %broadcast_in_dim3A_62 = arith.constant 12 : i32
    %broadcast_in_dim3A_63 = vector.broadcast %broadcast_in_dim3A_62 : i32 to vector<16xi32>
    %broadcast_in_dim3A_64 = arith.constant 13 : i32
    %broadcast_in_dim3A_65 = vector.broadcast %broadcast_in_dim3A_64 : i32 to vector<16xi32>
    %broadcast_in_dim3A_66 = arith.constant 14 : i32
    %broadcast_in_dim3A_67 = vector.broadcast %broadcast_in_dim3A_66 : i32 to vector<16xi32>
    %broadcast_in_dim3A_68 = arith.constant 15 : i32
    %broadcast_in_dim3A_69 = vector.broadcast %broadcast_in_dim3A_68 : i32 to vector<16xi32>
    %broadcast_in_dim3A_70 = arith.constant true
    %broadcast_in_dim3A_71 = vector.broadcast %broadcast_in_dim3A_70 : i1 to vector<16xi1>
    %mul3A_72 = arith.constant 1703936 : i32
    %mul3A_73 = arith.muli %add3A, %mul3A_72 : i32
    %scan3A = arith.constant 0 : i32
    %scan3A_74 = arith.constant 0 : i32
    %scan3A_75 = arith.constant 104 : i32
    %scan3A_76 = arith.addi %scan3A_74, %scan3A_75 : i32
    %scan3A_77 = arith.constant 1 : i32
    scf.for %scan3A_96 = %scan3A_74 to %scan3A_76 step %scan3A_77  : i32 {
      %rem3A = arith.constant 3 : i32
      %rem3A_97 = arith.remsi %scan3A_96, %rem3A : i32
      %mul3A_98 = arith.constant 16384 : i32
      %mul3A_99 = arith.muli %rem3A_97, %mul3A_98 : i32
      %ge3A = arith.constant 3 : i32
      %ge3A_100 = arith.cmpi sge, %scan3A_96, %ge3A : i32
      %convert_element_type3A = arith.extui %ge3A_100 : i1 to i32
      %cond3A = arith.constant 0 : i32
      %cond3A_101 = arith.cmpi ne, %convert_element_type3A, %cond3A : i32
      scf.if %cond3A_101 {
        %dma_wait3A_114 = tpu.memref_slice %arg7[%mul3A_99] : memref<49152xf32, #tpu.memory_space<vmem>> -> memref<16384xf32, #tpu.memory_space<vmem>>
        %dma_wait3A_115 = tpu.memref_slice %arg4[%mul3A_73] : memref<54525952xf32, #tpu.memory_space<hbm>> -> memref<16384xf32, #tpu.memory_space<hbm>>
        %dma_wait3A_116 = tpu.memref_slice %arg4[%mul3A_73] : memref<54525952xf32, #tpu.memory_space<hbm>> -> memref<16384xf32, #tpu.memory_space<hbm>>
        %dma_wait3A_117 = tpu.memref_slice %arg7[%mul3A_99] : memref<49152xf32, #tpu.memory_space<vmem>> -> memref<16384xf32, #tpu.memory_space<vmem>>
        tpu.wait_dma2 semaphore(%arg8 : memref<!tpu.dma_semaphore, #tpu.memory_space<semaphore_mem>>) src(%dma_wait3A_117 : memref<16384xf32, #tpu.memory_space<vmem>>) dst(%dma_wait3A_116 : memref<16384xf32, #tpu.memory_space<hbm>>)
      } else {
      }
      %scan3A_102 = arith.constant 0 : i32
      %scan3A_103 = arith.constant 0 : i32
      %scan3A_104 = arith.constant 4 : i32
      %scan3A_105 = arith.addi %scan3A_103, %scan3A_104 : i32
      %scan3A_106 = arith.constant 1 : i32
      scf.for %scan3A_114 = %scan3A_103 to %scan3A_105 step %scan3A_106  : i32 {
        %mul3A_115 = arith.constant 128 : i32
        %mul3A_116 = arith.muli %scan3A_96, %mul3A_115 : i32
        %mul3A_117 = arith.constant 32 : i32
        %mul3A_118 = arith.muli %scan3A_114, %mul3A_117 : i32
        %add3A_119 = arith.addi %mul3A_116, %mul3A_118 : i32
        %add3A_120 = arith.constant 0 : i32
        %add3A_121 = arith.addi %add3A_119, %add3A_120 : i32
        %get3A = arith.index_cast %add3A_121 : i32 to index
        %get3A_122 = tpu.vector_load %arg6[%get3A] {strides = array<i32>} : memref<13312xi32, #tpu.memory_space<vmem>>, vector<16xi32>,
        %mul3A_123 = arith.constant 128 : i32
        %mul3A_124 = arith.muli %scan3A_96, %mul3A_123 : i32
        %mul3A_125 = arith.constant 32 : i32
        %mul3A_126 = arith.muli %scan3A_114, %mul3A_125 : i32
        %add3A_127 = arith.addi %mul3A_124, %mul3A_126 : i32
        %add3A_128 = arith.constant 16 : i32
        %add3A_129 = arith.addi %add3A_127, %add3A_128 : i32
        %get3A_130 = arith.index_cast %add3A_129 : i32 to index
        %get3A_131 = tpu.vector_load %arg6[%get3A_130] {strides = array<i32>} : memref<13312xi32, #tpu.memory_space<vmem>>, vector<16xi32>,
        %mul3A_132 = arith.constant 4096 : i32
        %mul3A_133 = arith.muli %scan3A_114, %mul3A_132 : i32
        %add3A_134 = arith.addi %mul3A_99, %mul3A_133 : i32
        %lt3A = arith.constant 0 : i32
        %lt3A_135 = vector.broadcast %lt3A : i32 to vector<16xi32>
        %lt3A_136 = arith.cmpi slt, %broadcast_in_dim3A_39, %lt3A_135 : vector<16xi32>
        %add3A_137 = arith.constant 16 : i32
        %add3A_138 = vector.broadcast %add3A_137 : i32 to vector<16xi32>
        %add3A_139 = arith.addi %broadcast_in_dim3A_39, %add3A_138 : vector<16xi32>
        %select_n3A = arith.select %lt3A_136, %add3A_139, %broadcast_in_dim3A_39 : vector<16xi1>, vector<16xi32>
        %broadcast_in_dim3A_140 = vector.shape_cast %select_n3A : vector<16xi32> to vector<16x1xi32>
        %gather3A = vector.shape_cast %broadcast_in_dim3A_140 : vector<16x1xi32> to vector<16xi32>
        %gather3A_141 = tpu.dynamic_gather %get3A_122[%gather3A] in [0] : vector<16xi32>, vector<16xi32> -> vector<16xi32>
        %lt3A_142 = arith.cmpi slt, %gather3A_141, %broadcast_in_dim3A_3 : vector<16xi32>
        %abs3A = math.absi %gather3A_141 : vector<16xi32>
        %add3A_143 = arith.constant 0 : i32
        %add3A_144 = arith.addi %add3A_134, %add3A_143 : i32
        %shift_left3A = arith.shli %abs3A, %broadcast_in_dim3A_5 : vector<16xi32>
        %and3A = arith.andi %shift_left3A, %broadcast_in_dim3A_7 : vector<16xi32>
        %shift_right_arithmetic3A = arith.shrsi %abs3A, %broadcast_in_dim3A_9 : vector<16xi32>
        %and3A_145 = arith.andi %shift_right_arithmetic3A, %broadcast_in_dim3A_7 : vector<16xi32>
        %shift_right_arithmetic3A_146 = arith.shrsi %abs3A, %broadcast_in_dim3A_11 : vector<16xi32>
        %and3A_147 = arith.andi %shift_right_arithmetic3A_146, %broadcast_in_dim3A_7 : vector<16xi32>
        %shift_right_arithmetic3A_148 = arith.shrsi %abs3A, %broadcast_in_dim3A_13 : vector<16xi32>
        %and3A_149 = arith.andi %shift_right_arithmetic3A_148, %broadcast_in_dim3A_7 : vector<16xi32>
        %add3A_150 = arith.addi %and3A, %add3A_16 : vector<16xi32>
        %select_n3A_151 = arith.select %lt3A_142, %add3A_16, %add3A_150 : vector<16xi1>, vector<16xi32>
        %gather3A_152 = tpu.vector_load_idx %arg5[%select_n3A_151] masked %broadcast_in_dim3A_71 : memref<32768xf32, #tpu.memory_space<vmem>>[vector<16xi32>], vector<16xf32>, vector<16xi1>
        %add3A_153 = arith.constant 0 : i32
        %add3A_154 = arith.addi %add3A_144, %add3A_153 : i32
        %add3A_155 = arith.addi %and3A_145, %add3A_19 : vector<16xi32>
        %select_n3A_156 = arith.select %lt3A_142, %add3A_19, %add3A_155 : vector<16xi1>, vector<16xi32>
        %gather3A_157 = tpu.vector_load_idx %arg5[%select_n3A_156] masked %broadcast_in_dim3A_71 : memref<32768xf32, #tpu.memory_space<vmem>>[vector<16xi32>], vector<16xf32>, vector<16xi1>
        %add3A_158 = arith.constant 16 : i32
        %add3A_159 = arith.addi %add3A_144, %add3A_158 : i32
        %add3A_160 = arith.addi %and3A_147, %add3A_22 : vector<16xi32>
        %select_n3A_161 = arith.select %lt3A_142, %add3A_22, %add3A_160 : vector<16xi1>, vector<16xi32>
        %gather3A_162 = tpu.vector_load_idx %arg5[%select_n3A_161] masked %broadcast_in_dim3A_71 : memref<32768xf32, #tpu.memory_space<vmem>>[vector<16xi32>], vector<16xf32>, vector<16xi1>
        %add3A_163 = arith.constant 32 : i32
        %add3A_164 = arith.addi %add3A_144, %add3A_163 : i32
        %add3A_165 = arith.addi %and3A_149, %add3A_25 : vector<16xi32>
        %select_n3A_166 = arith.select %lt3A_142, %add3A_25, %add3A_165 : vector<16xi1>, vector<16xi32>
        %gather3A_167 = tpu.vector_load_idx %arg5[%select_n3A_166] masked %broadcast_in_dim3A_71 : memref<32768xf32, #tpu.memory_space<vmem>>[vector<16xi32>], vector<16xf32>, vector<16xi1>
        %add3A_168 = arith.constant 48 : i32
        %add3A_169 = arith.addi %add3A_144, %add3A_168 : i32
        %add3A_170 = arith.addi %and3A, %add3A_28 : vector<16xi32>
        %select_n3A_171 = arith.select %lt3A_142, %add3A_170, %add3A_28 : vector<16xi1>, vector<16xi32>
        %gather3A_172 = tpu.vector_load_idx %arg5[%select_n3A_171] masked %broadcast_in_dim3A_71 : memref<32768xf32, #tpu.memory_space<vmem>>[vector<16xi32>], vector<16xf32>, vector<16xi1>
        %add3A_173 = arith.constant 64 : i32
        %add3A_174 = arith.addi %add3A_144, %add3A_173 : i32
        %add3A_175 = arith.addi %and3A_145, %add3A_31 : vector<16xi32>
        %select_n3A_176 = arith.select %lt3A_142, %add3A_175, %add3A_31 : vector<16xi1>, vector<16xi32>
        %gather3A_177 = tpu.vector_load_idx %arg5[%select_n3A_176] masked %broadcast_in_dim3A_71 : memref<32768xf32, #tpu.memory_space<vmem>>[vector<16xi32>], vector<16xf32>, vector<16xi1>
        %add3A_178 = arith.constant 80 : i32
        %add3A_179 = arith.addi %add3A_144, %add3A_178 : i32
        %add3A_180 = arith.addi %and3A_147, %add3A_34 : vector<16xi32>
        %select_n3A_181 = arith.select %lt3A_142, %add3A_180, %add3A_34 : vector<16xi1>, vector<16xi32>
        %gather3A_182 = tpu.vector_load_idx %arg5[%select_n3A_181] masked %broadcast_in_dim3A_71 : memref<32768xf32, #tpu.memory_space<vmem>>[vector<16xi32>], vector<16xf32>, vector<16xi1>
        %add3A_183 = arith.constant 96 : i32
        %add3A_184 = arith.addi %add3A_144, %add3A_183 : i32
        %swap3A = arith.index_cast %add3A_154 : i32 to index
        %swap3A_185 = tpu.vector_load %arg7[%swap3A] {strides = array<i32>} : memref<49152xf32, #tpu.memory_space<vmem>>, vector<16xf32>,
        tpu.vector_store %arg7[%swap3A], %gather3A_152 {strides = array<i32>} : memref<49152xf32, #tpu.memory_space<vmem>>, vector<16xf32>,
        %add3A_186 = arith.addi %and3A_149, %add3A_37 : vector<16xi32>
        %select_n3A_187 = arith.select %lt3A_142, %add3A_186, %add3A_37 : vector<16xi1>, vector<16xi32>
        %gather3A_188 = tpu.vector_load_idx %arg5[%select_n3A_187] masked %broadcast_in_dim3A_71 : memref<32768xf32, #tpu.memory_space<vmem>>[vector<16xi32>], vector<16xf32>, vector<16xi1>
        %add3A_189 = arith.constant 112 : i32
        %add3A_190 = arith.addi %add3A_144, %add3A_189 : i32
        %swap3A_191 = arith.index_cast %add3A_159 : i32 to index
        %swap3A_192 = tpu.vector_load %arg7[%swap3A_191] {strides = array<i32>} : memref<49152xf32, #tpu.memory_space<vmem>>, vector<16xf32>,
        tpu.vector_store %arg7[%swap3A_191], %gather3A_157 {strides = array<i32>} : memref<49152xf32, #tpu.memory_space<vmem>>, vector<16xf32>,
        %lt3A_193 = arith.constant 0 : i32
        %lt3A_194 = vector.broadcast %lt3A_193 : i32 to vector<16xi32>
        %lt3A_195 = arith.cmpi slt, %broadcast_in_dim3A_41, %lt3A_194 : vector<16xi32>
        %add3A_196 = arith.constant 16 : i32
        %add3A_197 = vector.broadcast %add3A_196 : i32 to vector<16xi32>
        %add3A_198 = arith.addi %broadcast_in_dim3A_41, %add3A_197 : vector<16xi32>
        %select_n3A_199 = arith.select %lt3A_195, %add3A_198, %broadcast_in_dim3A_41 : vector<16xi1>, vector<16xi32>
        %broadcast_in_dim3A_200 = vector.shape_cast %select_n3A_199 : vector<16xi32> to vector<16x1xi32>
        %gather3A_201 = vector.shape_cast %broadcast_in_dim3A_200 : vector<16x1xi32> to vector<16xi32>
        %gather3A_202 = tpu.dynamic_gather %get3A_122[%gather3A_201] in [0] : vector<16xi32>, vector<16xi32> -> vector<16xi32>
        %lt3A_203 = arith.cmpi slt, %gather3A_202, %broadcast_in_dim3A_3 : vector<16xi32>
        %abs3A_204 = math.absi %gather3A_202 : vector<16xi32>
        %add3A_205 = arith.constant 128 : i32
        %add3A_206 = arith.addi %add3A_134, %add3A_205 : i32
        %shift_left3A_207 = arith.shli %abs3A_204, %broadcast_in_dim3A_5 : vector<16xi32>
        %and3A_208 = arith.andi %shift_left3A_207, %broadcast_in_dim3A_7 : vector<16xi32>
        %shift_right_arithmetic3A_209 = arith.shrsi %abs3A_204, %broadcast_in_dim3A_9 : vector<16xi32>
        %and3A_210 = arith.andi %shift_right_arithmetic3A_209, %broadcast_in_dim3A_7 : vector<16xi32>
        %shift_right_arithmetic3A_211 = arith.shrsi %abs3A_204, %broadcast_in_dim3A_11 : vector<16xi32>
        %and3A_212 = arith.andi %shift_right_arithmetic3A_211, %broadcast_in_dim3A_7 : vector<16xi32>
        %shift_right_arithmetic3A_213 = arith.shrsi %abs3A_204, %broadcast_in_dim3A_13 : vector<16xi32>
        %and3A_214 = arith.andi %shift_right_arithmetic3A_213, %broadcast_in_dim3A_7 : vector<16xi32>
        %add3A_215 = arith.addi %and3A_208, %add3A_16 : vector<16xi32>
        %select_n3A_216 = arith.select %lt3A_203, %add3A_16, %add3A_215 : vector<16xi1>, vector<16xi32>
        %gather3A_217 = tpu.vector_load_idx %arg5[%select_n3A_216] masked %broadcast_in_dim3A_71 : memref<32768xf32, #tpu.memory_space<vmem>>[vector<16xi32>], vector<16xf32>, vector<16xi1>
        %add3A_218 = arith.constant 0 : i32
        %add3A_219 = arith.addi %add3A_206, %add3A_218 : i32
        %swap3A_220 = arith.index_cast %add3A_164 : i32 to index
        %swap3A_221 = tpu.vector_load %arg7[%swap3A_220] {strides = array<i32>} : memref<49152xf32, #tpu.memory_space<vmem>>, vector<16xf32>,
        tpu.vector_store %arg7[%swap3A_220], %gather3A_162 {strides = array<i32>} : memref<49152xf32, #tpu.memory_space<vmem>>, vector<16xf32>,
        %add3A_222 = arith.addi %and3A_210, %add3A_19 : vector<16xi32>
        %select_n3A_223 = arith.select %lt3A_203, %add3A_19, %add3A_222 : vector<16xi1>, vector<16xi32>
        %gather3A_224 = tpu.vector_load_idx %arg5[%select_n3A_223] masked %broadcast_in_dim3A_71 : memref<32768xf32, #tpu.memory_space<vmem>>[vector<16xi32>], vector<16xf32>, vector<16xi1>
        %add3A_225 = arith.constant 16 : i32
        %add3A_226 = arith.addi %add3A_206, %add3A_225 : i32
        %swap3A_227 = arith.index_cast %add3A_169 : i32 to index
        %swap3A_228 = tpu.vector_load %arg7[%swap3A_227] {strides = array<i32>} : memref<49152xf32, #tpu.memory_space<vmem>>, vector<16xf32>,
        tpu.vector_store %arg7[%swap3A_227], %gather3A_167 {strides = array<i32>} : memref<49152xf32, #tpu.memory_space<vmem>>, vector<16xf32>,
        %add3A_229 = arith.addi %and3A_212, %add3A_22 : vector<16xi32>
        %select_n3A_230 = arith.select %lt3A_203, %add3A_22, %add3A_229 : vector<16xi1>, vector<16xi32>
        %gather3A_231 = tpu.vector_load_idx %arg5[%select_n3A_230] masked %broadcast_in_dim3A_71 : memref<32768xf32, #tpu.memory_space<vmem>>[vector<16xi32>], vector<16xf32>, vector<16xi1>
        %add3A_232 = arith.constant 32 : i32
        %add3A_233 = arith.addi %add3A_206, %add3A_232 : i32
        %swap3A_234 = arith.index_cast %add3A_174 : i32 to index
        %swap3A_235 = tpu.vector_load %arg7[%swap3A_234] {strides = array<i32>} : memref<49152xf32, #tpu.memory_space<vmem>>, vector<16xf32>,
        tpu.vector_store %arg7[%swap3A_234], %gather3A_172 {strides = array<i32>} : memref<49152xf32, #tpu.memory_space<vmem>>, vector<16xf32>,
        %add3A_236 = arith.addi %and3A_214, %add3A_25 : vector<16xi32>
        %select_n3A_237 = arith.select %lt3A_203, %add3A_25, %add3A_236 : vector<16xi1>, vector<16xi32>
        %gather3A_238 = tpu.vector_load_idx %arg5[%select_n3A_237] masked %broadcast_in_dim3A_71 : memref<32768xf32, #tpu.memory_space<vmem>>[vector<16xi32>], vector<16xf32>, vector<16xi1>
        %add3A_239 = arith.constant 48 : i32
        %add3A_240 = arith.addi %add3A_206, %add3A_239 : i32
        %swap3A_241 = arith.index_cast %add3A_179 : i32 to index
        %swap3A_242 = tpu.vector_load %arg7[%swap3A_241] {strides = array<i32>} : memref<49152xf32, #tpu.memory_space<vmem>>, vector<16xf32>,
        tpu.vector_store %arg7[%swap3A_241], %gather3A_177 {strides = array<i32>} : memref<49152xf32, #tpu.memory_space<vmem>>, vector<16xf32>,
        %add3A_243 = arith.addi %and3A_208, %add3A_28 : vector<16xi32>
        %select_n3A_244 = arith.select %lt3A_203, %add3A_243, %add3A_28 : vector<16xi1>, vector<16xi32>
        %gather3A_245 = tpu.vector_load_idx %arg5[%select_n3A_244] masked %broadcast_in_dim3A_71 : memref<32768xf32, #tpu.memory_space<vmem>>[vector<16xi32>], vector<16xf32>, vector<16xi1>
        %add3A_246 = arith.constant 64 : i32
        %add3A_247 = arith.addi %add3A_206, %add3A_246 : i32
        %swap3A_248 = arith.index_cast %add3A_184 : i32 to index
        %swap3A_249 = tpu.vector_load %arg7[%swap3A_248] {strides = array<i32>} : memref<49152xf32, #tpu.memory_space<vmem>>, vector<16xf32>,
        tpu.vector_store %arg7[%swap3A_248], %gather3A_182 {strides = array<i32>} : memref<49152xf32, #tpu.memory_space<vmem>>, vector<16xf32>,
        %add3A_250 = arith.addi %and3A_210, %add3A_31 : vector<16xi32>
        %select_n3A_251 = arith.select %lt3A_203, %add3A_250, %add3A_31 : vector<16xi1>, vector<16xi32>
        %gather3A_252 = tpu.vector_load_idx %arg5[%select_n3A_251] masked %broadcast_in_dim3A_71 : memref<32768xf32, #tpu.memory_space<vmem>>[vector<16xi32>], vector<16xf32>, vector<16xi1>
        %add3A_253 = arith.constant 80 : i32
        %add3A_254 = arith.addi %add3A_206, %add3A_253 : i32
        %swap3A_255 = arith.index_cast %add3A_190 : i32 to index
        %swap3A_256 = tpu.vector_load %arg7[%swap3A_255] {strides = array<i32>} : memref<49152xf32, #tpu.memory_space<vmem>>, vector<16xf32>,
        tpu.vector_store %arg7[%swap3A_255], %gather3A_188 {strides = array<i32>} : memref<49152xf32, #tpu.memory_space<vmem>>, vector<16xf32>,
        %add3A_257 = arith.addi %and3A_212, %add3A_34 : vector<16xi32>
        %select_n3A_258 = arith.select %lt3A_203, %add3A_257, %add3A_34 : vector<16xi1>, vector<16xi32>
        %gather3A_259 = tpu.vector_load_idx %arg5[%select_n3A_258] masked %broadcast_in_dim3A_71 : memref<32768xf32, #tpu.memory_space<vmem>>[vector<16xi32>], vector<16xf32>, vector<16xi1>
        %add3A_260 = arith.constant 96 : i32
        %add3A_261 = arith.addi %add3A_206, %add3A_260 : i32
        %swap3A_262 = arith.index_cast %add3A_219 : i32 to index
        %swap3A_263 = tpu.vector_load %arg7[%swap3A_262] {strides = array<i32>} : memref<49152xf32, #tpu.memory_space<vmem>>, vector<16xf32>,
        tpu.vector_store %arg7[%swap3A_262], %gather3A_217 {strides = array<i32>} : memref<49152xf32, #tpu.memory_space<vmem>>, vector<16xf32>,
        %add3A_264 = arith.addi %and3A_214, %add3A_37 : vector<16xi32>
        %select_n3A_265 = arith.select %lt3A_203, %add3A_264, %add3A_37 : vector<16xi1>, vector<16xi32>
        %gather3A_266 = tpu.vector_load_idx %arg5[%select_n3A_265] masked %broadcast_in_dim3A_71 : memref<32768xf32, #tpu.memory_space<vmem>>[vector<16xi32>], vector<16xf32>, vector<16xi1>
        %add3A_267 = arith.constant 112 : i32
        %add3A_268 = arith.addi %add3A_206, %add3A_267 : i32
        %swap3A_269 = arith.index_cast %add3A_226 : i32 to index
        %swap3A_270 = tpu.vector_load %arg7[%swap3A_269] {strides = array<i32>} : memref<49152xf32, #tpu.memory_space<vmem>>, vector<16xf32>,
        tpu.vector_store %arg7[%swap3A_269], %gather3A_224 {strides = array<i32>} : memref<49152xf32, #tpu.memory_space<vmem>>, vector<16xf32>,
        %lt3A_271 = arith.constant 0 : i32
        %lt3A_272 = vector.broadcast %lt3A_271 : i32 to vector<16xi32>
        %lt3A_273 = arith.cmpi slt, %broadcast_in_dim3A_43, %lt3A_272 : vector<16xi32>
        %add3A_274 = arith.constant 16 : i32
        %add3A_275 = vector.broadcast %add3A_274 : i32 to vector<16xi32>
        %add3A_276 = arith.addi %broadcast_in_dim3A_43, %add3A_275 : vector<16xi32>
        %select_n3A_277 = arith.select %lt3A_273, %add3A_276, %broadcast_in_dim3A_43 : vector<16xi1>, vector<16xi32>
        %broadcast_in_dim3A_278 = vector.shape_cast %select_n3A_277 : vector<16xi32> to vector<16x1xi32>
        %gather3A_279 = vector.shape_cast %broadcast_in_dim3A_278 : vector<16x1xi32> to vector<16xi32>
        %gather3A_280 = tpu.dynamic_gather %get3A_122[%gather3A_279] in [0] : vector<16xi32>, vector<16xi32> -> vector<16xi32>
        %lt3A_281 = arith.cmpi slt, %gather3A_280, %broadcast_in_dim3A_3 : vector<16xi32>
        %abs3A_282 = math.absi %gather3A_280 : vector<16xi32>
        %add3A_283 = arith.constant 256 : i32
        %add3A_284 = arith.addi %add3A_134, %add3A_283 : i32
        %shift_left3A_285 = arith.shli %abs3A_282, %broadcast_in_dim3A_5 : vector<16xi32>
        %and3A_286 = arith.andi %shift_left3A_285, %broadcast_in_dim3A_7 : vector<16xi32>
        %shift_right_arithmetic3A_287 = arith.shrsi %abs3A_282, %broadcast_in_dim3A_9 : vector<16xi32>
        %and3A_288 = arith.andi %shift_right_arithmetic3A_287, %broadcast_in_dim3A_7 : vector<16xi32>
        %shift_right_arithmetic3A_289 = arith.shrsi %abs3A_282, %broadcast_in_dim3A_11 : vector<16xi32>
        %and3A_290 = arith.andi %shift_right_arithmetic3A_289, %broadcast_in_dim3A_7 : vector<16xi32>
        %shift_right_arithmetic3A_291 = arith.shrsi %abs3A_282, %broadcast_in_dim3A_13 : vector<16xi32>
        %and3A_292 = arith.andi %shift_right_arithmetic3A_291, %broadcast_in_dim3A_7 : vector<16xi32>
        %add3A_293 = arith.addi %and3A_286, %add3A_16 : vector<16xi32>
        %select_n3A_294 = arith.select %lt3A_281, %add3A_16, %add3A_293 : vector<16xi1>, vector<16xi32>
        %gather3A_295 = tpu.vector_load_idx %arg5[%select_n3A_294] masked %broadcast_in_dim3A_71 : memref<32768xf32, #tpu.memory_space<vmem>>[vector<16xi32>], vector<16xf32>, vector<16xi1>
        %add3A_296 = arith.constant 0 : i32
        %add3A_297 = arith.addi %add3A_284, %add3A_296 : i32
        %swap3A_298 = arith.index_cast %add3A_233 : i32 to index
        %swap3A_299 = tpu.vector_load %arg7[%swap3A_298] {strides = array<i32>} : memref<49152xf32, #tpu.memory_space<vmem>>, vector<16xf32>,
        tpu.vector_store %arg7[%swap3A_298], %gather3A_231 {strides = array<i32>} : memref<49152xf32, #tpu.memory_space<vmem>>, vector<16xf32>,
        %add3A_300 = arith.addi %and3A_288, %add3A_19 : vector<16xi32>
        %select_n3A_301 = arith.select %lt3A_281, %add3A_19, %add3A_300 : vector<16xi1>, vector<16xi32>
        %gather3A_302 = tpu.vector_load_idx %arg5[%select_n3A_301] masked %broadcast_in_dim3A_71 : memref<32768xf32, #tpu.memory_space<vmem>>[vector<16xi32>], vector<16xf32>, vector<16xi1>
        %add3A_303 = arith.constant 16 : i32
        %add3A_304 = arith.addi %add3A_284, %add3A_303 : i32
        %swap3A_305 = arith.index_cast %add3A_240 : i32 to index
        %swap3A_306 = tpu.vector_load %arg7[%swap3A_305] {strides = array<i32>} : memref<49152xf32, #tpu.memory_space<vmem>>, vector<16xf32>,
        tpu.vector_store %arg7[%swap3A_305], %gather3A_238 {strides = array<i32>} : memref<49152xf32, #tpu.memory_space<vmem>>, vector<16xf32>,
        %add3A_307 = arith.addi %and3A_290, %add3A_22 : vector<16xi32>
        %select_n3A_308 = arith.select %lt3A_281, %add3A_22, %add3A_307 : vector<16xi1>, vector<16xi32>
        %gather3A_309 = tpu.vector_load_idx %arg5[%select_n3A_308] masked %broadcast_in_dim3A_71 : memref<32768xf32, #tpu.memory_space<vmem>>[vector<16xi32>], vector<16xf32>, vector<16xi1>
        %add3A_310 = arith.constant 32 : i32
        %add3A_311 = arith.addi %add3A_284, %add3A_310 : i32
        %swap3A_312 = arith.index_cast %add3A_247 : i32 to index
        %swap3A_313 = tpu.vector_load %arg7[%swap3A_312] {strides = array<i32>} : memref<49152xf32, #tpu.memory_space<vmem>>, vector<16xf32>,
        tpu.vector_store %arg7[%swap3A_312], %gather3A_245 {strides = array<i32>} : memref<49152xf32, #tpu.memory_space<vmem>>, vector<16xf32>,
        %add3A_314 = arith.addi %and3A_292, %add3A_25 : vector<16xi32>
        %select_n3A_315 = arith.select %lt3A_281, %add3A_25, %add3A_314 : vector<16xi1>, vector<16xi32>
        %gather3A_316 = tpu.vector_load_idx %arg5[%select_n3A_315] masked %broadcast_in_dim3A_71 : memref<32768xf32, #tpu.memory_space<vmem>>[vector<16xi32>], vector<16xf32>, vector<16xi1>
        %add3A_317 = arith.constant 48 : i32
        %add3A_318 = arith.addi %add3A_284, %add3A_317 : i32
        %swap3A_319 = arith.index_cast %add3A_254 : i32 to index
        %swap3A_320 = tpu.vector_load %arg7[%swap3A_319] {strides = array<i32>} : memref<49152xf32, #tpu.memory_space<vmem>>, vector<16xf32>,
        tpu.vector_store %arg7[%swap3A_319], %gather3A_252 {strides = array<i32>} : memref<49152xf32, #tpu.memory_space<vmem>>, vector<16xf32>,
        %add3A_321 = arith.addi %and3A_286, %add3A_28 : vector<16xi32>
        %select_n3A_322 = arith.select %lt3A_281, %add3A_321, %add3A_28 : vector<16xi1>, vector<16xi32>
        %gather3A_323 = tpu.vector_load_idx %arg5[%select_n3A_322] masked %broadcast_in_dim3A_71 : memref<32768xf32, #tpu.memory_space<vmem>>[vector<16xi32>], vector<16xf32>, vector<16xi1>
        %add3A_324 = arith.constant 64 : i32
        %add3A_325 = arith.addi %add3A_284, %add3A_324 : i32
        %swap3A_326 = arith.index_cast %add3A_261 : i32 to index
        %swap3A_327 = tpu.vector_load %arg7[%swap3A_326] {strides = array<i32>} : memref<49152xf32, #tpu.memory_space<vmem>>, vector<16xf32>,
        tpu.vector_store %arg7[%swap3A_326], %gather3A_259 {strides = array<i32>} : memref<49152xf32, #tpu.memory_space<vmem>>, vector<16xf32>,
        %add3A_328 = arith.addi %and3A_288, %add3A_31 : vector<16xi32>
        %select_n3A_329 = arith.select %lt3A_281, %add3A_328, %add3A_31 : vector<16xi1>, vector<16xi32>
        %gather3A_330 = tpu.vector_load_idx %arg5[%select_n3A_329] masked %broadcast_in_dim3A_71 : memref<32768xf32, #tpu.memory_space<vmem>>[vector<16xi32>], vector<16xf32>, vector<16xi1>
        %add3A_331 = arith.constant 80 : i32
        %add3A_332 = arith.addi %add3A_284, %add3A_331 : i32
        %swap3A_333 = arith.index_cast %add3A_268 : i32 to index
        %swap3A_334 = tpu.vector_load %arg7[%swap3A_333] {strides = array<i32>} : memref<49152xf32, #tpu.memory_space<vmem>>, vector<16xf32>,
        tpu.vector_store %arg7[%swap3A_333], %gather3A_266 {strides = array<i32>} : memref<49152xf32, #tpu.memory_space<vmem>>, vector<16xf32>,
        %add3A_335 = arith.addi %and3A_290, %add3A_34 : vector<16xi32>
        %select_n3A_336 = arith.select %lt3A_281, %add3A_335, %add3A_34 : vector<16xi1>, vector<16xi32>
        %gather3A_337 = tpu.vector_load_idx %arg5[%select_n3A_336] masked %broadcast_in_dim3A_71 : memref<32768xf32, #tpu.memory_space<vmem>>[vector<16xi32>], vector<16xf32>, vector<16xi1>
        %add3A_338 = arith.constant 96 : i32
        %add3A_339 = arith.addi %add3A_284, %add3A_338 : i32
        %swap3A_340 = arith.index_cast %add3A_297 : i32 to index
        %swap3A_341 = tpu.vector_load %arg7[%swap3A_340] {strides = array<i32>} : memref<49152xf32, #tpu.memory_space<vmem>>, vector<16xf32>,
        tpu.vector_store %arg7[%swap3A_340], %gather3A_295 {strides = array<i32>} : memref<49152xf32, #tpu.memory_space<vmem>>, vector<16xf32>,
        %add3A_342 = arith.addi %and3A_292, %add3A_37 : vector<16xi32>
        %select_n3A_343 = arith.select %lt3A_281, %add3A_342, %add3A_37 : vector<16xi1>, vector<16xi32>
        %gather3A_344 = tpu.vector_load_idx %arg5[%select_n3A_343] masked %broadcast_in_dim3A_71 : memref<32768xf32, #tpu.memory_space<vmem>>[vector<16xi32>], vector<16xf32>, vector<16xi1>
        %add3A_345 = arith.constant 112 : i32
        %add3A_346 = arith.addi %add3A_284, %add3A_345 : i32
        %swap3A_347 = arith.index_cast %add3A_304 : i32 to index
        %swap3A_348 = tpu.vector_load %arg7[%swap3A_347] {strides = array<i32>} : memref<49152xf32, #tpu.memory_space<vmem>>, vector<16xf32>,
        tpu.vector_store %arg7[%swap3A_347], %gather3A_302 {strides = array<i32>} : memref<49152xf32, #tpu.memory_space<vmem>>, vector<16xf32>,
        %lt3A_349 = arith.constant 0 : i32
        %lt3A_350 = vector.broadcast %lt3A_349 : i32 to vector<16xi32>
        %lt3A_351 = arith.cmpi slt, %broadcast_in_dim3A_45, %lt3A_350 : vector<16xi32>
        %add3A_352 = arith.constant 16 : i32
        %add3A_353 = vector.broadcast %add3A_352 : i32 to vector<16xi32>
        %add3A_354 = arith.addi %broadcast_in_dim3A_45, %add3A_353 : vector<16xi32>
        %select_n3A_355 = arith.select %lt3A_351, %add3A_354, %broadcast_in_dim3A_45 : vector<16xi1>, vector<16xi32>
        %broadcast_in_dim3A_356 = vector.shape_cast %select_n3A_355 : vector<16xi32> to vector<16x1xi32>
        %gather3A_357 = vector.shape_cast %broadcast_in_dim3A_356 : vector<16x1xi32> to vector<16xi32>
        %gather3A_358 = tpu.dynamic_gather %get3A_122[%gather3A_357] in [0] : vector<16xi32>, vector<16xi32> -> vector<16xi32>
        %lt3A_359 = arith.cmpi slt, %gather3A_358, %broadcast_in_dim3A_3 : vector<16xi32>
        %abs3A_360 = math.absi %gather3A_358 : vector<16xi32>
        %add3A_361 = arith.constant 384 : i32
        %add3A_362 = arith.addi %add3A_134, %add3A_361 : i32
        %shift_left3A_363 = arith.shli %abs3A_360, %broadcast_in_dim3A_5 : vector<16xi32>
        %and3A_364 = arith.andi %shift_left3A_363, %broadcast_in_dim3A_7 : vector<16xi32>
        %shift_right_arithmetic3A_365 = arith.shrsi %abs3A_360, %broadcast_in_dim3A_9 : vector<16xi32>
        %and3A_366 = arith.andi %shift_right_arithmetic3A_365, %broadcast_in_dim3A_7 : vector<16xi32>
        %shift_right_arithmetic3A_367 = arith.shrsi %abs3A_360, %broadcast_in_dim3A_11 : vector<16xi32>
        %and3A_368 = arith.andi %shift_right_arithmetic3A_367, %broadcast_in_dim3A_7 : vector<16xi32>
        %shift_right_arithmetic3A_369 = arith.shrsi %abs3A_360, %broadcast_in_dim3A_13 : vector<16xi32>
        %and3A_370 = arith.andi %shift_right_arithmetic3A_369, %broadcast_in_dim3A_7 : vector<16xi32>
        %add3A_371 = arith.addi %and3A_364, %add3A_16 : vector<16xi32>
        %select_n3A_372 = arith.select %lt3A_359, %add3A_16, %add3A_371 : vector<16xi1>, vector<16xi32>
        %gather3A_373 = tpu.vector_load_idx %arg5[%select_n3A_372] masked %broadcast_in_dim3A_71 : memref<32768xf32, #tpu.memory_space<vmem>>[vector<16xi32>], vector<16xf32>, vector<16xi1>
        %add3A_374 = arith.constant 0 : i32
        %add3A_375 = arith.addi %add3A_362, %add3A_374 : i32
        %swap3A_376 = arith.index_cast %add3A_311 : i32 to index
        %swap3A_377 = tpu.vector_load %arg7[%swap3A_376] {strides = array<i32>} : memref<49152xf32, #tpu.memory_space<vmem>>, vector<16xf32>,
        tpu.vector_store %arg7[%swap3A_376], %gather3A_309 {strides = array<i32>} : memref<49152xf32, #tpu.memory_space<vmem>>, vector<16xf32>,
        %add3A_378 = arith.addi %and3A_366, %add3A_19 : vector<16xi32>
        %select_n3A_379 = arith.select %lt3A_359, %add3A_19, %add3A_378 : vector<16xi1>, vector<16xi32>
        %gather3A_380 = tpu.vector_load_idx %arg5[%select_n3A_379] masked %broadcast_in_dim3A_71 : memref<32768xf32, #tpu.memory_space<vmem>>[vector<16xi32>], vector<16xf32>, vector<16xi1>
        %add3A_381 = arith.constant 16 : i32
        %add3A_382 = arith.addi %add3A_362, %add3A_381 : i32
        %swap3A_383 = arith.index_cast %add3A_318 : i32 to index
        %swap3A_384 = tpu.vector_load %arg7[%swap3A_383] {strides = array<i32>} : memref<49152xf32, #tpu.memory_space<vmem>>, vector<16xf32>,
        tpu.vector_store %arg7[%swap3A_383], %gather3A_316 {strides = array<i32>} : memref<49152xf32, #tpu.memory_space<vmem>>, vector<16xf32>,
        %add3A_385 = arith.addi %and3A_368, %add3A_22 : vector<16xi32>
        %select_n3A_386 = arith.select %lt3A_359, %add3A_22, %add3A_385 : vector<16xi1>, vector<16xi32>
        %gather3A_387 = tpu.vector_load_idx %arg5[%select_n3A_386] masked %broadcast_in_dim3A_71 : memref<32768xf32, #tpu.memory_space<vmem>>[vector<16xi32>], vector<16xf32>, vector<16xi1>
        %add3A_388 = arith.constant 32 : i32
        %add3A_389 = arith.addi %add3A_362, %add3A_388 : i32
        %swap3A_390 = arith.index_cast %add3A_325 : i32 to index
        %swap3A_391 = tpu.vector_load %arg7[%swap3A_390] {strides = array<i32>} : memref<49152xf32, #tpu.memory_space<vmem>>, vector<16xf32>,
        tpu.vector_store %arg7[%swap3A_390], %gather3A_323 {strides = array<i32>} : memref<49152xf32, #tpu.memory_space<vmem>>, vector<16xf32>,
        %add3A_392 = arith.addi %and3A_370, %add3A_25 : vector<16xi32>
        %select_n3A_393 = arith.select %lt3A_359, %add3A_25, %add3A_392 : vector<16xi1>, vector<16xi32>
        %gather3A_394 = tpu.vector_load_idx %arg5[%select_n3A_393] masked %broadcast_in_dim3A_71 : memref<32768xf32, #tpu.memory_space<vmem>>[vector<16xi32>], vector<16xf32>, vector<16xi1>
        %add3A_395 = arith.constant 48 : i32
        %add3A_396 = arith.addi %add3A_362, %add3A_395 : i32
        %swap3A_397 = arith.index_cast %add3A_332 : i32 to index
        %swap3A_398 = tpu.vector_load %arg7[%swap3A_397] {strides = array<i32>} : memref<49152xf32, #tpu.memory_space<vmem>>, vector<16xf32>,
        tpu.vector_store %arg7[%swap3A_397], %gather3A_330 {strides = array<i32>} : memref<49152xf32, #tpu.memory_space<vmem>>, vector<16xf32>,
        %add3A_399 = arith.addi %and3A_364, %add3A_28 : vector<16xi32>
        %select_n3A_400 = arith.select %lt3A_359, %add3A_399, %add3A_28 : vector<16xi1>, vector<16xi32>
        %gather3A_401 = tpu.vector_load_idx %arg5[%select_n3A_400] masked %broadcast_in_dim3A_71 : memref<32768xf32, #tpu.memory_space<vmem>>[vector<16xi32>], vector<16xf32>, vector<16xi1>
        %add3A_402 = arith.constant 64 : i32
        %add3A_403 = arith.addi %add3A_362, %add3A_402 : i32
        %swap3A_404 = arith.index_cast %add3A_339 : i32 to index
        %swap3A_405 = tpu.vector_load %arg7[%swap3A_404] {strides = array<i32>} : memref<49152xf32, #tpu.memory_space<vmem>>, vector<16xf32>,
        tpu.vector_store %arg7[%swap3A_404], %gather3A_337 {strides = array<i32>} : memref<49152xf32, #tpu.memory_space<vmem>>, vector<16xf32>,
        %add3A_406 = arith.addi %and3A_366, %add3A_31 : vector<16xi32>
        %select_n3A_407 = arith.select %lt3A_359, %add3A_406, %add3A_31 : vector<16xi1>, vector<16xi32>
        %gather3A_408 = tpu.vector_load_idx %arg5[%select_n3A_407] masked %broadcast_in_dim3A_71 : memref<32768xf32, #tpu.memory_space<vmem>>[vector<16xi32>], vector<16xf32>, vector<16xi1>
        %add3A_409 = arith.constant 80 : i32
        %add3A_410 = arith.addi %add3A_362, %add3A_409 : i32
        %swap3A_411 = arith.index_cast %add3A_346 : i32 to index
        %swap3A_412 = tpu.vector_load %arg7[%swap3A_411] {strides = array<i32>} : memref<49152xf32, #tpu.memory_space<vmem>>, vector<16xf32>,
        tpu.vector_store %arg7[%swap3A_411], %gather3A_344 {strides = array<i32>} : memref<49152xf32, #tpu.memory_space<vmem>>, vector<16xf32>,
        %add3A_413 = arith.addi %and3A_368, %add3A_34 : vector<16xi32>
        %select_n3A_414 = arith.select %lt3A_359, %add3A_413, %add3A_34 : vector<16xi1>, vector<16xi32>
        %gather3A_415 = tpu.vector_load_idx %arg5[%select_n3A_414] masked %broadcast_in_dim3A_71 : memref<32768xf32, #tpu.memory_space<vmem>>[vector<16xi32>], vector<16xf32>, vector<16xi1>
        %add3A_416 = arith.constant 96 : i32
        %add3A_417 = arith.addi %add3A_362, %add3A_416 : i32
        %swap3A_418 = arith.index_cast %add3A_375 : i32 to index
        %swap3A_419 = tpu.vector_load %arg7[%swap3A_418] {strides = array<i32>} : memref<49152xf32, #tpu.memory_space<vmem>>, vector<16xf32>,
        tpu.vector_store %arg7[%swap3A_418], %gather3A_373 {strides = array<i32>} : memref<49152xf32, #tpu.memory_space<vmem>>, vector<16xf32>,
        %add3A_420 = arith.addi %and3A_370, %add3A_37 : vector<16xi32>
        %select_n3A_421 = arith.select %lt3A_359, %add3A_420, %add3A_37 : vector<16xi1>, vector<16xi32>
        %gather3A_422 = tpu.vector_load_idx %arg5[%select_n3A_421] masked %broadcast_in_dim3A_71 : memref<32768xf32, #tpu.memory_space<vmem>>[vector<16xi32>], vector<16xf32>, vector<16xi1>
        %add3A_423 = arith.constant 112 : i32
        %add3A_424 = arith.addi %add3A_362, %add3A_423 : i32
        %swap3A_425 = arith.index_cast %add3A_382 : i32 to index
        %swap3A_426 = tpu.vector_load %arg7[%swap3A_425] {strides = array<i32>} : memref<49152xf32, #tpu.memory_space<vmem>>, vector<16xf32>,
        tpu.vector_store %arg7[%swap3A_425], %gather3A_380 {strides = array<i32>} : memref<49152xf32, #tpu.memory_space<vmem>>, vector<16xf32>,
        %lt3A_427 = arith.constant 0 : i32
        %lt3A_428 = vector.broadcast %lt3A_427 : i32 to vector<16xi32>
        %lt3A_429 = arith.cmpi slt, %broadcast_in_dim3A_47, %lt3A_428 : vector<16xi32>
        %add3A_430 = arith.constant 16 : i32
        %add3A_431 = vector.broadcast %add3A_430 : i32 to vector<16xi32>
        %add3A_432 = arith.addi %broadcast_in_dim3A_47, %add3A_431 : vector<16xi32>
        %select_n3A_433 = arith.select %lt3A_429, %add3A_432, %broadcast_in_dim3A_47 : vector<16xi1>, vector<16xi32>
        %broadcast_in_dim3A_434 = vector.shape_cast %select_n3A_433 : vector<16xi32> to vector<16x1xi32>
        %gather3A_435 = vector.shape_cast %broadcast_in_dim3A_434 : vector<16x1xi32> to vector<16xi32>
        %gather3A_436 = tpu.dynamic_gather %get3A_122[%gather3A_435] in [0] : vector<16xi32>, vector<16xi32> -> vector<16xi32>
        %lt3A_437 = arith.cmpi slt, %gather3A_436, %broadcast_in_dim3A_3 : vector<16xi32>
        %abs3A_438 = math.absi %gather3A_436 : vector<16xi32>
        %add3A_439 = arith.constant 512 : i32
        %add3A_440 = arith.addi %add3A_134, %add3A_439 : i32
        %shift_left3A_441 = arith.shli %abs3A_438, %broadcast_in_dim3A_5 : vector<16xi32>
        %and3A_442 = arith.andi %shift_left3A_441, %broadcast_in_dim3A_7 : vector<16xi32>
        %shift_right_arithmetic3A_443 = arith.shrsi %abs3A_438, %broadcast_in_dim3A_9 : vector<16xi32>
        %and3A_444 = arith.andi %shift_right_arithmetic3A_443, %broadcast_in_dim3A_7 : vector<16xi32>
        %shift_right_arithmetic3A_445 = arith.shrsi %abs3A_438, %broadcast_in_dim3A_11 : vector<16xi32>
        %and3A_446 = arith.andi %shift_right_arithmetic3A_445, %broadcast_in_dim3A_7 : vector<16xi32>
        %shift_right_arithmetic3A_447 = arith.shrsi %abs3A_438, %broadcast_in_dim3A_13 : vector<16xi32>
        %and3A_448 = arith.andi %shift_right_arithmetic3A_447, %broadcast_in_dim3A_7 : vector<16xi32>
        %add3A_449 = arith.addi %and3A_442, %add3A_16 : vector<16xi32>
        %select_n3A_450 = arith.select %lt3A_437, %add3A_16, %add3A_449 : vector<16xi1>, vector<16xi32>
        %gather3A_451 = tpu.vector_load_idx %arg5[%select_n3A_450] masked %broadcast_in_dim3A_71 : memref<32768xf32, #tpu.memory_space<vmem>>[vector<16xi32>], vector<16xf32>, vector<16xi1>
        %add3A_452 = arith.constant 0 : i32
        %add3A_453 = arith.addi %add3A_440, %add3A_452 : i32
        %swap3A_454 = arith.index_cast %add3A_389 : i32 to index
        %swap3A_455 = tpu.vector_load %arg7[%swap3A_454] {strides = array<i32>} : memref<49152xf32, #tpu.memory_space<vmem>>, vector<16xf32>,
        tpu.vector_store %arg7[%swap3A_454], %gather3A_387 {strides = array<i32>} : memref<49152xf32, #tpu.memory_space<vmem>>, vector<16xf32>,
        %add3A_456 = arith.addi %and3A_444, %add3A_19 : vector<16xi32>
        %select_n3A_457 = arith.select %lt3A_437, %add3A_19, %add3A_456 : vector<16xi1>, vector<16xi32>
        %gather3A_458 = tpu.vector_load_idx %arg5[%select_n3A_457] masked %broadcast_in_dim3A_71 : memref<32768xf32, #tpu.memory_space<vmem>>[vector<16xi32>], vector<16xf32>, vector<16xi1>
        %add3A_459 = arith.constant 16 : i32
        %add3A_460 = arith.addi %add3A_440, %add3A_459 : i32
        %swap3A_461 = arith.index_cast %add3A_396 : i32 to index
        %swap3A_462 = tpu.vector_load %arg7[%swap3A_461] {strides = array<i32>} : memref<49152xf32, #tpu.memory_space<vmem>>, vector<16xf32>,
        tpu.vector_store %arg7[%swap3A_461], %gather3A_394 {strides = array<i32>} : memref<49152xf32, #tpu.memory_space<vmem>>, vector<16xf32>,
        %add3A_463 = arith.addi %and3A_446, %add3A_22 : vector<16xi32>
        %select_n3A_464 = arith.select %lt3A_437, %add3A_22, %add3A_463 : vector<16xi1>, vector<16xi32>
        %gather3A_465 = tpu.vector_load_idx %arg5[%select_n3A_464] masked %broadcast_in_dim3A_71 : memref<32768xf32, #tpu.memory_space<vmem>>[vector<16xi32>], vector<16xf32>, vector<16xi1>
        %add3A_466 = arith.constant 32 : i32
        %add3A_467 = arith.addi %add3A_440, %add3A_466 : i32
        %swap3A_468 = arith.index_cast %add3A_403 : i32 to index
        %swap3A_469 = tpu.vector_load %arg7[%swap3A_468] {strides = array<i32>} : memref<49152xf32, #tpu.memory_space<vmem>>, vector<16xf32>,
        tpu.vector_store %arg7[%swap3A_468], %gather3A_401 {strides = array<i32>} : memref<49152xf32, #tpu.memory_space<vmem>>, vector<16xf32>,
        %add3A_470 = arith.addi %and3A_448, %add3A_25 : vector<16xi32>
        %select_n3A_471 = arith.select %lt3A_437, %add3A_25, %add3A_470 : vector<16xi1>, vector<16xi32>
        %gather3A_472 = tpu.vector_load_idx %arg5[%select_n3A_471] masked %broadcast_in_dim3A_71 : memref<32768xf32, #tpu.memory_space<vmem>>[vector<16xi32>], vector<16xf32>, vector<16xi1>
        %add3A_473 = arith.constant 48 : i32
        %add3A_474 = arith.addi %add3A_440, %add3A_473 : i32
        %swap3A_475 = arith.index_cast %add3A_410 : i32 to index
        %swap3A_476 = tpu.vector_load %arg7[%swap3A_475] {strides = array<i32>} : memref<49152xf32, #tpu.memory_space<vmem>>, vector<16xf32>,
        tpu.vector_store %arg7[%swap3A_475], %gather3A_408 {strides = array<i32>} : memref<49152xf32, #tpu.memory_space<vmem>>, vector<16xf32>,
        %add3A_477 = arith.addi %and3A_442, %add3A_28 : vector<16xi32>
        %select_n3A_478 = arith.select %lt3A_437, %add3A_477, %add3A_28 : vector<16xi1>, vector<16xi32>
        %gather3A_479 = tpu.vector_load_idx %arg5[%select_n3A_478] masked %broadcast_in_dim3A_71 : memref<32768xf32, #tpu.memory_space<vmem>>[vector<16xi32>], vector<16xf32>, vector<16xi1>
        %add3A_480 = arith.constant 64 : i32
        %add3A_481 = arith.addi %add3A_440, %add3A_480 : i32
        %swap3A_482 = arith.index_cast %add3A_417 : i32 to index
        %swap3A_483 = tpu.vector_load %arg7[%swap3A_482] {strides = array<i32>} : memref<49152xf32, #tpu.memory_space<vmem>>, vector<16xf32>,
        tpu.vector_store %arg7[%swap3A_482], %gather3A_415 {strides = array<i32>} : memref<49152xf32, #tpu.memory_space<vmem>>, vector<16xf32>,
        %add3A_484 = arith.addi %and3A_444, %add3A_31 : vector<16xi32>
        %select_n3A_485 = arith.select %lt3A_437, %add3A_484, %add3A_31 : vector<16xi1>, vector<16xi32>
        %gather3A_486 = tpu.vector_load_idx %arg5[%select_n3A_485] masked %broadcast_in_dim3A_71 : memref<32768xf32, #tpu.memory_space<vmem>>[vector<16xi32>], vector<16xf32>, vector<16xi1>
        %add3A_487 = arith.constant 80 : i32
        %add3A_488 = arith.addi %add3A_440, %add3A_487 : i32
        %swap3A_489 = arith.index_cast %add3A_424 : i32 to index
        %swap3A_490 = tpu.vector_load %arg7[%swap3A_489] {strides = array<i32>} : memref<49152xf32, #tpu.memory_space<vmem>>, vector<16xf32>,
        tpu.vector_store %arg7[%swap3A_489], %gather3A_422 {strides = array<i32>} : memref<49152xf32, #tpu.memory_space<vmem>>, vector<16xf32>,
        %add3A_491 = arith.addi %and3A_446, %add3A_34 : vector<16xi32>
        %select_n3A_492 = arith.select %lt3A_437, %add3A_491, %add3A_34 : vector<16xi1>, vector<16xi32>
        %gather3A_493 = tpu.vector_load_idx %arg5[%select_n3A_492] masked %broadcast_in_dim3A_71 : memref<32768xf32, #tpu.memory_space<vmem>>[vector<16xi32>], vector<16xf32>, vector<16xi1>
        %add3A_494 = arith.constant 96 : i32
        %add3A_495 = arith.addi %add3A_440, %add3A_494 : i32
        %swap3A_496 = arith.index_cast %add3A_453 : i32 to index
        %swap3A_497 = tpu.vector_load %arg7[%swap3A_496] {strides = array<i32>} : memref<49152xf32, #tpu.memory_space<vmem>>, vector<16xf32>,
        tpu.vector_store %arg7[%swap3A_496], %gather3A_451 {strides = array<i32>} : memref<49152xf32, #tpu.memory_space<vmem>>, vector<16xf32>,
        %add3A_498 = arith.addi %and3A_448, %add3A_37 : vector<16xi32>
        %select_n3A_499 = arith.select %lt3A_437, %add3A_498, %add3A_37 : vector<16xi1>, vector<16xi32>
        %gather3A_500 = tpu.vector_load_idx %arg5[%select_n3A_499] masked %broadcast_in_dim3A_71 : memref<32768xf32, #tpu.memory_space<vmem>>[vector<16xi32>], vector<16xf32>, vector<16xi1>
        %add3A_501 = arith.constant 112 : i32
        %add3A_502 = arith.addi %add3A_440, %add3A_501 : i32
        %swap3A_503 = arith.index_cast %add3A_460 : i32 to index
        %swap3A_504 = tpu.vector_load %arg7[%swap3A_503] {strides = array<i32>} : memref<49152xf32, #tpu.memory_space<vmem>>, vector<16xf32>,
        tpu.vector_store %arg7[%swap3A_503], %gather3A_458 {strides = array<i32>} : memref<49152xf32, #tpu.memory_space<vmem>>, vector<16xf32>,
        %lt3A_505 = arith.constant 0 : i32
        %lt3A_506 = vector.broadcast %lt3A_505 : i32 to vector<16xi32>
        %lt3A_507 = arith.cmpi slt, %broadcast_in_dim3A_49, %lt3A_506 : vector<16xi32>
        %add3A_508 = arith.constant 16 : i32
        %add3A_509 = vector.broadcast %add3A_508 : i32 to vector<16xi32>
        %add3A_510 = arith.addi %broadcast_in_dim3A_49, %add3A_509 : vector<16xi32>
        %select_n3A_511 = arith.select %lt3A_507, %add3A_510, %broadcast_in_dim3A_49 : vector<16xi1>, vector<16xi32>
        %broadcast_in_dim3A_512 = vector.shape_cast %select_n3A_511 : vector<16xi32> to vector<16x1xi32>
        %gather3A_513 = vector.shape_cast %broadcast_in_dim3A_512 : vector<16x1xi32> to vector<16xi32>
        %gather3A_514 = tpu.dynamic_gather %get3A_122[%gather3A_513] in [0] : vector<16xi32>, vector<16xi32> -> vector<16xi32>
        %lt3A_515 = arith.cmpi slt, %gather3A_514, %broadcast_in_dim3A_3 : vector<16xi32>
        %abs3A_516 = math.absi %gather3A_514 : vector<16xi32>
        %add3A_517 = arith.constant 640 : i32
        %add3A_518 = arith.addi %add3A_134, %add3A_517 : i32
        %shift_left3A_519 = arith.shli %abs3A_516, %broadcast_in_dim3A_5 : vector<16xi32>
        %and3A_520 = arith.andi %shift_left3A_519, %broadcast_in_dim3A_7 : vector<16xi32>
        %shift_right_arithmetic3A_521 = arith.shrsi %abs3A_516, %broadcast_in_dim3A_9 : vector<16xi32>
        %and3A_522 = arith.andi %shift_right_arithmetic3A_521, %broadcast_in_dim3A_7 : vector<16xi32>
        %shift_right_arithmetic3A_523 = arith.shrsi %abs3A_516, %broadcast_in_dim3A_11 : vector<16xi32>
        %and3A_524 = arith.andi %shift_right_arithmetic3A_523, %broadcast_in_dim3A_7 : vector<16xi32>
        %shift_right_arithmetic3A_525 = arith.shrsi %abs3A_516, %broadcast_in_dim3A_13 : vector<16xi32>
        %and3A_526 = arith.andi %shift_right_arithmetic3A_525, %broadcast_in_dim3A_7 : vector<16xi32>
        %add3A_527 = arith.addi %and3A_520, %add3A_16 : vector<16xi32>
        %select_n3A_528 = arith.select %lt3A_515, %add3A_16, %add3A_527 : vector<16xi1>, vector<16xi32>
        %gather3A_529 = tpu.vector_load_idx %arg5[%select_n3A_528] masked %broadcast_in_dim3A_71 : memref<32768xf32, #tpu.memory_space<vmem>>[vector<16xi32>], vector<16xf32>, vector<16xi1>
        %add3A_530 = arith.constant 0 : i32
        %add3A_531 = arith.addi %add3A_518, %add3A_530 : i32
        %swap3A_532 = arith.index_cast %add3A_467 : i32 to index
        %swap3A_533 = tpu.vector_load %arg7[%swap3A_532] {strides = array<i32>} : memref<49152xf32, #tpu.memory_space<vmem>>, vector<16xf32>,
        tpu.vector_store %arg7[%swap3A_532], %gather3A_465 {strides = array<i32>} : memref<49152xf32, #tpu.memory_space<vmem>>, vector<16xf32>,
        %add3A_534 = arith.addi %and3A_522, %add3A_19 : vector<16xi32>
        %select_n3A_535 = arith.select %lt3A_515, %add3A_19, %add3A_534 : vector<16xi1>, vector<16xi32>
        %gather3A_536 = tpu.vector_load_idx %arg5[%select_n3A_535] masked %broadcast_in_dim3A_71 : memref<32768xf32, #tpu.memory_space<vmem>>[vector<16xi32>], vector<16xf32>, vector<16xi1>
        %add3A_537 = arith.constant 16 : i32
        %add3A_538 = arith.addi %add3A_518, %add3A_537 : i32
        %swap3A_539 = arith.index_cast %add3A_474 : i32 to index
        %swap3A_540 = tpu.vector_load %arg7[%swap3A_539] {strides = array<i32>} : memref<49152xf32, #tpu.memory_space<vmem>>, vector<16xf32>,
        tpu.vector_store %arg7[%swap3A_539], %gather3A_472 {strides = array<i32>} : memref<49152xf32, #tpu.memory_space<vmem>>, vector<16xf32>,
        %add3A_541 = arith.addi %and3A_524, %add3A_22 : vector<16xi32>
        %select_n3A_542 = arith.select %lt3A_515, %add3A_22, %add3A_541 : vector<16xi1>, vector<16xi32>
        %gather3A_543 = tpu.vector_load_idx %arg5[%select_n3A_542] masked %broadcast_in_dim3A_71 : memref<32768xf32, #tpu.memory_space<vmem>>[vector<16xi32>], vector<16xf32>, vector<16xi1>
        %add3A_544 = arith.constant 32 : i32
        %add3A_545 = arith.addi %add3A_518, %add3A_544 : i32
        %swap3A_546 = arith.index_cast %add3A_481 : i32 to index
        %swap3A_547 = tpu.vector_load %arg7[%swap3A_546] {strides = array<i32>} : memref<49152xf32, #tpu.memory_space<vmem>>, vector<16xf32>,
        tpu.vector_store %arg7[%swap3A_546], %gather3A_479 {strides = array<i32>} : memref<49152xf32, #tpu.memory_space<vmem>>, vector<16xf32>,
        %add3A_548 = arith.addi %and3A_526, %add3A_25 : vector<16xi32>
        %select_n3A_549 = arith.select %lt3A_515, %add3A_25, %add3A_548 : vector<16xi1>, vector<16xi32>
        %gather3A_550 = tpu.vector_load_idx %arg5[%select_n3A_549] masked %broadcast_in_dim3A_71 : memref<32768xf32, #tpu.memory_space<vmem>>[vector<16xi32>], vector<16xf32>, vector<16xi1>
        %add3A_551 = arith.constant 48 : i32
        %add3A_552 = arith.addi %add3A_518, %add3A_551 : i32
        %swap3A_553 = arith.index_cast %add3A_488 : i32 to index
        %swap3A_554 = tpu.vector_load %arg7[%swap3A_553] {strides = array<i32>} : memref<49152xf32, #tpu.memory_space<vmem>>, vector<16xf32>,
        tpu.vector_store %arg7[%swap3A_553], %gather3A_486 {strides = array<i32>} : memref<49152xf32, #tpu.memory_space<vmem>>, vector<16xf32>,
        %add3A_555 = arith.addi %and3A_520, %add3A_28 : vector<16xi32>
        %select_n3A_556 = arith.select %lt3A_515, %add3A_555, %add3A_28 : vector<16xi1>, vector<16xi32>
        %gather3A_557 = tpu.vector_load_idx %arg5[%select_n3A_556] masked %broadcast_in_dim3A_71 : memref<32768xf32, #tpu.memory_space<vmem>>[vector<16xi32>], vector<16xf32>, vector<16xi1>
        %add3A_558 = arith.constant 64 : i32
        %add3A_559 = arith.addi %add3A_518, %add3A_558 : i32
        %swap3A_560 = arith.index_cast %add3A_495 : i32 to index
        %swap3A_561 = tpu.vector_load %arg7[%swap3A_560] {strides = array<i32>} : memref<49152xf32, #tpu.memory_space<vmem>>, vector<16xf32>,
        tpu.vector_store %arg7[%swap3A_560], %gather3A_493 {strides = array<i32>} : memref<49152xf32, #tpu.memory_space<vmem>>, vector<16xf32>,
        %add3A_562 = arith.addi %and3A_522, %add3A_31 : vector<16xi32>
        %select_n3A_563 = arith.select %lt3A_515, %add3A_562, %add3A_31 : vector<16xi1>, vector<16xi32>
        %gather3A_564 = tpu.vector_load_idx %arg5[%select_n3A_563] masked %broadcast_in_dim3A_71 : memref<32768xf32, #tpu.memory_space<vmem>>[vector<16xi32>], vector<16xf32>, vector<16xi1>
        %add3A_565 = arith.constant 80 : i32
        %add3A_566 = arith.addi %add3A_518, %add3A_565 : i32
        %swap3A_567 = arith.index_cast %add3A_502 : i32 to index
        %swap3A_568 = tpu.vector_load %arg7[%swap3A_567] {strides = array<i32>} : memref<49152xf32, #tpu.memory_space<vmem>>, vector<16xf32>,
        tpu.vector_store %arg7[%swap3A_567], %gather3A_500 {strides = array<i32>} : memref<49152xf32, #tpu.memory_space<vmem>>, vector<16xf32>,
        %add3A_569 = arith.addi %and3A_524, %add3A_34 : vector<16xi32>
        %select_n3A_570 = arith.select %lt3A_515, %add3A_569, %add3A_34 : vector<16xi1>, vector<16xi32>
        %gather3A_571 = tpu.vector_load_idx %arg5[%select_n3A_570] masked %broadcast_in_dim3A_71 : memref<32768xf32, #tpu.memory_space<vmem>>[vector<16xi32>], vector<16xf32>, vector<16xi1>
        %add3A_572 = arith.constant 96 : i32
        %add3A_573 = arith.addi %add3A_518, %add3A_572 : i32
        %swap3A_574 = arith.index_cast %add3A_531 : i32 to index
        %swap3A_575 = tpu.vector_load %arg7[%swap3A_574] {strides = array<i32>} : memref<49152xf32, #tpu.memory_space<vmem>>, vector<16xf32>,
        tpu.vector_store %arg7[%swap3A_574], %gather3A_529 {strides = array<i32>} : memref<49152xf32, #tpu.memory_space<vmem>>, vector<16xf32>,
        %add3A_576 = arith.addi %and3A_526, %add3A_37 : vector<16xi32>
        %select_n3A_577 = arith.select %lt3A_515, %add3A_576, %add3A_37 : vector<16xi1>, vector<16xi32>
        %gather3A_578 = tpu.vector_load_idx %arg5[%select_n3A_577] masked %broadcast_in_dim3A_71 : memref<32768xf32, #tpu.memory_space<vmem>>[vector<16xi32>], vector<16xf32>, vector<16xi1>
        %add3A_579 = arith.constant 112 : i32
        %add3A_580 = arith.addi %add3A_518, %add3A_579 : i32
        %swap3A_581 = arith.index_cast %add3A_538 : i32 to index
        %swap3A_582 = tpu.vector_load %arg7[%swap3A_581] {strides = array<i32>} : memref<49152xf32, #tpu.memory_space<vmem>>, vector<16xf32>,
        tpu.vector_store %arg7[%swap3A_581], %gather3A_536 {strides = array<i32>} : memref<49152xf32, #tpu.memory_space<vmem>>, vector<16xf32>,
        %lt3A_583 = arith.constant 0 : i32
        %lt3A_584 = vector.broadcast %lt3A_583 : i32 to vector<16xi32>
        %lt3A_585 = arith.cmpi slt, %broadcast_in_dim3A_51, %lt3A_584 : vector<16xi32>
        %add3A_586 = arith.constant 16 : i32
        %add3A_587 = vector.broadcast %add3A_586 : i32 to vector<16xi32>
        %add3A_588 = arith.addi %broadcast_in_dim3A_51, %add3A_587 : vector<16xi32>
        %select_n3A_589 = arith.select %lt3A_585, %add3A_588, %broadcast_in_dim3A_51 : vector<16xi1>, vector<16xi32>
        %broadcast_in_dim3A_590 = vector.shape_cast %select_n3A_589 : vector<16xi32> to vector<16x1xi32>
        %gather3A_591 = vector.shape_cast %broadcast_in_dim3A_590 : vector<16x1xi32> to vector<16xi32>
        %gather3A_592 = tpu.dynamic_gather %get3A_122[%gather3A_591] in [0] : vector<16xi32>, vector<16xi32> -> vector<16xi32>
        %lt3A_593 = arith.cmpi slt, %gather3A_592, %broadcast_in_dim3A_3 : vector<16xi32>
        %abs3A_594 = math.absi %gather3A_592 : vector<16xi32>
        %add3A_595 = arith.constant 768 : i32
        %add3A_596 = arith.addi %add3A_134, %add3A_595 : i32
        %shift_left3A_597 = arith.shli %abs3A_594, %broadcast_in_dim3A_5 : vector<16xi32>
        %and3A_598 = arith.andi %shift_left3A_597, %broadcast_in_dim3A_7 : vector<16xi32>
        %shift_right_arithmetic3A_599 = arith.shrsi %abs3A_594, %broadcast_in_dim3A_9 : vector<16xi32>
        %and3A_600 = arith.andi %shift_right_arithmetic3A_599, %broadcast_in_dim3A_7 : vector<16xi32>
        %shift_right_arithmetic3A_601 = arith.shrsi %abs3A_594, %broadcast_in_dim3A_11 : vector<16xi32>
        %and3A_602 = arith.andi %shift_right_arithmetic3A_601, %broadcast_in_dim3A_7 : vector<16xi32>
        %shift_right_arithmetic3A_603 = arith.shrsi %abs3A_594, %broadcast_in_dim3A_13 : vector<16xi32>
        %and3A_604 = arith.andi %shift_right_arithmetic3A_603, %broadcast_in_dim3A_7 : vector<16xi32>
        %add3A_605 = arith.addi %and3A_598, %add3A_16 : vector<16xi32>
        %select_n3A_606 = arith.select %lt3A_593, %add3A_16, %add3A_605 : vector<16xi1>, vector<16xi32>
        %gather3A_607 = tpu.vector_load_idx %arg5[%select_n3A_606] masked %broadcast_in_dim3A_71 : memref<32768xf32, #tpu.memory_space<vmem>>[vector<16xi32>], vector<16xf32>, vector<16xi1>
        %add3A_608 = arith.constant 0 : i32
        %add3A_609 = arith.addi %add3A_596, %add3A_608 : i32
        %swap3A_610 = arith.index_cast %add3A_545 : i32 to index
        %swap3A_611 = tpu.vector_load %arg7[%swap3A_610] {strides = array<i32>} : memref<49152xf32, #tpu.memory_space<vmem>>, vector<16xf32>,
        tpu.vector_store %arg7[%swap3A_610], %gather3A_543 {strides = array<i32>} : memref<49152xf32, #tpu.memory_space<vmem>>, vector<16xf32>,
        %add3A_612 = arith.addi %and3A_600, %add3A_19 : vector<16xi32>
        %select_n3A_613 = arith.select %lt3A_593, %add3A_19, %add3A_612 : vector<16xi1>, vector<16xi32>
        %gather3A_614 = tpu.vector_load_idx %arg5[%select_n3A_613] masked %broadcast_in_dim3A_71 : memref<32768xf32, #tpu.memory_space<vmem>>[vector<16xi32>], vector<16xf32>, vector<16xi1>
        %add3A_615 = arith.constant 16 : i32
        %add3A_616 = arith.addi %add3A_596, %add3A_615 : i32
        %swap3A_617 = arith.index_cast %add3A_552 : i32 to index
        %swap3A_618 = tpu.vector_load %arg7[%swap3A_617] {strides = array<i32>} : memref<49152xf32, #tpu.memory_space<vmem>>, vector<16xf32>,
        tpu.vector_store %arg7[%swap3A_617], %gather3A_550 {strides = array<i32>} : memref<49152xf32, #tpu.memory_space<vmem>>, vector<16xf32>,
        %add3A_619 = arith.addi %and3A_602, %add3A_22 : vector<16xi32>
        %select_n3A_620 = arith.select %lt3A_593, %add3A_22, %add3A_619 : vector<16xi1>, vector<16xi32>
        %gather3A_621 = tpu.vector_load_idx %arg5[%select_n3A_620] masked %broadcast_in_dim3A_71 : memref<32768xf32, #tpu.memory_space<vmem>>[vector<16xi32>], vector<16xf32>, vector<16xi1>
        %add3A_622 = arith.constant 32 : i32
        %add3A_623 = arith.addi %add3A_596, %add3A_622 : i32
        %swap3A_624 = arith.index_cast %add3A_559 : i32 to index
        %swap3A_625 = tpu.vector_load %arg7[%swap3A_624] {strides = array<i32>} : memref<49152xf32, #tpu.memory_space<vmem>>, vector<16xf32>,
        tpu.vector_store %arg7[%swap3A_624], %gather3A_557 {strides = array<i32>} : memref<49152xf32, #tpu.memory_space<vmem>>, vector<16xf32>,
        %add3A_626 = arith.addi %and3A_604, %add3A_25 : vector<16xi32>
        %select_n3A_627 = arith.select %lt3A_593, %add3A_25, %add3A_626 : vector<16xi1>, vector<16xi32>
        %gather3A_628 = tpu.vector_load_idx %arg5[%select_n3A_627] masked %broadcast_in_dim3A_71 : memref<32768xf32, #tpu.memory_space<vmem>>[vector<16xi32>], vector<16xf32>, vector<16xi1>
        %add3A_629 = arith.constant 48 : i32
        %add3A_630 = arith.addi %add3A_596, %add3A_629 : i32
        %swap3A_631 = arith.index_cast %add3A_566 : i32 to index
        %swap3A_632 = tpu.vector_load %arg7[%swap3A_631] {strides = array<i32>} : memref<49152xf32, #tpu.memory_space<vmem>>, vector<16xf32>,
        tpu.vector_store %arg7[%swap3A_631], %gather3A_564 {strides = array<i32>} : memref<49152xf32, #tpu.memory_space<vmem>>, vector<16xf32>,
        %add3A_633 = arith.addi %and3A_598, %add3A_28 : vector<16xi32>
        %select_n3A_634 = arith.select %lt3A_593, %add3A_633, %add3A_28 : vector<16xi1>, vector<16xi32>
        %gather3A_635 = tpu.vector_load_idx %arg5[%select_n3A_634] masked %broadcast_in_dim3A_71 : memref<32768xf32, #tpu.memory_space<vmem>>[vector<16xi32>], vector<16xf32>, vector<16xi1>
        %add3A_636 = arith.constant 64 : i32
        %add3A_637 = arith.addi %add3A_596, %add3A_636 : i32
        %swap3A_638 = arith.index_cast %add3A_573 : i32 to index
        %swap3A_639 = tpu.vector_load %arg7[%swap3A_638] {strides = array<i32>} : memref<49152xf32, #tpu.memory_space<vmem>>, vector<16xf32>,
        tpu.vector_store %arg7[%swap3A_638], %gather3A_571 {strides = array<i32>} : memref<49152xf32, #tpu.memory_space<vmem>>, vector<16xf32>,
        %add3A_640 = arith.addi %and3A_600, %add3A_31 : vector<16xi32>
        %select_n3A_641 = arith.select %lt3A_593, %add3A_640, %add3A_31 : vector<16xi1>, vector<16xi32>
        %gather3A_642 = tpu.vector_load_idx %arg5[%select_n3A_641] masked %broadcast_in_dim3A_71 : memref<32768xf32, #tpu.memory_space<vmem>>[vector<16xi32>], vector<16xf32>, vector<16xi1>
        %add3A_643 = arith.constant 80 : i32
        %add3A_644 = arith.addi %add3A_596, %add3A_643 : i32
        %swap3A_645 = arith.index_cast %add3A_580 : i32 to index
        %swap3A_646 = tpu.vector_load %arg7[%swap3A_645] {strides = array<i32>} : memref<49152xf32, #tpu.memory_space<vmem>>, vector<16xf32>,
        tpu.vector_store %arg7[%swap3A_645], %gather3A_578 {strides = array<i32>} : memref<49152xf32, #tpu.memory_space<vmem>>, vector<16xf32>,
        %add3A_647 = arith.addi %and3A_602, %add3A_34 : vector<16xi32>
        %select_n3A_648 = arith.select %lt3A_593, %add3A_647, %add3A_34 : vector<16xi1>, vector<16xi32>
        %gather3A_649 = tpu.vector_load_idx %arg5[%select_n3A_648] masked %broadcast_in_dim3A_71 : memref<32768xf32, #tpu.memory_space<vmem>>[vector<16xi32>], vector<16xf32>, vector<16xi1>
        %add3A_650 = arith.constant 96 : i32
        %add3A_651 = arith.addi %add3A_596, %add3A_650 : i32
        %swap3A_652 = arith.index_cast %add3A_609 : i32 to index
        %swap3A_653 = tpu.vector_load %arg7[%swap3A_652] {strides = array<i32>} : memref<49152xf32, #tpu.memory_space<vmem>>, vector<16xf32>,
        tpu.vector_store %arg7[%swap3A_652], %gather3A_607 {strides = array<i32>} : memref<49152xf32, #tpu.memory_space<vmem>>, vector<16xf32>,
        %add3A_654 = arith.addi %and3A_604, %add3A_37 : vector<16xi32>
        %select_n3A_655 = arith.select %lt3A_593, %add3A_654, %add3A_37 : vector<16xi1>, vector<16xi32>
        %gather3A_656 = tpu.vector_load_idx %arg5[%select_n3A_655] masked %broadcast_in_dim3A_71 : memref<32768xf32, #tpu.memory_space<vmem>>[vector<16xi32>], vector<16xf32>, vector<16xi1>
        %add3A_657 = arith.constant 112 : i32
        %add3A_658 = arith.addi %add3A_596, %add3A_657 : i32
        %swap3A_659 = arith.index_cast %add3A_616 : i32 to index
        %swap3A_660 = tpu.vector_load %arg7[%swap3A_659] {strides = array<i32>} : memref<49152xf32, #tpu.memory_space<vmem>>, vector<16xf32>,
        tpu.vector_store %arg7[%swap3A_659], %gather3A_614 {strides = array<i32>} : memref<49152xf32, #tpu.memory_space<vmem>>, vector<16xf32>,
        %lt3A_661 = arith.constant 0 : i32
        %lt3A_662 = vector.broadcast %lt3A_661 : i32 to vector<16xi32>
        %lt3A_663 = arith.cmpi slt, %broadcast_in_dim3A_53, %lt3A_662 : vector<16xi32>
        %add3A_664 = arith.constant 16 : i32
        %add3A_665 = vector.broadcast %add3A_664 : i32 to vector<16xi32>
        %add3A_666 = arith.addi %broadcast_in_dim3A_53, %add3A_665 : vector<16xi32>
        %select_n3A_667 = arith.select %lt3A_663, %add3A_666, %broadcast_in_dim3A_53 : vector<16xi1>, vector<16xi32>
        %broadcast_in_dim3A_668 = vector.shape_cast %select_n3A_667 : vector<16xi32> to vector<16x1xi32>
        %gather3A_669 = vector.shape_cast %broadcast_in_dim3A_668 : vector<16x1xi32> to vector<16xi32>
        %gather3A_670 = tpu.dynamic_gather %get3A_122[%gather3A_669] in [0] : vector<16xi32>, vector<16xi32> -> vector<16xi32>
        %lt3A_671 = arith.cmpi slt, %gather3A_670, %broadcast_in_dim3A_3 : vector<16xi32>
        %abs3A_672 = math.absi %gather3A_670 : vector<16xi32>
        %add3A_673 = arith.constant 896 : i32
        %add3A_674 = arith.addi %add3A_134, %add3A_673 : i32
        %shift_left3A_675 = arith.shli %abs3A_672, %broadcast_in_dim3A_5 : vector<16xi32>
        %and3A_676 = arith.andi %shift_left3A_675, %broadcast_in_dim3A_7 : vector<16xi32>
        %shift_right_arithmetic3A_677 = arith.shrsi %abs3A_672, %broadcast_in_dim3A_9 : vector<16xi32>
        %and3A_678 = arith.andi %shift_right_arithmetic3A_677, %broadcast_in_dim3A_7 : vector<16xi32>
        %shift_right_arithmetic3A_679 = arith.shrsi %abs3A_672, %broadcast_in_dim3A_11 : vector<16xi32>
        %and3A_680 = arith.andi %shift_right_arithmetic3A_679, %broadcast_in_dim3A_7 : vector<16xi32>
        %shift_right_arithmetic3A_681 = arith.shrsi %abs3A_672, %broadcast_in_dim3A_13 : vector<16xi32>
        %and3A_682 = arith.andi %shift_right_arithmetic3A_681, %broadcast_in_dim3A_7 : vector<16xi32>
        %add3A_683 = arith.addi %and3A_676, %add3A_16 : vector<16xi32>
        %select_n3A_684 = arith.select %lt3A_671, %add3A_16, %add3A_683 : vector<16xi1>, vector<16xi32>
        %gather3A_685 = tpu.vector_load_idx %arg5[%select_n3A_684] masked %broadcast_in_dim3A_71 : memref<32768xf32, #tpu.memory_space<vmem>>[vector<16xi32>], vector<16xf32>, vector<16xi1>
        %add3A_686 = arith.constant 0 : i32
        %add3A_687 = arith.addi %add3A_674, %add3A_686 : i32
        %swap3A_688 = arith.index_cast %add3A_623 : i32 to index
        %swap3A_689 = tpu.vector_load %arg7[%swap3A_688] {strides = array<i32>} : memref<49152xf32, #tpu.memory_space<vmem>>, vector<16xf32>,
        tpu.vector_store %arg7[%swap3A_688], %gather3A_621 {strides = array<i32>} : memref<49152xf32, #tpu.memory_space<vmem>>, vector<16xf32>,
        %add3A_690 = arith.addi %and3A_678, %add3A_19 : vector<16xi32>
        %select_n3A_691 = arith.select %lt3A_671, %add3A_19, %add3A_690 : vector<16xi1>, vector<16xi32>
        %gather3A_692 = tpu.vector_load_idx %arg5[%select_n3A_691] masked %broadcast_in_dim3A_71 : memref<32768xf32, #tpu.memory_space<vmem>>[vector<16xi32>], vector<16xf32>, vector<16xi1>
        %add3A_693 = arith.constant 16 : i32
        %add3A_694 = arith.addi %add3A_674, %add3A_693 : i32
        %swap3A_695 = arith.index_cast %add3A_630 : i32 to index
        %swap3A_696 = tpu.vector_load %arg7[%swap3A_695] {strides = array<i32>} : memref<49152xf32, #tpu.memory_space<vmem>>, vector<16xf32>,
        tpu.vector_store %arg7[%swap3A_695], %gather3A_628 {strides = array<i32>} : memref<49152xf32, #tpu.memory_space<vmem>>, vector<16xf32>,
        %add3A_697 = arith.addi %and3A_680, %add3A_22 : vector<16xi32>
        %select_n3A_698 = arith.select %lt3A_671, %add3A_22, %add3A_697 : vector<16xi1>, vector<16xi32>
        %gather3A_699 = tpu.vector_load_idx %arg5[%select_n3A_698] masked %broadcast_in_dim3A_71 : memref<32768xf32, #tpu.memory_space<vmem>>[vector<16xi32>], vector<16xf32>, vector<16xi1>
        %add3A_700 = arith.constant 32 : i32
        %add3A_701 = arith.addi %add3A_674, %add3A_700 : i32
        %swap3A_702 = arith.index_cast %add3A_637 : i32 to index
        %swap3A_703 = tpu.vector_load %arg7[%swap3A_702] {strides = array<i32>} : memref<49152xf32, #tpu.memory_space<vmem>>, vector<16xf32>,
        tpu.vector_store %arg7[%swap3A_702], %gather3A_635 {strides = array<i32>} : memref<49152xf32, #tpu.memory_space<vmem>>, vector<16xf32>,
        %add3A_704 = arith.addi %and3A_682, %add3A_25 : vector<16xi32>
        %select_n3A_705 = arith.select %lt3A_671, %add3A_25, %add3A_704 : vector<16xi1>, vector<16xi32>
        %gather3A_706 = tpu.vector_load_idx %arg5[%select_n3A_705] masked %broadcast_in_dim3A_71 : memref<32768xf32, #tpu.memory_space<vmem>>[vector<16xi32>], vector<16xf32>, vector<16xi1>
        %add3A_707 = arith.constant 48 : i32
        %add3A_708 = arith.addi %add3A_674, %add3A_707 : i32
        %swap3A_709 = arith.index_cast %add3A_644 : i32 to index
        %swap3A_710 = tpu.vector_load %arg7[%swap3A_709] {strides = array<i32>} : memref<49152xf32, #tpu.memory_space<vmem>>, vector<16xf32>,
        tpu.vector_store %arg7[%swap3A_709], %gather3A_642 {strides = array<i32>} : memref<49152xf32, #tpu.memory_space<vmem>>, vector<16xf32>,
        %add3A_711 = arith.addi %and3A_676, %add3A_28 : vector<16xi32>
        %select_n3A_712 = arith.select %lt3A_671, %add3A_711, %add3A_28 : vector<16xi1>, vector<16xi32>
        %gather3A_713 = tpu.vector_load_idx %arg5[%select_n3A_712] masked %broadcast_in_dim3A_71 : memref<32768xf32, #tpu.memory_space<vmem>>[vector<16xi32>], vector<16xf32>, vector<16xi1>
        %add3A_714 = arith.constant 64 : i32
        %add3A_715 = arith.addi %add3A_674, %add3A_714 : i32
        %swap3A_716 = arith.index_cast %add3A_651 : i32 to index
        %swap3A_717 = tpu.vector_load %arg7[%swap3A_716] {strides = array<i32>} : memref<49152xf32, #tpu.memory_space<vmem>>, vector<16xf32>,
        tpu.vector_store %arg7[%swap3A_716], %gather3A_649 {strides = array<i32>} : memref<49152xf32, #tpu.memory_space<vmem>>, vector<16xf32>,
        %add3A_718 = arith.addi %and3A_678, %add3A_31 : vector<16xi32>
        %select_n3A_719 = arith.select %lt3A_671, %add3A_718, %add3A_31 : vector<16xi1>, vector<16xi32>
        %gather3A_720 = tpu.vector_load_idx %arg5[%select_n3A_719] masked %broadcast_in_dim3A_71 : memref<32768xf32, #tpu.memory_space<vmem>>[vector<16xi32>], vector<16xf32>, vector<16xi1>
        %add3A_721 = arith.constant 80 : i32
        %add3A_722 = arith.addi %add3A_674, %add3A_721 : i32
        %swap3A_723 = arith.index_cast %add3A_658 : i32 to index
        %swap3A_724 = tpu.vector_load %arg7[%swap3A_723] {strides = array<i32>} : memref<49152xf32, #tpu.memory_space<vmem>>, vector<16xf32>,
        tpu.vector_store %arg7[%swap3A_723], %gather3A_656 {strides = array<i32>} : memref<49152xf32, #tpu.memory_space<vmem>>, vector<16xf32>,
        %add3A_725 = arith.addi %and3A_680, %add3A_34 : vector<16xi32>
        %select_n3A_726 = arith.select %lt3A_671, %add3A_725, %add3A_34 : vector<16xi1>, vector<16xi32>
        %gather3A_727 = tpu.vector_load_idx %arg5[%select_n3A_726] masked %broadcast_in_dim3A_71 : memref<32768xf32, #tpu.memory_space<vmem>>[vector<16xi32>], vector<16xf32>, vector<16xi1>
        %add3A_728 = arith.constant 96 : i32
        %add3A_729 = arith.addi %add3A_674, %add3A_728 : i32
        %swap3A_730 = arith.index_cast %add3A_687 : i32 to index
        %swap3A_731 = tpu.vector_load %arg7[%swap3A_730] {strides = array<i32>} : memref<49152xf32, #tpu.memory_space<vmem>>, vector<16xf32>,
        tpu.vector_store %arg7[%swap3A_730], %gather3A_685 {strides = array<i32>} : memref<49152xf32, #tpu.memory_space<vmem>>, vector<16xf32>,
        %add3A_732 = arith.addi %and3A_682, %add3A_37 : vector<16xi32>
        %select_n3A_733 = arith.select %lt3A_671, %add3A_732, %add3A_37 : vector<16xi1>, vector<16xi32>
        %gather3A_734 = tpu.vector_load_idx %arg5[%select_n3A_733] masked %broadcast_in_dim3A_71 : memref<32768xf32, #tpu.memory_space<vmem>>[vector<16xi32>], vector<16xf32>, vector<16xi1>
        %add3A_735 = arith.constant 112 : i32
        %add3A_736 = arith.addi %add3A_674, %add3A_735 : i32
        %swap3A_737 = arith.index_cast %add3A_694 : i32 to index
        %swap3A_738 = tpu.vector_load %arg7[%swap3A_737] {strides = array<i32>} : memref<49152xf32, #tpu.memory_space<vmem>>, vector<16xf32>,
        tpu.vector_store %arg7[%swap3A_737], %gather3A_692 {strides = array<i32>} : memref<49152xf32, #tpu.memory_space<vmem>>, vector<16xf32>,
        %lt3A_739 = arith.constant 0 : i32
        %lt3A_740 = vector.broadcast %lt3A_739 : i32 to vector<16xi32>
        %lt3A_741 = arith.cmpi slt, %broadcast_in_dim3A_55, %lt3A_740 : vector<16xi32>
        %add3A_742 = arith.constant 16 : i32
        %add3A_743 = vector.broadcast %add3A_742 : i32 to vector<16xi32>
        %add3A_744 = arith.addi %broadcast_in_dim3A_55, %add3A_743 : vector<16xi32>
        %select_n3A_745 = arith.select %lt3A_741, %add3A_744, %broadcast_in_dim3A_55 : vector<16xi1>, vector<16xi32>
        %broadcast_in_dim3A_746 = vector.shape_cast %select_n3A_745 : vector<16xi32> to vector<16x1xi32>
        %gather3A_747 = vector.shape_cast %broadcast_in_dim3A_746 : vector<16x1xi32> to vector<16xi32>
        %gather3A_748 = tpu.dynamic_gather %get3A_122[%gather3A_747] in [0] : vector<16xi32>, vector<16xi32> -> vector<16xi32>
        %lt3A_749 = arith.cmpi slt, %gather3A_748, %broadcast_in_dim3A_3 : vector<16xi32>
        %abs3A_750 = math.absi %gather3A_748 : vector<16xi32>
        %add3A_751 = arith.constant 1024 : i32
        %add3A_752 = arith.addi %add3A_134, %add3A_751 : i32
        %shift_left3A_753 = arith.shli %abs3A_750, %broadcast_in_dim3A_5 : vector<16xi32>
        %and3A_754 = arith.andi %shift_left3A_753, %broadcast_in_dim3A_7 : vector<16xi32>
        %shift_right_arithmetic3A_755 = arith.shrsi %abs3A_750, %broadcast_in_dim3A_9 : vector<16xi32>
        %and3A_756 = arith.andi %shift_right_arithmetic3A_755, %broadcast_in_dim3A_7 : vector<16xi32>
        %shift_right_arithmetic3A_757 = arith.shrsi %abs3A_750, %broadcast_in_dim3A_11 : vector<16xi32>
        %and3A_758 = arith.andi %shift_right_arithmetic3A_757, %broadcast_in_dim3A_7 : vector<16xi32>
        %shift_right_arithmetic3A_759 = arith.shrsi %abs3A_750, %broadcast_in_dim3A_13 : vector<16xi32>
        %and3A_760 = arith.andi %shift_right_arithmetic3A_759, %broadcast_in_dim3A_7 : vector<16xi32>
        %add3A_761 = arith.addi %and3A_754, %add3A_16 : vector<16xi32>
        %select_n3A_762 = arith.select %lt3A_749, %add3A_16, %add3A_761 : vector<16xi1>, vector<16xi32>
        %gather3A_763 = tpu.vector_load_idx %arg5[%select_n3A_762] masked %broadcast_in_dim3A_71 : memref<32768xf32, #tpu.memory_space<vmem>>[vector<16xi32>], vector<16xf32>, vector<16xi1>
        %add3A_764 = arith.constant 0 : i32
        %add3A_765 = arith.addi %add3A_752, %add3A_764 : i32
        %swap3A_766 = arith.index_cast %add3A_701 : i32 to index
        %swap3A_767 = tpu.vector_load %arg7[%swap3A_766] {strides = array<i32>} : memref<49152xf32, #tpu.memory_space<vmem>>, vector<16xf32>,
        tpu.vector_store %arg7[%swap3A_766], %gather3A_699 {strides = array<i32>} : memref<49152xf32, #tpu.memory_space<vmem>>, vector<16xf32>,
        %add3A_768 = arith.addi %and3A_756, %add3A_19 : vector<16xi32>
        %select_n3A_769 = arith.select %lt3A_749, %add3A_19, %add3A_768 : vector<16xi1>, vector<16xi32>
        %gather3A_770 = tpu.vector_load_idx %arg5[%select_n3A_769] masked %broadcast_in_dim3A_71 : memref<32768xf32, #tpu.memory_space<vmem>>[vector<16xi32>], vector<16xf32>, vector<16xi1>
        %add3A_771 = arith.constant 16 : i32
        %add3A_772 = arith.addi %add3A_752, %add3A_771 : i32
        %swap3A_773 = arith.index_cast %add3A_708 : i32 to index
        %swap3A_774 = tpu.vector_load %arg7[%swap3A_773] {strides = array<i32>} : memref<49152xf32, #tpu.memory_space<vmem>>, vector<16xf32>,
        tpu.vector_store %arg7[%swap3A_773], %gather3A_706 {strides = array<i32>} : memref<49152xf32, #tpu.memory_space<vmem>>, vector<16xf32>,
        %add3A_775 = arith.addi %and3A_758, %add3A_22 : vector<16xi32>
        %select_n3A_776 = arith.select %lt3A_749, %add3A_22, %add3A_775 : vector<16xi1>, vector<16xi32>
        %gather3A_777 = tpu.vector_load_idx %arg5[%select_n3A_776] masked %broadcast_in_dim3A_71 : memref<32768xf32, #tpu.memory_space<vmem>>[vector<16xi32>], vector<16xf32>, vector<16xi1>
        %add3A_778 = arith.constant 32 : i32
        %add3A_779 = arith.addi %add3A_752, %add3A_778 : i32
        %swap3A_780 = arith.index_cast %add3A_715 : i32 to index
        %swap3A_781 = tpu.vector_load %arg7[%swap3A_780] {strides = array<i32>} : memref<49152xf32, #tpu.memory_space<vmem>>, vector<16xf32>,
        tpu.vector_store %arg7[%swap3A_780], %gather3A_713 {strides = array<i32>} : memref<49152xf32, #tpu.memory_space<vmem>>, vector<16xf32>,
        %add3A_782 = arith.addi %and3A_760, %add3A_25 : vector<16xi32>
        %select_n3A_783 = arith.select %lt3A_749, %add3A_25, %add3A_782 : vector<16xi1>, vector<16xi32>
        %gather3A_784 = tpu.vector_load_idx %arg5[%select_n3A_783] masked %broadcast_in_dim3A_71 : memref<32768xf32, #tpu.memory_space<vmem>>[vector<16xi32>], vector<16xf32>, vector<16xi1>
        %add3A_785 = arith.constant 48 : i32
        %add3A_786 = arith.addi %add3A_752, %add3A_785 : i32
        %swap3A_787 = arith.index_cast %add3A_722 : i32 to index
        %swap3A_788 = tpu.vector_load %arg7[%swap3A_787] {strides = array<i32>} : memref<49152xf32, #tpu.memory_space<vmem>>, vector<16xf32>,
        tpu.vector_store %arg7[%swap3A_787], %gather3A_720 {strides = array<i32>} : memref<49152xf32, #tpu.memory_space<vmem>>, vector<16xf32>,
        %add3A_789 = arith.addi %and3A_754, %add3A_28 : vector<16xi32>
        %select_n3A_790 = arith.select %lt3A_749, %add3A_789, %add3A_28 : vector<16xi1>, vector<16xi32>
        %gather3A_791 = tpu.vector_load_idx %arg5[%select_n3A_790] masked %broadcast_in_dim3A_71 : memref<32768xf32, #tpu.memory_space<vmem>>[vector<16xi32>], vector<16xf32>, vector<16xi1>
        %add3A_792 = arith.constant 64 : i32
        %add3A_793 = arith.addi %add3A_752, %add3A_792 : i32
        %swap3A_794 = arith.index_cast %add3A_729 : i32 to index
        %swap3A_795 = tpu.vector_load %arg7[%swap3A_794] {strides = array<i32>} : memref<49152xf32, #tpu.memory_space<vmem>>, vector<16xf32>,
        tpu.vector_store %arg7[%swap3A_794], %gather3A_727 {strides = array<i32>} : memref<49152xf32, #tpu.memory_space<vmem>>, vector<16xf32>,
        %add3A_796 = arith.addi %and3A_756, %add3A_31 : vector<16xi32>
        %select_n3A_797 = arith.select %lt3A_749, %add3A_796, %add3A_31 : vector<16xi1>, vector<16xi32>
        %gather3A_798 = tpu.vector_load_idx %arg5[%select_n3A_797] masked %broadcast_in_dim3A_71 : memref<32768xf32, #tpu.memory_space<vmem>>[vector<16xi32>], vector<16xf32>, vector<16xi1>
        %add3A_799 = arith.constant 80 : i32
        %add3A_800 = arith.addi %add3A_752, %add3A_799 : i32
        %swap3A_801 = arith.index_cast %add3A_736 : i32 to index
        %swap3A_802 = tpu.vector_load %arg7[%swap3A_801] {strides = array<i32>} : memref<49152xf32, #tpu.memory_space<vmem>>, vector<16xf32>,
        tpu.vector_store %arg7[%swap3A_801], %gather3A_734 {strides = array<i32>} : memref<49152xf32, #tpu.memory_space<vmem>>, vector<16xf32>,
        %add3A_803 = arith.addi %and3A_758, %add3A_34 : vector<16xi32>
        %select_n3A_804 = arith.select %lt3A_749, %add3A_803, %add3A_34 : vector<16xi1>, vector<16xi32>
        %gather3A_805 = tpu.vector_load_idx %arg5[%select_n3A_804] masked %broadcast_in_dim3A_71 : memref<32768xf32, #tpu.memory_space<vmem>>[vector<16xi32>], vector<16xf32>, vector<16xi1>
        %add3A_806 = arith.constant 96 : i32
        %add3A_807 = arith.addi %add3A_752, %add3A_806 : i32
        %swap3A_808 = arith.index_cast %add3A_765 : i32 to index
        %swap3A_809 = tpu.vector_load %arg7[%swap3A_808] {strides = array<i32>} : memref<49152xf32, #tpu.memory_space<vmem>>, vector<16xf32>,
        tpu.vector_store %arg7[%swap3A_808], %gather3A_763 {strides = array<i32>} : memref<49152xf32, #tpu.memory_space<vmem>>, vector<16xf32>,
        %add3A_810 = arith.addi %and3A_760, %add3A_37 : vector<16xi32>
        %select_n3A_811 = arith.select %lt3A_749, %add3A_810, %add3A_37 : vector<16xi1>, vector<16xi32>
        %gather3A_812 = tpu.vector_load_idx %arg5[%select_n3A_811] masked %broadcast_in_dim3A_71 : memref<32768xf32, #tpu.memory_space<vmem>>[vector<16xi32>], vector<16xf32>, vector<16xi1>
        %add3A_813 = arith.constant 112 : i32
        %add3A_814 = arith.addi %add3A_752, %add3A_813 : i32
        %swap3A_815 = arith.index_cast %add3A_772 : i32 to index
        %swap3A_816 = tpu.vector_load %arg7[%swap3A_815] {strides = array<i32>} : memref<49152xf32, #tpu.memory_space<vmem>>, vector<16xf32>,
        tpu.vector_store %arg7[%swap3A_815], %gather3A_770 {strides = array<i32>} : memref<49152xf32, #tpu.memory_space<vmem>>, vector<16xf32>,
        %lt3A_817 = arith.constant 0 : i32
        %lt3A_818 = vector.broadcast %lt3A_817 : i32 to vector<16xi32>
        %lt3A_819 = arith.cmpi slt, %broadcast_in_dim3A_57, %lt3A_818 : vector<16xi32>
        %add3A_820 = arith.constant 16 : i32
        %add3A_821 = vector.broadcast %add3A_820 : i32 to vector<16xi32>
        %add3A_822 = arith.addi %broadcast_in_dim3A_57, %add3A_821 : vector<16xi32>
        %select_n3A_823 = arith.select %lt3A_819, %add3A_822, %broadcast_in_dim3A_57 : vector<16xi1>, vector<16xi32>
        %broadcast_in_dim3A_824 = vector.shape_cast %select_n3A_823 : vector<16xi32> to vector<16x1xi32>
        %gather3A_825 = vector.shape_cast %broadcast_in_dim3A_824 : vector<16x1xi32> to vector<16xi32>
        %gather3A_826 = tpu.dynamic_gather %get3A_122[%gather3A_825] in [0] : vector<16xi32>, vector<16xi32> -> vector<16xi32>
        %lt3A_827 = arith.cmpi slt, %gather3A_826, %broadcast_in_dim3A_3 : vector<16xi32>
        %abs3A_828 = math.absi %gather3A_826 : vector<16xi32>
        %add3A_829 = arith.constant 1152 : i32
        %add3A_830 = arith.addi %add3A_134, %add3A_829 : i32
        %shift_left3A_831 = arith.shli %abs3A_828, %broadcast_in_dim3A_5 : vector<16xi32>
        %and3A_832 = arith.andi %shift_left3A_831, %broadcast_in_dim3A_7 : vector<16xi32>
        %shift_right_arithmetic3A_833 = arith.shrsi %abs3A_828, %broadcast_in_dim3A_9 : vector<16xi32>
        %and3A_834 = arith.andi %shift_right_arithmetic3A_833, %broadcast_in_dim3A_7 : vector<16xi32>
        %shift_right_arithmetic3A_835 = arith.shrsi %abs3A_828, %broadcast_in_dim3A_11 : vector<16xi32>
        %and3A_836 = arith.andi %shift_right_arithmetic3A_835, %broadcast_in_dim3A_7 : vector<16xi32>
        %shift_right_arithmetic3A_837 = arith.shrsi %abs3A_828, %broadcast_in_dim3A_13 : vector<16xi32>
        %and3A_838 = arith.andi %shift_right_arithmetic3A_837, %broadcast_in_dim3A_7 : vector<16xi32>
        %add3A_839 = arith.addi %and3A_832, %add3A_16 : vector<16xi32>
        %select_n3A_840 = arith.select %lt3A_827, %add3A_16, %add3A_839 : vector<16xi1>, vector<16xi32>
        %gather3A_841 = tpu.vector_load_idx %arg5[%select_n3A_840] masked %broadcast_in_dim3A_71 : memref<32768xf32, #tpu.memory_space<vmem>>[vector<16xi32>], vector<16xf32>, vector<16xi1>
        %add3A_842 = arith.constant 0 : i32
        %add3A_843 = arith.addi %add3A_830, %add3A_842 : i32
        %swap3A_844 = arith.index_cast %add3A_779 : i32 to index
        %swap3A_845 = tpu.vector_load %arg7[%swap3A_844] {strides = array<i32>} : memref<49152xf32, #tpu.memory_space<vmem>>, vector<16xf32>,
        tpu.vector_store %arg7[%swap3A_844], %gather3A_777 {strides = array<i32>} : memref<49152xf32, #tpu.memory_space<vmem>>, vector<16xf32>,
        %add3A_846 = arith.addi %and3A_834, %add3A_19 : vector<16xi32>
        %select_n3A_847 = arith.select %lt3A_827, %add3A_19, %add3A_846 : vector<16xi1>, vector<16xi32>
        %gather3A_848 = tpu.vector_load_idx %arg5[%select_n3A_847] masked %broadcast_in_dim3A_71 : memref<32768xf32, #tpu.memory_space<vmem>>[vector<16xi32>], vector<16xf32>, vector<16xi1>
        %add3A_849 = arith.constant 16 : i32
        %add3A_850 = arith.addi %add3A_830, %add3A_849 : i32
        %swap3A_851 = arith.index_cast %add3A_786 : i32 to index
        %swap3A_852 = tpu.vector_load %arg7[%swap3A_851] {strides = array<i32>} : memref<49152xf32, #tpu.memory_space<vmem>>, vector<16xf32>,
        tpu.vector_store %arg7[%swap3A_851], %gather3A_784 {strides = array<i32>} : memref<49152xf32, #tpu.memory_space<vmem>>, vector<16xf32>,
        %add3A_853 = arith.addi %and3A_836, %add3A_22 : vector<16xi32>
        %select_n3A_854 = arith.select %lt3A_827, %add3A_22, %add3A_853 : vector<16xi1>, vector<16xi32>
        %gather3A_855 = tpu.vector_load_idx %arg5[%select_n3A_854] masked %broadcast_in_dim3A_71 : memref<32768xf32, #tpu.memory_space<vmem>>[vector<16xi32>], vector<16xf32>, vector<16xi1>
        %add3A_856 = arith.constant 32 : i32
        %add3A_857 = arith.addi %add3A_830, %add3A_856 : i32
        %swap3A_858 = arith.index_cast %add3A_793 : i32 to index
        %swap3A_859 = tpu.vector_load %arg7[%swap3A_858] {strides = array<i32>} : memref<49152xf32, #tpu.memory_space<vmem>>, vector<16xf32>,
        tpu.vector_store %arg7[%swap3A_858], %gather3A_791 {strides = array<i32>} : memref<49152xf32, #tpu.memory_space<vmem>>, vector<16xf32>,
        %add3A_860 = arith.addi %and3A_838, %add3A_25 : vector<16xi32>
        %select_n3A_861 = arith.select %lt3A_827, %add3A_25, %add3A_860 : vector<16xi1>, vector<16xi32>
        %gather3A_862 = tpu.vector_load_idx %arg5[%select_n3A_861] masked %broadcast_in_dim3A_71 : memref<32768xf32, #tpu.memory_space<vmem>>[vector<16xi32>], vector<16xf32>, vector<16xi1>
        %add3A_863 = arith.constant 48 : i32
        %add3A_864 = arith.addi %add3A_830, %add3A_863 : i32
        %swap3A_865 = arith.index_cast %add3A_800 : i32 to index
        %swap3A_866 = tpu.vector_load %arg7[%swap3A_865] {strides = array<i32>} : memref<49152xf32, #tpu.memory_space<vmem>>, vector<16xf32>,
        tpu.vector_store %arg7[%swap3A_865], %gather3A_798 {strides = array<i32>} : memref<49152xf32, #tpu.memory_space<vmem>>, vector<16xf32>,
        %add3A_867 = arith.addi %and3A_832, %add3A_28 : vector<16xi32>
        %select_n3A_868 = arith.select %lt3A_827, %add3A_867, %add3A_28 : vector<16xi1>, vector<16xi32>
        %gather3A_869 = tpu.vector_load_idx %arg5[%select_n3A_868] masked %broadcast_in_dim3A_71 : memref<32768xf32, #tpu.memory_space<vmem>>[vector<16xi32>], vector<16xf32>, vector<16xi1>
        %add3A_870 = arith.constant 64 : i32
        %add3A_871 = arith.addi %add3A_830, %add3A_870 : i32
        %swap3A_872 = arith.index_cast %add3A_807 : i32 to index
        %swap3A_873 = tpu.vector_load %arg7[%swap3A_872] {strides = array<i32>} : memref<49152xf32, #tpu.memory_space<vmem>>, vector<16xf32>,
        tpu.vector_store %arg7[%swap3A_872], %gather3A_805 {strides = array<i32>} : memref<49152xf32, #tpu.memory_space<vmem>>, vector<16xf32>,
        %add3A_874 = arith.addi %and3A_834, %add3A_31 : vector<16xi32>
        %select_n3A_875 = arith.select %lt3A_827, %add3A_874, %add3A_31 : vector<16xi1>, vector<16xi32>
        %gather3A_876 = tpu.vector_load_idx %arg5[%select_n3A_875] masked %broadcast_in_dim3A_71 : memref<32768xf32, #tpu.memory_space<vmem>>[vector<16xi32>], vector<16xf32>, vector<16xi1>
        %add3A_877 = arith.constant 80 : i32
        %add3A_878 = arith.addi %add3A_830, %add3A_877 : i32
        %swap3A_879 = arith.index_cast %add3A_814 : i32 to index
        %swap3A_880 = tpu.vector_load %arg7[%swap3A_879] {strides = array<i32>} : memref<49152xf32, #tpu.memory_space<vmem>>, vector<16xf32>,
        tpu.vector_store %arg7[%swap3A_879], %gather3A_812 {strides = array<i32>} : memref<49152xf32, #tpu.memory_space<vmem>>, vector<16xf32>,
        %add3A_881 = arith.addi %and3A_836, %add3A_34 : vector<16xi32>
        %select_n3A_882 = arith.select %lt3A_827, %add3A_881, %add3A_34 : vector<16xi1>, vector<16xi32>
        %gather3A_883 = tpu.vector_load_idx %arg5[%select_n3A_882] masked %broadcast_in_dim3A_71 : memref<32768xf32, #tpu.memory_space<vmem>>[vector<16xi32>], vector<16xf32>, vector<16xi1>
        %add3A_884 = arith.constant 96 : i32
        %add3A_885 = arith.addi %add3A_830, %add3A_884 : i32
        %swap3A_886 = arith.index_cast %add3A_843 : i32 to index
        %swap3A_887 = tpu.vector_load %arg7[%swap3A_886] {strides = array<i32>} : memref<49152xf32, #tpu.memory_space<vmem>>, vector<16xf32>,
        tpu.vector_store %arg7[%swap3A_886], %gather3A_841 {strides = array<i32>} : memref<49152xf32, #tpu.memory_space<vmem>>, vector<16xf32>,
        %add3A_888 = arith.addi %and3A_838, %add3A_37 : vector<16xi32>
        %select_n3A_889 = arith.select %lt3A_827, %add3A_888, %add3A_37 : vector<16xi1>, vector<16xi32>
        %gather3A_890 = tpu.vector_load_idx %arg5[%select_n3A_889] masked %broadcast_in_dim3A_71 : memref<32768xf32, #tpu.memory_space<vmem>>[vector<16xi32>], vector<16xf32>, vector<16xi1>
        %add3A_891 = arith.constant 112 : i32
        %add3A_892 = arith.addi %add3A_830, %add3A_891 : i32
        %swap3A_893 = arith.index_cast %add3A_850 : i32 to index
        %swap3A_894 = tpu.vector_load %arg7[%swap3A_893] {strides = array<i32>} : memref<49152xf32, #tpu.memory_space<vmem>>, vector<16xf32>,
        tpu.vector_store %arg7[%swap3A_893], %gather3A_848 {strides = array<i32>} : memref<49152xf32, #tpu.memory_space<vmem>>, vector<16xf32>,
        %lt3A_895 = arith.constant 0 : i32
        %lt3A_896 = vector.broadcast %lt3A_895 : i32 to vector<16xi32>
        %lt3A_897 = arith.cmpi slt, %broadcast_in_dim3A_59, %lt3A_896 : vector<16xi32>
        %add3A_898 = arith.constant 16 : i32
        %add3A_899 = vector.broadcast %add3A_898 : i32 to vector<16xi32>
        %add3A_900 = arith.addi %broadcast_in_dim3A_59, %add3A_899 : vector<16xi32>
        %select_n3A_901 = arith.select %lt3A_897, %add3A_900, %broadcast_in_dim3A_59 : vector<16xi1>, vector<16xi32>
        %broadcast_in_dim3A_902 = vector.shape_cast %select_n3A_901 : vector<16xi32> to vector<16x1xi32>
        %gather3A_903 = vector.shape_cast %broadcast_in_dim3A_902 : vector<16x1xi32> to vector<16xi32>
        %gather3A_904 = tpu.dynamic_gather %get3A_122[%gather3A_903] in [0] : vector<16xi32>, vector<16xi32> -> vector<16xi32>
        %lt3A_905 = arith.cmpi slt, %gather3A_904, %broadcast_in_dim3A_3 : vector<16xi32>
        %abs3A_906 = math.absi %gather3A_904 : vector<16xi32>
        %add3A_907 = arith.constant 1280 : i32
        %add3A_908 = arith.addi %add3A_134, %add3A_907 : i32
        %shift_left3A_909 = arith.shli %abs3A_906, %broadcast_in_dim3A_5 : vector<16xi32>
        %and3A_910 = arith.andi %shift_left3A_909, %broadcast_in_dim3A_7 : vector<16xi32>
        %shift_right_arithmetic3A_911 = arith.shrsi %abs3A_906, %broadcast_in_dim3A_9 : vector<16xi32>
        %and3A_912 = arith.andi %shift_right_arithmetic3A_911, %broadcast_in_dim3A_7 : vector<16xi32>
        %shift_right_arithmetic3A_913 = arith.shrsi %abs3A_906, %broadcast_in_dim3A_11 : vector<16xi32>
        %and3A_914 = arith.andi %shift_right_arithmetic3A_913, %broadcast_in_dim3A_7 : vector<16xi32>
        %shift_right_arithmetic3A_915 = arith.shrsi %abs3A_906, %broadcast_in_dim3A_13 : vector<16xi32>
        %and3A_916 = arith.andi %shift_right_arithmetic3A_915, %broadcast_in_dim3A_7 : vector<16xi32>
        %add3A_917 = arith.addi %and3A_910, %add3A_16 : vector<16xi32>
        %select_n3A_918 = arith.select %lt3A_905, %add3A_16, %add3A_917 : vector<16xi1>, vector<16xi32>
        %gather3A_919 = tpu.vector_load_idx %arg5[%select_n3A_918] masked %broadcast_in_dim3A_71 : memref<32768xf32, #tpu.memory_space<vmem>>[vector<16xi32>], vector<16xf32>, vector<16xi1>
        %add3A_920 = arith.constant 0 : i32
        %add3A_921 = arith.addi %add3A_908, %add3A_920 : i32
        %swap3A_922 = arith.index_cast %add3A_857 : i32 to index
        %swap3A_923 = tpu.vector_load %arg7[%swap3A_922] {strides = array<i32>} : memref<49152xf32, #tpu.memory_space<vmem>>, vector<16xf32>,
        tpu.vector_store %arg7[%swap3A_922], %gather3A_855 {strides = array<i32>} : memref<49152xf32, #tpu.memory_space<vmem>>, vector<16xf32>,
        %add3A_924 = arith.addi %and3A_912, %add3A_19 : vector<16xi32>
        %select_n3A_925 = arith.select %lt3A_905, %add3A_19, %add3A_924 : vector<16xi1>, vector<16xi32>
        %gather3A_926 = tpu.vector_load_idx %arg5[%select_n3A_925] masked %broadcast_in_dim3A_71 : memref<32768xf32, #tpu.memory_space<vmem>>[vector<16xi32>], vector<16xf32>, vector<16xi1>
        %add3A_927 = arith.constant 16 : i32
        %add3A_928 = arith.addi %add3A_908, %add3A_927 : i32
        %swap3A_929 = arith.index_cast %add3A_864 : i32 to index
        %swap3A_930 = tpu.vector_load %arg7[%swap3A_929] {strides = array<i32>} : memref<49152xf32, #tpu.memory_space<vmem>>, vector<16xf32>,
        tpu.vector_store %arg7[%swap3A_929], %gather3A_862 {strides = array<i32>} : memref<49152xf32, #tpu.memory_space<vmem>>, vector<16xf32>,
        %add3A_931 = arith.addi %and3A_914, %add3A_22 : vector<16xi32>
        %select_n3A_932 = arith.select %lt3A_905, %add3A_22, %add3A_931 : vector<16xi1>, vector<16xi32>
        %gather3A_933 = tpu.vector_load_idx %arg5[%select_n3A_932] masked %broadcast_in_dim3A_71 : memref<32768xf32, #tpu.memory_space<vmem>>[vector<16xi32>], vector<16xf32>, vector<16xi1>
        %add3A_934 = arith.constant 32 : i32
        %add3A_935 = arith.addi %add3A_908, %add3A_934 : i32
        %swap3A_936 = arith.index_cast %add3A_871 : i32 to index
        %swap3A_937 = tpu.vector_load %arg7[%swap3A_936] {strides = array<i32>} : memref<49152xf32, #tpu.memory_space<vmem>>, vector<16xf32>,
        tpu.vector_store %arg7[%swap3A_936], %gather3A_869 {strides = array<i32>} : memref<49152xf32, #tpu.memory_space<vmem>>, vector<16xf32>,
        %add3A_938 = arith.addi %and3A_916, %add3A_25 : vector<16xi32>
        %select_n3A_939 = arith.select %lt3A_905, %add3A_25, %add3A_938 : vector<16xi1>, vector<16xi32>
        %gather3A_940 = tpu.vector_load_idx %arg5[%select_n3A_939] masked %broadcast_in_dim3A_71 : memref<32768xf32, #tpu.memory_space<vmem>>[vector<16xi32>], vector<16xf32>, vector<16xi1>
        %add3A_941 = arith.constant 48 : i32
        %add3A_942 = arith.addi %add3A_908, %add3A_941 : i32
        %swap3A_943 = arith.index_cast %add3A_878 : i32 to index
        %swap3A_944 = tpu.vector_load %arg7[%swap3A_943] {strides = array<i32>} : memref<49152xf32, #tpu.memory_space<vmem>>, vector<16xf32>,
        tpu.vector_store %arg7[%swap3A_943], %gather3A_876 {strides = array<i32>} : memref<49152xf32, #tpu.memory_space<vmem>>, vector<16xf32>,
        %add3A_945 = arith.addi %and3A_910, %add3A_28 : vector<16xi32>
        %select_n3A_946 = arith.select %lt3A_905, %add3A_945, %add3A_28 : vector<16xi1>, vector<16xi32>
        %gather3A_947 = tpu.vector_load_idx %arg5[%select_n3A_946] masked %broadcast_in_dim3A_71 : memref<32768xf32, #tpu.memory_space<vmem>>[vector<16xi32>], vector<16xf32>, vector<16xi1>
        %add3A_948 = arith.constant 64 : i32
        %add3A_949 = arith.addi %add3A_908, %add3A_948 : i32
        %swap3A_950 = arith.index_cast %add3A_885 : i32 to index
        %swap3A_951 = tpu.vector_load %arg7[%swap3A_950] {strides = array<i32>} : memref<49152xf32, #tpu.memory_space<vmem>>, vector<16xf32>,
        tpu.vector_store %arg7[%swap3A_950], %gather3A_883 {strides = array<i32>} : memref<49152xf32, #tpu.memory_space<vmem>>, vector<16xf32>,
        %add3A_952 = arith.addi %and3A_912, %add3A_31 : vector<16xi32>
        %select_n3A_953 = arith.select %lt3A_905, %add3A_952, %add3A_31 : vector<16xi1>, vector<16xi32>
        %gather3A_954 = tpu.vector_load_idx %arg5[%select_n3A_953] masked %broadcast_in_dim3A_71 : memref<32768xf32, #tpu.memory_space<vmem>>[vector<16xi32>], vector<16xf32>, vector<16xi1>
        %add3A_955 = arith.constant 80 : i32
        %add3A_956 = arith.addi %add3A_908, %add3A_955 : i32
        %swap3A_957 = arith.index_cast %add3A_892 : i32 to index
        %swap3A_958 = tpu.vector_load %arg7[%swap3A_957] {strides = array<i32>} : memref<49152xf32, #tpu.memory_space<vmem>>, vector<16xf32>,
        tpu.vector_store %arg7[%swap3A_957], %gather3A_890 {strides = array<i32>} : memref<49152xf32, #tpu.memory_space<vmem>>, vector<16xf32>,
        %add3A_959 = arith.addi %and3A_914, %add3A_34 : vector<16xi32>
        %select_n3A_960 = arith.select %lt3A_905, %add3A_959, %add3A_34 : vector<16xi1>, vector<16xi32>
        %gather3A_961 = tpu.vector_load_idx %arg5[%select_n3A_960] masked %broadcast_in_dim3A_71 : memref<32768xf32, #tpu.memory_space<vmem>>[vector<16xi32>], vector<16xf32>, vector<16xi1>
        %add3A_962 = arith.constant 96 : i32
        %add3A_963 = arith.addi %add3A_908, %add3A_962 : i32
        %swap3A_964 = arith.index_cast %add3A_921 : i32 to index
        %swap3A_965 = tpu.vector_load %arg7[%swap3A_964] {strides = array<i32>} : memref<49152xf32, #tpu.memory_space<vmem>>, vector<16xf32>,
        tpu.vector_store %arg7[%swap3A_964], %gather3A_919 {strides = array<i32>} : memref<49152xf32, #tpu.memory_space<vmem>>, vector<16xf32>,
        %add3A_966 = arith.addi %and3A_916, %add3A_37 : vector<16xi32>
        %select_n3A_967 = arith.select %lt3A_905, %add3A_966, %add3A_37 : vector<16xi1>, vector<16xi32>
        %gather3A_968 = tpu.vector_load_idx %arg5[%select_n3A_967] masked %broadcast_in_dim3A_71 : memref<32768xf32, #tpu.memory_space<vmem>>[vector<16xi32>], vector<16xf32>, vector<16xi1>
        %add3A_969 = arith.constant 112 : i32
        %add3A_970 = arith.addi %add3A_908, %add3A_969 : i32
        %swap3A_971 = arith.index_cast %add3A_928 : i32 to index
        %swap3A_972 = tpu.vector_load %arg7[%swap3A_971] {strides = array<i32>} : memref<49152xf32, #tpu.memory_space<vmem>>, vector<16xf32>,
        tpu.vector_store %arg7[%swap3A_971], %gather3A_926 {strides = array<i32>} : memref<49152xf32, #tpu.memory_space<vmem>>, vector<16xf32>,
        %lt3A_973 = arith.constant 0 : i32
        %lt3A_974 = vector.broadcast %lt3A_973 : i32 to vector<16xi32>
        %lt3A_975 = arith.cmpi slt, %broadcast_in_dim3A_61, %lt3A_974 : vector<16xi32>
        %add3A_976 = arith.constant 16 : i32
        %add3A_977 = vector.broadcast %add3A_976 : i32 to vector<16xi32>
        %add3A_978 = arith.addi %broadcast_in_dim3A_61, %add3A_977 : vector<16xi32>
        %select_n3A_979 = arith.select %lt3A_975, %add3A_978, %broadcast_in_dim3A_61 : vector<16xi1>, vector<16xi32>
        %broadcast_in_dim3A_980 = vector.shape_cast %select_n3A_979 : vector<16xi32> to vector<16x1xi32>
        %gather3A_981 = vector.shape_cast %broadcast_in_dim3A_980 : vector<16x1xi32> to vector<16xi32>
        %gather3A_982 = tpu.dynamic_gather %get3A_122[%gather3A_981] in [0] : vector<16xi32>, vector<16xi32> -> vector<16xi32>
        %lt3A_983 = arith.cmpi slt, %gather3A_982, %broadcast_in_dim3A_3 : vector<16xi32>
        %abs3A_984 = math.absi %gather3A_982 : vector<16xi32>
        %add3A_985 = arith.constant 1408 : i32
        %add3A_986 = arith.addi %add3A_134, %add3A_985 : i32
        %shift_left3A_987 = arith.shli %abs3A_984, %broadcast_in_dim3A_5 : vector<16xi32>
        %and3A_988 = arith.andi %shift_left3A_987, %broadcast_in_dim3A_7 : vector<16xi32>
        %shift_right_arithmetic3A_989 = arith.shrsi %abs3A_984, %broadcast_in_dim3A_9 : vector<16xi32>
        %and3A_990 = arith.andi %shift_right_arithmetic3A_989, %broadcast_in_dim3A_7 : vector<16xi32>
        %shift_right_arithmetic3A_991 = arith.shrsi %abs3A_984, %broadcast_in_dim3A_11 : vector<16xi32>
        %and3A_992 = arith.andi %shift_right_arithmetic3A_991, %broadcast_in_dim3A_7 : vector<16xi32>
        %shift_right_arithmetic3A_993 = arith.shrsi %abs3A_984, %broadcast_in_dim3A_13 : vector<16xi32>
        %and3A_994 = arith.andi %shift_right_arithmetic3A_993, %broadcast_in_dim3A_7 : vector<16xi32>
        %add3A_995 = arith.addi %and3A_988, %add3A_16 : vector<16xi32>
        %select_n3A_996 = arith.select %lt3A_983, %add3A_16, %add3A_995 : vector<16xi1>, vector<16xi32>
        %gather3A_997 = tpu.vector_load_idx %arg5[%select_n3A_996] masked %broadcast_in_dim3A_71 : memref<32768xf32, #tpu.memory_space<vmem>>[vector<16xi32>], vector<16xf32>, vector<16xi1>
        %add3A_998 = arith.constant 0 : i32
        %add3A_999 = arith.addi %add3A_986, %add3A_998 : i32
        %swap3A_1000 = arith.index_cast %add3A_935 : i32 to index
        %swap3A_1001 = tpu.vector_load %arg7[%swap3A_1000] {strides = array<i32>} : memref<49152xf32, #tpu.memory_space<vmem>>, vector<16xf32>,
        tpu.vector_store %arg7[%swap3A_1000], %gather3A_933 {strides = array<i32>} : memref<49152xf32, #tpu.memory_space<vmem>>, vector<16xf32>,
        %add3A_1002 = arith.addi %and3A_990, %add3A_19 : vector<16xi32>
        %select_n3A_1003 = arith.select %lt3A_983, %add3A_19, %add3A_1002 : vector<16xi1>, vector<16xi32>
        %gather3A_1004 = tpu.vector_load_idx %arg5[%select_n3A_1003] masked %broadcast_in_dim3A_71 : memref<32768xf32, #tpu.memory_space<vmem>>[vector<16xi32>], vector<16xf32>, vector<16xi1>
        %add3A_1005 = arith.constant 16 : i32
        %add3A_1006 = arith.addi %add3A_986, %add3A_1005 : i32
        %swap3A_1007 = arith.index_cast %add3A_942 : i32 to index
        %swap3A_1008 = tpu.vector_load %arg7[%swap3A_1007] {strides = array<i32>} : memref<49152xf32, #tpu.memory_space<vmem>>, vector<16xf32>,
        tpu.vector_store %arg7[%swap3A_1007], %gather3A_940 {strides = array<i32>} : memref<49152xf32, #tpu.memory_space<vmem>>, vector<16xf32>,
        %add3A_1009 = arith.addi %and3A_992, %add3A_22 : vector<16xi32>
        %select_n3A_1010 = arith.select %lt3A_983, %add3A_22, %add3A_1009 : vector<16xi1>, vector<16xi32>
        %gather3A_1011 = tpu.vector_load_idx %arg5[%select_n3A_1010] masked %broadcast_in_dim3A_71 : memref<32768xf32, #tpu.memory_space<vmem>>[vector<16xi32>], vector<16xf32>, vector<16xi1>
        %add3A_1012 = arith.constant 32 : i32
        %add3A_1013 = arith.addi %add3A_986, %add3A_1012 : i32
        %swap3A_1014 = arith.index_cast %add3A_949 : i32 to index
        %swap3A_1015 = tpu.vector_load %arg7[%swap3A_1014] {strides = array<i32>} : memref<49152xf32, #tpu.memory_space<vmem>>, vector<16xf32>,
        tpu.vector_store %arg7[%swap3A_1014], %gather3A_947 {strides = array<i32>} : memref<49152xf32, #tpu.memory_space<vmem>>, vector<16xf32>,
        %add3A_1016 = arith.addi %and3A_994, %add3A_25 : vector<16xi32>
        %select_n3A_1017 = arith.select %lt3A_983, %add3A_25, %add3A_1016 : vector<16xi1>, vector<16xi32>
        %gather3A_1018 = tpu.vector_load_idx %arg5[%select_n3A_1017] masked %broadcast_in_dim3A_71 : memref<32768xf32, #tpu.memory_space<vmem>>[vector<16xi32>], vector<16xf32>, vector<16xi1>
        %add3A_1019 = arith.constant 48 : i32
        %add3A_1020 = arith.addi %add3A_986, %add3A_1019 : i32
        %swap3A_1021 = arith.index_cast %add3A_956 : i32 to index
        %swap3A_1022 = tpu.vector_load %arg7[%swap3A_1021] {strides = array<i32>} : memref<49152xf32, #tpu.memory_space<vmem>>, vector<16xf32>,
        tpu.vector_store %arg7[%swap3A_1021], %gather3A_954 {strides = array<i32>} : memref<49152xf32, #tpu.memory_space<vmem>>, vector<16xf32>,
        %add3A_1023 = arith.addi %and3A_988, %add3A_28 : vector<16xi32>
        %select_n3A_1024 = arith.select %lt3A_983, %add3A_1023, %add3A_28 : vector<16xi1>, vector<16xi32>
        %gather3A_1025 = tpu.vector_load_idx %arg5[%select_n3A_1024] masked %broadcast_in_dim3A_71 : memref<32768xf32, #tpu.memory_space<vmem>>[vector<16xi32>], vector<16xf32>, vector<16xi1>
        %add3A_1026 = arith.constant 64 : i32
        %add3A_1027 = arith.addi %add3A_986, %add3A_1026 : i32
        %swap3A_1028 = arith.index_cast %add3A_963 : i32 to index
        %swap3A_1029 = tpu.vector_load %arg7[%swap3A_1028] {strides = array<i32>} : memref<49152xf32, #tpu.memory_space<vmem>>, vector<16xf32>,
        tpu.vector_store %arg7[%swap3A_1028], %gather3A_961 {strides = array<i32>} : memref<49152xf32, #tpu.memory_space<vmem>>, vector<16xf32>,
        %add3A_1030 = arith.addi %and3A_990, %add3A_31 : vector<16xi32>
        %select_n3A_1031 = arith.select %lt3A_983, %add3A_1030, %add3A_31 : vector<16xi1>, vector<16xi32>
        %gather3A_1032 = tpu.vector_load_idx %arg5[%select_n3A_1031] masked %broadcast_in_dim3A_71 : memref<32768xf32, #tpu.memory_space<vmem>>[vector<16xi32>], vector<16xf32>, vector<16xi1>
        %add3A_1033 = arith.constant 80 : i32
        %add3A_1034 = arith.addi %add3A_986, %add3A_1033 : i32
        %swap3A_1035 = arith.index_cast %add3A_970 : i32 to index
        %swap3A_1036 = tpu.vector_load %arg7[%swap3A_1035] {strides = array<i32>} : memref<49152xf32, #tpu.memory_space<vmem>>, vector<16xf32>,
        tpu.vector_store %arg7[%swap3A_1035], %gather3A_968 {strides = array<i32>} : memref<49152xf32, #tpu.memory_space<vmem>>, vector<16xf32>,
        %add3A_1037 = arith.addi %and3A_992, %add3A_34 : vector<16xi32>
        %select_n3A_1038 = arith.select %lt3A_983, %add3A_1037, %add3A_34 : vector<16xi1>, vector<16xi32>
        %gather3A_1039 = tpu.vector_load_idx %arg5[%select_n3A_1038] masked %broadcast_in_dim3A_71 : memref<32768xf32, #tpu.memory_space<vmem>>[vector<16xi32>], vector<16xf32>, vector<16xi1>
        %add3A_1040 = arith.constant 96 : i32
        %add3A_1041 = arith.addi %add3A_986, %add3A_1040 : i32
        %swap3A_1042 = arith.index_cast %add3A_999 : i32 to index
        %swap3A_1043 = tpu.vector_load %arg7[%swap3A_1042] {strides = array<i32>} : memref<49152xf32, #tpu.memory_space<vmem>>, vector<16xf32>,
        tpu.vector_store %arg7[%swap3A_1042], %gather3A_997 {strides = array<i32>} : memref<49152xf32, #tpu.memory_space<vmem>>, vector<16xf32>,
        %add3A_1044 = arith.addi %and3A_994, %add3A_37 : vector<16xi32>
        %select_n3A_1045 = arith.select %lt3A_983, %add3A_1044, %add3A_37 : vector<16xi1>, vector<16xi32>
        %gather3A_1046 = tpu.vector_load_idx %arg5[%select_n3A_1045] masked %broadcast_in_dim3A_71 : memref<32768xf32, #tpu.memory_space<vmem>>[vector<16xi32>], vector<16xf32>, vector<16xi1>
        %add3A_1047 = arith.constant 112 : i32
        %add3A_1048 = arith.addi %add3A_986, %add3A_1047 : i32
        %swap3A_1049 = arith.index_cast %add3A_1006 : i32 to index
        %swap3A_1050 = tpu.vector_load %arg7[%swap3A_1049] {strides = array<i32>} : memref<49152xf32, #tpu.memory_space<vmem>>, vector<16xf32>,
        tpu.vector_store %arg7[%swap3A_1049], %gather3A_1004 {strides = array<i32>} : memref<49152xf32, #tpu.memory_space<vmem>>, vector<16xf32>,
        %lt3A_1051 = arith.constant 0 : i32
        %lt3A_1052 = vector.broadcast %lt3A_1051 : i32 to vector<16xi32>
        %lt3A_1053 = arith.cmpi slt, %broadcast_in_dim3A_63, %lt3A_1052 : vector<16xi32>
        %add3A_1054 = arith.constant 16 : i32
        %add3A_1055 = vector.broadcast %add3A_1054 : i32 to vector<16xi32>
        %add3A_1056 = arith.addi %broadcast_in_dim3A_63, %add3A_1055 : vector<16xi32>
        %select_n3A_1057 = arith.select %lt3A_1053, %add3A_1056, %broadcast_in_dim3A_63 : vector<16xi1>, vector<16xi32>
        %broadcast_in_dim3A_1058 = vector.shape_cast %select_n3A_1057 : vector<16xi32> to vector<16x1xi32>
        %gather3A_1059 = vector.shape_cast %broadcast_in_dim3A_1058 : vector<16x1xi32> to vector<16xi32>
        %gather3A_1060 = tpu.dynamic_gather %get3A_122[%gather3A_1059] in [0] : vector<16xi32>, vector<16xi32> -> vector<16xi32>
        %lt3A_1061 = arith.cmpi slt, %gather3A_1060, %broadcast_in_dim3A_3 : vector<16xi32>
        %abs3A_1062 = math.absi %gather3A_1060 : vector<16xi32>
        %add3A_1063 = arith.constant 1536 : i32
        %add3A_1064 = arith.addi %add3A_134, %add3A_1063 : i32
        %shift_left3A_1065 = arith.shli %abs3A_1062, %broadcast_in_dim3A_5 : vector<16xi32>
        %and3A_1066 = arith.andi %shift_left3A_1065, %broadcast_in_dim3A_7 : vector<16xi32>
        %shift_right_arithmetic3A_1067 = arith.shrsi %abs3A_1062, %broadcast_in_dim3A_9 : vector<16xi32>
        %and3A_1068 = arith.andi %shift_right_arithmetic3A_1067, %broadcast_in_dim3A_7 : vector<16xi32>
        %shift_right_arithmetic3A_1069 = arith.shrsi %abs3A_1062, %broadcast_in_dim3A_11 : vector<16xi32>
        %and3A_1070 = arith.andi %shift_right_arithmetic3A_1069, %broadcast_in_dim3A_7 : vector<16xi32>
        %shift_right_arithmetic3A_1071 = arith.shrsi %abs3A_1062, %broadcast_in_dim3A_13 : vector<16xi32>
        %and3A_1072 = arith.andi %shift_right_arithmetic3A_1071, %broadcast_in_dim3A_7 : vector<16xi32>
        %add3A_1073 = arith.addi %and3A_1066, %add3A_16 : vector<16xi32>
        %select_n3A_1074 = arith.select %lt3A_1061, %add3A_16, %add3A_1073 : vector<16xi1>, vector<16xi32>
        %gather3A_1075 = tpu.vector_load_idx %arg5[%select_n3A_1074] masked %broadcast_in_dim3A_71 : memref<32768xf32, #tpu.memory_space<vmem>>[vector<16xi32>], vector<16xf32>, vector<16xi1>
        %add3A_1076 = arith.constant 0 : i32
        %add3A_1077 = arith.addi %add3A_1064, %add3A_1076 : i32
        %swap3A_1078 = arith.index_cast %add3A_1013 : i32 to index
        %swap3A_1079 = tpu.vector_load %arg7[%swap3A_1078] {strides = array<i32>} : memref<49152xf32, #tpu.memory_space<vmem>>, vector<16xf32>,
        tpu.vector_store %arg7[%swap3A_1078], %gather3A_1011 {strides = array<i32>} : memref<49152xf32, #tpu.memory_space<vmem>>, vector<16xf32>,
        %add3A_1080 = arith.addi %and3A_1068, %add3A_19 : vector<16xi32>
        %select_n3A_1081 = arith.select %lt3A_1061, %add3A_19, %add3A_1080 : vector<16xi1>, vector<16xi32>
        %gather3A_1082 = tpu.vector_load_idx %arg5[%select_n3A_1081] masked %broadcast_in_dim3A_71 : memref<32768xf32, #tpu.memory_space<vmem>>[vector<16xi32>], vector<16xf32>, vector<16xi1>
        %add3A_1083 = arith.constant 16 : i32
        %add3A_1084 = arith.addi %add3A_1064, %add3A_1083 : i32
        %swap3A_1085 = arith.index_cast %add3A_1020 : i32 to index
        %swap3A_1086 = tpu.vector_load %arg7[%swap3A_1085] {strides = array<i32>} : memref<49152xf32, #tpu.memory_space<vmem>>, vector<16xf32>,
        tpu.vector_store %arg7[%swap3A_1085], %gather3A_1018 {strides = array<i32>} : memref<49152xf32, #tpu.memory_space<vmem>>, vector<16xf32>,
        %add3A_1087 = arith.addi %and3A_1070, %add3A_22 : vector<16xi32>
        %select_n3A_1088 = arith.select %lt3A_1061, %add3A_22, %add3A_1087 : vector<16xi1>, vector<16xi32>
        %gather3A_1089 = tpu.vector_load_idx %arg5[%select_n3A_1088] masked %broadcast_in_dim3A_71 : memref<32768xf32, #tpu.memory_space<vmem>>[vector<16xi32>], vector<16xf32>, vector<16xi1>
        %add3A_1090 = arith.constant 32 : i32
        %add3A_1091 = arith.addi %add3A_1064, %add3A_1090 : i32
        %swap3A_1092 = arith.index_cast %add3A_1027 : i32 to index
        %swap3A_1093 = tpu.vector_load %arg7[%swap3A_1092] {strides = array<i32>} : memref<49152xf32, #tpu.memory_space<vmem>>, vector<16xf32>,
        tpu.vector_store %arg7[%swap3A_1092], %gather3A_1025 {strides = array<i32>} : memref<49152xf32, #tpu.memory_space<vmem>>, vector<16xf32>,
        %add3A_1094 = arith.addi %and3A_1072, %add3A_25 : vector<16xi32>
        %select_n3A_1095 = arith.select %lt3A_1061, %add3A_25, %add3A_1094 : vector<16xi1>, vector<16xi32>
        %gather3A_1096 = tpu.vector_load_idx %arg5[%select_n3A_1095] masked %broadcast_in_dim3A_71 : memref<32768xf32, #tpu.memory_space<vmem>>[vector<16xi32>], vector<16xf32>, vector<16xi1>
        %add3A_1097 = arith.constant 48 : i32
        %add3A_1098 = arith.addi %add3A_1064, %add3A_1097 : i32
        %swap3A_1099 = arith.index_cast %add3A_1034 : i32 to index
        %swap3A_1100 = tpu.vector_load %arg7[%swap3A_1099] {strides = array<i32>} : memref<49152xf32, #tpu.memory_space<vmem>>, vector<16xf32>,
        tpu.vector_store %arg7[%swap3A_1099], %gather3A_1032 {strides = array<i32>} : memref<49152xf32, #tpu.memory_space<vmem>>, vector<16xf32>,
        %add3A_1101 = arith.addi %and3A_1066, %add3A_28 : vector<16xi32>
        %select_n3A_1102 = arith.select %lt3A_1061, %add3A_1101, %add3A_28 : vector<16xi1>, vector<16xi32>
        %gather3A_1103 = tpu.vector_load_idx %arg5[%select_n3A_1102] masked %broadcast_in_dim3A_71 : memref<32768xf32, #tpu.memory_space<vmem>>[vector<16xi32>], vector<16xf32>, vector<16xi1>
        %add3A_1104 = arith.constant 64 : i32
        %add3A_1105 = arith.addi %add3A_1064, %add3A_1104 : i32
        %swap3A_1106 = arith.index_cast %add3A_1041 : i32 to index
        %swap3A_1107 = tpu.vector_load %arg7[%swap3A_1106] {strides = array<i32>} : memref<49152xf32, #tpu.memory_space<vmem>>, vector<16xf32>,
        tpu.vector_store %arg7[%swap3A_1106], %gather3A_1039 {strides = array<i32>} : memref<49152xf32, #tpu.memory_space<vmem>>, vector<16xf32>,
        %add3A_1108 = arith.addi %and3A_1068, %add3A_31 : vector<16xi32>
        %select_n3A_1109 = arith.select %lt3A_1061, %add3A_1108, %add3A_31 : vector<16xi1>, vector<16xi32>
        %gather3A_1110 = tpu.vector_load_idx %arg5[%select_n3A_1109] masked %broadcast_in_dim3A_71 : memref<32768xf32, #tpu.memory_space<vmem>>[vector<16xi32>], vector<16xf32>, vector<16xi1>
        %add3A_1111 = arith.constant 80 : i32
        %add3A_1112 = arith.addi %add3A_1064, %add3A_1111 : i32
        %swap3A_1113 = arith.index_cast %add3A_1048 : i32 to index
        %swap3A_1114 = tpu.vector_load %arg7[%swap3A_1113] {strides = array<i32>} : memref<49152xf32, #tpu.memory_space<vmem>>, vector<16xf32>,
        tpu.vector_store %arg7[%swap3A_1113], %gather3A_1046 {strides = array<i32>} : memref<49152xf32, #tpu.memory_space<vmem>>, vector<16xf32>,
        %add3A_1115 = arith.addi %and3A_1070, %add3A_34 : vector<16xi32>
        %select_n3A_1116 = arith.select %lt3A_1061, %add3A_1115, %add3A_34 : vector<16xi1>, vector<16xi32>
        %gather3A_1117 = tpu.vector_load_idx %arg5[%select_n3A_1116] masked %broadcast_in_dim3A_71 : memref<32768xf32, #tpu.memory_space<vmem>>[vector<16xi32>], vector<16xf32>, vector<16xi1>
        %add3A_1118 = arith.constant 96 : i32
        %add3A_1119 = arith.addi %add3A_1064, %add3A_1118 : i32
        %swap3A_1120 = arith.index_cast %add3A_1077 : i32 to index
        %swap3A_1121 = tpu.vector_load %arg7[%swap3A_1120] {strides = array<i32>} : memref<49152xf32, #tpu.memory_space<vmem>>, vector<16xf32>,
        tpu.vector_store %arg7[%swap3A_1120], %gather3A_1075 {strides = array<i32>} : memref<49152xf32, #tpu.memory_space<vmem>>, vector<16xf32>,
        %add3A_1122 = arith.addi %and3A_1072, %add3A_37 : vector<16xi32>
        %select_n3A_1123 = arith.select %lt3A_1061, %add3A_1122, %add3A_37 : vector<16xi1>, vector<16xi32>
        %gather3A_1124 = tpu.vector_load_idx %arg5[%select_n3A_1123] masked %broadcast_in_dim3A_71 : memref<32768xf32, #tpu.memory_space<vmem>>[vector<16xi32>], vector<16xf32>, vector<16xi1>
        %add3A_1125 = arith.constant 112 : i32
        %add3A_1126 = arith.addi %add3A_1064, %add3A_1125 : i32
        %swap3A_1127 = arith.index_cast %add3A_1084 : i32 to index
        %swap3A_1128 = tpu.vector_load %arg7[%swap3A_1127] {strides = array<i32>} : memref<49152xf32, #tpu.memory_space<vmem>>, vector<16xf32>,
        tpu.vector_store %arg7[%swap3A_1127], %gather3A_1082 {strides = array<i32>} : memref<49152xf32, #tpu.memory_space<vmem>>, vector<16xf32>,
        %lt3A_1129 = arith.constant 0 : i32
        %lt3A_1130 = vector.broadcast %lt3A_1129 : i32 to vector<16xi32>
        %lt3A_1131 = arith.cmpi slt, %broadcast_in_dim3A_65, %lt3A_1130 : vector<16xi32>
        %add3A_1132 = arith.constant 16 : i32
        %add3A_1133 = vector.broadcast %add3A_1132 : i32 to vector<16xi32>
        %add3A_1134 = arith.addi %broadcast_in_dim3A_65, %add3A_1133 : vector<16xi32>
        %select_n3A_1135 = arith.select %lt3A_1131, %add3A_1134, %broadcast_in_dim3A_65 : vector<16xi1>, vector<16xi32>
        %broadcast_in_dim3A_1136 = vector.shape_cast %select_n3A_1135 : vector<16xi32> to vector<16x1xi32>
        %gather3A_1137 = vector.shape_cast %broadcast_in_dim3A_1136 : vector<16x1xi32> to vector<16xi32>
        %gather3A_1138 = tpu.dynamic_gather %get3A_122[%gather3A_1137] in [0] : vector<16xi32>, vector<16xi32> -> vector<16xi32>
        %lt3A_1139 = arith.cmpi slt, %gather3A_1138, %broadcast_in_dim3A_3 : vector<16xi32>
        %abs3A_1140 = math.absi %gather3A_1138 : vector<16xi32>
        %add3A_1141 = arith.constant 1664 : i32
        %add3A_1142 = arith.addi %add3A_134, %add3A_1141 : i32
        %shift_left3A_1143 = arith.shli %abs3A_1140, %broadcast_in_dim3A_5 : vector<16xi32>
        %and3A_1144 = arith.andi %shift_left3A_1143, %broadcast_in_dim3A_7 : vector<16xi32>
        %shift_right_arithmetic3A_1145 = arith.shrsi %abs3A_1140, %broadcast_in_dim3A_9 : vector<16xi32>
        %and3A_1146 = arith.andi %shift_right_arithmetic3A_1145, %broadcast_in_dim3A_7 : vector<16xi32>
        %shift_right_arithmetic3A_1147 = arith.shrsi %abs3A_1140, %broadcast_in_dim3A_11 : vector<16xi32>
        %and3A_1148 = arith.andi %shift_right_arithmetic3A_1147, %broadcast_in_dim3A_7 : vector<16xi32>
        %shift_right_arithmetic3A_1149 = arith.shrsi %abs3A_1140, %broadcast_in_dim3A_13 : vector<16xi32>
        %and3A_1150 = arith.andi %shift_right_arithmetic3A_1149, %broadcast_in_dim3A_7 : vector<16xi32>
        %add3A_1151 = arith.addi %and3A_1144, %add3A_16 : vector<16xi32>
        %select_n3A_1152 = arith.select %lt3A_1139, %add3A_16, %add3A_1151 : vector<16xi1>, vector<16xi32>
        %gather3A_1153 = tpu.vector_load_idx %arg5[%select_n3A_1152] masked %broadcast_in_dim3A_71 : memref<32768xf32, #tpu.memory_space<vmem>>[vector<16xi32>], vector<16xf32>, vector<16xi1>
        %add3A_1154 = arith.constant 0 : i32
        %add3A_1155 = arith.addi %add3A_1142, %add3A_1154 : i32
        %swap3A_1156 = arith.index_cast %add3A_1091 : i32 to index
        %swap3A_1157 = tpu.vector_load %arg7[%swap3A_1156] {strides = array<i32>} : memref<49152xf32, #tpu.memory_space<vmem>>, vector<16xf32>,
        tpu.vector_store %arg7[%swap3A_1156], %gather3A_1089 {strides = array<i32>} : memref<49152xf32, #tpu.memory_space<vmem>>, vector<16xf32>,
        %add3A_1158 = arith.addi %and3A_1146, %add3A_19 : vector<16xi32>
        %select_n3A_1159 = arith.select %lt3A_1139, %add3A_19, %add3A_1158 : vector<16xi1>, vector<16xi32>
        %gather3A_1160 = tpu.vector_load_idx %arg5[%select_n3A_1159] masked %broadcast_in_dim3A_71 : memref<32768xf32, #tpu.memory_space<vmem>>[vector<16xi32>], vector<16xf32>, vector<16xi1>
        %add3A_1161 = arith.constant 16 : i32
        %add3A_1162 = arith.addi %add3A_1142, %add3A_1161 : i32
        %swap3A_1163 = arith.index_cast %add3A_1098 : i32 to index
        %swap3A_1164 = tpu.vector_load %arg7[%swap3A_1163] {strides = array<i32>} : memref<49152xf32, #tpu.memory_space<vmem>>, vector<16xf32>,
        tpu.vector_store %arg7[%swap3A_1163], %gather3A_1096 {strides = array<i32>} : memref<49152xf32, #tpu.memory_space<vmem>>, vector<16xf32>,
        %add3A_1165 = arith.addi %and3A_1148, %add3A_22 : vector<16xi32>
        %select_n3A_1166 = arith.select %lt3A_1139, %add3A_22, %add3A_1165 : vector<16xi1>, vector<16xi32>
        %gather3A_1167 = tpu.vector_load_idx %arg5[%select_n3A_1166] masked %broadcast_in_dim3A_71 : memref<32768xf32, #tpu.memory_space<vmem>>[vector<16xi32>], vector<16xf32>, vector<16xi1>
        %add3A_1168 = arith.constant 32 : i32
        %add3A_1169 = arith.addi %add3A_1142, %add3A_1168 : i32
        %swap3A_1170 = arith.index_cast %add3A_1105 : i32 to index
        %swap3A_1171 = tpu.vector_load %arg7[%swap3A_1170] {strides = array<i32>} : memref<49152xf32, #tpu.memory_space<vmem>>, vector<16xf32>,
        tpu.vector_store %arg7[%swap3A_1170], %gather3A_1103 {strides = array<i32>} : memref<49152xf32, #tpu.memory_space<vmem>>, vector<16xf32>,
        %add3A_1172 = arith.addi %and3A_1150, %add3A_25 : vector<16xi32>
        %select_n3A_1173 = arith.select %lt3A_1139, %add3A_25, %add3A_1172 : vector<16xi1>, vector<16xi32>
        %gather3A_1174 = tpu.vector_load_idx %arg5[%select_n3A_1173] masked %broadcast_in_dim3A_71 : memref<32768xf32, #tpu.memory_space<vmem>>[vector<16xi32>], vector<16xf32>, vector<16xi1>
        %add3A_1175 = arith.constant 48 : i32
        %add3A_1176 = arith.addi %add3A_1142, %add3A_1175 : i32
        %swap3A_1177 = arith.index_cast %add3A_1112 : i32 to index
        %swap3A_1178 = tpu.vector_load %arg7[%swap3A_1177] {strides = array<i32>} : memref<49152xf32, #tpu.memory_space<vmem>>, vector<16xf32>,
        tpu.vector_store %arg7[%swap3A_1177], %gather3A_1110 {strides = array<i32>} : memref<49152xf32, #tpu.memory_space<vmem>>, vector<16xf32>,
        %add3A_1179 = arith.addi %and3A_1144, %add3A_28 : vector<16xi32>
        %select_n3A_1180 = arith.select %lt3A_1139, %add3A_1179, %add3A_28 : vector<16xi1>, vector<16xi32>
        %gather3A_1181 = tpu.vector_load_idx %arg5[%select_n3A_1180] masked %broadcast_in_dim3A_71 : memref<32768xf32, #tpu.memory_space<vmem>>[vector<16xi32>], vector<16xf32>, vector<16xi1>
        %add3A_1182 = arith.constant 64 : i32
        %add3A_1183 = arith.addi %add3A_1142, %add3A_1182 : i32
        %swap3A_1184 = arith.index_cast %add3A_1119 : i32 to index
        %swap3A_1185 = tpu.vector_load %arg7[%swap3A_1184] {strides = array<i32>} : memref<49152xf32, #tpu.memory_space<vmem>>, vector<16xf32>,
        tpu.vector_store %arg7[%swap3A_1184], %gather3A_1117 {strides = array<i32>} : memref<49152xf32, #tpu.memory_space<vmem>>, vector<16xf32>,
        %add3A_1186 = arith.addi %and3A_1146, %add3A_31 : vector<16xi32>
        %select_n3A_1187 = arith.select %lt3A_1139, %add3A_1186, %add3A_31 : vector<16xi1>, vector<16xi32>
        %gather3A_1188 = tpu.vector_load_idx %arg5[%select_n3A_1187] masked %broadcast_in_dim3A_71 : memref<32768xf32, #tpu.memory_space<vmem>>[vector<16xi32>], vector<16xf32>, vector<16xi1>
        %add3A_1189 = arith.constant 80 : i32
        %add3A_1190 = arith.addi %add3A_1142, %add3A_1189 : i32
        %swap3A_1191 = arith.index_cast %add3A_1126 : i32 to index
        %swap3A_1192 = tpu.vector_load %arg7[%swap3A_1191] {strides = array<i32>} : memref<49152xf32, #tpu.memory_space<vmem>>, vector<16xf32>,
        tpu.vector_store %arg7[%swap3A_1191], %gather3A_1124 {strides = array<i32>} : memref<49152xf32, #tpu.memory_space<vmem>>, vector<16xf32>,
        %add3A_1193 = arith.addi %and3A_1148, %add3A_34 : vector<16xi32>
        %select_n3A_1194 = arith.select %lt3A_1139, %add3A_1193, %add3A_34 : vector<16xi1>, vector<16xi32>
        %gather3A_1195 = tpu.vector_load_idx %arg5[%select_n3A_1194] masked %broadcast_in_dim3A_71 : memref<32768xf32, #tpu.memory_space<vmem>>[vector<16xi32>], vector<16xf32>, vector<16xi1>
        %add3A_1196 = arith.constant 96 : i32
        %add3A_1197 = arith.addi %add3A_1142, %add3A_1196 : i32
        %swap3A_1198 = arith.index_cast %add3A_1155 : i32 to index
        %swap3A_1199 = tpu.vector_load %arg7[%swap3A_1198] {strides = array<i32>} : memref<49152xf32, #tpu.memory_space<vmem>>, vector<16xf32>,
        tpu.vector_store %arg7[%swap3A_1198], %gather3A_1153 {strides = array<i32>} : memref<49152xf32, #tpu.memory_space<vmem>>, vector<16xf32>,
        %add3A_1200 = arith.addi %and3A_1150, %add3A_37 : vector<16xi32>
        %select_n3A_1201 = arith.select %lt3A_1139, %add3A_1200, %add3A_37 : vector<16xi1>, vector<16xi32>
        %gather3A_1202 = tpu.vector_load_idx %arg5[%select_n3A_1201] masked %broadcast_in_dim3A_71 : memref<32768xf32, #tpu.memory_space<vmem>>[vector<16xi32>], vector<16xf32>, vector<16xi1>
        %add3A_1203 = arith.constant 112 : i32
        %add3A_1204 = arith.addi %add3A_1142, %add3A_1203 : i32
        %swap3A_1205 = arith.index_cast %add3A_1162 : i32 to index
        %swap3A_1206 = tpu.vector_load %arg7[%swap3A_1205] {strides = array<i32>} : memref<49152xf32, #tpu.memory_space<vmem>>, vector<16xf32>,
        tpu.vector_store %arg7[%swap3A_1205], %gather3A_1160 {strides = array<i32>} : memref<49152xf32, #tpu.memory_space<vmem>>, vector<16xf32>,
        %lt3A_1207 = arith.constant 0 : i32
        %lt3A_1208 = vector.broadcast %lt3A_1207 : i32 to vector<16xi32>
        %lt3A_1209 = arith.cmpi slt, %broadcast_in_dim3A_67, %lt3A_1208 : vector<16xi32>
        %add3A_1210 = arith.constant 16 : i32
        %add3A_1211 = vector.broadcast %add3A_1210 : i32 to vector<16xi32>
        %add3A_1212 = arith.addi %broadcast_in_dim3A_67, %add3A_1211 : vector<16xi32>
        %select_n3A_1213 = arith.select %lt3A_1209, %add3A_1212, %broadcast_in_dim3A_67 : vector<16xi1>, vector<16xi32>
        %broadcast_in_dim3A_1214 = vector.shape_cast %select_n3A_1213 : vector<16xi32> to vector<16x1xi32>
        %gather3A_1215 = vector.shape_cast %broadcast_in_dim3A_1214 : vector<16x1xi32> to vector<16xi32>
        %gather3A_1216 = tpu.dynamic_gather %get3A_122[%gather3A_1215] in [0] : vector<16xi32>, vector<16xi32> -> vector<16xi32>
        %lt3A_1217 = arith.cmpi slt, %gather3A_1216, %broadcast_in_dim3A_3 : vector<16xi32>
        %abs3A_1218 = math.absi %gather3A_1216 : vector<16xi32>
        %add3A_1219 = arith.constant 1792 : i32
        %add3A_1220 = arith.addi %add3A_134, %add3A_1219 : i32
        %shift_left3A_1221 = arith.shli %abs3A_1218, %broadcast_in_dim3A_5 : vector<16xi32>
        %and3A_1222 = arith.andi %shift_left3A_1221, %broadcast_in_dim3A_7 : vector<16xi32>
        %shift_right_arithmetic3A_1223 = arith.shrsi %abs3A_1218, %broadcast_in_dim3A_9 : vector<16xi32>
        %and3A_1224 = arith.andi %shift_right_arithmetic3A_1223, %broadcast_in_dim3A_7 : vector<16xi32>
        %shift_right_arithmetic3A_1225 = arith.shrsi %abs3A_1218, %broadcast_in_dim3A_11 : vector<16xi32>
        %and3A_1226 = arith.andi %shift_right_arithmetic3A_1225, %broadcast_in_dim3A_7 : vector<16xi32>
        %shift_right_arithmetic3A_1227 = arith.shrsi %abs3A_1218, %broadcast_in_dim3A_13 : vector<16xi32>
        %and3A_1228 = arith.andi %shift_right_arithmetic3A_1227, %broadcast_in_dim3A_7 : vector<16xi32>
        %add3A_1229 = arith.addi %and3A_1222, %add3A_16 : vector<16xi32>
        %select_n3A_1230 = arith.select %lt3A_1217, %add3A_16, %add3A_1229 : vector<16xi1>, vector<16xi32>
        %gather3A_1231 = tpu.vector_load_idx %arg5[%select_n3A_1230] masked %broadcast_in_dim3A_71 : memref<32768xf32, #tpu.memory_space<vmem>>[vector<16xi32>], vector<16xf32>, vector<16xi1>
        %add3A_1232 = arith.constant 0 : i32
        %add3A_1233 = arith.addi %add3A_1220, %add3A_1232 : i32
        %swap3A_1234 = arith.index_cast %add3A_1169 : i32 to index
        %swap3A_1235 = tpu.vector_load %arg7[%swap3A_1234] {strides = array<i32>} : memref<49152xf32, #tpu.memory_space<vmem>>, vector<16xf32>,
        tpu.vector_store %arg7[%swap3A_1234], %gather3A_1167 {strides = array<i32>} : memref<49152xf32, #tpu.memory_space<vmem>>, vector<16xf32>,
        %add3A_1236 = arith.addi %and3A_1224, %add3A_19 : vector<16xi32>
        %select_n3A_1237 = arith.select %lt3A_1217, %add3A_19, %add3A_1236 : vector<16xi1>, vector<16xi32>
        %gather3A_1238 = tpu.vector_load_idx %arg5[%select_n3A_1237] masked %broadcast_in_dim3A_71 : memref<32768xf32, #tpu.memory_space<vmem>>[vector<16xi32>], vector<16xf32>, vector<16xi1>
        %add3A_1239 = arith.constant 16 : i32
        %add3A_1240 = arith.addi %add3A_1220, %add3A_1239 : i32
        %swap3A_1241 = arith.index_cast %add3A_1176 : i32 to index
        %swap3A_1242 = tpu.vector_load %arg7[%swap3A_1241] {strides = array<i32>} : memref<49152xf32, #tpu.memory_space<vmem>>, vector<16xf32>,
        tpu.vector_store %arg7[%swap3A_1241], %gather3A_1174 {strides = array<i32>} : memref<49152xf32, #tpu.memory_space<vmem>>, vector<16xf32>,
        %add3A_1243 = arith.addi %and3A_1226, %add3A_22 : vector<16xi32>
        %select_n3A_1244 = arith.select %lt3A_1217, %add3A_22, %add3A_1243 : vector<16xi1>, vector<16xi32>
        %gather3A_1245 = tpu.vector_load_idx %arg5[%select_n3A_1244] masked %broadcast_in_dim3A_71 : memref<32768xf32, #tpu.memory_space<vmem>>[vector<16xi32>], vector<16xf32>, vector<16xi1>
        %add3A_1246 = arith.constant 32 : i32
        %add3A_1247 = arith.addi %add3A_1220, %add3A_1246 : i32
        %swap3A_1248 = arith.index_cast %add3A_1183 : i32 to index
        %swap3A_1249 = tpu.vector_load %arg7[%swap3A_1248] {strides = array<i32>} : memref<49152xf32, #tpu.memory_space<vmem>>, vector<16xf32>,
        tpu.vector_store %arg7[%swap3A_1248], %gather3A_1181 {strides = array<i32>} : memref<49152xf32, #tpu.memory_space<vmem>>, vector<16xf32>,
        %add3A_1250 = arith.addi %and3A_1228, %add3A_25 : vector<16xi32>
        %select_n3A_1251 = arith.select %lt3A_1217, %add3A_25, %add3A_1250 : vector<16xi1>, vector<16xi32>
        %gather3A_1252 = tpu.vector_load_idx %arg5[%select_n3A_1251] masked %broadcast_in_dim3A_71 : memref<32768xf32, #tpu.memory_space<vmem>>[vector<16xi32>], vector<16xf32>, vector<16xi1>
        %add3A_1253 = arith.constant 48 : i32
        %add3A_1254 = arith.addi %add3A_1220, %add3A_1253 : i32
        %swap3A_1255 = arith.index_cast %add3A_1190 : i32 to index
        %swap3A_1256 = tpu.vector_load %arg7[%swap3A_1255] {strides = array<i32>} : memref<49152xf32, #tpu.memory_space<vmem>>, vector<16xf32>,
        tpu.vector_store %arg7[%swap3A_1255], %gather3A_1188 {strides = array<i32>} : memref<49152xf32, #tpu.memory_space<vmem>>, vector<16xf32>,
        %add3A_1257 = arith.addi %and3A_1222, %add3A_28 : vector<16xi32>
        %select_n3A_1258 = arith.select %lt3A_1217, %add3A_1257, %add3A_28 : vector<16xi1>, vector<16xi32>
        %gather3A_1259 = tpu.vector_load_idx %arg5[%select_n3A_1258] masked %broadcast_in_dim3A_71 : memref<32768xf32, #tpu.memory_space<vmem>>[vector<16xi32>], vector<16xf32>, vector<16xi1>
        %add3A_1260 = arith.constant 64 : i32
        %add3A_1261 = arith.addi %add3A_1220, %add3A_1260 : i32
        %swap3A_1262 = arith.index_cast %add3A_1197 : i32 to index
        %swap3A_1263 = tpu.vector_load %arg7[%swap3A_1262] {strides = array<i32>} : memref<49152xf32, #tpu.memory_space<vmem>>, vector<16xf32>,
        tpu.vector_store %arg7[%swap3A_1262], %gather3A_1195 {strides = array<i32>} : memref<49152xf32, #tpu.memory_space<vmem>>, vector<16xf32>,
        %add3A_1264 = arith.addi %and3A_1224, %add3A_31 : vector<16xi32>
        %select_n3A_1265 = arith.select %lt3A_1217, %add3A_1264, %add3A_31 : vector<16xi1>, vector<16xi32>
        %gather3A_1266 = tpu.vector_load_idx %arg5[%select_n3A_1265] masked %broadcast_in_dim3A_71 : memref<32768xf32, #tpu.memory_space<vmem>>[vector<16xi32>], vector<16xf32>, vector<16xi1>
        %add3A_1267 = arith.constant 80 : i32
        %add3A_1268 = arith.addi %add3A_1220, %add3A_1267 : i32
        %swap3A_1269 = arith.index_cast %add3A_1204 : i32 to index
        %swap3A_1270 = tpu.vector_load %arg7[%swap3A_1269] {strides = array<i32>} : memref<49152xf32, #tpu.memory_space<vmem>>, vector<16xf32>,
        tpu.vector_store %arg7[%swap3A_1269], %gather3A_1202 {strides = array<i32>} : memref<49152xf32, #tpu.memory_space<vmem>>, vector<16xf32>,
        %add3A_1271 = arith.addi %and3A_1226, %add3A_34 : vector<16xi32>
        %select_n3A_1272 = arith.select %lt3A_1217, %add3A_1271, %add3A_34 : vector<16xi1>, vector<16xi32>
        %gather3A_1273 = tpu.vector_load_idx %arg5[%select_n3A_1272] masked %broadcast_in_dim3A_71 : memref<32768xf32, #tpu.memory_space<vmem>>[vector<16xi32>], vector<16xf32>, vector<16xi1>
        %add3A_1274 = arith.constant 96 : i32
        %add3A_1275 = arith.addi %add3A_1220, %add3A_1274 : i32
        %swap3A_1276 = arith.index_cast %add3A_1233 : i32 to index
        %swap3A_1277 = tpu.vector_load %arg7[%swap3A_1276] {strides = array<i32>} : memref<49152xf32, #tpu.memory_space<vmem>>, vector<16xf32>,
        tpu.vector_store %arg7[%swap3A_1276], %gather3A_1231 {strides = array<i32>} : memref<49152xf32, #tpu.memory_space<vmem>>, vector<16xf32>,
        %add3A_1278 = arith.addi %and3A_1228, %add3A_37 : vector<16xi32>
        %select_n3A_1279 = arith.select %lt3A_1217, %add3A_1278, %add3A_37 : vector<16xi1>, vector<16xi32>
        %gather3A_1280 = tpu.vector_load_idx %arg5[%select_n3A_1279] masked %broadcast_in_dim3A_71 : memref<32768xf32, #tpu.memory_space<vmem>>[vector<16xi32>], vector<16xf32>, vector<16xi1>
        %add3A_1281 = arith.constant 112 : i32
        %add3A_1282 = arith.addi %add3A_1220, %add3A_1281 : i32
        %swap3A_1283 = arith.index_cast %add3A_1240 : i32 to index
        %swap3A_1284 = tpu.vector_load %arg7[%swap3A_1283] {strides = array<i32>} : memref<49152xf32, #tpu.memory_space<vmem>>, vector<16xf32>,
        tpu.vector_store %arg7[%swap3A_1283], %gather3A_1238 {strides = array<i32>} : memref<49152xf32, #tpu.memory_space<vmem>>, vector<16xf32>,
        %lt3A_1285 = arith.constant 0 : i32
        %lt3A_1286 = vector.broadcast %lt3A_1285 : i32 to vector<16xi32>
        %lt3A_1287 = arith.cmpi slt, %broadcast_in_dim3A_69, %lt3A_1286 : vector<16xi32>
        %add3A_1288 = arith.constant 16 : i32
        %add3A_1289 = vector.broadcast %add3A_1288 : i32 to vector<16xi32>
        %add3A_1290 = arith.addi %broadcast_in_dim3A_69, %add3A_1289 : vector<16xi32>
        %select_n3A_1291 = arith.select %lt3A_1287, %add3A_1290, %broadcast_in_dim3A_69 : vector<16xi1>, vector<16xi32>
        %broadcast_in_dim3A_1292 = vector.shape_cast %select_n3A_1291 : vector<16xi32> to vector<16x1xi32>
        %gather3A_1293 = vector.shape_cast %broadcast_in_dim3A_1292 : vector<16x1xi32> to vector<16xi32>
        %gather3A_1294 = tpu.dynamic_gather %get3A_122[%gather3A_1293] in [0] : vector<16xi32>, vector<16xi32> -> vector<16xi32>
        %lt3A_1295 = arith.cmpi slt, %gather3A_1294, %broadcast_in_dim3A_3 : vector<16xi32>
        %abs3A_1296 = math.absi %gather3A_1294 : vector<16xi32>
        %add3A_1297 = arith.constant 1920 : i32
        %add3A_1298 = arith.addi %add3A_134, %add3A_1297 : i32
        %shift_left3A_1299 = arith.shli %abs3A_1296, %broadcast_in_dim3A_5 : vector<16xi32>
        %and3A_1300 = arith.andi %shift_left3A_1299, %broadcast_in_dim3A_7 : vector<16xi32>
        %shift_right_arithmetic3A_1301 = arith.shrsi %abs3A_1296, %broadcast_in_dim3A_9 : vector<16xi32>
        %and3A_1302 = arith.andi %shift_right_arithmetic3A_1301, %broadcast_in_dim3A_7 : vector<16xi32>
        %shift_right_arithmetic3A_1303 = arith.shrsi %abs3A_1296, %broadcast_in_dim3A_11 : vector<16xi32>
        %and3A_1304 = arith.andi %shift_right_arithmetic3A_1303, %broadcast_in_dim3A_7 : vector<16xi32>
        %shift_right_arithmetic3A_1305 = arith.shrsi %abs3A_1296, %broadcast_in_dim3A_13 : vector<16xi32>
        %and3A_1306 = arith.andi %shift_right_arithmetic3A_1305, %broadcast_in_dim3A_7 : vector<16xi32>
        %add3A_1307 = arith.addi %and3A_1300, %add3A_16 : vector<16xi32>
        %select_n3A_1308 = arith.select %lt3A_1295, %add3A_16, %add3A_1307 : vector<16xi1>, vector<16xi32>
        %gather3A_1309 = tpu.vector_load_idx %arg5[%select_n3A_1308] masked %broadcast_in_dim3A_71 : memref<32768xf32, #tpu.memory_space<vmem>>[vector<16xi32>], vector<16xf32>, vector<16xi1>
        %add3A_1310 = arith.constant 0 : i32
        %add3A_1311 = arith.addi %add3A_1298, %add3A_1310 : i32
        %swap3A_1312 = arith.index_cast %add3A_1247 : i32 to index
        %swap3A_1313 = tpu.vector_load %arg7[%swap3A_1312] {strides = array<i32>} : memref<49152xf32, #tpu.memory_space<vmem>>, vector<16xf32>,
        tpu.vector_store %arg7[%swap3A_1312], %gather3A_1245 {strides = array<i32>} : memref<49152xf32, #tpu.memory_space<vmem>>, vector<16xf32>,
        %add3A_1314 = arith.addi %and3A_1302, %add3A_19 : vector<16xi32>
        %select_n3A_1315 = arith.select %lt3A_1295, %add3A_19, %add3A_1314 : vector<16xi1>, vector<16xi32>
        %gather3A_1316 = tpu.vector_load_idx %arg5[%select_n3A_1315] masked %broadcast_in_dim3A_71 : memref<32768xf32, #tpu.memory_space<vmem>>[vector<16xi32>], vector<16xf32>, vector<16xi1>
        %add3A_1317 = arith.constant 16 : i32
        %add3A_1318 = arith.addi %add3A_1298, %add3A_1317 : i32
        %swap3A_1319 = arith.index_cast %add3A_1254 : i32 to index
        %swap3A_1320 = tpu.vector_load %arg7[%swap3A_1319] {strides = array<i32>} : memref<49152xf32, #tpu.memory_space<vmem>>, vector<16xf32>,
        tpu.vector_store %arg7[%swap3A_1319], %gather3A_1252 {strides = array<i32>} : memref<49152xf32, #tpu.memory_space<vmem>>, vector<16xf32>,
        %add3A_1321 = arith.addi %and3A_1304, %add3A_22 : vector<16xi32>
        %select_n3A_1322 = arith.select %lt3A_1295, %add3A_22, %add3A_1321 : vector<16xi1>, vector<16xi32>
        %gather3A_1323 = tpu.vector_load_idx %arg5[%select_n3A_1322] masked %broadcast_in_dim3A_71 : memref<32768xf32, #tpu.memory_space<vmem>>[vector<16xi32>], vector<16xf32>, vector<16xi1>
        %add3A_1324 = arith.constant 32 : i32
        %add3A_1325 = arith.addi %add3A_1298, %add3A_1324 : i32
        %swap3A_1326 = arith.index_cast %add3A_1261 : i32 to index
        %swap3A_1327 = tpu.vector_load %arg7[%swap3A_1326] {strides = array<i32>} : memref<49152xf32, #tpu.memory_space<vmem>>, vector<16xf32>,
        tpu.vector_store %arg7[%swap3A_1326], %gather3A_1259 {strides = array<i32>} : memref<49152xf32, #tpu.memory_space<vmem>>, vector<16xf32>,
        %add3A_1328 = arith.addi %and3A_1306, %add3A_25 : vector<16xi32>
        %select_n3A_1329 = arith.select %lt3A_1295, %add3A_25, %add3A_1328 : vector<16xi1>, vector<16xi32>
        %gather3A_1330 = tpu.vector_load_idx %arg5[%select_n3A_1329] masked %broadcast_in_dim3A_71 : memref<32768xf32, #tpu.memory_space<vmem>>[vector<16xi32>], vector<16xf32>, vector<16xi1>
        %add3A_1331 = arith.constant 48 : i32
        %add3A_1332 = arith.addi %add3A_1298, %add3A_1331 : i32
        %swap3A_1333 = arith.index_cast %add3A_1268 : i32 to index
        %swap3A_1334 = tpu.vector_load %arg7[%swap3A_1333] {strides = array<i32>} : memref<49152xf32, #tpu.memory_space<vmem>>, vector<16xf32>,
        tpu.vector_store %arg7[%swap3A_1333], %gather3A_1266 {strides = array<i32>} : memref<49152xf32, #tpu.memory_space<vmem>>, vector<16xf32>,
        %add3A_1335 = arith.addi %and3A_1300, %add3A_28 : vector<16xi32>
        %select_n3A_1336 = arith.select %lt3A_1295, %add3A_1335, %add3A_28 : vector<16xi1>, vector<16xi32>
        %gather3A_1337 = tpu.vector_load_idx %arg5[%select_n3A_1336] masked %broadcast_in_dim3A_71 : memref<32768xf32, #tpu.memory_space<vmem>>[vector<16xi32>], vector<16xf32>, vector<16xi1>
        %add3A_1338 = arith.constant 64 : i32
        %add3A_1339 = arith.addi %add3A_1298, %add3A_1338 : i32
        %swap3A_1340 = arith.index_cast %add3A_1275 : i32 to index
        %swap3A_1341 = tpu.vector_load %arg7[%swap3A_1340] {strides = array<i32>} : memref<49152xf32, #tpu.memory_space<vmem>>, vector<16xf32>,
        tpu.vector_store %arg7[%swap3A_1340], %gather3A_1273 {strides = array<i32>} : memref<49152xf32, #tpu.memory_space<vmem>>, vector<16xf32>,
        %add3A_1342 = arith.addi %and3A_1302, %add3A_31 : vector<16xi32>
        %select_n3A_1343 = arith.select %lt3A_1295, %add3A_1342, %add3A_31 : vector<16xi1>, vector<16xi32>
        %gather3A_1344 = tpu.vector_load_idx %arg5[%select_n3A_1343] masked %broadcast_in_dim3A_71 : memref<32768xf32, #tpu.memory_space<vmem>>[vector<16xi32>], vector<16xf32>, vector<16xi1>
        %add3A_1345 = arith.constant 80 : i32
        %add3A_1346 = arith.addi %add3A_1298, %add3A_1345 : i32
        %swap3A_1347 = arith.index_cast %add3A_1282 : i32 to index
        %swap3A_1348 = tpu.vector_load %arg7[%swap3A_1347] {strides = array<i32>} : memref<49152xf32, #tpu.memory_space<vmem>>, vector<16xf32>,
        tpu.vector_store %arg7[%swap3A_1347], %gather3A_1280 {strides = array<i32>} : memref<49152xf32, #tpu.memory_space<vmem>>, vector<16xf32>,
        %add3A_1349 = arith.addi %and3A_1304, %add3A_34 : vector<16xi32>
        %select_n3A_1350 = arith.select %lt3A_1295, %add3A_1349, %add3A_34 : vector<16xi1>, vector<16xi32>
        %gather3A_1351 = tpu.vector_load_idx %arg5[%select_n3A_1350] masked %broadcast_in_dim3A_71 : memref<32768xf32, #tpu.memory_space<vmem>>[vector<16xi32>], vector<16xf32>, vector<16xi1>
        %add3A_1352 = arith.constant 96 : i32
        %add3A_1353 = arith.addi %add3A_1298, %add3A_1352 : i32
        %swap3A_1354 = arith.index_cast %add3A_1311 : i32 to index
        %swap3A_1355 = tpu.vector_load %arg7[%swap3A_1354] {strides = array<i32>} : memref<49152xf32, #tpu.memory_space<vmem>>, vector<16xf32>,
        tpu.vector_store %arg7[%swap3A_1354], %gather3A_1309 {strides = array<i32>} : memref<49152xf32, #tpu.memory_space<vmem>>, vector<16xf32>,
        %add3A_1356 = arith.addi %and3A_1306, %add3A_37 : vector<16xi32>
        %select_n3A_1357 = arith.select %lt3A_1295, %add3A_1356, %add3A_37 : vector<16xi1>, vector<16xi32>
        %gather3A_1358 = tpu.vector_load_idx %arg5[%select_n3A_1357] masked %broadcast_in_dim3A_71 : memref<32768xf32, #tpu.memory_space<vmem>>[vector<16xi32>], vector<16xf32>, vector<16xi1>
        %add3A_1359 = arith.constant 112 : i32
        %add3A_1360 = arith.addi %add3A_1298, %add3A_1359 : i32
        %swap3A_1361 = arith.index_cast %add3A_1318 : i32 to index
        %swap3A_1362 = tpu.vector_load %arg7[%swap3A_1361] {strides = array<i32>} : memref<49152xf32, #tpu.memory_space<vmem>>, vector<16xf32>,
        tpu.vector_store %arg7[%swap3A_1361], %gather3A_1316 {strides = array<i32>} : memref<49152xf32, #tpu.memory_space<vmem>>, vector<16xf32>,
        %lt3A_1363 = arith.constant 0 : i32
        %lt3A_1364 = vector.broadcast %lt3A_1363 : i32 to vector<16xi32>
        %lt3A_1365 = arith.cmpi slt, %broadcast_in_dim3A_39, %lt3A_1364 : vector<16xi32>
        %add3A_1366 = arith.constant 16 : i32
        %add3A_1367 = vector.broadcast %add3A_1366 : i32 to vector<16xi32>
        %add3A_1368 = arith.addi %broadcast_in_dim3A_39, %add3A_1367 : vector<16xi32>
        %select_n3A_1369 = arith.select %lt3A_1365, %add3A_1368, %broadcast_in_dim3A_39 : vector<16xi1>, vector<16xi32>
        %broadcast_in_dim3A_1370 = vector.shape_cast %select_n3A_1369 : vector<16xi32> to vector<16x1xi32>
        %gather3A_1371 = vector.shape_cast %broadcast_in_dim3A_1370 : vector<16x1xi32> to vector<16xi32>
        %gather3A_1372 = tpu.dynamic_gather %get3A_131[%gather3A_1371] in [0] : vector<16xi32>, vector<16xi32> -> vector<16xi32>
        %lt3A_1373 = arith.cmpi slt, %gather3A_1372, %broadcast_in_dim3A_3 : vector<16xi32>
        %abs3A_1374 = math.absi %gather3A_1372 : vector<16xi32>
        %add3A_1375 = arith.constant 2048 : i32
        %add3A_1376 = arith.addi %add3A_134, %add3A_1375 : i32
        %shift_left3A_1377 = arith.shli %abs3A_1374, %broadcast_in_dim3A_5 : vector<16xi32>
        %and3A_1378 = arith.andi %shift_left3A_1377, %broadcast_in_dim3A_7 : vector<16xi32>
        %shift_right_arithmetic3A_1379 = arith.shrsi %abs3A_1374, %broadcast_in_dim3A_9 : vector<16xi32>
        %and3A_1380 = arith.andi %shift_right_arithmetic3A_1379, %broadcast_in_dim3A_7 : vector<16xi32>
        %shift_right_arithmetic3A_1381 = arith.shrsi %abs3A_1374, %broadcast_in_dim3A_11 : vector<16xi32>
        %and3A_1382 = arith.andi %shift_right_arithmetic3A_1381, %broadcast_in_dim3A_7 : vector<16xi32>
        %shift_right_arithmetic3A_1383 = arith.shrsi %abs3A_1374, %broadcast_in_dim3A_13 : vector<16xi32>
        %and3A_1384 = arith.andi %shift_right_arithmetic3A_1383, %broadcast_in_dim3A_7 : vector<16xi32>
        %add3A_1385 = arith.addi %and3A_1378, %add3A_16 : vector<16xi32>
        %select_n3A_1386 = arith.select %lt3A_1373, %add3A_16, %add3A_1385 : vector<16xi1>, vector<16xi32>
        %gather3A_1387 = tpu.vector_load_idx %arg5[%select_n3A_1386] masked %broadcast_in_dim3A_71 : memref<32768xf32, #tpu.memory_space<vmem>>[vector<16xi32>], vector<16xf32>, vector<16xi1>
        %add3A_1388 = arith.constant 0 : i32
        %add3A_1389 = arith.addi %add3A_1376, %add3A_1388 : i32
        %swap3A_1390 = arith.index_cast %add3A_1325 : i32 to index
        %swap3A_1391 = tpu.vector_load %arg7[%swap3A_1390] {strides = array<i32>} : memref<49152xf32, #tpu.memory_space<vmem>>, vector<16xf32>,
        tpu.vector_store %arg7[%swap3A_1390], %gather3A_1323 {strides = array<i32>} : memref<49152xf32, #tpu.memory_space<vmem>>, vector<16xf32>,
        %add3A_1392 = arith.addi %and3A_1380, %add3A_19 : vector<16xi32>
        %select_n3A_1393 = arith.select %lt3A_1373, %add3A_19, %add3A_1392 : vector<16xi1>, vector<16xi32>
        %gather3A_1394 = tpu.vector_load_idx %arg5[%select_n3A_1393] masked %broadcast_in_dim3A_71 : memref<32768xf32, #tpu.memory_space<vmem>>[vector<16xi32>], vector<16xf32>, vector<16xi1>
        %add3A_1395 = arith.constant 16 : i32
        %add3A_1396 = arith.addi %add3A_1376, %add3A_1395 : i32
        %swap3A_1397 = arith.index_cast %add3A_1332 : i32 to index
        %swap3A_1398 = tpu.vector_load %arg7[%swap3A_1397] {strides = array<i32>} : memref<49152xf32, #tpu.memory_space<vmem>>, vector<16xf32>,
        tpu.vector_store %arg7[%swap3A_1397], %gather3A_1330 {strides = array<i32>} : memref<49152xf32, #tpu.memory_space<vmem>>, vector<16xf32>,
        %add3A_1399 = arith.addi %and3A_1382, %add3A_22 : vector<16xi32>
        %select_n3A_1400 = arith.select %lt3A_1373, %add3A_22, %add3A_1399 : vector<16xi1>, vector<16xi32>
        %gather3A_1401 = tpu.vector_load_idx %arg5[%select_n3A_1400] masked %broadcast_in_dim3A_71 : memref<32768xf32, #tpu.memory_space<vmem>>[vector<16xi32>], vector<16xf32>, vector<16xi1>
        %add3A_1402 = arith.constant 32 : i32
        %add3A_1403 = arith.addi %add3A_1376, %add3A_1402 : i32
        %swap3A_1404 = arith.index_cast %add3A_1339 : i32 to index
        %swap3A_1405 = tpu.vector_load %arg7[%swap3A_1404] {strides = array<i32>} : memref<49152xf32, #tpu.memory_space<vmem>>, vector<16xf32>,
        tpu.vector_store %arg7[%swap3A_1404], %gather3A_1337 {strides = array<i32>} : memref<49152xf32, #tpu.memory_space<vmem>>, vector<16xf32>,
        %add3A_1406 = arith.addi %and3A_1384, %add3A_25 : vector<16xi32>
        %select_n3A_1407 = arith.select %lt3A_1373, %add3A_25, %add3A_1406 : vector<16xi1>, vector<16xi32>
        %gather3A_1408 = tpu.vector_load_idx %arg5[%select_n3A_1407] masked %broadcast_in_dim3A_71 : memref<32768xf32, #tpu.memory_space<vmem>>[vector<16xi32>], vector<16xf32>, vector<16xi1>
        %add3A_1409 = arith.constant 48 : i32
        %add3A_1410 = arith.addi %add3A_1376, %add3A_1409 : i32
        %swap3A_1411 = arith.index_cast %add3A_1346 : i32 to index
        %swap3A_1412 = tpu.vector_load %arg7[%swap3A_1411] {strides = array<i32>} : memref<49152xf32, #tpu.memory_space<vmem>>, vector<16xf32>,
        tpu.vector_store %arg7[%swap3A_1411], %gather3A_1344 {strides = array<i32>} : memref<49152xf32, #tpu.memory_space<vmem>>, vector<16xf32>,
        %add3A_1413 = arith.addi %and3A_1378, %add3A_28 : vector<16xi32>
        %select_n3A_1414 = arith.select %lt3A_1373, %add3A_1413, %add3A_28 : vector<16xi1>, vector<16xi32>
        %gather3A_1415 = tpu.vector_load_idx %arg5[%select_n3A_1414] masked %broadcast_in_dim3A_71 : memref<32768xf32, #tpu.memory_space<vmem>>[vector<16xi32>], vector<16xf32>, vector<16xi1>
        %add3A_1416 = arith.constant 64 : i32
        %add3A_1417 = arith.addi %add3A_1376, %add3A_1416 : i32
        %swap3A_1418 = arith.index_cast %add3A_1353 : i32 to index
        %swap3A_1419 = tpu.vector_load %arg7[%swap3A_1418] {strides = array<i32>} : memref<49152xf32, #tpu.memory_space<vmem>>, vector<16xf32>,
        tpu.vector_store %arg7[%swap3A_1418], %gather3A_1351 {strides = array<i32>} : memref<49152xf32, #tpu.memory_space<vmem>>, vector<16xf32>,
        %add3A_1420 = arith.addi %and3A_1380, %add3A_31 : vector<16xi32>
        %select_n3A_1421 = arith.select %lt3A_1373, %add3A_1420, %add3A_31 : vector<16xi1>, vector<16xi32>
        %gather3A_1422 = tpu.vector_load_idx %arg5[%select_n3A_1421] masked %broadcast_in_dim3A_71 : memref<32768xf32, #tpu.memory_space<vmem>>[vector<16xi32>], vector<16xf32>, vector<16xi1>
        %add3A_1423 = arith.constant 80 : i32
        %add3A_1424 = arith.addi %add3A_1376, %add3A_1423 : i32
        %swap3A_1425 = arith.index_cast %add3A_1360 : i32 to index
        %swap3A_1426 = tpu.vector_load %arg7[%swap3A_1425] {strides = array<i32>} : memref<49152xf32, #tpu.memory_space<vmem>>, vector<16xf32>,
        tpu.vector_store %arg7[%swap3A_1425], %gather3A_1358 {strides = array<i32>} : memref<49152xf32, #tpu.memory_space<vmem>>, vector<16xf32>,
        %add3A_1427 = arith.addi %and3A_1382, %add3A_34 : vector<16xi32>
        %select_n3A_1428 = arith.select %lt3A_1373, %add3A_1427, %add3A_34 : vector<16xi1>, vector<16xi32>
        %gather3A_1429 = tpu.vector_load_idx %arg5[%select_n3A_1428] masked %broadcast_in_dim3A_71 : memref<32768xf32, #tpu.memory_space<vmem>>[vector<16xi32>], vector<16xf32>, vector<16xi1>
        %add3A_1430 = arith.constant 96 : i32
        %add3A_1431 = arith.addi %add3A_1376, %add3A_1430 : i32
        %swap3A_1432 = arith.index_cast %add3A_1389 : i32 to index
        %swap3A_1433 = tpu.vector_load %arg7[%swap3A_1432] {strides = array<i32>} : memref<49152xf32, #tpu.memory_space<vmem>>, vector<16xf32>,
        tpu.vector_store %arg7[%swap3A_1432], %gather3A_1387 {strides = array<i32>} : memref<49152xf32, #tpu.memory_space<vmem>>, vector<16xf32>,
        %add3A_1434 = arith.addi %and3A_1384, %add3A_37 : vector<16xi32>
        %select_n3A_1435 = arith.select %lt3A_1373, %add3A_1434, %add3A_37 : vector<16xi1>, vector<16xi32>
        %gather3A_1436 = tpu.vector_load_idx %arg5[%select_n3A_1435] masked %broadcast_in_dim3A_71 : memref<32768xf32, #tpu.memory_space<vmem>>[vector<16xi32>], vector<16xf32>, vector<16xi1>
        %add3A_1437 = arith.constant 112 : i32
        %add3A_1438 = arith.addi %add3A_1376, %add3A_1437 : i32
        %swap3A_1439 = arith.index_cast %add3A_1396 : i32 to index
        %swap3A_1440 = tpu.vector_load %arg7[%swap3A_1439] {strides = array<i32>} : memref<49152xf32, #tpu.memory_space<vmem>>, vector<16xf32>,
        tpu.vector_store %arg7[%swap3A_1439], %gather3A_1394 {strides = array<i32>} : memref<49152xf32, #tpu.memory_space<vmem>>, vector<16xf32>,
        %lt3A_1441 = arith.constant 0 : i32
        %lt3A_1442 = vector.broadcast %lt3A_1441 : i32 to vector<16xi32>
        %lt3A_1443 = arith.cmpi slt, %broadcast_in_dim3A_41, %lt3A_1442 : vector<16xi32>
        %add3A_1444 = arith.constant 16 : i32
        %add3A_1445 = vector.broadcast %add3A_1444 : i32 to vector<16xi32>
        %add3A_1446 = arith.addi %broadcast_in_dim3A_41, %add3A_1445 : vector<16xi32>
        %select_n3A_1447 = arith.select %lt3A_1443, %add3A_1446, %broadcast_in_dim3A_41 : vector<16xi1>, vector<16xi32>
        %broadcast_in_dim3A_1448 = vector.shape_cast %select_n3A_1447 : vector<16xi32> to vector<16x1xi32>
        %gather3A_1449 = vector.shape_cast %broadcast_in_dim3A_1448 : vector<16x1xi32> to vector<16xi32>
        %gather3A_1450 = tpu.dynamic_gather %get3A_131[%gather3A_1449] in [0] : vector<16xi32>, vector<16xi32> -> vector<16xi32>
        %lt3A_1451 = arith.cmpi slt, %gather3A_1450, %broadcast_in_dim3A_3 : vector<16xi32>
        %abs3A_1452 = math.absi %gather3A_1450 : vector<16xi32>
        %add3A_1453 = arith.constant 2176 : i32
        %add3A_1454 = arith.addi %add3A_134, %add3A_1453 : i32
        %shift_left3A_1455 = arith.shli %abs3A_1452, %broadcast_in_dim3A_5 : vector<16xi32>
        %and3A_1456 = arith.andi %shift_left3A_1455, %broadcast_in_dim3A_7 : vector<16xi32>
        %shift_right_arithmetic3A_1457 = arith.shrsi %abs3A_1452, %broadcast_in_dim3A_9 : vector<16xi32>
        %and3A_1458 = arith.andi %shift_right_arithmetic3A_1457, %broadcast_in_dim3A_7 : vector<16xi32>
        %shift_right_arithmetic3A_1459 = arith.shrsi %abs3A_1452, %broadcast_in_dim3A_11 : vector<16xi32>
        %and3A_1460 = arith.andi %shift_right_arithmetic3A_1459, %broadcast_in_dim3A_7 : vector<16xi32>
        %shift_right_arithmetic3A_1461 = arith.shrsi %abs3A_1452, %broadcast_in_dim3A_13 : vector<16xi32>
        %and3A_1462 = arith.andi %shift_right_arithmetic3A_1461, %broadcast_in_dim3A_7 : vector<16xi32>
        %add3A_1463 = arith.addi %and3A_1456, %add3A_16 : vector<16xi32>
        %select_n3A_1464 = arith.select %lt3A_1451, %add3A_16, %add3A_1463 : vector<16xi1>, vector<16xi32>
        %gather3A_1465 = tpu.vector_load_idx %arg5[%select_n3A_1464] masked %broadcast_in_dim3A_71 : memref<32768xf32, #tpu.memory_space<vmem>>[vector<16xi32>], vector<16xf32>, vector<16xi1>
        %add3A_1466 = arith.constant 0 : i32
        %add3A_1467 = arith.addi %add3A_1454, %add3A_1466 : i32
        %swap3A_1468 = arith.index_cast %add3A_1403 : i32 to index
        %swap3A_1469 = tpu.vector_load %arg7[%swap3A_1468] {strides = array<i32>} : memref<49152xf32, #tpu.memory_space<vmem>>, vector<16xf32>,
        tpu.vector_store %arg7[%swap3A_1468], %gather3A_1401 {strides = array<i32>} : memref<49152xf32, #tpu.memory_space<vmem>>, vector<16xf32>,
        %add3A_1470 = arith.addi %and3A_1458, %add3A_19 : vector<16xi32>
        %select_n3A_1471 = arith.select %lt3A_1451, %add3A_19, %add3A_1470 : vector<16xi1>, vector<16xi32>
        %gather3A_1472 = tpu.vector_load_idx %arg5[%select_n3A_1471] masked %broadcast_in_dim3A_71 : memref<32768xf32, #tpu.memory_space<vmem>>[vector<16xi32>], vector<16xf32>, vector<16xi1>
        %add3A_1473 = arith.constant 16 : i32
        %add3A_1474 = arith.addi %add3A_1454, %add3A_1473 : i32
        %swap3A_1475 = arith.index_cast %add3A_1410 : i32 to index
        %swap3A_1476 = tpu.vector_load %arg7[%swap3A_1475] {strides = array<i32>} : memref<49152xf32, #tpu.memory_space<vmem>>, vector<16xf32>,
        tpu.vector_store %arg7[%swap3A_1475], %gather3A_1408 {strides = array<i32>} : memref<49152xf32, #tpu.memory_space<vmem>>, vector<16xf32>,
        %add3A_1477 = arith.addi %and3A_1460, %add3A_22 : vector<16xi32>
        %select_n3A_1478 = arith.select %lt3A_1451, %add3A_22, %add3A_1477 : vector<16xi1>, vector<16xi32>
        %gather3A_1479 = tpu.vector_load_idx %arg5[%select_n3A_1478] masked %broadcast_in_dim3A_71 : memref<32768xf32, #tpu.memory_space<vmem>>[vector<16xi32>], vector<16xf32>, vector<16xi1>
        %add3A_1480 = arith.constant 32 : i32
        %add3A_1481 = arith.addi %add3A_1454, %add3A_1480 : i32
        %swap3A_1482 = arith.index_cast %add3A_1417 : i32 to index
        %swap3A_1483 = tpu.vector_load %arg7[%swap3A_1482] {strides = array<i32>} : memref<49152xf32, #tpu.memory_space<vmem>>, vector<16xf32>,
        tpu.vector_store %arg7[%swap3A_1482], %gather3A_1415 {strides = array<i32>} : memref<49152xf32, #tpu.memory_space<vmem>>, vector<16xf32>,
        %add3A_1484 = arith.addi %and3A_1462, %add3A_25 : vector<16xi32>
        %select_n3A_1485 = arith.select %lt3A_1451, %add3A_25, %add3A_1484 : vector<16xi1>, vector<16xi32>
        %gather3A_1486 = tpu.vector_load_idx %arg5[%select_n3A_1485] masked %broadcast_in_dim3A_71 : memref<32768xf32, #tpu.memory_space<vmem>>[vector<16xi32>], vector<16xf32>, vector<16xi1>
        %add3A_1487 = arith.constant 48 : i32
        %add3A_1488 = arith.addi %add3A_1454, %add3A_1487 : i32
        %swap3A_1489 = arith.index_cast %add3A_1424 : i32 to index
        %swap3A_1490 = tpu.vector_load %arg7[%swap3A_1489] {strides = array<i32>} : memref<49152xf32, #tpu.memory_space<vmem>>, vector<16xf32>,
        tpu.vector_store %arg7[%swap3A_1489], %gather3A_1422 {strides = array<i32>} : memref<49152xf32, #tpu.memory_space<vmem>>, vector<16xf32>,
        %add3A_1491 = arith.addi %and3A_1456, %add3A_28 : vector<16xi32>
        %select_n3A_1492 = arith.select %lt3A_1451, %add3A_1491, %add3A_28 : vector<16xi1>, vector<16xi32>
        %gather3A_1493 = tpu.vector_load_idx %arg5[%select_n3A_1492] masked %broadcast_in_dim3A_71 : memref<32768xf32, #tpu.memory_space<vmem>>[vector<16xi32>], vector<16xf32>, vector<16xi1>
        %add3A_1494 = arith.constant 64 : i32
        %add3A_1495 = arith.addi %add3A_1454, %add3A_1494 : i32
        %swap3A_1496 = arith.index_cast %add3A_1431 : i32 to index
        %swap3A_1497 = tpu.vector_load %arg7[%swap3A_1496] {strides = array<i32>} : memref<49152xf32, #tpu.memory_space<vmem>>, vector<16xf32>,
        tpu.vector_store %arg7[%swap3A_1496], %gather3A_1429 {strides = array<i32>} : memref<49152xf32, #tpu.memory_space<vmem>>, vector<16xf32>,
        %add3A_1498 = arith.addi %and3A_1458, %add3A_31 : vector<16xi32>
        %select_n3A_1499 = arith.select %lt3A_1451, %add3A_1498, %add3A_31 : vector<16xi1>, vector<16xi32>
        %gather3A_1500 = tpu.vector_load_idx %arg5[%select_n3A_1499] masked %broadcast_in_dim3A_71 : memref<32768xf32, #tpu.memory_space<vmem>>[vector<16xi32>], vector<16xf32>, vector<16xi1>
        %add3A_1501 = arith.constant 80 : i32
        %add3A_1502 = arith.addi %add3A_1454, %add3A_1501 : i32
        %swap3A_1503 = arith.index_cast %add3A_1438 : i32 to index
        %swap3A_1504 = tpu.vector_load %arg7[%swap3A_1503] {strides = array<i32>} : memref<49152xf32, #tpu.memory_space<vmem>>, vector<16xf32>,
        tpu.vector_store %arg7[%swap3A_1503], %gather3A_1436 {strides = array<i32>} : memref<49152xf32, #tpu.memory_space<vmem>>, vector<16xf32>,
        %add3A_1505 = arith.addi %and3A_1460, %add3A_34 : vector<16xi32>
        %select_n3A_1506 = arith.select %lt3A_1451, %add3A_1505, %add3A_34 : vector<16xi1>, vector<16xi32>
        %gather3A_1507 = tpu.vector_load_idx %arg5[%select_n3A_1506] masked %broadcast_in_dim3A_71 : memref<32768xf32, #tpu.memory_space<vmem>>[vector<16xi32>], vector<16xf32>, vector<16xi1>
        %add3A_1508 = arith.constant 96 : i32
        %add3A_1509 = arith.addi %add3A_1454, %add3A_1508 : i32
        %swap3A_1510 = arith.index_cast %add3A_1467 : i32 to index
        %swap3A_1511 = tpu.vector_load %arg7[%swap3A_1510] {strides = array<i32>} : memref<49152xf32, #tpu.memory_space<vmem>>, vector<16xf32>,
        tpu.vector_store %arg7[%swap3A_1510], %gather3A_1465 {strides = array<i32>} : memref<49152xf32, #tpu.memory_space<vmem>>, vector<16xf32>,
        %add3A_1512 = arith.addi %and3A_1462, %add3A_37 : vector<16xi32>
        %select_n3A_1513 = arith.select %lt3A_1451, %add3A_1512, %add3A_37 : vector<16xi1>, vector<16xi32>
        %gather3A_1514 = tpu.vector_load_idx %arg5[%select_n3A_1513] masked %broadcast_in_dim3A_71 : memref<32768xf32, #tpu.memory_space<vmem>>[vector<16xi32>], vector<16xf32>, vector<16xi1>
        %add3A_1515 = arith.constant 112 : i32
        %add3A_1516 = arith.addi %add3A_1454, %add3A_1515 : i32
        %swap3A_1517 = arith.index_cast %add3A_1474 : i32 to index
        %swap3A_1518 = tpu.vector_load %arg7[%swap3A_1517] {strides = array<i32>} : memref<49152xf32, #tpu.memory_space<vmem>>, vector<16xf32>,
        tpu.vector_store %arg7[%swap3A_1517], %gather3A_1472 {strides = array<i32>} : memref<49152xf32, #tpu.memory_space<vmem>>, vector<16xf32>,
        %lt3A_1519 = arith.constant 0 : i32
        %lt3A_1520 = vector.broadcast %lt3A_1519 : i32 to vector<16xi32>
        %lt3A_1521 = arith.cmpi slt, %broadcast_in_dim3A_43, %lt3A_1520 : vector<16xi32>
        %add3A_1522 = arith.constant 16 : i32
        %add3A_1523 = vector.broadcast %add3A_1522 : i32 to vector<16xi32>
        %add3A_1524 = arith.addi %broadcast_in_dim3A_43, %add3A_1523 : vector<16xi32>
        %select_n3A_1525 = arith.select %lt3A_1521, %add3A_1524, %broadcast_in_dim3A_43 : vector<16xi1>, vector<16xi32>
        %broadcast_in_dim3A_1526 = vector.shape_cast %select_n3A_1525 : vector<16xi32> to vector<16x1xi32>
        %gather3A_1527 = vector.shape_cast %broadcast_in_dim3A_1526 : vector<16x1xi32> to vector<16xi32>
        %gather3A_1528 = tpu.dynamic_gather %get3A_131[%gather3A_1527] in [0] : vector<16xi32>, vector<16xi32> -> vector<16xi32>
        %lt3A_1529 = arith.cmpi slt, %gather3A_1528, %broadcast_in_dim3A_3 : vector<16xi32>
        %abs3A_1530 = math.absi %gather3A_1528 : vector<16xi32>
        %add3A_1531 = arith.constant 2304 : i32
        %add3A_1532 = arith.addi %add3A_134, %add3A_1531 : i32
        %shift_left3A_1533 = arith.shli %abs3A_1530, %broadcast_in_dim3A_5 : vector<16xi32>
        %and3A_1534 = arith.andi %shift_left3A_1533, %broadcast_in_dim3A_7 : vector<16xi32>
        %shift_right_arithmetic3A_1535 = arith.shrsi %abs3A_1530, %broadcast_in_dim3A_9 : vector<16xi32>
        %and3A_1536 = arith.andi %shift_right_arithmetic3A_1535, %broadcast_in_dim3A_7 : vector<16xi32>
        %shift_right_arithmetic3A_1537 = arith.shrsi %abs3A_1530, %broadcast_in_dim3A_11 : vector<16xi32>
        %and3A_1538 = arith.andi %shift_right_arithmetic3A_1537, %broadcast_in_dim3A_7 : vector<16xi32>
        %shift_right_arithmetic3A_1539 = arith.shrsi %abs3A_1530, %broadcast_in_dim3A_13 : vector<16xi32>
        %and3A_1540 = arith.andi %shift_right_arithmetic3A_1539, %broadcast_in_dim3A_7 : vector<16xi32>
        %add3A_1541 = arith.addi %and3A_1534, %add3A_16 : vector<16xi32>
        %select_n3A_1542 = arith.select %lt3A_1529, %add3A_16, %add3A_1541 : vector<16xi1>, vector<16xi32>
        %gather3A_1543 = tpu.vector_load_idx %arg5[%select_n3A_1542] masked %broadcast_in_dim3A_71 : memref<32768xf32, #tpu.memory_space<vmem>>[vector<16xi32>], vector<16xf32>, vector<16xi1>
        %add3A_1544 = arith.constant 0 : i32
        %add3A_1545 = arith.addi %add3A_1532, %add3A_1544 : i32
        %swap3A_1546 = arith.index_cast %add3A_1481 : i32 to index
        %swap3A_1547 = tpu.vector_load %arg7[%swap3A_1546] {strides = array<i32>} : memref<49152xf32, #tpu.memory_space<vmem>>, vector<16xf32>,
        tpu.vector_store %arg7[%swap3A_1546], %gather3A_1479 {strides = array<i32>} : memref<49152xf32, #tpu.memory_space<vmem>>, vector<16xf32>,
        %add3A_1548 = arith.addi %and3A_1536, %add3A_19 : vector<16xi32>
        %select_n3A_1549 = arith.select %lt3A_1529, %add3A_19, %add3A_1548 : vector<16xi1>, vector<16xi32>
        %gather3A_1550 = tpu.vector_load_idx %arg5[%select_n3A_1549] masked %broadcast_in_dim3A_71 : memref<32768xf32, #tpu.memory_space<vmem>>[vector<16xi32>], vector<16xf32>, vector<16xi1>
        %add3A_1551 = arith.constant 16 : i32
        %add3A_1552 = arith.addi %add3A_1532, %add3A_1551 : i32
        %swap3A_1553 = arith.index_cast %add3A_1488 : i32 to index
        %swap3A_1554 = tpu.vector_load %arg7[%swap3A_1553] {strides = array<i32>} : memref<49152xf32, #tpu.memory_space<vmem>>, vector<16xf32>,
        tpu.vector_store %arg7[%swap3A_1553], %gather3A_1486 {strides = array<i32>} : memref<49152xf32, #tpu.memory_space<vmem>>, vector<16xf32>,
        %add3A_1555 = arith.addi %and3A_1538, %add3A_22 : vector<16xi32>
        %select_n3A_1556 = arith.select %lt3A_1529, %add3A_22, %add3A_1555 : vector<16xi1>, vector<16xi32>
        %gather3A_1557 = tpu.vector_load_idx %arg5[%select_n3A_1556] masked %broadcast_in_dim3A_71 : memref<32768xf32, #tpu.memory_space<vmem>>[vector<16xi32>], vector<16xf32>, vector<16xi1>
        %add3A_1558 = arith.constant 32 : i32
        %add3A_1559 = arith.addi %add3A_1532, %add3A_1558 : i32
        %swap3A_1560 = arith.index_cast %add3A_1495 : i32 to index
        %swap3A_1561 = tpu.vector_load %arg7[%swap3A_1560] {strides = array<i32>} : memref<49152xf32, #tpu.memory_space<vmem>>, vector<16xf32>,
        tpu.vector_store %arg7[%swap3A_1560], %gather3A_1493 {strides = array<i32>} : memref<49152xf32, #tpu.memory_space<vmem>>, vector<16xf32>,
        %add3A_1562 = arith.addi %and3A_1540, %add3A_25 : vector<16xi32>
        %select_n3A_1563 = arith.select %lt3A_1529, %add3A_25, %add3A_1562 : vector<16xi1>, vector<16xi32>
        %gather3A_1564 = tpu.vector_load_idx %arg5[%select_n3A_1563] masked %broadcast_in_dim3A_71 : memref<32768xf32, #tpu.memory_space<vmem>>[vector<16xi32>], vector<16xf32>, vector<16xi1>
        %add3A_1565 = arith.constant 48 : i32
        %add3A_1566 = arith.addi %add3A_1532, %add3A_1565 : i32
        %swap3A_1567 = arith.index_cast %add3A_1502 : i32 to index
        %swap3A_1568 = tpu.vector_load %arg7[%swap3A_1567] {strides = array<i32>} : memref<49152xf32, #tpu.memory_space<vmem>>, vector<16xf32>,
        tpu.vector_store %arg7[%swap3A_1567], %gather3A_1500 {strides = array<i32>} : memref<49152xf32, #tpu.memory_space<vmem>>, vector<16xf32>,
        %add3A_1569 = arith.addi %and3A_1534, %add3A_28 : vector<16xi32>
        %select_n3A_1570 = arith.select %lt3A_1529, %add3A_1569, %add3A_28 : vector<16xi1>, vector<16xi32>
        %gather3A_1571 = tpu.vector_load_idx %arg5[%select_n3A_1570] masked %broadcast_in_dim3A_71 : memref<32768xf32, #tpu.memory_space<vmem>>[vector<16xi32>], vector<16xf32>, vector<16xi1>
        %add3A_1572 = arith.constant 64 : i32
        %add3A_1573 = arith.addi %add3A_1532, %add3A_1572 : i32
        %swap3A_1574 = arith.index_cast %add3A_1509 : i32 to index
        %swap3A_1575 = tpu.vector_load %arg7[%swap3A_1574] {strides = array<i32>} : memref<49152xf32, #tpu.memory_space<vmem>>, vector<16xf32>,
        tpu.vector_store %arg7[%swap3A_1574], %gather3A_1507 {strides = array<i32>} : memref<49152xf32, #tpu.memory_space<vmem>>, vector<16xf32>,
        %add3A_1576 = arith.addi %and3A_1536, %add3A_31 : vector<16xi32>
        %select_n3A_1577 = arith.select %lt3A_1529, %add3A_1576, %add3A_31 : vector<16xi1>, vector<16xi32>
        %gather3A_1578 = tpu.vector_load_idx %arg5[%select_n3A_1577] masked %broadcast_in_dim3A_71 : memref<32768xf32, #tpu.memory_space<vmem>>[vector<16xi32>], vector<16xf32>, vector<16xi1>
        %add3A_1579 = arith.constant 80 : i32
        %add3A_1580 = arith.addi %add3A_1532, %add3A_1579 : i32
        %swap3A_1581 = arith.index_cast %add3A_1516 : i32 to index
        %swap3A_1582 = tpu.vector_load %arg7[%swap3A_1581] {strides = array<i32>} : memref<49152xf32, #tpu.memory_space<vmem>>, vector<16xf32>,
        tpu.vector_store %arg7[%swap3A_1581], %gather3A_1514 {strides = array<i32>} : memref<49152xf32, #tpu.memory_space<vmem>>, vector<16xf32>,
        %add3A_1583 = arith.addi %and3A_1538, %add3A_34 : vector<16xi32>
        %select_n3A_1584 = arith.select %lt3A_1529, %add3A_1583, %add3A_34 : vector<16xi1>, vector<16xi32>
        %gather3A_1585 = tpu.vector_load_idx %arg5[%select_n3A_1584] masked %broadcast_in_dim3A_71 : memref<32768xf32, #tpu.memory_space<vmem>>[vector<16xi32>], vector<16xf32>, vector<16xi1>
        %add3A_1586 = arith.constant 96 : i32
        %add3A_1587 = arith.addi %add3A_1532, %add3A_1586 : i32
        %swap3A_1588 = arith.index_cast %add3A_1545 : i32 to index
        %swap3A_1589 = tpu.vector_load %arg7[%swap3A_1588] {strides = array<i32>} : memref<49152xf32, #tpu.memory_space<vmem>>, vector<16xf32>,
        tpu.vector_store %arg7[%swap3A_1588], %gather3A_1543 {strides = array<i32>} : memref<49152xf32, #tpu.memory_space<vmem>>, vector<16xf32>,
        %add3A_1590 = arith.addi %and3A_1540, %add3A_37 : vector<16xi32>
        %select_n3A_1591 = arith.select %lt3A_1529, %add3A_1590, %add3A_37 : vector<16xi1>, vector<16xi32>
        %gather3A_1592 = tpu.vector_load_idx %arg5[%select_n3A_1591] masked %broadcast_in_dim3A_71 : memref<32768xf32, #tpu.memory_space<vmem>>[vector<16xi32>], vector<16xf32>, vector<16xi1>
        %add3A_1593 = arith.constant 112 : i32
        %add3A_1594 = arith.addi %add3A_1532, %add3A_1593 : i32
        %swap3A_1595 = arith.index_cast %add3A_1552 : i32 to index
        %swap3A_1596 = tpu.vector_load %arg7[%swap3A_1595] {strides = array<i32>} : memref<49152xf32, #tpu.memory_space<vmem>>, vector<16xf32>,
        tpu.vector_store %arg7[%swap3A_1595], %gather3A_1550 {strides = array<i32>} : memref<49152xf32, #tpu.memory_space<vmem>>, vector<16xf32>,
        %lt3A_1597 = arith.constant 0 : i32
        %lt3A_1598 = vector.broadcast %lt3A_1597 : i32 to vector<16xi32>
        %lt3A_1599 = arith.cmpi slt, %broadcast_in_dim3A_45, %lt3A_1598 : vector<16xi32>
        %add3A_1600 = arith.constant 16 : i32
        %add3A_1601 = vector.broadcast %add3A_1600 : i32 to vector<16xi32>
        %add3A_1602 = arith.addi %broadcast_in_dim3A_45, %add3A_1601 : vector<16xi32>
        %select_n3A_1603 = arith.select %lt3A_1599, %add3A_1602, %broadcast_in_dim3A_45 : vector<16xi1>, vector<16xi32>
        %broadcast_in_dim3A_1604 = vector.shape_cast %select_n3A_1603 : vector<16xi32> to vector<16x1xi32>
        %gather3A_1605 = vector.shape_cast %broadcast_in_dim3A_1604 : vector<16x1xi32> to vector<16xi32>
        %gather3A_1606 = tpu.dynamic_gather %get3A_131[%gather3A_1605] in [0] : vector<16xi32>, vector<16xi32> -> vector<16xi32>
        %lt3A_1607 = arith.cmpi slt, %gather3A_1606, %broadcast_in_dim3A_3 : vector<16xi32>
        %abs3A_1608 = math.absi %gather3A_1606 : vector<16xi32>
        %add3A_1609 = arith.constant 2432 : i32
        %add3A_1610 = arith.addi %add3A_134, %add3A_1609 : i32
        %shift_left3A_1611 = arith.shli %abs3A_1608, %broadcast_in_dim3A_5 : vector<16xi32>
        %and3A_1612 = arith.andi %shift_left3A_1611, %broadcast_in_dim3A_7 : vector<16xi32>
        %shift_right_arithmetic3A_1613 = arith.shrsi %abs3A_1608, %broadcast_in_dim3A_9 : vector<16xi32>
        %and3A_1614 = arith.andi %shift_right_arithmetic3A_1613, %broadcast_in_dim3A_7 : vector<16xi32>
        %shift_right_arithmetic3A_1615 = arith.shrsi %abs3A_1608, %broadcast_in_dim3A_11 : vector<16xi32>
        %and3A_1616 = arith.andi %shift_right_arithmetic3A_1615, %broadcast_in_dim3A_7 : vector<16xi32>
        %shift_right_arithmetic3A_1617 = arith.shrsi %abs3A_1608, %broadcast_in_dim3A_13 : vector<16xi32>
        %and3A_1618 = arith.andi %shift_right_arithmetic3A_1617, %broadcast_in_dim3A_7 : vector<16xi32>
        %add3A_1619 = arith.addi %and3A_1612, %add3A_16 : vector<16xi32>
        %select_n3A_1620 = arith.select %lt3A_1607, %add3A_16, %add3A_1619 : vector<16xi1>, vector<16xi32>
        %gather3A_1621 = tpu.vector_load_idx %arg5[%select_n3A_1620] masked %broadcast_in_dim3A_71 : memref<32768xf32, #tpu.memory_space<vmem>>[vector<16xi32>], vector<16xf32>, vector<16xi1>
        %add3A_1622 = arith.constant 0 : i32
        %add3A_1623 = arith.addi %add3A_1610, %add3A_1622 : i32
        %swap3A_1624 = arith.index_cast %add3A_1559 : i32 to index
        %swap3A_1625 = tpu.vector_load %arg7[%swap3A_1624] {strides = array<i32>} : memref<49152xf32, #tpu.memory_space<vmem>>, vector<16xf32>,
        tpu.vector_store %arg7[%swap3A_1624], %gather3A_1557 {strides = array<i32>} : memref<49152xf32, #tpu.memory_space<vmem>>, vector<16xf32>,
        %add3A_1626 = arith.addi %and3A_1614, %add3A_19 : vector<16xi32>
        %select_n3A_1627 = arith.select %lt3A_1607, %add3A_19, %add3A_1626 : vector<16xi1>, vector<16xi32>
        %gather3A_1628 = tpu.vector_load_idx %arg5[%select_n3A_1627] masked %broadcast_in_dim3A_71 : memref<32768xf32, #tpu.memory_space<vmem>>[vector<16xi32>], vector<16xf32>, vector<16xi1>
        %add3A_1629 = arith.constant 16 : i32
        %add3A_1630 = arith.addi %add3A_1610, %add3A_1629 : i32
        %swap3A_1631 = arith.index_cast %add3A_1566 : i32 to index
        %swap3A_1632 = tpu.vector_load %arg7[%swap3A_1631] {strides = array<i32>} : memref<49152xf32, #tpu.memory_space<vmem>>, vector<16xf32>,
        tpu.vector_store %arg7[%swap3A_1631], %gather3A_1564 {strides = array<i32>} : memref<49152xf32, #tpu.memory_space<vmem>>, vector<16xf32>,
        %add3A_1633 = arith.addi %and3A_1616, %add3A_22 : vector<16xi32>
        %select_n3A_1634 = arith.select %lt3A_1607, %add3A_22, %add3A_1633 : vector<16xi1>, vector<16xi32>
        %gather3A_1635 = tpu.vector_load_idx %arg5[%select_n3A_1634] masked %broadcast_in_dim3A_71 : memref<32768xf32, #tpu.memory_space<vmem>>[vector<16xi32>], vector<16xf32>, vector<16xi1>
        %add3A_1636 = arith.constant 32 : i32
        %add3A_1637 = arith.addi %add3A_1610, %add3A_1636 : i32
        %swap3A_1638 = arith.index_cast %add3A_1573 : i32 to index
        %swap3A_1639 = tpu.vector_load %arg7[%swap3A_1638] {strides = array<i32>} : memref<49152xf32, #tpu.memory_space<vmem>>, vector<16xf32>,
        tpu.vector_store %arg7[%swap3A_1638], %gather3A_1571 {strides = array<i32>} : memref<49152xf32, #tpu.memory_space<vmem>>, vector<16xf32>,
        %add3A_1640 = arith.addi %and3A_1618, %add3A_25 : vector<16xi32>
        %select_n3A_1641 = arith.select %lt3A_1607, %add3A_25, %add3A_1640 : vector<16xi1>, vector<16xi32>
        %gather3A_1642 = tpu.vector_load_idx %arg5[%select_n3A_1641] masked %broadcast_in_dim3A_71 : memref<32768xf32, #tpu.memory_space<vmem>>[vector<16xi32>], vector<16xf32>, vector<16xi1>
        %add3A_1643 = arith.constant 48 : i32
        %add3A_1644 = arith.addi %add3A_1610, %add3A_1643 : i32
        %swap3A_1645 = arith.index_cast %add3A_1580 : i32 to index
        %swap3A_1646 = tpu.vector_load %arg7[%swap3A_1645] {strides = array<i32>} : memref<49152xf32, #tpu.memory_space<vmem>>, vector<16xf32>,
        tpu.vector_store %arg7[%swap3A_1645], %gather3A_1578 {strides = array<i32>} : memref<49152xf32, #tpu.memory_space<vmem>>, vector<16xf32>,
        %add3A_1647 = arith.addi %and3A_1612, %add3A_28 : vector<16xi32>
        %select_n3A_1648 = arith.select %lt3A_1607, %add3A_1647, %add3A_28 : vector<16xi1>, vector<16xi32>
        %gather3A_1649 = tpu.vector_load_idx %arg5[%select_n3A_1648] masked %broadcast_in_dim3A_71 : memref<32768xf32, #tpu.memory_space<vmem>>[vector<16xi32>], vector<16xf32>, vector<16xi1>
        %add3A_1650 = arith.constant 64 : i32
        %add3A_1651 = arith.addi %add3A_1610, %add3A_1650 : i32
        %swap3A_1652 = arith.index_cast %add3A_1587 : i32 to index
        %swap3A_1653 = tpu.vector_load %arg7[%swap3A_1652] {strides = array<i32>} : memref<49152xf32, #tpu.memory_space<vmem>>, vector<16xf32>,
        tpu.vector_store %arg7[%swap3A_1652], %gather3A_1585 {strides = array<i32>} : memref<49152xf32, #tpu.memory_space<vmem>>, vector<16xf32>,
        %add3A_1654 = arith.addi %and3A_1614, %add3A_31 : vector<16xi32>
        %select_n3A_1655 = arith.select %lt3A_1607, %add3A_1654, %add3A_31 : vector<16xi1>, vector<16xi32>
        %gather3A_1656 = tpu.vector_load_idx %arg5[%select_n3A_1655] masked %broadcast_in_dim3A_71 : memref<32768xf32, #tpu.memory_space<vmem>>[vector<16xi32>], vector<16xf32>, vector<16xi1>
        %add3A_1657 = arith.constant 80 : i32
        %add3A_1658 = arith.addi %add3A_1610, %add3A_1657 : i32
        %swap3A_1659 = arith.index_cast %add3A_1594 : i32 to index
        %swap3A_1660 = tpu.vector_load %arg7[%swap3A_1659] {strides = array<i32>} : memref<49152xf32, #tpu.memory_space<vmem>>, vector<16xf32>,
        tpu.vector_store %arg7[%swap3A_1659], %gather3A_1592 {strides = array<i32>} : memref<49152xf32, #tpu.memory_space<vmem>>, vector<16xf32>,
        %add3A_1661 = arith.addi %and3A_1616, %add3A_34 : vector<16xi32>
        %select_n3A_1662 = arith.select %lt3A_1607, %add3A_1661, %add3A_34 : vector<16xi1>, vector<16xi32>
        %gather3A_1663 = tpu.vector_load_idx %arg5[%select_n3A_1662] masked %broadcast_in_dim3A_71 : memref<32768xf32, #tpu.memory_space<vmem>>[vector<16xi32>], vector<16xf32>, vector<16xi1>
        %add3A_1664 = arith.constant 96 : i32
        %add3A_1665 = arith.addi %add3A_1610, %add3A_1664 : i32
        %swap3A_1666 = arith.index_cast %add3A_1623 : i32 to index
        %swap3A_1667 = tpu.vector_load %arg7[%swap3A_1666] {strides = array<i32>} : memref<49152xf32, #tpu.memory_space<vmem>>, vector<16xf32>,
        tpu.vector_store %arg7[%swap3A_1666], %gather3A_1621 {strides = array<i32>} : memref<49152xf32, #tpu.memory_space<vmem>>, vector<16xf32>,
        %add3A_1668 = arith.addi %and3A_1618, %add3A_37 : vector<16xi32>
        %select_n3A_1669 = arith.select %lt3A_1607, %add3A_1668, %add3A_37 : vector<16xi1>, vector<16xi32>
        %gather3A_1670 = tpu.vector_load_idx %arg5[%select_n3A_1669] masked %broadcast_in_dim3A_71 : memref<32768xf32, #tpu.memory_space<vmem>>[vector<16xi32>], vector<16xf32>, vector<16xi1>
        %add3A_1671 = arith.constant 112 : i32
        %add3A_1672 = arith.addi %add3A_1610, %add3A_1671 : i32
        %swap3A_1673 = arith.index_cast %add3A_1630 : i32 to index
        %swap3A_1674 = tpu.vector_load %arg7[%swap3A_1673] {strides = array<i32>} : memref<49152xf32, #tpu.memory_space<vmem>>, vector<16xf32>,
        tpu.vector_store %arg7[%swap3A_1673], %gather3A_1628 {strides = array<i32>} : memref<49152xf32, #tpu.memory_space<vmem>>, vector<16xf32>,
        %lt3A_1675 = arith.constant 0 : i32
        %lt3A_1676 = vector.broadcast %lt3A_1675 : i32 to vector<16xi32>
        %lt3A_1677 = arith.cmpi slt, %broadcast_in_dim3A_47, %lt3A_1676 : vector<16xi32>
        %add3A_1678 = arith.constant 16 : i32
        %add3A_1679 = vector.broadcast %add3A_1678 : i32 to vector<16xi32>
        %add3A_1680 = arith.addi %broadcast_in_dim3A_47, %add3A_1679 : vector<16xi32>
        %select_n3A_1681 = arith.select %lt3A_1677, %add3A_1680, %broadcast_in_dim3A_47 : vector<16xi1>, vector<16xi32>
        %broadcast_in_dim3A_1682 = vector.shape_cast %select_n3A_1681 : vector<16xi32> to vector<16x1xi32>
        %gather3A_1683 = vector.shape_cast %broadcast_in_dim3A_1682 : vector<16x1xi32> to vector<16xi32>
        %gather3A_1684 = tpu.dynamic_gather %get3A_131[%gather3A_1683] in [0] : vector<16xi32>, vector<16xi32> -> vector<16xi32>
        %lt3A_1685 = arith.cmpi slt, %gather3A_1684, %broadcast_in_dim3A_3 : vector<16xi32>
        %abs3A_1686 = math.absi %gather3A_1684 : vector<16xi32>
        %add3A_1687 = arith.constant 2560 : i32
        %add3A_1688 = arith.addi %add3A_134, %add3A_1687 : i32
        %shift_left3A_1689 = arith.shli %abs3A_1686, %broadcast_in_dim3A_5 : vector<16xi32>
        %and3A_1690 = arith.andi %shift_left3A_1689, %broadcast_in_dim3A_7 : vector<16xi32>
        %shift_right_arithmetic3A_1691 = arith.shrsi %abs3A_1686, %broadcast_in_dim3A_9 : vector<16xi32>
        %and3A_1692 = arith.andi %shift_right_arithmetic3A_1691, %broadcast_in_dim3A_7 : vector<16xi32>
        %shift_right_arithmetic3A_1693 = arith.shrsi %abs3A_1686, %broadcast_in_dim3A_11 : vector<16xi32>
        %and3A_1694 = arith.andi %shift_right_arithmetic3A_1693, %broadcast_in_dim3A_7 : vector<16xi32>
        %shift_right_arithmetic3A_1695 = arith.shrsi %abs3A_1686, %broadcast_in_dim3A_13 : vector<16xi32>
        %and3A_1696 = arith.andi %shift_right_arithmetic3A_1695, %broadcast_in_dim3A_7 : vector<16xi32>
        %add3A_1697 = arith.addi %and3A_1690, %add3A_16 : vector<16xi32>
        %select_n3A_1698 = arith.select %lt3A_1685, %add3A_16, %add3A_1697 : vector<16xi1>, vector<16xi32>
        %gather3A_1699 = tpu.vector_load_idx %arg5[%select_n3A_1698] masked %broadcast_in_dim3A_71 : memref<32768xf32, #tpu.memory_space<vmem>>[vector<16xi32>], vector<16xf32>, vector<16xi1>
        %add3A_1700 = arith.constant 0 : i32
        %add3A_1701 = arith.addi %add3A_1688, %add3A_1700 : i32
        %swap3A_1702 = arith.index_cast %add3A_1637 : i32 to index
        %swap3A_1703 = tpu.vector_load %arg7[%swap3A_1702] {strides = array<i32>} : memref<49152xf32, #tpu.memory_space<vmem>>, vector<16xf32>,
        tpu.vector_store %arg7[%swap3A_1702], %gather3A_1635 {strides = array<i32>} : memref<49152xf32, #tpu.memory_space<vmem>>, vector<16xf32>,
        %add3A_1704 = arith.addi %and3A_1692, %add3A_19 : vector<16xi32>
        %select_n3A_1705 = arith.select %lt3A_1685, %add3A_19, %add3A_1704 : vector<16xi1>, vector<16xi32>
        %gather3A_1706 = tpu.vector_load_idx %arg5[%select_n3A_1705] masked %broadcast_in_dim3A_71 : memref<32768xf32, #tpu.memory_space<vmem>>[vector<16xi32>], vector<16xf32>, vector<16xi1>
        %add3A_1707 = arith.constant 16 : i32
        %add3A_1708 = arith.addi %add3A_1688, %add3A_1707 : i32
        %swap3A_1709 = arith.index_cast %add3A_1644 : i32 to index
        %swap3A_1710 = tpu.vector_load %arg7[%swap3A_1709] {strides = array<i32>} : memref<49152xf32, #tpu.memory_space<vmem>>, vector<16xf32>,
        tpu.vector_store %arg7[%swap3A_1709], %gather3A_1642 {strides = array<i32>} : memref<49152xf32, #tpu.memory_space<vmem>>, vector<16xf32>,
        %add3A_1711 = arith.addi %and3A_1694, %add3A_22 : vector<16xi32>
        %select_n3A_1712 = arith.select %lt3A_1685, %add3A_22, %add3A_1711 : vector<16xi1>, vector<16xi32>
        %gather3A_1713 = tpu.vector_load_idx %arg5[%select_n3A_1712] masked %broadcast_in_dim3A_71 : memref<32768xf32, #tpu.memory_space<vmem>>[vector<16xi32>], vector<16xf32>, vector<16xi1>
        %add3A_1714 = arith.constant 32 : i32
        %add3A_1715 = arith.addi %add3A_1688, %add3A_1714 : i32
        %swap3A_1716 = arith.index_cast %add3A_1651 : i32 to index
        %swap3A_1717 = tpu.vector_load %arg7[%swap3A_1716] {strides = array<i32>} : memref<49152xf32, #tpu.memory_space<vmem>>, vector<16xf32>,
        tpu.vector_store %arg7[%swap3A_1716], %gather3A_1649 {strides = array<i32>} : memref<49152xf32, #tpu.memory_space<vmem>>, vector<16xf32>,
        %add3A_1718 = arith.addi %and3A_1696, %add3A_25 : vector<16xi32>
        %select_n3A_1719 = arith.select %lt3A_1685, %add3A_25, %add3A_1718 : vector<16xi1>, vector<16xi32>
        %gather3A_1720 = tpu.vector_load_idx %arg5[%select_n3A_1719] masked %broadcast_in_dim3A_71 : memref<32768xf32, #tpu.memory_space<vmem>>[vector<16xi32>], vector<16xf32>, vector<16xi1>
        %add3A_1721 = arith.constant 48 : i32
        %add3A_1722 = arith.addi %add3A_1688, %add3A_1721 : i32
        %swap3A_1723 = arith.index_cast %add3A_1658 : i32 to index
        %swap3A_1724 = tpu.vector_load %arg7[%swap3A_1723] {strides = array<i32>} : memref<49152xf32, #tpu.memory_space<vmem>>, vector<16xf32>,
        tpu.vector_store %arg7[%swap3A_1723], %gather3A_1656 {strides = array<i32>} : memref<49152xf32, #tpu.memory_space<vmem>>, vector<16xf32>,
        %add3A_1725 = arith.addi %and3A_1690, %add3A_28 : vector<16xi32>
        %select_n3A_1726 = arith.select %lt3A_1685, %add3A_1725, %add3A_28 : vector<16xi1>, vector<16xi32>
        %gather3A_1727 = tpu.vector_load_idx %arg5[%select_n3A_1726] masked %broadcast_in_dim3A_71 : memref<32768xf32, #tpu.memory_space<vmem>>[vector<16xi32>], vector<16xf32>, vector<16xi1>
        %add3A_1728 = arith.constant 64 : i32
        %add3A_1729 = arith.addi %add3A_1688, %add3A_1728 : i32
        %swap3A_1730 = arith.index_cast %add3A_1665 : i32 to index
        %swap3A_1731 = tpu.vector_load %arg7[%swap3A_1730] {strides = array<i32>} : memref<49152xf32, #tpu.memory_space<vmem>>, vector<16xf32>,
        tpu.vector_store %arg7[%swap3A_1730], %gather3A_1663 {strides = array<i32>} : memref<49152xf32, #tpu.memory_space<vmem>>, vector<16xf32>,
        %add3A_1732 = arith.addi %and3A_1692, %add3A_31 : vector<16xi32>
        %select_n3A_1733 = arith.select %lt3A_1685, %add3A_1732, %add3A_31 : vector<16xi1>, vector<16xi32>
        %gather3A_1734 = tpu.vector_load_idx %arg5[%select_n3A_1733] masked %broadcast_in_dim3A_71 : memref<32768xf32, #tpu.memory_space<vmem>>[vector<16xi32>], vector<16xf32>, vector<16xi1>
        %add3A_1735 = arith.constant 80 : i32
        %add3A_1736 = arith.addi %add3A_1688, %add3A_1735 : i32
        %swap3A_1737 = arith.index_cast %add3A_1672 : i32 to index
        %swap3A_1738 = tpu.vector_load %arg7[%swap3A_1737] {strides = array<i32>} : memref<49152xf32, #tpu.memory_space<vmem>>, vector<16xf32>,
        tpu.vector_store %arg7[%swap3A_1737], %gather3A_1670 {strides = array<i32>} : memref<49152xf32, #tpu.memory_space<vmem>>, vector<16xf32>,
        %add3A_1739 = arith.addi %and3A_1694, %add3A_34 : vector<16xi32>
        %select_n3A_1740 = arith.select %lt3A_1685, %add3A_1739, %add3A_34 : vector<16xi1>, vector<16xi32>
        %gather3A_1741 = tpu.vector_load_idx %arg5[%select_n3A_1740] masked %broadcast_in_dim3A_71 : memref<32768xf32, #tpu.memory_space<vmem>>[vector<16xi32>], vector<16xf32>, vector<16xi1>
        %add3A_1742 = arith.constant 96 : i32
        %add3A_1743 = arith.addi %add3A_1688, %add3A_1742 : i32
        %swap3A_1744 = arith.index_cast %add3A_1701 : i32 to index
        %swap3A_1745 = tpu.vector_load %arg7[%swap3A_1744] {strides = array<i32>} : memref<49152xf32, #tpu.memory_space<vmem>>, vector<16xf32>,
        tpu.vector_store %arg7[%swap3A_1744], %gather3A_1699 {strides = array<i32>} : memref<49152xf32, #tpu.memory_space<vmem>>, vector<16xf32>,
        %add3A_1746 = arith.addi %and3A_1696, %add3A_37 : vector<16xi32>
        %select_n3A_1747 = arith.select %lt3A_1685, %add3A_1746, %add3A_37 : vector<16xi1>, vector<16xi32>
        %gather3A_1748 = tpu.vector_load_idx %arg5[%select_n3A_1747] masked %broadcast_in_dim3A_71 : memref<32768xf32, #tpu.memory_space<vmem>>[vector<16xi32>], vector<16xf32>, vector<16xi1>
        %add3A_1749 = arith.constant 112 : i32
        %add3A_1750 = arith.addi %add3A_1688, %add3A_1749 : i32
        %swap3A_1751 = arith.index_cast %add3A_1708 : i32 to index
        %swap3A_1752 = tpu.vector_load %arg7[%swap3A_1751] {strides = array<i32>} : memref<49152xf32, #tpu.memory_space<vmem>>, vector<16xf32>,
        tpu.vector_store %arg7[%swap3A_1751], %gather3A_1706 {strides = array<i32>} : memref<49152xf32, #tpu.memory_space<vmem>>, vector<16xf32>,
        %lt3A_1753 = arith.constant 0 : i32
        %lt3A_1754 = vector.broadcast %lt3A_1753 : i32 to vector<16xi32>
        %lt3A_1755 = arith.cmpi slt, %broadcast_in_dim3A_49, %lt3A_1754 : vector<16xi32>
        %add3A_1756 = arith.constant 16 : i32
        %add3A_1757 = vector.broadcast %add3A_1756 : i32 to vector<16xi32>
        %add3A_1758 = arith.addi %broadcast_in_dim3A_49, %add3A_1757 : vector<16xi32>
        %select_n3A_1759 = arith.select %lt3A_1755, %add3A_1758, %broadcast_in_dim3A_49 : vector<16xi1>, vector<16xi32>
        %broadcast_in_dim3A_1760 = vector.shape_cast %select_n3A_1759 : vector<16xi32> to vector<16x1xi32>
        %gather3A_1761 = vector.shape_cast %broadcast_in_dim3A_1760 : vector<16x1xi32> to vector<16xi32>
        %gather3A_1762 = tpu.dynamic_gather %get3A_131[%gather3A_1761] in [0] : vector<16xi32>, vector<16xi32> -> vector<16xi32>
        %lt3A_1763 = arith.cmpi slt, %gather3A_1762, %broadcast_in_dim3A_3 : vector<16xi32>
        %abs3A_1764 = math.absi %gather3A_1762 : vector<16xi32>
        %add3A_1765 = arith.constant 2688 : i32
        %add3A_1766 = arith.addi %add3A_134, %add3A_1765 : i32
        %shift_left3A_1767 = arith.shli %abs3A_1764, %broadcast_in_dim3A_5 : vector<16xi32>
        %and3A_1768 = arith.andi %shift_left3A_1767, %broadcast_in_dim3A_7 : vector<16xi32>
        %shift_right_arithmetic3A_1769 = arith.shrsi %abs3A_1764, %broadcast_in_dim3A_9 : vector<16xi32>
        %and3A_1770 = arith.andi %shift_right_arithmetic3A_1769, %broadcast_in_dim3A_7 : vector<16xi32>
        %shift_right_arithmetic3A_1771 = arith.shrsi %abs3A_1764, %broadcast_in_dim3A_11 : vector<16xi32>
        %and3A_1772 = arith.andi %shift_right_arithmetic3A_1771, %broadcast_in_dim3A_7 : vector<16xi32>
        %shift_right_arithmetic3A_1773 = arith.shrsi %abs3A_1764, %broadcast_in_dim3A_13 : vector<16xi32>
        %and3A_1774 = arith.andi %shift_right_arithmetic3A_1773, %broadcast_in_dim3A_7 : vector<16xi32>
        %add3A_1775 = arith.addi %and3A_1768, %add3A_16 : vector<16xi32>
        %select_n3A_1776 = arith.select %lt3A_1763, %add3A_16, %add3A_1775 : vector<16xi1>, vector<16xi32>
        %gather3A_1777 = tpu.vector_load_idx %arg5[%select_n3A_1776] masked %broadcast_in_dim3A_71 : memref<32768xf32, #tpu.memory_space<vmem>>[vector<16xi32>], vector<16xf32>, vector<16xi1>
        %add3A_1778 = arith.constant 0 : i32
        %add3A_1779 = arith.addi %add3A_1766, %add3A_1778 : i32
        %swap3A_1780 = arith.index_cast %add3A_1715 : i32 to index
        %swap3A_1781 = tpu.vector_load %arg7[%swap3A_1780] {strides = array<i32>} : memref<49152xf32, #tpu.memory_space<vmem>>, vector<16xf32>,
        tpu.vector_store %arg7[%swap3A_1780], %gather3A_1713 {strides = array<i32>} : memref<49152xf32, #tpu.memory_space<vmem>>, vector<16xf32>,
        %add3A_1782 = arith.addi %and3A_1770, %add3A_19 : vector<16xi32>
        %select_n3A_1783 = arith.select %lt3A_1763, %add3A_19, %add3A_1782 : vector<16xi1>, vector<16xi32>
        %gather3A_1784 = tpu.vector_load_idx %arg5[%select_n3A_1783] masked %broadcast_in_dim3A_71 : memref<32768xf32, #tpu.memory_space<vmem>>[vector<16xi32>], vector<16xf32>, vector<16xi1>
        %add3A_1785 = arith.constant 16 : i32
        %add3A_1786 = arith.addi %add3A_1766, %add3A_1785 : i32
        %swap3A_1787 = arith.index_cast %add3A_1722 : i32 to index
        %swap3A_1788 = tpu.vector_load %arg7[%swap3A_1787] {strides = array<i32>} : memref<49152xf32, #tpu.memory_space<vmem>>, vector<16xf32>,
        tpu.vector_store %arg7[%swap3A_1787], %gather3A_1720 {strides = array<i32>} : memref<49152xf32, #tpu.memory_space<vmem>>, vector<16xf32>,
        %add3A_1789 = arith.addi %and3A_1772, %add3A_22 : vector<16xi32>
        %select_n3A_1790 = arith.select %lt3A_1763, %add3A_22, %add3A_1789 : vector<16xi1>, vector<16xi32>
        %gather3A_1791 = tpu.vector_load_idx %arg5[%select_n3A_1790] masked %broadcast_in_dim3A_71 : memref<32768xf32, #tpu.memory_space<vmem>>[vector<16xi32>], vector<16xf32>, vector<16xi1>
        %add3A_1792 = arith.constant 32 : i32
        %add3A_1793 = arith.addi %add3A_1766, %add3A_1792 : i32
        %swap3A_1794 = arith.index_cast %add3A_1729 : i32 to index
        %swap3A_1795 = tpu.vector_load %arg7[%swap3A_1794] {strides = array<i32>} : memref<49152xf32, #tpu.memory_space<vmem>>, vector<16xf32>,
        tpu.vector_store %arg7[%swap3A_1794], %gather3A_1727 {strides = array<i32>} : memref<49152xf32, #tpu.memory_space<vmem>>, vector<16xf32>,
        %add3A_1796 = arith.addi %and3A_1774, %add3A_25 : vector<16xi32>
        %select_n3A_1797 = arith.select %lt3A_1763, %add3A_25, %add3A_1796 : vector<16xi1>, vector<16xi32>
        %gather3A_1798 = tpu.vector_load_idx %arg5[%select_n3A_1797] masked %broadcast_in_dim3A_71 : memref<32768xf32, #tpu.memory_space<vmem>>[vector<16xi32>], vector<16xf32>, vector<16xi1>
        %add3A_1799 = arith.constant 48 : i32
        %add3A_1800 = arith.addi %add3A_1766, %add3A_1799 : i32
        %swap3A_1801 = arith.index_cast %add3A_1736 : i32 to index
        %swap3A_1802 = tpu.vector_load %arg7[%swap3A_1801] {strides = array<i32>} : memref<49152xf32, #tpu.memory_space<vmem>>, vector<16xf32>,
        tpu.vector_store %arg7[%swap3A_1801], %gather3A_1734 {strides = array<i32>} : memref<49152xf32, #tpu.memory_space<vmem>>, vector<16xf32>,
        %add3A_1803 = arith.addi %and3A_1768, %add3A_28 : vector<16xi32>
        %select_n3A_1804 = arith.select %lt3A_1763, %add3A_1803, %add3A_28 : vector<16xi1>, vector<16xi32>
        %gather3A_1805 = tpu.vector_load_idx %arg5[%select_n3A_1804] masked %broadcast_in_dim3A_71 : memref<32768xf32, #tpu.memory_space<vmem>>[vector<16xi32>], vector<16xf32>, vector<16xi1>
        %add3A_1806 = arith.constant 64 : i32
        %add3A_1807 = arith.addi %add3A_1766, %add3A_1806 : i32
        %swap3A_1808 = arith.index_cast %add3A_1743 : i32 to index
        %swap3A_1809 = tpu.vector_load %arg7[%swap3A_1808] {strides = array<i32>} : memref<49152xf32, #tpu.memory_space<vmem>>, vector<16xf32>,
        tpu.vector_store %arg7[%swap3A_1808], %gather3A_1741 {strides = array<i32>} : memref<49152xf32, #tpu.memory_space<vmem>>, vector<16xf32>,
        %add3A_1810 = arith.addi %and3A_1770, %add3A_31 : vector<16xi32>
        %select_n3A_1811 = arith.select %lt3A_1763, %add3A_1810, %add3A_31 : vector<16xi1>, vector<16xi32>
        %gather3A_1812 = tpu.vector_load_idx %arg5[%select_n3A_1811] masked %broadcast_in_dim3A_71 : memref<32768xf32, #tpu.memory_space<vmem>>[vector<16xi32>], vector<16xf32>, vector<16xi1>
        %add3A_1813 = arith.constant 80 : i32
        %add3A_1814 = arith.addi %add3A_1766, %add3A_1813 : i32
        %swap3A_1815 = arith.index_cast %add3A_1750 : i32 to index
        %swap3A_1816 = tpu.vector_load %arg7[%swap3A_1815] {strides = array<i32>} : memref<49152xf32, #tpu.memory_space<vmem>>, vector<16xf32>,
        tpu.vector_store %arg7[%swap3A_1815], %gather3A_1748 {strides = array<i32>} : memref<49152xf32, #tpu.memory_space<vmem>>, vector<16xf32>,
        %add3A_1817 = arith.addi %and3A_1772, %add3A_34 : vector<16xi32>
        %select_n3A_1818 = arith.select %lt3A_1763, %add3A_1817, %add3A_34 : vector<16xi1>, vector<16xi32>
        %gather3A_1819 = tpu.vector_load_idx %arg5[%select_n3A_1818] masked %broadcast_in_dim3A_71 : memref<32768xf32, #tpu.memory_space<vmem>>[vector<16xi32>], vector<16xf32>, vector<16xi1>
        %add3A_1820 = arith.constant 96 : i32
        %add3A_1821 = arith.addi %add3A_1766, %add3A_1820 : i32
        %swap3A_1822 = arith.index_cast %add3A_1779 : i32 to index
        %swap3A_1823 = tpu.vector_load %arg7[%swap3A_1822] {strides = array<i32>} : memref<49152xf32, #tpu.memory_space<vmem>>, vector<16xf32>,
        tpu.vector_store %arg7[%swap3A_1822], %gather3A_1777 {strides = array<i32>} : memref<49152xf32, #tpu.memory_space<vmem>>, vector<16xf32>,
        %add3A_1824 = arith.addi %and3A_1774, %add3A_37 : vector<16xi32>
        %select_n3A_1825 = arith.select %lt3A_1763, %add3A_1824, %add3A_37 : vector<16xi1>, vector<16xi32>
        %gather3A_1826 = tpu.vector_load_idx %arg5[%select_n3A_1825] masked %broadcast_in_dim3A_71 : memref<32768xf32, #tpu.memory_space<vmem>>[vector<16xi32>], vector<16xf32>, vector<16xi1>
        %add3A_1827 = arith.constant 112 : i32
        %add3A_1828 = arith.addi %add3A_1766, %add3A_1827 : i32
        %swap3A_1829 = arith.index_cast %add3A_1786 : i32 to index
        %swap3A_1830 = tpu.vector_load %arg7[%swap3A_1829] {strides = array<i32>} : memref<49152xf32, #tpu.memory_space<vmem>>, vector<16xf32>,
        tpu.vector_store %arg7[%swap3A_1829], %gather3A_1784 {strides = array<i32>} : memref<49152xf32, #tpu.memory_space<vmem>>, vector<16xf32>,
        %lt3A_1831 = arith.constant 0 : i32
        %lt3A_1832 = vector.broadcast %lt3A_1831 : i32 to vector<16xi32>
        %lt3A_1833 = arith.cmpi slt, %broadcast_in_dim3A_51, %lt3A_1832 : vector<16xi32>
        %add3A_1834 = arith.constant 16 : i32
        %add3A_1835 = vector.broadcast %add3A_1834 : i32 to vector<16xi32>
        %add3A_1836 = arith.addi %broadcast_in_dim3A_51, %add3A_1835 : vector<16xi32>
        %select_n3A_1837 = arith.select %lt3A_1833, %add3A_1836, %broadcast_in_dim3A_51 : vector<16xi1>, vector<16xi32>
        %broadcast_in_dim3A_1838 = vector.shape_cast %select_n3A_1837 : vector<16xi32> to vector<16x1xi32>
        %gather3A_1839 = vector.shape_cast %broadcast_in_dim3A_1838 : vector<16x1xi32> to vector<16xi32>
        %gather3A_1840 = tpu.dynamic_gather %get3A_131[%gather3A_1839] in [0] : vector<16xi32>, vector<16xi32> -> vector<16xi32>
        %lt3A_1841 = arith.cmpi slt, %gather3A_1840, %broadcast_in_dim3A_3 : vector<16xi32>
        %abs3A_1842 = math.absi %gather3A_1840 : vector<16xi32>
        %add3A_1843 = arith.constant 2816 : i32
        %add3A_1844 = arith.addi %add3A_134, %add3A_1843 : i32
        %shift_left3A_1845 = arith.shli %abs3A_1842, %broadcast_in_dim3A_5 : vector<16xi32>
        %and3A_1846 = arith.andi %shift_left3A_1845, %broadcast_in_dim3A_7 : vector<16xi32>
        %shift_right_arithmetic3A_1847 = arith.shrsi %abs3A_1842, %broadcast_in_dim3A_9 : vector<16xi32>
        %and3A_1848 = arith.andi %shift_right_arithmetic3A_1847, %broadcast_in_dim3A_7 : vector<16xi32>
        %shift_right_arithmetic3A_1849 = arith.shrsi %abs3A_1842, %broadcast_in_dim3A_11 : vector<16xi32>
        %and3A_1850 = arith.andi %shift_right_arithmetic3A_1849, %broadcast_in_dim3A_7 : vector<16xi32>
        %shift_right_arithmetic3A_1851 = arith.shrsi %abs3A_1842, %broadcast_in_dim3A_13 : vector<16xi32>
        %and3A_1852 = arith.andi %shift_right_arithmetic3A_1851, %broadcast_in_dim3A_7 : vector<16xi32>
        %add3A_1853 = arith.addi %and3A_1846, %add3A_16 : vector<16xi32>
        %select_n3A_1854 = arith.select %lt3A_1841, %add3A_16, %add3A_1853 : vector<16xi1>, vector<16xi32>
        %gather3A_1855 = tpu.vector_load_idx %arg5[%select_n3A_1854] masked %broadcast_in_dim3A_71 : memref<32768xf32, #tpu.memory_space<vmem>>[vector<16xi32>], vector<16xf32>, vector<16xi1>
        %add3A_1856 = arith.constant 0 : i32
        %add3A_1857 = arith.addi %add3A_1844, %add3A_1856 : i32
        %swap3A_1858 = arith.index_cast %add3A_1793 : i32 to index
        %swap3A_1859 = tpu.vector_load %arg7[%swap3A_1858] {strides = array<i32>} : memref<49152xf32, #tpu.memory_space<vmem>>, vector<16xf32>,
        tpu.vector_store %arg7[%swap3A_1858], %gather3A_1791 {strides = array<i32>} : memref<49152xf32, #tpu.memory_space<vmem>>, vector<16xf32>,
        %add3A_1860 = arith.addi %and3A_1848, %add3A_19 : vector<16xi32>
        %select_n3A_1861 = arith.select %lt3A_1841, %add3A_19, %add3A_1860 : vector<16xi1>, vector<16xi32>
        %gather3A_1862 = tpu.vector_load_idx %arg5[%select_n3A_1861] masked %broadcast_in_dim3A_71 : memref<32768xf32, #tpu.memory_space<vmem>>[vector<16xi32>], vector<16xf32>, vector<16xi1>
        %add3A_1863 = arith.constant 16 : i32
        %add3A_1864 = arith.addi %add3A_1844, %add3A_1863 : i32
        %swap3A_1865 = arith.index_cast %add3A_1800 : i32 to index
        %swap3A_1866 = tpu.vector_load %arg7[%swap3A_1865] {strides = array<i32>} : memref<49152xf32, #tpu.memory_space<vmem>>, vector<16xf32>,
        tpu.vector_store %arg7[%swap3A_1865], %gather3A_1798 {strides = array<i32>} : memref<49152xf32, #tpu.memory_space<vmem>>, vector<16xf32>,
        %add3A_1867 = arith.addi %and3A_1850, %add3A_22 : vector<16xi32>
        %select_n3A_1868 = arith.select %lt3A_1841, %add3A_22, %add3A_1867 : vector<16xi1>, vector<16xi32>
        %gather3A_1869 = tpu.vector_load_idx %arg5[%select_n3A_1868] masked %broadcast_in_dim3A_71 : memref<32768xf32, #tpu.memory_space<vmem>>[vector<16xi32>], vector<16xf32>, vector<16xi1>
        %add3A_1870 = arith.constant 32 : i32
        %add3A_1871 = arith.addi %add3A_1844, %add3A_1870 : i32
        %swap3A_1872 = arith.index_cast %add3A_1807 : i32 to index
        %swap3A_1873 = tpu.vector_load %arg7[%swap3A_1872] {strides = array<i32>} : memref<49152xf32, #tpu.memory_space<vmem>>, vector<16xf32>,
        tpu.vector_store %arg7[%swap3A_1872], %gather3A_1805 {strides = array<i32>} : memref<49152xf32, #tpu.memory_space<vmem>>, vector<16xf32>,
        %add3A_1874 = arith.addi %and3A_1852, %add3A_25 : vector<16xi32>
        %select_n3A_1875 = arith.select %lt3A_1841, %add3A_25, %add3A_1874 : vector<16xi1>, vector<16xi32>
        %gather3A_1876 = tpu.vector_load_idx %arg5[%select_n3A_1875] masked %broadcast_in_dim3A_71 : memref<32768xf32, #tpu.memory_space<vmem>>[vector<16xi32>], vector<16xf32>, vector<16xi1>
        %add3A_1877 = arith.constant 48 : i32
        %add3A_1878 = arith.addi %add3A_1844, %add3A_1877 : i32
        %swap3A_1879 = arith.index_cast %add3A_1814 : i32 to index
        %swap3A_1880 = tpu.vector_load %arg7[%swap3A_1879] {strides = array<i32>} : memref<49152xf32, #tpu.memory_space<vmem>>, vector<16xf32>,
        tpu.vector_store %arg7[%swap3A_1879], %gather3A_1812 {strides = array<i32>} : memref<49152xf32, #tpu.memory_space<vmem>>, vector<16xf32>,
        %add3A_1881 = arith.addi %and3A_1846, %add3A_28 : vector<16xi32>
        %select_n3A_1882 = arith.select %lt3A_1841, %add3A_1881, %add3A_28 : vector<16xi1>, vector<16xi32>
        %gather3A_1883 = tpu.vector_load_idx %arg5[%select_n3A_1882] masked %broadcast_in_dim3A_71 : memref<32768xf32, #tpu.memory_space<vmem>>[vector<16xi32>], vector<16xf32>, vector<16xi1>
        %add3A_1884 = arith.constant 64 : i32
        %add3A_1885 = arith.addi %add3A_1844, %add3A_1884 : i32
        %swap3A_1886 = arith.index_cast %add3A_1821 : i32 to index
        %swap3A_1887 = tpu.vector_load %arg7[%swap3A_1886] {strides = array<i32>} : memref<49152xf32, #tpu.memory_space<vmem>>, vector<16xf32>,
        tpu.vector_store %arg7[%swap3A_1886], %gather3A_1819 {strides = array<i32>} : memref<49152xf32, #tpu.memory_space<vmem>>, vector<16xf32>,
        %add3A_1888 = arith.addi %and3A_1848, %add3A_31 : vector<16xi32>
        %select_n3A_1889 = arith.select %lt3A_1841, %add3A_1888, %add3A_31 : vector<16xi1>, vector<16xi32>
        %gather3A_1890 = tpu.vector_load_idx %arg5[%select_n3A_1889] masked %broadcast_in_dim3A_71 : memref<32768xf32, #tpu.memory_space<vmem>>[vector<16xi32>], vector<16xf32>, vector<16xi1>
        %add3A_1891 = arith.constant 80 : i32
        %add3A_1892 = arith.addi %add3A_1844, %add3A_1891 : i32
        %swap3A_1893 = arith.index_cast %add3A_1828 : i32 to index
        %swap3A_1894 = tpu.vector_load %arg7[%swap3A_1893] {strides = array<i32>} : memref<49152xf32, #tpu.memory_space<vmem>>, vector<16xf32>,
        tpu.vector_store %arg7[%swap3A_1893], %gather3A_1826 {strides = array<i32>} : memref<49152xf32, #tpu.memory_space<vmem>>, vector<16xf32>,
        %add3A_1895 = arith.addi %and3A_1850, %add3A_34 : vector<16xi32>
        %select_n3A_1896 = arith.select %lt3A_1841, %add3A_1895, %add3A_34 : vector<16xi1>, vector<16xi32>
        %gather3A_1897 = tpu.vector_load_idx %arg5[%select_n3A_1896] masked %broadcast_in_dim3A_71 : memref<32768xf32, #tpu.memory_space<vmem>>[vector<16xi32>], vector<16xf32>, vector<16xi1>
        %add3A_1898 = arith.constant 96 : i32
        %add3A_1899 = arith.addi %add3A_1844, %add3A_1898 : i32
        %swap3A_1900 = arith.index_cast %add3A_1857 : i32 to index
        %swap3A_1901 = tpu.vector_load %arg7[%swap3A_1900] {strides = array<i32>} : memref<49152xf32, #tpu.memory_space<vmem>>, vector<16xf32>,
        tpu.vector_store %arg7[%swap3A_1900], %gather3A_1855 {strides = array<i32>} : memref<49152xf32, #tpu.memory_space<vmem>>, vector<16xf32>,
        %add3A_1902 = arith.addi %and3A_1852, %add3A_37 : vector<16xi32>
        %select_n3A_1903 = arith.select %lt3A_1841, %add3A_1902, %add3A_37 : vector<16xi1>, vector<16xi32>
        %gather3A_1904 = tpu.vector_load_idx %arg5[%select_n3A_1903] masked %broadcast_in_dim3A_71 : memref<32768xf32, #tpu.memory_space<vmem>>[vector<16xi32>], vector<16xf32>, vector<16xi1>
        %add3A_1905 = arith.constant 112 : i32
        %add3A_1906 = arith.addi %add3A_1844, %add3A_1905 : i32
        %swap3A_1907 = arith.index_cast %add3A_1864 : i32 to index
        %swap3A_1908 = tpu.vector_load %arg7[%swap3A_1907] {strides = array<i32>} : memref<49152xf32, #tpu.memory_space<vmem>>, vector<16xf32>,
        tpu.vector_store %arg7[%swap3A_1907], %gather3A_1862 {strides = array<i32>} : memref<49152xf32, #tpu.memory_space<vmem>>, vector<16xf32>,
        %lt3A_1909 = arith.constant 0 : i32
        %lt3A_1910 = vector.broadcast %lt3A_1909 : i32 to vector<16xi32>
        %lt3A_1911 = arith.cmpi slt, %broadcast_in_dim3A_53, %lt3A_1910 : vector<16xi32>
        %add3A_1912 = arith.constant 16 : i32
        %add3A_1913 = vector.broadcast %add3A_1912 : i32 to vector<16xi32>
        %add3A_1914 = arith.addi %broadcast_in_dim3A_53, %add3A_1913 : vector<16xi32>
        %select_n3A_1915 = arith.select %lt3A_1911, %add3A_1914, %broadcast_in_dim3A_53 : vector<16xi1>, vector<16xi32>
        %broadcast_in_dim3A_1916 = vector.shape_cast %select_n3A_1915 : vector<16xi32> to vector<16x1xi32>
        %gather3A_1917 = vector.shape_cast %broadcast_in_dim3A_1916 : vector<16x1xi32> to vector<16xi32>
        %gather3A_1918 = tpu.dynamic_gather %get3A_131[%gather3A_1917] in [0] : vector<16xi32>, vector<16xi32> -> vector<16xi32>
        %lt3A_1919 = arith.cmpi slt, %gather3A_1918, %broadcast_in_dim3A_3 : vector<16xi32>
        %abs3A_1920 = math.absi %gather3A_1918 : vector<16xi32>
        %add3A_1921 = arith.constant 2944 : i32
        %add3A_1922 = arith.addi %add3A_134, %add3A_1921 : i32
        %shift_left3A_1923 = arith.shli %abs3A_1920, %broadcast_in_dim3A_5 : vector<16xi32>
        %and3A_1924 = arith.andi %shift_left3A_1923, %broadcast_in_dim3A_7 : vector<16xi32>
        %shift_right_arithmetic3A_1925 = arith.shrsi %abs3A_1920, %broadcast_in_dim3A_9 : vector<16xi32>
        %and3A_1926 = arith.andi %shift_right_arithmetic3A_1925, %broadcast_in_dim3A_7 : vector<16xi32>
        %shift_right_arithmetic3A_1927 = arith.shrsi %abs3A_1920, %broadcast_in_dim3A_11 : vector<16xi32>
        %and3A_1928 = arith.andi %shift_right_arithmetic3A_1927, %broadcast_in_dim3A_7 : vector<16xi32>
        %shift_right_arithmetic3A_1929 = arith.shrsi %abs3A_1920, %broadcast_in_dim3A_13 : vector<16xi32>
        %and3A_1930 = arith.andi %shift_right_arithmetic3A_1929, %broadcast_in_dim3A_7 : vector<16xi32>
        %add3A_1931 = arith.addi %and3A_1924, %add3A_16 : vector<16xi32>
        %select_n3A_1932 = arith.select %lt3A_1919, %add3A_16, %add3A_1931 : vector<16xi1>, vector<16xi32>
        %gather3A_1933 = tpu.vector_load_idx %arg5[%select_n3A_1932] masked %broadcast_in_dim3A_71 : memref<32768xf32, #tpu.memory_space<vmem>>[vector<16xi32>], vector<16xf32>, vector<16xi1>
        %add3A_1934 = arith.constant 0 : i32
        %add3A_1935 = arith.addi %add3A_1922, %add3A_1934 : i32
        %swap3A_1936 = arith.index_cast %add3A_1871 : i32 to index
        %swap3A_1937 = tpu.vector_load %arg7[%swap3A_1936] {strides = array<i32>} : memref<49152xf32, #tpu.memory_space<vmem>>, vector<16xf32>,
        tpu.vector_store %arg7[%swap3A_1936], %gather3A_1869 {strides = array<i32>} : memref<49152xf32, #tpu.memory_space<vmem>>, vector<16xf32>,
        %add3A_1938 = arith.addi %and3A_1926, %add3A_19 : vector<16xi32>
        %select_n3A_1939 = arith.select %lt3A_1919, %add3A_19, %add3A_1938 : vector<16xi1>, vector<16xi32>
        %gather3A_1940 = tpu.vector_load_idx %arg5[%select_n3A_1939] masked %broadcast_in_dim3A_71 : memref<32768xf32, #tpu.memory_space<vmem>>[vector<16xi32>], vector<16xf32>, vector<16xi1>
        %add3A_1941 = arith.constant 16 : i32
        %add3A_1942 = arith.addi %add3A_1922, %add3A_1941 : i32
        %swap3A_1943 = arith.index_cast %add3A_1878 : i32 to index
        %swap3A_1944 = tpu.vector_load %arg7[%swap3A_1943] {strides = array<i32>} : memref<49152xf32, #tpu.memory_space<vmem>>, vector<16xf32>,
        tpu.vector_store %arg7[%swap3A_1943], %gather3A_1876 {strides = array<i32>} : memref<49152xf32, #tpu.memory_space<vmem>>, vector<16xf32>,
        %add3A_1945 = arith.addi %and3A_1928, %add3A_22 : vector<16xi32>
        %select_n3A_1946 = arith.select %lt3A_1919, %add3A_22, %add3A_1945 : vector<16xi1>, vector<16xi32>
        %gather3A_1947 = tpu.vector_load_idx %arg5[%select_n3A_1946] masked %broadcast_in_dim3A_71 : memref<32768xf32, #tpu.memory_space<vmem>>[vector<16xi32>], vector<16xf32>, vector<16xi1>
        %add3A_1948 = arith.constant 32 : i32
        %add3A_1949 = arith.addi %add3A_1922, %add3A_1948 : i32
        %swap3A_1950 = arith.index_cast %add3A_1885 : i32 to index
        %swap3A_1951 = tpu.vector_load %arg7[%swap3A_1950] {strides = array<i32>} : memref<49152xf32, #tpu.memory_space<vmem>>, vector<16xf32>,
        tpu.vector_store %arg7[%swap3A_1950], %gather3A_1883 {strides = array<i32>} : memref<49152xf32, #tpu.memory_space<vmem>>, vector<16xf32>,
        %add3A_1952 = arith.addi %and3A_1930, %add3A_25 : vector<16xi32>
        %select_n3A_1953 = arith.select %lt3A_1919, %add3A_25, %add3A_1952 : vector<16xi1>, vector<16xi32>
        %gather3A_1954 = tpu.vector_load_idx %arg5[%select_n3A_1953] masked %broadcast_in_dim3A_71 : memref<32768xf32, #tpu.memory_space<vmem>>[vector<16xi32>], vector<16xf32>, vector<16xi1>
        %add3A_1955 = arith.constant 48 : i32
        %add3A_1956 = arith.addi %add3A_1922, %add3A_1955 : i32
        %swap3A_1957 = arith.index_cast %add3A_1892 : i32 to index
        %swap3A_1958 = tpu.vector_load %arg7[%swap3A_1957] {strides = array<i32>} : memref<49152xf32, #tpu.memory_space<vmem>>, vector<16xf32>,
        tpu.vector_store %arg7[%swap3A_1957], %gather3A_1890 {strides = array<i32>} : memref<49152xf32, #tpu.memory_space<vmem>>, vector<16xf32>,
        %add3A_1959 = arith.addi %and3A_1924, %add3A_28 : vector<16xi32>
        %select_n3A_1960 = arith.select %lt3A_1919, %add3A_1959, %add3A_28 : vector<16xi1>, vector<16xi32>
        %gather3A_1961 = tpu.vector_load_idx %arg5[%select_n3A_1960] masked %broadcast_in_dim3A_71 : memref<32768xf32, #tpu.memory_space<vmem>>[vector<16xi32>], vector<16xf32>, vector<16xi1>
        %add3A_1962 = arith.constant 64 : i32
        %add3A_1963 = arith.addi %add3A_1922, %add3A_1962 : i32
        %swap3A_1964 = arith.index_cast %add3A_1899 : i32 to index
        %swap3A_1965 = tpu.vector_load %arg7[%swap3A_1964] {strides = array<i32>} : memref<49152xf32, #tpu.memory_space<vmem>>, vector<16xf32>,
        tpu.vector_store %arg7[%swap3A_1964], %gather3A_1897 {strides = array<i32>} : memref<49152xf32, #tpu.memory_space<vmem>>, vector<16xf32>,
        %add3A_1966 = arith.addi %and3A_1926, %add3A_31 : vector<16xi32>
        %select_n3A_1967 = arith.select %lt3A_1919, %add3A_1966, %add3A_31 : vector<16xi1>, vector<16xi32>
        %gather3A_1968 = tpu.vector_load_idx %arg5[%select_n3A_1967] masked %broadcast_in_dim3A_71 : memref<32768xf32, #tpu.memory_space<vmem>>[vector<16xi32>], vector<16xf32>, vector<16xi1>
        %add3A_1969 = arith.constant 80 : i32
        %add3A_1970 = arith.addi %add3A_1922, %add3A_1969 : i32
        %swap3A_1971 = arith.index_cast %add3A_1906 : i32 to index
        %swap3A_1972 = tpu.vector_load %arg7[%swap3A_1971] {strides = array<i32>} : memref<49152xf32, #tpu.memory_space<vmem>>, vector<16xf32>,
        tpu.vector_store %arg7[%swap3A_1971], %gather3A_1904 {strides = array<i32>} : memref<49152xf32, #tpu.memory_space<vmem>>, vector<16xf32>,
        %add3A_1973 = arith.addi %and3A_1928, %add3A_34 : vector<16xi32>
        %select_n3A_1974 = arith.select %lt3A_1919, %add3A_1973, %add3A_34 : vector<16xi1>, vector<16xi32>
        %gather3A_1975 = tpu.vector_load_idx %arg5[%select_n3A_1974] masked %broadcast_in_dim3A_71 : memref<32768xf32, #tpu.memory_space<vmem>>[vector<16xi32>], vector<16xf32>, vector<16xi1>
        %add3A_1976 = arith.constant 96 : i32
        %add3A_1977 = arith.addi %add3A_1922, %add3A_1976 : i32
        %swap3A_1978 = arith.index_cast %add3A_1935 : i32 to index
        %swap3A_1979 = tpu.vector_load %arg7[%swap3A_1978] {strides = array<i32>} : memref<49152xf32, #tpu.memory_space<vmem>>, vector<16xf32>,
        tpu.vector_store %arg7[%swap3A_1978], %gather3A_1933 {strides = array<i32>} : memref<49152xf32, #tpu.memory_space<vmem>>, vector<16xf32>,
        %add3A_1980 = arith.addi %and3A_1930, %add3A_37 : vector<16xi32>
        %select_n3A_1981 = arith.select %lt3A_1919, %add3A_1980, %add3A_37 : vector<16xi1>, vector<16xi32>
        %gather3A_1982 = tpu.vector_load_idx %arg5[%select_n3A_1981] masked %broadcast_in_dim3A_71 : memref<32768xf32, #tpu.memory_space<vmem>>[vector<16xi32>], vector<16xf32>, vector<16xi1>
        %add3A_1983 = arith.constant 112 : i32
        %add3A_1984 = arith.addi %add3A_1922, %add3A_1983 : i32
        %swap3A_1985 = arith.index_cast %add3A_1942 : i32 to index
        %swap3A_1986 = tpu.vector_load %arg7[%swap3A_1985] {strides = array<i32>} : memref<49152xf32, #tpu.memory_space<vmem>>, vector<16xf32>,
        tpu.vector_store %arg7[%swap3A_1985], %gather3A_1940 {strides = array<i32>} : memref<49152xf32, #tpu.memory_space<vmem>>, vector<16xf32>,
        %lt3A_1987 = arith.constant 0 : i32
        %lt3A_1988 = vector.broadcast %lt3A_1987 : i32 to vector<16xi32>
        %lt3A_1989 = arith.cmpi slt, %broadcast_in_dim3A_55, %lt3A_1988 : vector<16xi32>
        %add3A_1990 = arith.constant 16 : i32
        %add3A_1991 = vector.broadcast %add3A_1990 : i32 to vector<16xi32>
        %add3A_1992 = arith.addi %broadcast_in_dim3A_55, %add3A_1991 : vector<16xi32>
        %select_n3A_1993 = arith.select %lt3A_1989, %add3A_1992, %broadcast_in_dim3A_55 : vector<16xi1>, vector<16xi32>
        %broadcast_in_dim3A_1994 = vector.shape_cast %select_n3A_1993 : vector<16xi32> to vector<16x1xi32>
        %gather3A_1995 = vector.shape_cast %broadcast_in_dim3A_1994 : vector<16x1xi32> to vector<16xi32>
        %gather3A_1996 = tpu.dynamic_gather %get3A_131[%gather3A_1995] in [0] : vector<16xi32>, vector<16xi32> -> vector<16xi32>
        %lt3A_1997 = arith.cmpi slt, %gather3A_1996, %broadcast_in_dim3A_3 : vector<16xi32>
        %abs3A_1998 = math.absi %gather3A_1996 : vector<16xi32>
        %add3A_1999 = arith.constant 3072 : i32
        %add3A_2000 = arith.addi %add3A_134, %add3A_1999 : i32
        %shift_left3A_2001 = arith.shli %abs3A_1998, %broadcast_in_dim3A_5 : vector<16xi32>
        %and3A_2002 = arith.andi %shift_left3A_2001, %broadcast_in_dim3A_7 : vector<16xi32>
        %shift_right_arithmetic3A_2003 = arith.shrsi %abs3A_1998, %broadcast_in_dim3A_9 : vector<16xi32>
        %and3A_2004 = arith.andi %shift_right_arithmetic3A_2003, %broadcast_in_dim3A_7 : vector<16xi32>
        %shift_right_arithmetic3A_2005 = arith.shrsi %abs3A_1998, %broadcast_in_dim3A_11 : vector<16xi32>
        %and3A_2006 = arith.andi %shift_right_arithmetic3A_2005, %broadcast_in_dim3A_7 : vector<16xi32>
        %shift_right_arithmetic3A_2007 = arith.shrsi %abs3A_1998, %broadcast_in_dim3A_13 : vector<16xi32>
        %and3A_2008 = arith.andi %shift_right_arithmetic3A_2007, %broadcast_in_dim3A_7 : vector<16xi32>
        %add3A_2009 = arith.addi %and3A_2002, %add3A_16 : vector<16xi32>
        %select_n3A_2010 = arith.select %lt3A_1997, %add3A_16, %add3A_2009 : vector<16xi1>, vector<16xi32>
        %gather3A_2011 = tpu.vector_load_idx %arg5[%select_n3A_2010] masked %broadcast_in_dim3A_71 : memref<32768xf32, #tpu.memory_space<vmem>>[vector<16xi32>], vector<16xf32>, vector<16xi1>
        %add3A_2012 = arith.constant 0 : i32
        %add3A_2013 = arith.addi %add3A_2000, %add3A_2012 : i32
        %swap3A_2014 = arith.index_cast %add3A_1949 : i32 to index
        %swap3A_2015 = tpu.vector_load %arg7[%swap3A_2014] {strides = array<i32>} : memref<49152xf32, #tpu.memory_space<vmem>>, vector<16xf32>,
        tpu.vector_store %arg7[%swap3A_2014], %gather3A_1947 {strides = array<i32>} : memref<49152xf32, #tpu.memory_space<vmem>>, vector<16xf32>,
        %add3A_2016 = arith.addi %and3A_2004, %add3A_19 : vector<16xi32>
        %select_n3A_2017 = arith.select %lt3A_1997, %add3A_19, %add3A_2016 : vector<16xi1>, vector<16xi32>
        %gather3A_2018 = tpu.vector_load_idx %arg5[%select_n3A_2017] masked %broadcast_in_dim3A_71 : memref<32768xf32, #tpu.memory_space<vmem>>[vector<16xi32>], vector<16xf32>, vector<16xi1>
        %add3A_2019 = arith.constant 16 : i32
        %add3A_2020 = arith.addi %add3A_2000, %add3A_2019 : i32
        %swap3A_2021 = arith.index_cast %add3A_1956 : i32 to index
        %swap3A_2022 = tpu.vector_load %arg7[%swap3A_2021] {strides = array<i32>} : memref<49152xf32, #tpu.memory_space<vmem>>, vector<16xf32>,
        tpu.vector_store %arg7[%swap3A_2021], %gather3A_1954 {strides = array<i32>} : memref<49152xf32, #tpu.memory_space<vmem>>, vector<16xf32>,
        %add3A_2023 = arith.addi %and3A_2006, %add3A_22 : vector<16xi32>
        %select_n3A_2024 = arith.select %lt3A_1997, %add3A_22, %add3A_2023 : vector<16xi1>, vector<16xi32>
        %gather3A_2025 = tpu.vector_load_idx %arg5[%select_n3A_2024] masked %broadcast_in_dim3A_71 : memref<32768xf32, #tpu.memory_space<vmem>>[vector<16xi32>], vector<16xf32>, vector<16xi1>
        %add3A_2026 = arith.constant 32 : i32
        %add3A_2027 = arith.addi %add3A_2000, %add3A_2026 : i32
        %swap3A_2028 = arith.index_cast %add3A_1963 : i32 to index
        %swap3A_2029 = tpu.vector_load %arg7[%swap3A_2028] {strides = array<i32>} : memref<49152xf32, #tpu.memory_space<vmem>>, vector<16xf32>,
        tpu.vector_store %arg7[%swap3A_2028], %gather3A_1961 {strides = array<i32>} : memref<49152xf32, #tpu.memory_space<vmem>>, vector<16xf32>,
        %add3A_2030 = arith.addi %and3A_2008, %add3A_25 : vector<16xi32>
        %select_n3A_2031 = arith.select %lt3A_1997, %add3A_25, %add3A_2030 : vector<16xi1>, vector<16xi32>
        %gather3A_2032 = tpu.vector_load_idx %arg5[%select_n3A_2031] masked %broadcast_in_dim3A_71 : memref<32768xf32, #tpu.memory_space<vmem>>[vector<16xi32>], vector<16xf32>, vector<16xi1>
        %add3A_2033 = arith.constant 48 : i32
        %add3A_2034 = arith.addi %add3A_2000, %add3A_2033 : i32
        %swap3A_2035 = arith.index_cast %add3A_1970 : i32 to index
        %swap3A_2036 = tpu.vector_load %arg7[%swap3A_2035] {strides = array<i32>} : memref<49152xf32, #tpu.memory_space<vmem>>, vector<16xf32>,
        tpu.vector_store %arg7[%swap3A_2035], %gather3A_1968 {strides = array<i32>} : memref<49152xf32, #tpu.memory_space<vmem>>, vector<16xf32>,
        %add3A_2037 = arith.addi %and3A_2002, %add3A_28 : vector<16xi32>
        %select_n3A_2038 = arith.select %lt3A_1997, %add3A_2037, %add3A_28 : vector<16xi1>, vector<16xi32>
        %gather3A_2039 = tpu.vector_load_idx %arg5[%select_n3A_2038] masked %broadcast_in_dim3A_71 : memref<32768xf32, #tpu.memory_space<vmem>>[vector<16xi32>], vector<16xf32>, vector<16xi1>
        %add3A_2040 = arith.constant 64 : i32
        %add3A_2041 = arith.addi %add3A_2000, %add3A_2040 : i32
        %swap3A_2042 = arith.index_cast %add3A_1977 : i32 to index
        %swap3A_2043 = tpu.vector_load %arg7[%swap3A_2042] {strides = array<i32>} : memref<49152xf32, #tpu.memory_space<vmem>>, vector<16xf32>,
        tpu.vector_store %arg7[%swap3A_2042], %gather3A_1975 {strides = array<i32>} : memref<49152xf32, #tpu.memory_space<vmem>>, vector<16xf32>,
        %add3A_2044 = arith.addi %and3A_2004, %add3A_31 : vector<16xi32>
        %select_n3A_2045 = arith.select %lt3A_1997, %add3A_2044, %add3A_31 : vector<16xi1>, vector<16xi32>
        %gather3A_2046 = tpu.vector_load_idx %arg5[%select_n3A_2045] masked %broadcast_in_dim3A_71 : memref<32768xf32, #tpu.memory_space<vmem>>[vector<16xi32>], vector<16xf32>, vector<16xi1>
        %add3A_2047 = arith.constant 80 : i32
        %add3A_2048 = arith.addi %add3A_2000, %add3A_2047 : i32
        %swap3A_2049 = arith.index_cast %add3A_1984 : i32 to index
        %swap3A_2050 = tpu.vector_load %arg7[%swap3A_2049] {strides = array<i32>} : memref<49152xf32, #tpu.memory_space<vmem>>, vector<16xf32>,
        tpu.vector_store %arg7[%swap3A_2049], %gather3A_1982 {strides = array<i32>} : memref<49152xf32, #tpu.memory_space<vmem>>, vector<16xf32>,
        %add3A_2051 = arith.addi %and3A_2006, %add3A_34 : vector<16xi32>
        %select_n3A_2052 = arith.select %lt3A_1997, %add3A_2051, %add3A_34 : vector<16xi1>, vector<16xi32>
        %gather3A_2053 = tpu.vector_load_idx %arg5[%select_n3A_2052] masked %broadcast_in_dim3A_71 : memref<32768xf32, #tpu.memory_space<vmem>>[vector<16xi32>], vector<16xf32>, vector<16xi1>
        %add3A_2054 = arith.constant 96 : i32
        %add3A_2055 = arith.addi %add3A_2000, %add3A_2054 : i32
        %swap3A_2056 = arith.index_cast %add3A_2013 : i32 to index
        %swap3A_2057 = tpu.vector_load %arg7[%swap3A_2056] {strides = array<i32>} : memref<49152xf32, #tpu.memory_space<vmem>>, vector<16xf32>,
        tpu.vector_store %arg7[%swap3A_2056], %gather3A_2011 {strides = array<i32>} : memref<49152xf32, #tpu.memory_space<vmem>>, vector<16xf32>,
        %add3A_2058 = arith.addi %and3A_2008, %add3A_37 : vector<16xi32>
        %select_n3A_2059 = arith.select %lt3A_1997, %add3A_2058, %add3A_37 : vector<16xi1>, vector<16xi32>
        %gather3A_2060 = tpu.vector_load_idx %arg5[%select_n3A_2059] masked %broadcast_in_dim3A_71 : memref<32768xf32, #tpu.memory_space<vmem>>[vector<16xi32>], vector<16xf32>, vector<16xi1>
        %add3A_2061 = arith.constant 112 : i32
        %add3A_2062 = arith.addi %add3A_2000, %add3A_2061 : i32
        %swap3A_2063 = arith.index_cast %add3A_2020 : i32 to index
        %swap3A_2064 = tpu.vector_load %arg7[%swap3A_2063] {strides = array<i32>} : memref<49152xf32, #tpu.memory_space<vmem>>, vector<16xf32>,
        tpu.vector_store %arg7[%swap3A_2063], %gather3A_2018 {strides = array<i32>} : memref<49152xf32, #tpu.memory_space<vmem>>, vector<16xf32>,
        %lt3A_2065 = arith.constant 0 : i32
        %lt3A_2066 = vector.broadcast %lt3A_2065 : i32 to vector<16xi32>
        %lt3A_2067 = arith.cmpi slt, %broadcast_in_dim3A_57, %lt3A_2066 : vector<16xi32>
        %add3A_2068 = arith.constant 16 : i32
        %add3A_2069 = vector.broadcast %add3A_2068 : i32 to vector<16xi32>
        %add3A_2070 = arith.addi %broadcast_in_dim3A_57, %add3A_2069 : vector<16xi32>
        %select_n3A_2071 = arith.select %lt3A_2067, %add3A_2070, %broadcast_in_dim3A_57 : vector<16xi1>, vector<16xi32>
        %broadcast_in_dim3A_2072 = vector.shape_cast %select_n3A_2071 : vector<16xi32> to vector<16x1xi32>
        %gather3A_2073 = vector.shape_cast %broadcast_in_dim3A_2072 : vector<16x1xi32> to vector<16xi32>
        %gather3A_2074 = tpu.dynamic_gather %get3A_131[%gather3A_2073] in [0] : vector<16xi32>, vector<16xi32> -> vector<16xi32>
        %lt3A_2075 = arith.cmpi slt, %gather3A_2074, %broadcast_in_dim3A_3 : vector<16xi32>
        %abs3A_2076 = math.absi %gather3A_2074 : vector<16xi32>
        %add3A_2077 = arith.constant 3200 : i32
        %add3A_2078 = arith.addi %add3A_134, %add3A_2077 : i32
        %shift_left3A_2079 = arith.shli %abs3A_2076, %broadcast_in_dim3A_5 : vector<16xi32>
        %and3A_2080 = arith.andi %shift_left3A_2079, %broadcast_in_dim3A_7 : vector<16xi32>
        %shift_right_arithmetic3A_2081 = arith.shrsi %abs3A_2076, %broadcast_in_dim3A_9 : vector<16xi32>
        %and3A_2082 = arith.andi %shift_right_arithmetic3A_2081, %broadcast_in_dim3A_7 : vector<16xi32>
        %shift_right_arithmetic3A_2083 = arith.shrsi %abs3A_2076, %broadcast_in_dim3A_11 : vector<16xi32>
        %and3A_2084 = arith.andi %shift_right_arithmetic3A_2083, %broadcast_in_dim3A_7 : vector<16xi32>
        %shift_right_arithmetic3A_2085 = arith.shrsi %abs3A_2076, %broadcast_in_dim3A_13 : vector<16xi32>
        %and3A_2086 = arith.andi %shift_right_arithmetic3A_2085, %broadcast_in_dim3A_7 : vector<16xi32>
        %add3A_2087 = arith.addi %and3A_2080, %add3A_16 : vector<16xi32>
        %select_n3A_2088 = arith.select %lt3A_2075, %add3A_16, %add3A_2087 : vector<16xi1>, vector<16xi32>
        %gather3A_2089 = tpu.vector_load_idx %arg5[%select_n3A_2088] masked %broadcast_in_dim3A_71 : memref<32768xf32, #tpu.memory_space<vmem>>[vector<16xi32>], vector<16xf32>, vector<16xi1>
        %add3A_2090 = arith.constant 0 : i32
        %add3A_2091 = arith.addi %add3A_2078, %add3A_2090 : i32
        %swap3A_2092 = arith.index_cast %add3A_2027 : i32 to index
        %swap3A_2093 = tpu.vector_load %arg7[%swap3A_2092] {strides = array<i32>} : memref<49152xf32, #tpu.memory_space<vmem>>, vector<16xf32>,
        tpu.vector_store %arg7[%swap3A_2092], %gather3A_2025 {strides = array<i32>} : memref<49152xf32, #tpu.memory_space<vmem>>, vector<16xf32>,
        %add3A_2094 = arith.addi %and3A_2082, %add3A_19 : vector<16xi32>
        %select_n3A_2095 = arith.select %lt3A_2075, %add3A_19, %add3A_2094 : vector<16xi1>, vector<16xi32>
        %gather3A_2096 = tpu.vector_load_idx %arg5[%select_n3A_2095] masked %broadcast_in_dim3A_71 : memref<32768xf32, #tpu.memory_space<vmem>>[vector<16xi32>], vector<16xf32>, vector<16xi1>
        %add3A_2097 = arith.constant 16 : i32
        %add3A_2098 = arith.addi %add3A_2078, %add3A_2097 : i32
        %swap3A_2099 = arith.index_cast %add3A_2034 : i32 to index
        %swap3A_2100 = tpu.vector_load %arg7[%swap3A_2099] {strides = array<i32>} : memref<49152xf32, #tpu.memory_space<vmem>>, vector<16xf32>,
        tpu.vector_store %arg7[%swap3A_2099], %gather3A_2032 {strides = array<i32>} : memref<49152xf32, #tpu.memory_space<vmem>>, vector<16xf32>,
        %add3A_2101 = arith.addi %and3A_2084, %add3A_22 : vector<16xi32>
        %select_n3A_2102 = arith.select %lt3A_2075, %add3A_22, %add3A_2101 : vector<16xi1>, vector<16xi32>
        %gather3A_2103 = tpu.vector_load_idx %arg5[%select_n3A_2102] masked %broadcast_in_dim3A_71 : memref<32768xf32, #tpu.memory_space<vmem>>[vector<16xi32>], vector<16xf32>, vector<16xi1>
        %add3A_2104 = arith.constant 32 : i32
        %add3A_2105 = arith.addi %add3A_2078, %add3A_2104 : i32
        %swap3A_2106 = arith.index_cast %add3A_2041 : i32 to index
        %swap3A_2107 = tpu.vector_load %arg7[%swap3A_2106] {strides = array<i32>} : memref<49152xf32, #tpu.memory_space<vmem>>, vector<16xf32>,
        tpu.vector_store %arg7[%swap3A_2106], %gather3A_2039 {strides = array<i32>} : memref<49152xf32, #tpu.memory_space<vmem>>, vector<16xf32>,
        %add3A_2108 = arith.addi %and3A_2086, %add3A_25 : vector<16xi32>
        %select_n3A_2109 = arith.select %lt3A_2075, %add3A_25, %add3A_2108 : vector<16xi1>, vector<16xi32>
        %gather3A_2110 = tpu.vector_load_idx %arg5[%select_n3A_2109] masked %broadcast_in_dim3A_71 : memref<32768xf32, #tpu.memory_space<vmem>>[vector<16xi32>], vector<16xf32>, vector<16xi1>
        %add3A_2111 = arith.constant 48 : i32
        %add3A_2112 = arith.addi %add3A_2078, %add3A_2111 : i32
        %swap3A_2113 = arith.index_cast %add3A_2048 : i32 to index
        %swap3A_2114 = tpu.vector_load %arg7[%swap3A_2113] {strides = array<i32>} : memref<49152xf32, #tpu.memory_space<vmem>>, vector<16xf32>,
        tpu.vector_store %arg7[%swap3A_2113], %gather3A_2046 {strides = array<i32>} : memref<49152xf32, #tpu.memory_space<vmem>>, vector<16xf32>,
        %add3A_2115 = arith.addi %and3A_2080, %add3A_28 : vector<16xi32>
        %select_n3A_2116 = arith.select %lt3A_2075, %add3A_2115, %add3A_28 : vector<16xi1>, vector<16xi32>
        %gather3A_2117 = tpu.vector_load_idx %arg5[%select_n3A_2116] masked %broadcast_in_dim3A_71 : memref<32768xf32, #tpu.memory_space<vmem>>[vector<16xi32>], vector<16xf32>, vector<16xi1>
        %add3A_2118 = arith.constant 64 : i32
        %add3A_2119 = arith.addi %add3A_2078, %add3A_2118 : i32
        %swap3A_2120 = arith.index_cast %add3A_2055 : i32 to index
        %swap3A_2121 = tpu.vector_load %arg7[%swap3A_2120] {strides = array<i32>} : memref<49152xf32, #tpu.memory_space<vmem>>, vector<16xf32>,
        tpu.vector_store %arg7[%swap3A_2120], %gather3A_2053 {strides = array<i32>} : memref<49152xf32, #tpu.memory_space<vmem>>, vector<16xf32>,
        %add3A_2122 = arith.addi %and3A_2082, %add3A_31 : vector<16xi32>
        %select_n3A_2123 = arith.select %lt3A_2075, %add3A_2122, %add3A_31 : vector<16xi1>, vector<16xi32>
        %gather3A_2124 = tpu.vector_load_idx %arg5[%select_n3A_2123] masked %broadcast_in_dim3A_71 : memref<32768xf32, #tpu.memory_space<vmem>>[vector<16xi32>], vector<16xf32>, vector<16xi1>
        %add3A_2125 = arith.constant 80 : i32
        %add3A_2126 = arith.addi %add3A_2078, %add3A_2125 : i32
        %swap3A_2127 = arith.index_cast %add3A_2062 : i32 to index
        %swap3A_2128 = tpu.vector_load %arg7[%swap3A_2127] {strides = array<i32>} : memref<49152xf32, #tpu.memory_space<vmem>>, vector<16xf32>,
        tpu.vector_store %arg7[%swap3A_2127], %gather3A_2060 {strides = array<i32>} : memref<49152xf32, #tpu.memory_space<vmem>>, vector<16xf32>,
        %add3A_2129 = arith.addi %and3A_2084, %add3A_34 : vector<16xi32>
        %select_n3A_2130 = arith.select %lt3A_2075, %add3A_2129, %add3A_34 : vector<16xi1>, vector<16xi32>
        %gather3A_2131 = tpu.vector_load_idx %arg5[%select_n3A_2130] masked %broadcast_in_dim3A_71 : memref<32768xf32, #tpu.memory_space<vmem>>[vector<16xi32>], vector<16xf32>, vector<16xi1>
        %add3A_2132 = arith.constant 96 : i32
        %add3A_2133 = arith.addi %add3A_2078, %add3A_2132 : i32
        %swap3A_2134 = arith.index_cast %add3A_2091 : i32 to index
        %swap3A_2135 = tpu.vector_load %arg7[%swap3A_2134] {strides = array<i32>} : memref<49152xf32, #tpu.memory_space<vmem>>, vector<16xf32>,
        tpu.vector_store %arg7[%swap3A_2134], %gather3A_2089 {strides = array<i32>} : memref<49152xf32, #tpu.memory_space<vmem>>, vector<16xf32>,
        %add3A_2136 = arith.addi %and3A_2086, %add3A_37 : vector<16xi32>
        %select_n3A_2137 = arith.select %lt3A_2075, %add3A_2136, %add3A_37 : vector<16xi1>, vector<16xi32>
        %gather3A_2138 = tpu.vector_load_idx %arg5[%select_n3A_2137] masked %broadcast_in_dim3A_71 : memref<32768xf32, #tpu.memory_space<vmem>>[vector<16xi32>], vector<16xf32>, vector<16xi1>
        %add3A_2139 = arith.constant 112 : i32
        %add3A_2140 = arith.addi %add3A_2078, %add3A_2139 : i32
        %swap3A_2141 = arith.index_cast %add3A_2098 : i32 to index
        %swap3A_2142 = tpu.vector_load %arg7[%swap3A_2141] {strides = array<i32>} : memref<49152xf32, #tpu.memory_space<vmem>>, vector<16xf32>,
        tpu.vector_store %arg7[%swap3A_2141], %gather3A_2096 {strides = array<i32>} : memref<49152xf32, #tpu.memory_space<vmem>>, vector<16xf32>,
        %lt3A_2143 = arith.constant 0 : i32
        %lt3A_2144 = vector.broadcast %lt3A_2143 : i32 to vector<16xi32>
        %lt3A_2145 = arith.cmpi slt, %broadcast_in_dim3A_59, %lt3A_2144 : vector<16xi32>
        %add3A_2146 = arith.constant 16 : i32
        %add3A_2147 = vector.broadcast %add3A_2146 : i32 to vector<16xi32>
        %add3A_2148 = arith.addi %broadcast_in_dim3A_59, %add3A_2147 : vector<16xi32>
        %select_n3A_2149 = arith.select %lt3A_2145, %add3A_2148, %broadcast_in_dim3A_59 : vector<16xi1>, vector<16xi32>
        %broadcast_in_dim3A_2150 = vector.shape_cast %select_n3A_2149 : vector<16xi32> to vector<16x1xi32>
        %gather3A_2151 = vector.shape_cast %broadcast_in_dim3A_2150 : vector<16x1xi32> to vector<16xi32>
        %gather3A_2152 = tpu.dynamic_gather %get3A_131[%gather3A_2151] in [0] : vector<16xi32>, vector<16xi32> -> vector<16xi32>
        %lt3A_2153 = arith.cmpi slt, %gather3A_2152, %broadcast_in_dim3A_3 : vector<16xi32>
        %abs3A_2154 = math.absi %gather3A_2152 : vector<16xi32>
        %add3A_2155 = arith.constant 3328 : i32
        %add3A_2156 = arith.addi %add3A_134, %add3A_2155 : i32
        %shift_left3A_2157 = arith.shli %abs3A_2154, %broadcast_in_dim3A_5 : vector<16xi32>
        %and3A_2158 = arith.andi %shift_left3A_2157, %broadcast_in_dim3A_7 : vector<16xi32>
        %shift_right_arithmetic3A_2159 = arith.shrsi %abs3A_2154, %broadcast_in_dim3A_9 : vector<16xi32>
        %and3A_2160 = arith.andi %shift_right_arithmetic3A_2159, %broadcast_in_dim3A_7 : vector<16xi32>
        %shift_right_arithmetic3A_2161 = arith.shrsi %abs3A_2154, %broadcast_in_dim3A_11 : vector<16xi32>
        %and3A_2162 = arith.andi %shift_right_arithmetic3A_2161, %broadcast_in_dim3A_7 : vector<16xi32>
        %shift_right_arithmetic3A_2163 = arith.shrsi %abs3A_2154, %broadcast_in_dim3A_13 : vector<16xi32>
        %and3A_2164 = arith.andi %shift_right_arithmetic3A_2163, %broadcast_in_dim3A_7 : vector<16xi32>
        %add3A_2165 = arith.addi %and3A_2158, %add3A_16 : vector<16xi32>
        %select_n3A_2166 = arith.select %lt3A_2153, %add3A_16, %add3A_2165 : vector<16xi1>, vector<16xi32>
        %gather3A_2167 = tpu.vector_load_idx %arg5[%select_n3A_2166] masked %broadcast_in_dim3A_71 : memref<32768xf32, #tpu.memory_space<vmem>>[vector<16xi32>], vector<16xf32>, vector<16xi1>
        %add3A_2168 = arith.constant 0 : i32
        %add3A_2169 = arith.addi %add3A_2156, %add3A_2168 : i32
        %swap3A_2170 = arith.index_cast %add3A_2105 : i32 to index
        %swap3A_2171 = tpu.vector_load %arg7[%swap3A_2170] {strides = array<i32>} : memref<49152xf32, #tpu.memory_space<vmem>>, vector<16xf32>,
        tpu.vector_store %arg7[%swap3A_2170], %gather3A_2103 {strides = array<i32>} : memref<49152xf32, #tpu.memory_space<vmem>>, vector<16xf32>,
        %add3A_2172 = arith.addi %and3A_2160, %add3A_19 : vector<16xi32>
        %select_n3A_2173 = arith.select %lt3A_2153, %add3A_19, %add3A_2172 : vector<16xi1>, vector<16xi32>
        %gather3A_2174 = tpu.vector_load_idx %arg5[%select_n3A_2173] masked %broadcast_in_dim3A_71 : memref<32768xf32, #tpu.memory_space<vmem>>[vector<16xi32>], vector<16xf32>, vector<16xi1>
        %add3A_2175 = arith.constant 16 : i32
        %add3A_2176 = arith.addi %add3A_2156, %add3A_2175 : i32
        %swap3A_2177 = arith.index_cast %add3A_2112 : i32 to index
        %swap3A_2178 = tpu.vector_load %arg7[%swap3A_2177] {strides = array<i32>} : memref<49152xf32, #tpu.memory_space<vmem>>, vector<16xf32>,
        tpu.vector_store %arg7[%swap3A_2177], %gather3A_2110 {strides = array<i32>} : memref<49152xf32, #tpu.memory_space<vmem>>, vector<16xf32>,
        %add3A_2179 = arith.addi %and3A_2162, %add3A_22 : vector<16xi32>
        %select_n3A_2180 = arith.select %lt3A_2153, %add3A_22, %add3A_2179 : vector<16xi1>, vector<16xi32>
        %gather3A_2181 = tpu.vector_load_idx %arg5[%select_n3A_2180] masked %broadcast_in_dim3A_71 : memref<32768xf32, #tpu.memory_space<vmem>>[vector<16xi32>], vector<16xf32>, vector<16xi1>
        %add3A_2182 = arith.constant 32 : i32
        %add3A_2183 = arith.addi %add3A_2156, %add3A_2182 : i32
        %swap3A_2184 = arith.index_cast %add3A_2119 : i32 to index
        %swap3A_2185 = tpu.vector_load %arg7[%swap3A_2184] {strides = array<i32>} : memref<49152xf32, #tpu.memory_space<vmem>>, vector<16xf32>,
        tpu.vector_store %arg7[%swap3A_2184], %gather3A_2117 {strides = array<i32>} : memref<49152xf32, #tpu.memory_space<vmem>>, vector<16xf32>,
        %add3A_2186 = arith.addi %and3A_2164, %add3A_25 : vector<16xi32>
        %select_n3A_2187 = arith.select %lt3A_2153, %add3A_25, %add3A_2186 : vector<16xi1>, vector<16xi32>
        %gather3A_2188 = tpu.vector_load_idx %arg5[%select_n3A_2187] masked %broadcast_in_dim3A_71 : memref<32768xf32, #tpu.memory_space<vmem>>[vector<16xi32>], vector<16xf32>, vector<16xi1>
        %add3A_2189 = arith.constant 48 : i32
        %add3A_2190 = arith.addi %add3A_2156, %add3A_2189 : i32
        %swap3A_2191 = arith.index_cast %add3A_2126 : i32 to index
        %swap3A_2192 = tpu.vector_load %arg7[%swap3A_2191] {strides = array<i32>} : memref<49152xf32, #tpu.memory_space<vmem>>, vector<16xf32>,
        tpu.vector_store %arg7[%swap3A_2191], %gather3A_2124 {strides = array<i32>} : memref<49152xf32, #tpu.memory_space<vmem>>, vector<16xf32>,
        %add3A_2193 = arith.addi %and3A_2158, %add3A_28 : vector<16xi32>
        %select_n3A_2194 = arith.select %lt3A_2153, %add3A_2193, %add3A_28 : vector<16xi1>, vector<16xi32>
        %gather3A_2195 = tpu.vector_load_idx %arg5[%select_n3A_2194] masked %broadcast_in_dim3A_71 : memref<32768xf32, #tpu.memory_space<vmem>>[vector<16xi32>], vector<16xf32>, vector<16xi1>
        %add3A_2196 = arith.constant 64 : i32
        %add3A_2197 = arith.addi %add3A_2156, %add3A_2196 : i32
        %swap3A_2198 = arith.index_cast %add3A_2133 : i32 to index
        %swap3A_2199 = tpu.vector_load %arg7[%swap3A_2198] {strides = array<i32>} : memref<49152xf32, #tpu.memory_space<vmem>>, vector<16xf32>,
        tpu.vector_store %arg7[%swap3A_2198], %gather3A_2131 {strides = array<i32>} : memref<49152xf32, #tpu.memory_space<vmem>>, vector<16xf32>,
        %add3A_2200 = arith.addi %and3A_2160, %add3A_31 : vector<16xi32>
        %select_n3A_2201 = arith.select %lt3A_2153, %add3A_2200, %add3A_31 : vector<16xi1>, vector<16xi32>
        %gather3A_2202 = tpu.vector_load_idx %arg5[%select_n3A_2201] masked %broadcast_in_dim3A_71 : memref<32768xf32, #tpu.memory_space<vmem>>[vector<16xi32>], vector<16xf32>, vector<16xi1>
        %add3A_2203 = arith.constant 80 : i32
        %add3A_2204 = arith.addi %add3A_2156, %add3A_2203 : i32
        %swap3A_2205 = arith.index_cast %add3A_2140 : i32 to index
        %swap3A_2206 = tpu.vector_load %arg7[%swap3A_2205] {strides = array<i32>} : memref<49152xf32, #tpu.memory_space<vmem>>, vector<16xf32>,
        tpu.vector_store %arg7[%swap3A_2205], %gather3A_2138 {strides = array<i32>} : memref<49152xf32, #tpu.memory_space<vmem>>, vector<16xf32>,
        %add3A_2207 = arith.addi %and3A_2162, %add3A_34 : vector<16xi32>
        %select_n3A_2208 = arith.select %lt3A_2153, %add3A_2207, %add3A_34 : vector<16xi1>, vector<16xi32>
        %gather3A_2209 = tpu.vector_load_idx %arg5[%select_n3A_2208] masked %broadcast_in_dim3A_71 : memref<32768xf32, #tpu.memory_space<vmem>>[vector<16xi32>], vector<16xf32>, vector<16xi1>
        %add3A_2210 = arith.constant 96 : i32
        %add3A_2211 = arith.addi %add3A_2156, %add3A_2210 : i32
        %swap3A_2212 = arith.index_cast %add3A_2169 : i32 to index
        %swap3A_2213 = tpu.vector_load %arg7[%swap3A_2212] {strides = array<i32>} : memref<49152xf32, #tpu.memory_space<vmem>>, vector<16xf32>,
        tpu.vector_store %arg7[%swap3A_2212], %gather3A_2167 {strides = array<i32>} : memref<49152xf32, #tpu.memory_space<vmem>>, vector<16xf32>,
        %add3A_2214 = arith.addi %and3A_2164, %add3A_37 : vector<16xi32>
        %select_n3A_2215 = arith.select %lt3A_2153, %add3A_2214, %add3A_37 : vector<16xi1>, vector<16xi32>
        %gather3A_2216 = tpu.vector_load_idx %arg5[%select_n3A_2215] masked %broadcast_in_dim3A_71 : memref<32768xf32, #tpu.memory_space<vmem>>[vector<16xi32>], vector<16xf32>, vector<16xi1>
        %add3A_2217 = arith.constant 112 : i32
        %add3A_2218 = arith.addi %add3A_2156, %add3A_2217 : i32
        %swap3A_2219 = arith.index_cast %add3A_2176 : i32 to index
        %swap3A_2220 = tpu.vector_load %arg7[%swap3A_2219] {strides = array<i32>} : memref<49152xf32, #tpu.memory_space<vmem>>, vector<16xf32>,
        tpu.vector_store %arg7[%swap3A_2219], %gather3A_2174 {strides = array<i32>} : memref<49152xf32, #tpu.memory_space<vmem>>, vector<16xf32>,
        %lt3A_2221 = arith.constant 0 : i32
        %lt3A_2222 = vector.broadcast %lt3A_2221 : i32 to vector<16xi32>
        %lt3A_2223 = arith.cmpi slt, %broadcast_in_dim3A_61, %lt3A_2222 : vector<16xi32>
        %add3A_2224 = arith.constant 16 : i32
        %add3A_2225 = vector.broadcast %add3A_2224 : i32 to vector<16xi32>
        %add3A_2226 = arith.addi %broadcast_in_dim3A_61, %add3A_2225 : vector<16xi32>
        %select_n3A_2227 = arith.select %lt3A_2223, %add3A_2226, %broadcast_in_dim3A_61 : vector<16xi1>, vector<16xi32>
        %broadcast_in_dim3A_2228 = vector.shape_cast %select_n3A_2227 : vector<16xi32> to vector<16x1xi32>
        %gather3A_2229 = vector.shape_cast %broadcast_in_dim3A_2228 : vector<16x1xi32> to vector<16xi32>
        %gather3A_2230 = tpu.dynamic_gather %get3A_131[%gather3A_2229] in [0] : vector<16xi32>, vector<16xi32> -> vector<16xi32>
        %lt3A_2231 = arith.cmpi slt, %gather3A_2230, %broadcast_in_dim3A_3 : vector<16xi32>
        %abs3A_2232 = math.absi %gather3A_2230 : vector<16xi32>
        %add3A_2233 = arith.constant 3456 : i32
        %add3A_2234 = arith.addi %add3A_134, %add3A_2233 : i32
        %shift_left3A_2235 = arith.shli %abs3A_2232, %broadcast_in_dim3A_5 : vector<16xi32>
        %and3A_2236 = arith.andi %shift_left3A_2235, %broadcast_in_dim3A_7 : vector<16xi32>
        %shift_right_arithmetic3A_2237 = arith.shrsi %abs3A_2232, %broadcast_in_dim3A_9 : vector<16xi32>
        %and3A_2238 = arith.andi %shift_right_arithmetic3A_2237, %broadcast_in_dim3A_7 : vector<16xi32>
        %shift_right_arithmetic3A_2239 = arith.shrsi %abs3A_2232, %broadcast_in_dim3A_11 : vector<16xi32>
        %and3A_2240 = arith.andi %shift_right_arithmetic3A_2239, %broadcast_in_dim3A_7 : vector<16xi32>
        %shift_right_arithmetic3A_2241 = arith.shrsi %abs3A_2232, %broadcast_in_dim3A_13 : vector<16xi32>
        %and3A_2242 = arith.andi %shift_right_arithmetic3A_2241, %broadcast_in_dim3A_7 : vector<16xi32>
        %add3A_2243 = arith.addi %and3A_2236, %add3A_16 : vector<16xi32>
        %select_n3A_2244 = arith.select %lt3A_2231, %add3A_16, %add3A_2243 : vector<16xi1>, vector<16xi32>
        %gather3A_2245 = tpu.vector_load_idx %arg5[%select_n3A_2244] masked %broadcast_in_dim3A_71 : memref<32768xf32, #tpu.memory_space<vmem>>[vector<16xi32>], vector<16xf32>, vector<16xi1>
        %add3A_2246 = arith.constant 0 : i32
        %add3A_2247 = arith.addi %add3A_2234, %add3A_2246 : i32
        %swap3A_2248 = arith.index_cast %add3A_2183 : i32 to index
        %swap3A_2249 = tpu.vector_load %arg7[%swap3A_2248] {strides = array<i32>} : memref<49152xf32, #tpu.memory_space<vmem>>, vector<16xf32>,
        tpu.vector_store %arg7[%swap3A_2248], %gather3A_2181 {strides = array<i32>} : memref<49152xf32, #tpu.memory_space<vmem>>, vector<16xf32>,
        %add3A_2250 = arith.addi %and3A_2238, %add3A_19 : vector<16xi32>
        %select_n3A_2251 = arith.select %lt3A_2231, %add3A_19, %add3A_2250 : vector<16xi1>, vector<16xi32>
        %gather3A_2252 = tpu.vector_load_idx %arg5[%select_n3A_2251] masked %broadcast_in_dim3A_71 : memref<32768xf32, #tpu.memory_space<vmem>>[vector<16xi32>], vector<16xf32>, vector<16xi1>
        %add3A_2253 = arith.constant 16 : i32
        %add3A_2254 = arith.addi %add3A_2234, %add3A_2253 : i32
        %swap3A_2255 = arith.index_cast %add3A_2190 : i32 to index
        %swap3A_2256 = tpu.vector_load %arg7[%swap3A_2255] {strides = array<i32>} : memref<49152xf32, #tpu.memory_space<vmem>>, vector<16xf32>,
        tpu.vector_store %arg7[%swap3A_2255], %gather3A_2188 {strides = array<i32>} : memref<49152xf32, #tpu.memory_space<vmem>>, vector<16xf32>,
        %add3A_2257 = arith.addi %and3A_2240, %add3A_22 : vector<16xi32>
        %select_n3A_2258 = arith.select %lt3A_2231, %add3A_22, %add3A_2257 : vector<16xi1>, vector<16xi32>
        %gather3A_2259 = tpu.vector_load_idx %arg5[%select_n3A_2258] masked %broadcast_in_dim3A_71 : memref<32768xf32, #tpu.memory_space<vmem>>[vector<16xi32>], vector<16xf32>, vector<16xi1>
        %add3A_2260 = arith.constant 32 : i32
        %add3A_2261 = arith.addi %add3A_2234, %add3A_2260 : i32
        %swap3A_2262 = arith.index_cast %add3A_2197 : i32 to index
        %swap3A_2263 = tpu.vector_load %arg7[%swap3A_2262] {strides = array<i32>} : memref<49152xf32, #tpu.memory_space<vmem>>, vector<16xf32>,
        tpu.vector_store %arg7[%swap3A_2262], %gather3A_2195 {strides = array<i32>} : memref<49152xf32, #tpu.memory_space<vmem>>, vector<16xf32>,
        %add3A_2264 = arith.addi %and3A_2242, %add3A_25 : vector<16xi32>
        %select_n3A_2265 = arith.select %lt3A_2231, %add3A_25, %add3A_2264 : vector<16xi1>, vector<16xi32>
        %gather3A_2266 = tpu.vector_load_idx %arg5[%select_n3A_2265] masked %broadcast_in_dim3A_71 : memref<32768xf32, #tpu.memory_space<vmem>>[vector<16xi32>], vector<16xf32>, vector<16xi1>
        %add3A_2267 = arith.constant 48 : i32
        %add3A_2268 = arith.addi %add3A_2234, %add3A_2267 : i32
        %swap3A_2269 = arith.index_cast %add3A_2204 : i32 to index
        %swap3A_2270 = tpu.vector_load %arg7[%swap3A_2269] {strides = array<i32>} : memref<49152xf32, #tpu.memory_space<vmem>>, vector<16xf32>,
        tpu.vector_store %arg7[%swap3A_2269], %gather3A_2202 {strides = array<i32>} : memref<49152xf32, #tpu.memory_space<vmem>>, vector<16xf32>,
        %add3A_2271 = arith.addi %and3A_2236, %add3A_28 : vector<16xi32>
        %select_n3A_2272 = arith.select %lt3A_2231, %add3A_2271, %add3A_28 : vector<16xi1>, vector<16xi32>
        %gather3A_2273 = tpu.vector_load_idx %arg5[%select_n3A_2272] masked %broadcast_in_dim3A_71 : memref<32768xf32, #tpu.memory_space<vmem>>[vector<16xi32>], vector<16xf32>, vector<16xi1>
        %add3A_2274 = arith.constant 64 : i32
        %add3A_2275 = arith.addi %add3A_2234, %add3A_2274 : i32
        %swap3A_2276 = arith.index_cast %add3A_2211 : i32 to index
        %swap3A_2277 = tpu.vector_load %arg7[%swap3A_2276] {strides = array<i32>} : memref<49152xf32, #tpu.memory_space<vmem>>, vector<16xf32>,
        tpu.vector_store %arg7[%swap3A_2276], %gather3A_2209 {strides = array<i32>} : memref<49152xf32, #tpu.memory_space<vmem>>, vector<16xf32>,
        %add3A_2278 = arith.addi %and3A_2238, %add3A_31 : vector<16xi32>
        %select_n3A_2279 = arith.select %lt3A_2231, %add3A_2278, %add3A_31 : vector<16xi1>, vector<16xi32>
        %gather3A_2280 = tpu.vector_load_idx %arg5[%select_n3A_2279] masked %broadcast_in_dim3A_71 : memref<32768xf32, #tpu.memory_space<vmem>>[vector<16xi32>], vector<16xf32>, vector<16xi1>
        %add3A_2281 = arith.constant 80 : i32
        %add3A_2282 = arith.addi %add3A_2234, %add3A_2281 : i32
        %swap3A_2283 = arith.index_cast %add3A_2218 : i32 to index
        %swap3A_2284 = tpu.vector_load %arg7[%swap3A_2283] {strides = array<i32>} : memref<49152xf32, #tpu.memory_space<vmem>>, vector<16xf32>,
        tpu.vector_store %arg7[%swap3A_2283], %gather3A_2216 {strides = array<i32>} : memref<49152xf32, #tpu.memory_space<vmem>>, vector<16xf32>,
        %add3A_2285 = arith.addi %and3A_2240, %add3A_34 : vector<16xi32>
        %select_n3A_2286 = arith.select %lt3A_2231, %add3A_2285, %add3A_34 : vector<16xi1>, vector<16xi32>
        %gather3A_2287 = tpu.vector_load_idx %arg5[%select_n3A_2286] masked %broadcast_in_dim3A_71 : memref<32768xf32, #tpu.memory_space<vmem>>[vector<16xi32>], vector<16xf32>, vector<16xi1>
        %add3A_2288 = arith.constant 96 : i32
        %add3A_2289 = arith.addi %add3A_2234, %add3A_2288 : i32
        %swap3A_2290 = arith.index_cast %add3A_2247 : i32 to index
        %swap3A_2291 = tpu.vector_load %arg7[%swap3A_2290] {strides = array<i32>} : memref<49152xf32, #tpu.memory_space<vmem>>, vector<16xf32>,
        tpu.vector_store %arg7[%swap3A_2290], %gather3A_2245 {strides = array<i32>} : memref<49152xf32, #tpu.memory_space<vmem>>, vector<16xf32>,
        %add3A_2292 = arith.addi %and3A_2242, %add3A_37 : vector<16xi32>
        %select_n3A_2293 = arith.select %lt3A_2231, %add3A_2292, %add3A_37 : vector<16xi1>, vector<16xi32>
        %gather3A_2294 = tpu.vector_load_idx %arg5[%select_n3A_2293] masked %broadcast_in_dim3A_71 : memref<32768xf32, #tpu.memory_space<vmem>>[vector<16xi32>], vector<16xf32>, vector<16xi1>
        %add3A_2295 = arith.constant 112 : i32
        %add3A_2296 = arith.addi %add3A_2234, %add3A_2295 : i32
        %swap3A_2297 = arith.index_cast %add3A_2254 : i32 to index
        %swap3A_2298 = tpu.vector_load %arg7[%swap3A_2297] {strides = array<i32>} : memref<49152xf32, #tpu.memory_space<vmem>>, vector<16xf32>,
        tpu.vector_store %arg7[%swap3A_2297], %gather3A_2252 {strides = array<i32>} : memref<49152xf32, #tpu.memory_space<vmem>>, vector<16xf32>,
        %lt3A_2299 = arith.constant 0 : i32
        %lt3A_2300 = vector.broadcast %lt3A_2299 : i32 to vector<16xi32>
        %lt3A_2301 = arith.cmpi slt, %broadcast_in_dim3A_63, %lt3A_2300 : vector<16xi32>
        %add3A_2302 = arith.constant 16 : i32
        %add3A_2303 = vector.broadcast %add3A_2302 : i32 to vector<16xi32>
        %add3A_2304 = arith.addi %broadcast_in_dim3A_63, %add3A_2303 : vector<16xi32>
        %select_n3A_2305 = arith.select %lt3A_2301, %add3A_2304, %broadcast_in_dim3A_63 : vector<16xi1>, vector<16xi32>
        %broadcast_in_dim3A_2306 = vector.shape_cast %select_n3A_2305 : vector<16xi32> to vector<16x1xi32>
        %gather3A_2307 = vector.shape_cast %broadcast_in_dim3A_2306 : vector<16x1xi32> to vector<16xi32>
        %gather3A_2308 = tpu.dynamic_gather %get3A_131[%gather3A_2307] in [0] : vector<16xi32>, vector<16xi32> -> vector<16xi32>
        %lt3A_2309 = arith.cmpi slt, %gather3A_2308, %broadcast_in_dim3A_3 : vector<16xi32>
        %abs3A_2310 = math.absi %gather3A_2308 : vector<16xi32>
        %add3A_2311 = arith.constant 3584 : i32
        %add3A_2312 = arith.addi %add3A_134, %add3A_2311 : i32
        %shift_left3A_2313 = arith.shli %abs3A_2310, %broadcast_in_dim3A_5 : vector<16xi32>
        %and3A_2314 = arith.andi %shift_left3A_2313, %broadcast_in_dim3A_7 : vector<16xi32>
        %shift_right_arithmetic3A_2315 = arith.shrsi %abs3A_2310, %broadcast_in_dim3A_9 : vector<16xi32>
        %and3A_2316 = arith.andi %shift_right_arithmetic3A_2315, %broadcast_in_dim3A_7 : vector<16xi32>
        %shift_right_arithmetic3A_2317 = arith.shrsi %abs3A_2310, %broadcast_in_dim3A_11 : vector<16xi32>
        %and3A_2318 = arith.andi %shift_right_arithmetic3A_2317, %broadcast_in_dim3A_7 : vector<16xi32>
        %shift_right_arithmetic3A_2319 = arith.shrsi %abs3A_2310, %broadcast_in_dim3A_13 : vector<16xi32>
        %and3A_2320 = arith.andi %shift_right_arithmetic3A_2319, %broadcast_in_dim3A_7 : vector<16xi32>
        %add3A_2321 = arith.addi %and3A_2314, %add3A_16 : vector<16xi32>
        %select_n3A_2322 = arith.select %lt3A_2309, %add3A_16, %add3A_2321 : vector<16xi1>, vector<16xi32>
        %gather3A_2323 = tpu.vector_load_idx %arg5[%select_n3A_2322] masked %broadcast_in_dim3A_71 : memref<32768xf32, #tpu.memory_space<vmem>>[vector<16xi32>], vector<16xf32>, vector<16xi1>
        %add3A_2324 = arith.constant 0 : i32
        %add3A_2325 = arith.addi %add3A_2312, %add3A_2324 : i32
        %swap3A_2326 = arith.index_cast %add3A_2261 : i32 to index
        %swap3A_2327 = tpu.vector_load %arg7[%swap3A_2326] {strides = array<i32>} : memref<49152xf32, #tpu.memory_space<vmem>>, vector<16xf32>,
        tpu.vector_store %arg7[%swap3A_2326], %gather3A_2259 {strides = array<i32>} : memref<49152xf32, #tpu.memory_space<vmem>>, vector<16xf32>,
        %add3A_2328 = arith.addi %and3A_2316, %add3A_19 : vector<16xi32>
        %select_n3A_2329 = arith.select %lt3A_2309, %add3A_19, %add3A_2328 : vector<16xi1>, vector<16xi32>
        %gather3A_2330 = tpu.vector_load_idx %arg5[%select_n3A_2329] masked %broadcast_in_dim3A_71 : memref<32768xf32, #tpu.memory_space<vmem>>[vector<16xi32>], vector<16xf32>, vector<16xi1>
        %add3A_2331 = arith.constant 16 : i32
        %add3A_2332 = arith.addi %add3A_2312, %add3A_2331 : i32
        %swap3A_2333 = arith.index_cast %add3A_2268 : i32 to index
        %swap3A_2334 = tpu.vector_load %arg7[%swap3A_2333] {strides = array<i32>} : memref<49152xf32, #tpu.memory_space<vmem>>, vector<16xf32>,
        tpu.vector_store %arg7[%swap3A_2333], %gather3A_2266 {strides = array<i32>} : memref<49152xf32, #tpu.memory_space<vmem>>, vector<16xf32>,
        %add3A_2335 = arith.addi %and3A_2318, %add3A_22 : vector<16xi32>
        %select_n3A_2336 = arith.select %lt3A_2309, %add3A_22, %add3A_2335 : vector<16xi1>, vector<16xi32>
        %gather3A_2337 = tpu.vector_load_idx %arg5[%select_n3A_2336] masked %broadcast_in_dim3A_71 : memref<32768xf32, #tpu.memory_space<vmem>>[vector<16xi32>], vector<16xf32>, vector<16xi1>
        %add3A_2338 = arith.constant 32 : i32
        %add3A_2339 = arith.addi %add3A_2312, %add3A_2338 : i32
        %swap3A_2340 = arith.index_cast %add3A_2275 : i32 to index
        %swap3A_2341 = tpu.vector_load %arg7[%swap3A_2340] {strides = array<i32>} : memref<49152xf32, #tpu.memory_space<vmem>>, vector<16xf32>,
        tpu.vector_store %arg7[%swap3A_2340], %gather3A_2273 {strides = array<i32>} : memref<49152xf32, #tpu.memory_space<vmem>>, vector<16xf32>,
        %add3A_2342 = arith.addi %and3A_2320, %add3A_25 : vector<16xi32>
        %select_n3A_2343 = arith.select %lt3A_2309, %add3A_25, %add3A_2342 : vector<16xi1>, vector<16xi32>
        %gather3A_2344 = tpu.vector_load_idx %arg5[%select_n3A_2343] masked %broadcast_in_dim3A_71 : memref<32768xf32, #tpu.memory_space<vmem>>[vector<16xi32>], vector<16xf32>, vector<16xi1>
        %add3A_2345 = arith.constant 48 : i32
        %add3A_2346 = arith.addi %add3A_2312, %add3A_2345 : i32
        %swap3A_2347 = arith.index_cast %add3A_2282 : i32 to index
        %swap3A_2348 = tpu.vector_load %arg7[%swap3A_2347] {strides = array<i32>} : memref<49152xf32, #tpu.memory_space<vmem>>, vector<16xf32>,
        tpu.vector_store %arg7[%swap3A_2347], %gather3A_2280 {strides = array<i32>} : memref<49152xf32, #tpu.memory_space<vmem>>, vector<16xf32>,
        %add3A_2349 = arith.addi %and3A_2314, %add3A_28 : vector<16xi32>
        %select_n3A_2350 = arith.select %lt3A_2309, %add3A_2349, %add3A_28 : vector<16xi1>, vector<16xi32>
        %gather3A_2351 = tpu.vector_load_idx %arg5[%select_n3A_2350] masked %broadcast_in_dim3A_71 : memref<32768xf32, #tpu.memory_space<vmem>>[vector<16xi32>], vector<16xf32>, vector<16xi1>
        %add3A_2352 = arith.constant 64 : i32
        %add3A_2353 = arith.addi %add3A_2312, %add3A_2352 : i32
        %swap3A_2354 = arith.index_cast %add3A_2289 : i32 to index
        %swap3A_2355 = tpu.vector_load %arg7[%swap3A_2354] {strides = array<i32>} : memref<49152xf32, #tpu.memory_space<vmem>>, vector<16xf32>,
        tpu.vector_store %arg7[%swap3A_2354], %gather3A_2287 {strides = array<i32>} : memref<49152xf32, #tpu.memory_space<vmem>>, vector<16xf32>,
        %add3A_2356 = arith.addi %and3A_2316, %add3A_31 : vector<16xi32>
        %select_n3A_2357 = arith.select %lt3A_2309, %add3A_2356, %add3A_31 : vector<16xi1>, vector<16xi32>
        %gather3A_2358 = tpu.vector_load_idx %arg5[%select_n3A_2357] masked %broadcast_in_dim3A_71 : memref<32768xf32, #tpu.memory_space<vmem>>[vector<16xi32>], vector<16xf32>, vector<16xi1>
        %add3A_2359 = arith.constant 80 : i32
        %add3A_2360 = arith.addi %add3A_2312, %add3A_2359 : i32
        %swap3A_2361 = arith.index_cast %add3A_2296 : i32 to index
        %swap3A_2362 = tpu.vector_load %arg7[%swap3A_2361] {strides = array<i32>} : memref<49152xf32, #tpu.memory_space<vmem>>, vector<16xf32>,
        tpu.vector_store %arg7[%swap3A_2361], %gather3A_2294 {strides = array<i32>} : memref<49152xf32, #tpu.memory_space<vmem>>, vector<16xf32>,
        %add3A_2363 = arith.addi %and3A_2318, %add3A_34 : vector<16xi32>
        %select_n3A_2364 = arith.select %lt3A_2309, %add3A_2363, %add3A_34 : vector<16xi1>, vector<16xi32>
        %gather3A_2365 = tpu.vector_load_idx %arg5[%select_n3A_2364] masked %broadcast_in_dim3A_71 : memref<32768xf32, #tpu.memory_space<vmem>>[vector<16xi32>], vector<16xf32>, vector<16xi1>
        %add3A_2366 = arith.constant 96 : i32
        %add3A_2367 = arith.addi %add3A_2312, %add3A_2366 : i32
        %swap3A_2368 = arith.index_cast %add3A_2325 : i32 to index
        %swap3A_2369 = tpu.vector_load %arg7[%swap3A_2368] {strides = array<i32>} : memref<49152xf32, #tpu.memory_space<vmem>>, vector<16xf32>,
        tpu.vector_store %arg7[%swap3A_2368], %gather3A_2323 {strides = array<i32>} : memref<49152xf32, #tpu.memory_space<vmem>>, vector<16xf32>,
        %add3A_2370 = arith.addi %and3A_2320, %add3A_37 : vector<16xi32>
        %select_n3A_2371 = arith.select %lt3A_2309, %add3A_2370, %add3A_37 : vector<16xi1>, vector<16xi32>
        %gather3A_2372 = tpu.vector_load_idx %arg5[%select_n3A_2371] masked %broadcast_in_dim3A_71 : memref<32768xf32, #tpu.memory_space<vmem>>[vector<16xi32>], vector<16xf32>, vector<16xi1>
        %add3A_2373 = arith.constant 112 : i32
        %add3A_2374 = arith.addi %add3A_2312, %add3A_2373 : i32
        %swap3A_2375 = arith.index_cast %add3A_2332 : i32 to index
        %swap3A_2376 = tpu.vector_load %arg7[%swap3A_2375] {strides = array<i32>} : memref<49152xf32, #tpu.memory_space<vmem>>, vector<16xf32>,
        tpu.vector_store %arg7[%swap3A_2375], %gather3A_2330 {strides = array<i32>} : memref<49152xf32, #tpu.memory_space<vmem>>, vector<16xf32>,
        %lt3A_2377 = arith.constant 0 : i32
        %lt3A_2378 = vector.broadcast %lt3A_2377 : i32 to vector<16xi32>
        %lt3A_2379 = arith.cmpi slt, %broadcast_in_dim3A_65, %lt3A_2378 : vector<16xi32>
        %add3A_2380 = arith.constant 16 : i32
        %add3A_2381 = vector.broadcast %add3A_2380 : i32 to vector<16xi32>
        %add3A_2382 = arith.addi %broadcast_in_dim3A_65, %add3A_2381 : vector<16xi32>
        %select_n3A_2383 = arith.select %lt3A_2379, %add3A_2382, %broadcast_in_dim3A_65 : vector<16xi1>, vector<16xi32>
        %broadcast_in_dim3A_2384 = vector.shape_cast %select_n3A_2383 : vector<16xi32> to vector<16x1xi32>
        %gather3A_2385 = vector.shape_cast %broadcast_in_dim3A_2384 : vector<16x1xi32> to vector<16xi32>
        %gather3A_2386 = tpu.dynamic_gather %get3A_131[%gather3A_2385] in [0] : vector<16xi32>, vector<16xi32> -> vector<16xi32>
        %lt3A_2387 = arith.cmpi slt, %gather3A_2386, %broadcast_in_dim3A_3 : vector<16xi32>
        %abs3A_2388 = math.absi %gather3A_2386 : vector<16xi32>
        %add3A_2389 = arith.constant 3712 : i32
        %add3A_2390 = arith.addi %add3A_134, %add3A_2389 : i32
        %shift_left3A_2391 = arith.shli %abs3A_2388, %broadcast_in_dim3A_5 : vector<16xi32>
        %and3A_2392 = arith.andi %shift_left3A_2391, %broadcast_in_dim3A_7 : vector<16xi32>
        %shift_right_arithmetic3A_2393 = arith.shrsi %abs3A_2388, %broadcast_in_dim3A_9 : vector<16xi32>
        %and3A_2394 = arith.andi %shift_right_arithmetic3A_2393, %broadcast_in_dim3A_7 : vector<16xi32>
        %shift_right_arithmetic3A_2395 = arith.shrsi %abs3A_2388, %broadcast_in_dim3A_11 : vector<16xi32>
        %and3A_2396 = arith.andi %shift_right_arithmetic3A_2395, %broadcast_in_dim3A_7 : vector<16xi32>
        %shift_right_arithmetic3A_2397 = arith.shrsi %abs3A_2388, %broadcast_in_dim3A_13 : vector<16xi32>
        %and3A_2398 = arith.andi %shift_right_arithmetic3A_2397, %broadcast_in_dim3A_7 : vector<16xi32>
        %add3A_2399 = arith.addi %and3A_2392, %add3A_16 : vector<16xi32>
        %select_n3A_2400 = arith.select %lt3A_2387, %add3A_16, %add3A_2399 : vector<16xi1>, vector<16xi32>
        %gather3A_2401 = tpu.vector_load_idx %arg5[%select_n3A_2400] masked %broadcast_in_dim3A_71 : memref<32768xf32, #tpu.memory_space<vmem>>[vector<16xi32>], vector<16xf32>, vector<16xi1>
        %add3A_2402 = arith.constant 0 : i32
        %add3A_2403 = arith.addi %add3A_2390, %add3A_2402 : i32
        %swap3A_2404 = arith.index_cast %add3A_2339 : i32 to index
        %swap3A_2405 = tpu.vector_load %arg7[%swap3A_2404] {strides = array<i32>} : memref<49152xf32, #tpu.memory_space<vmem>>, vector<16xf32>,
        tpu.vector_store %arg7[%swap3A_2404], %gather3A_2337 {strides = array<i32>} : memref<49152xf32, #tpu.memory_space<vmem>>, vector<16xf32>,
        %add3A_2406 = arith.addi %and3A_2394, %add3A_19 : vector<16xi32>
        %select_n3A_2407 = arith.select %lt3A_2387, %add3A_19, %add3A_2406 : vector<16xi1>, vector<16xi32>
        %gather3A_2408 = tpu.vector_load_idx %arg5[%select_n3A_2407] masked %broadcast_in_dim3A_71 : memref<32768xf32, #tpu.memory_space<vmem>>[vector<16xi32>], vector<16xf32>, vector<16xi1>
        %add3A_2409 = arith.constant 16 : i32
        %add3A_2410 = arith.addi %add3A_2390, %add3A_2409 : i32
        %swap3A_2411 = arith.index_cast %add3A_2346 : i32 to index
        %swap3A_2412 = tpu.vector_load %arg7[%swap3A_2411] {strides = array<i32>} : memref<49152xf32, #tpu.memory_space<vmem>>, vector<16xf32>,
        tpu.vector_store %arg7[%swap3A_2411], %gather3A_2344 {strides = array<i32>} : memref<49152xf32, #tpu.memory_space<vmem>>, vector<16xf32>,
        %add3A_2413 = arith.addi %and3A_2396, %add3A_22 : vector<16xi32>
        %select_n3A_2414 = arith.select %lt3A_2387, %add3A_22, %add3A_2413 : vector<16xi1>, vector<16xi32>
        %gather3A_2415 = tpu.vector_load_idx %arg5[%select_n3A_2414] masked %broadcast_in_dim3A_71 : memref<32768xf32, #tpu.memory_space<vmem>>[vector<16xi32>], vector<16xf32>, vector<16xi1>
        %add3A_2416 = arith.constant 32 : i32
        %add3A_2417 = arith.addi %add3A_2390, %add3A_2416 : i32
        %swap3A_2418 = arith.index_cast %add3A_2353 : i32 to index
        %swap3A_2419 = tpu.vector_load %arg7[%swap3A_2418] {strides = array<i32>} : memref<49152xf32, #tpu.memory_space<vmem>>, vector<16xf32>,
        tpu.vector_store %arg7[%swap3A_2418], %gather3A_2351 {strides = array<i32>} : memref<49152xf32, #tpu.memory_space<vmem>>, vector<16xf32>,
        %add3A_2420 = arith.addi %and3A_2398, %add3A_25 : vector<16xi32>
        %select_n3A_2421 = arith.select %lt3A_2387, %add3A_25, %add3A_2420 : vector<16xi1>, vector<16xi32>
        %gather3A_2422 = tpu.vector_load_idx %arg5[%select_n3A_2421] masked %broadcast_in_dim3A_71 : memref<32768xf32, #tpu.memory_space<vmem>>[vector<16xi32>], vector<16xf32>, vector<16xi1>
        %add3A_2423 = arith.constant 48 : i32
        %add3A_2424 = arith.addi %add3A_2390, %add3A_2423 : i32
        %swap3A_2425 = arith.index_cast %add3A_2360 : i32 to index
        %swap3A_2426 = tpu.vector_load %arg7[%swap3A_2425] {strides = array<i32>} : memref<49152xf32, #tpu.memory_space<vmem>>, vector<16xf32>,
        tpu.vector_store %arg7[%swap3A_2425], %gather3A_2358 {strides = array<i32>} : memref<49152xf32, #tpu.memory_space<vmem>>, vector<16xf32>,
        %add3A_2427 = arith.addi %and3A_2392, %add3A_28 : vector<16xi32>
        %select_n3A_2428 = arith.select %lt3A_2387, %add3A_2427, %add3A_28 : vector<16xi1>, vector<16xi32>
        %gather3A_2429 = tpu.vector_load_idx %arg5[%select_n3A_2428] masked %broadcast_in_dim3A_71 : memref<32768xf32, #tpu.memory_space<vmem>>[vector<16xi32>], vector<16xf32>, vector<16xi1>
        %add3A_2430 = arith.constant 64 : i32
        %add3A_2431 = arith.addi %add3A_2390, %add3A_2430 : i32
        %swap3A_2432 = arith.index_cast %add3A_2367 : i32 to index
        %swap3A_2433 = tpu.vector_load %arg7[%swap3A_2432] {strides = array<i32>} : memref<49152xf32, #tpu.memory_space<vmem>>, vector<16xf32>,
        tpu.vector_store %arg7[%swap3A_2432], %gather3A_2365 {strides = array<i32>} : memref<49152xf32, #tpu.memory_space<vmem>>, vector<16xf32>,
        %add3A_2434 = arith.addi %and3A_2394, %add3A_31 : vector<16xi32>
        %select_n3A_2435 = arith.select %lt3A_2387, %add3A_2434, %add3A_31 : vector<16xi1>, vector<16xi32>
        %gather3A_2436 = tpu.vector_load_idx %arg5[%select_n3A_2435] masked %broadcast_in_dim3A_71 : memref<32768xf32, #tpu.memory_space<vmem>>[vector<16xi32>], vector<16xf32>, vector<16xi1>
        %add3A_2437 = arith.constant 80 : i32
        %add3A_2438 = arith.addi %add3A_2390, %add3A_2437 : i32
        %swap3A_2439 = arith.index_cast %add3A_2374 : i32 to index
        %swap3A_2440 = tpu.vector_load %arg7[%swap3A_2439] {strides = array<i32>} : memref<49152xf32, #tpu.memory_space<vmem>>, vector<16xf32>,
        tpu.vector_store %arg7[%swap3A_2439], %gather3A_2372 {strides = array<i32>} : memref<49152xf32, #tpu.memory_space<vmem>>, vector<16xf32>,
        %add3A_2441 = arith.addi %and3A_2396, %add3A_34 : vector<16xi32>
        %select_n3A_2442 = arith.select %lt3A_2387, %add3A_2441, %add3A_34 : vector<16xi1>, vector<16xi32>
        %gather3A_2443 = tpu.vector_load_idx %arg5[%select_n3A_2442] masked %broadcast_in_dim3A_71 : memref<32768xf32, #tpu.memory_space<vmem>>[vector<16xi32>], vector<16xf32>, vector<16xi1>
        %add3A_2444 = arith.constant 96 : i32
        %add3A_2445 = arith.addi %add3A_2390, %add3A_2444 : i32
        %swap3A_2446 = arith.index_cast %add3A_2403 : i32 to index
        %swap3A_2447 = tpu.vector_load %arg7[%swap3A_2446] {strides = array<i32>} : memref<49152xf32, #tpu.memory_space<vmem>>, vector<16xf32>,
        tpu.vector_store %arg7[%swap3A_2446], %gather3A_2401 {strides = array<i32>} : memref<49152xf32, #tpu.memory_space<vmem>>, vector<16xf32>,
        %add3A_2448 = arith.addi %and3A_2398, %add3A_37 : vector<16xi32>
        %select_n3A_2449 = arith.select %lt3A_2387, %add3A_2448, %add3A_37 : vector<16xi1>, vector<16xi32>
        %gather3A_2450 = tpu.vector_load_idx %arg5[%select_n3A_2449] masked %broadcast_in_dim3A_71 : memref<32768xf32, #tpu.memory_space<vmem>>[vector<16xi32>], vector<16xf32>, vector<16xi1>
        %add3A_2451 = arith.constant 112 : i32
        %add3A_2452 = arith.addi %add3A_2390, %add3A_2451 : i32
        %swap3A_2453 = arith.index_cast %add3A_2410 : i32 to index
        %swap3A_2454 = tpu.vector_load %arg7[%swap3A_2453] {strides = array<i32>} : memref<49152xf32, #tpu.memory_space<vmem>>, vector<16xf32>,
        tpu.vector_store %arg7[%swap3A_2453], %gather3A_2408 {strides = array<i32>} : memref<49152xf32, #tpu.memory_space<vmem>>, vector<16xf32>,
        %lt3A_2455 = arith.constant 0 : i32
        %lt3A_2456 = vector.broadcast %lt3A_2455 : i32 to vector<16xi32>
        %lt3A_2457 = arith.cmpi slt, %broadcast_in_dim3A_67, %lt3A_2456 : vector<16xi32>
        %add3A_2458 = arith.constant 16 : i32
        %add3A_2459 = vector.broadcast %add3A_2458 : i32 to vector<16xi32>
        %add3A_2460 = arith.addi %broadcast_in_dim3A_67, %add3A_2459 : vector<16xi32>
        %select_n3A_2461 = arith.select %lt3A_2457, %add3A_2460, %broadcast_in_dim3A_67 : vector<16xi1>, vector<16xi32>
        %broadcast_in_dim3A_2462 = vector.shape_cast %select_n3A_2461 : vector<16xi32> to vector<16x1xi32>
        %gather3A_2463 = vector.shape_cast %broadcast_in_dim3A_2462 : vector<16x1xi32> to vector<16xi32>
        %gather3A_2464 = tpu.dynamic_gather %get3A_131[%gather3A_2463] in [0] : vector<16xi32>, vector<16xi32> -> vector<16xi32>
        %lt3A_2465 = arith.cmpi slt, %gather3A_2464, %broadcast_in_dim3A_3 : vector<16xi32>
        %abs3A_2466 = math.absi %gather3A_2464 : vector<16xi32>
        %add3A_2467 = arith.constant 3840 : i32
        %add3A_2468 = arith.addi %add3A_134, %add3A_2467 : i32
        %shift_left3A_2469 = arith.shli %abs3A_2466, %broadcast_in_dim3A_5 : vector<16xi32>
        %and3A_2470 = arith.andi %shift_left3A_2469, %broadcast_in_dim3A_7 : vector<16xi32>
        %shift_right_arithmetic3A_2471 = arith.shrsi %abs3A_2466, %broadcast_in_dim3A_9 : vector<16xi32>
        %and3A_2472 = arith.andi %shift_right_arithmetic3A_2471, %broadcast_in_dim3A_7 : vector<16xi32>
        %shift_right_arithmetic3A_2473 = arith.shrsi %abs3A_2466, %broadcast_in_dim3A_11 : vector<16xi32>
        %and3A_2474 = arith.andi %shift_right_arithmetic3A_2473, %broadcast_in_dim3A_7 : vector<16xi32>
        %shift_right_arithmetic3A_2475 = arith.shrsi %abs3A_2466, %broadcast_in_dim3A_13 : vector<16xi32>
        %and3A_2476 = arith.andi %shift_right_arithmetic3A_2475, %broadcast_in_dim3A_7 : vector<16xi32>
        %add3A_2477 = arith.addi %and3A_2470, %add3A_16 : vector<16xi32>
        %select_n3A_2478 = arith.select %lt3A_2465, %add3A_16, %add3A_2477 : vector<16xi1>, vector<16xi32>
        %gather3A_2479 = tpu.vector_load_idx %arg5[%select_n3A_2478] masked %broadcast_in_dim3A_71 : memref<32768xf32, #tpu.memory_space<vmem>>[vector<16xi32>], vector<16xf32>, vector<16xi1>
        %add3A_2480 = arith.constant 0 : i32
        %add3A_2481 = arith.addi %add3A_2468, %add3A_2480 : i32
        %swap3A_2482 = arith.index_cast %add3A_2417 : i32 to index
        %swap3A_2483 = tpu.vector_load %arg7[%swap3A_2482] {strides = array<i32>} : memref<49152xf32, #tpu.memory_space<vmem>>, vector<16xf32>,
        tpu.vector_store %arg7[%swap3A_2482], %gather3A_2415 {strides = array<i32>} : memref<49152xf32, #tpu.memory_space<vmem>>, vector<16xf32>,
        %add3A_2484 = arith.addi %and3A_2472, %add3A_19 : vector<16xi32>
        %select_n3A_2485 = arith.select %lt3A_2465, %add3A_19, %add3A_2484 : vector<16xi1>, vector<16xi32>
        %gather3A_2486 = tpu.vector_load_idx %arg5[%select_n3A_2485] masked %broadcast_in_dim3A_71 : memref<32768xf32, #tpu.memory_space<vmem>>[vector<16xi32>], vector<16xf32>, vector<16xi1>
        %add3A_2487 = arith.constant 16 : i32
        %add3A_2488 = arith.addi %add3A_2468, %add3A_2487 : i32
        %swap3A_2489 = arith.index_cast %add3A_2424 : i32 to index
        %swap3A_2490 = tpu.vector_load %arg7[%swap3A_2489] {strides = array<i32>} : memref<49152xf32, #tpu.memory_space<vmem>>, vector<16xf32>,
        tpu.vector_store %arg7[%swap3A_2489], %gather3A_2422 {strides = array<i32>} : memref<49152xf32, #tpu.memory_space<vmem>>, vector<16xf32>,
        %add3A_2491 = arith.addi %and3A_2474, %add3A_22 : vector<16xi32>
        %select_n3A_2492 = arith.select %lt3A_2465, %add3A_22, %add3A_2491 : vector<16xi1>, vector<16xi32>
        %gather3A_2493 = tpu.vector_load_idx %arg5[%select_n3A_2492] masked %broadcast_in_dim3A_71 : memref<32768xf32, #tpu.memory_space<vmem>>[vector<16xi32>], vector<16xf32>, vector<16xi1>
        %add3A_2494 = arith.constant 32 : i32
        %add3A_2495 = arith.addi %add3A_2468, %add3A_2494 : i32
        %swap3A_2496 = arith.index_cast %add3A_2431 : i32 to index
        %swap3A_2497 = tpu.vector_load %arg7[%swap3A_2496] {strides = array<i32>} : memref<49152xf32, #tpu.memory_space<vmem>>, vector<16xf32>,
        tpu.vector_store %arg7[%swap3A_2496], %gather3A_2429 {strides = array<i32>} : memref<49152xf32, #tpu.memory_space<vmem>>, vector<16xf32>,
        %add3A_2498 = arith.addi %and3A_2476, %add3A_25 : vector<16xi32>
        %select_n3A_2499 = arith.select %lt3A_2465, %add3A_25, %add3A_2498 : vector<16xi1>, vector<16xi32>
        %gather3A_2500 = tpu.vector_load_idx %arg5[%select_n3A_2499] masked %broadcast_in_dim3A_71 : memref<32768xf32, #tpu.memory_space<vmem>>[vector<16xi32>], vector<16xf32>, vector<16xi1>
        %add3A_2501 = arith.constant 48 : i32
        %add3A_2502 = arith.addi %add3A_2468, %add3A_2501 : i32
        %swap3A_2503 = arith.index_cast %add3A_2438 : i32 to index
        %swap3A_2504 = tpu.vector_load %arg7[%swap3A_2503] {strides = array<i32>} : memref<49152xf32, #tpu.memory_space<vmem>>, vector<16xf32>,
        tpu.vector_store %arg7[%swap3A_2503], %gather3A_2436 {strides = array<i32>} : memref<49152xf32, #tpu.memory_space<vmem>>, vector<16xf32>,
        %add3A_2505 = arith.addi %and3A_2470, %add3A_28 : vector<16xi32>
        %select_n3A_2506 = arith.select %lt3A_2465, %add3A_2505, %add3A_28 : vector<16xi1>, vector<16xi32>
        %gather3A_2507 = tpu.vector_load_idx %arg5[%select_n3A_2506] masked %broadcast_in_dim3A_71 : memref<32768xf32, #tpu.memory_space<vmem>>[vector<16xi32>], vector<16xf32>, vector<16xi1>
        %add3A_2508 = arith.constant 64 : i32
        %add3A_2509 = arith.addi %add3A_2468, %add3A_2508 : i32
        %swap3A_2510 = arith.index_cast %add3A_2445 : i32 to index
        %swap3A_2511 = tpu.vector_load %arg7[%swap3A_2510] {strides = array<i32>} : memref<49152xf32, #tpu.memory_space<vmem>>, vector<16xf32>,
        tpu.vector_store %arg7[%swap3A_2510], %gather3A_2443 {strides = array<i32>} : memref<49152xf32, #tpu.memory_space<vmem>>, vector<16xf32>,
        %add3A_2512 = arith.addi %and3A_2472, %add3A_31 : vector<16xi32>
        %select_n3A_2513 = arith.select %lt3A_2465, %add3A_2512, %add3A_31 : vector<16xi1>, vector<16xi32>
        %gather3A_2514 = tpu.vector_load_idx %arg5[%select_n3A_2513] masked %broadcast_in_dim3A_71 : memref<32768xf32, #tpu.memory_space<vmem>>[vector<16xi32>], vector<16xf32>, vector<16xi1>
        %add3A_2515 = arith.constant 80 : i32
        %add3A_2516 = arith.addi %add3A_2468, %add3A_2515 : i32
        %swap3A_2517 = arith.index_cast %add3A_2452 : i32 to index
        %swap3A_2518 = tpu.vector_load %arg7[%swap3A_2517] {strides = array<i32>} : memref<49152xf32, #tpu.memory_space<vmem>>, vector<16xf32>,
        tpu.vector_store %arg7[%swap3A_2517], %gather3A_2450 {strides = array<i32>} : memref<49152xf32, #tpu.memory_space<vmem>>, vector<16xf32>,
        %add3A_2519 = arith.addi %and3A_2474, %add3A_34 : vector<16xi32>
        %select_n3A_2520 = arith.select %lt3A_2465, %add3A_2519, %add3A_34 : vector<16xi1>, vector<16xi32>
        %gather3A_2521 = tpu.vector_load_idx %arg5[%select_n3A_2520] masked %broadcast_in_dim3A_71 : memref<32768xf32, #tpu.memory_space<vmem>>[vector<16xi32>], vector<16xf32>, vector<16xi1>
        %add3A_2522 = arith.constant 96 : i32
        %add3A_2523 = arith.addi %add3A_2468, %add3A_2522 : i32
        %swap3A_2524 = arith.index_cast %add3A_2481 : i32 to index
        %swap3A_2525 = tpu.vector_load %arg7[%swap3A_2524] {strides = array<i32>} : memref<49152xf32, #tpu.memory_space<vmem>>, vector<16xf32>,
        tpu.vector_store %arg7[%swap3A_2524], %gather3A_2479 {strides = array<i32>} : memref<49152xf32, #tpu.memory_space<vmem>>, vector<16xf32>,
        %add3A_2526 = arith.addi %and3A_2476, %add3A_37 : vector<16xi32>
        %select_n3A_2527 = arith.select %lt3A_2465, %add3A_2526, %add3A_37 : vector<16xi1>, vector<16xi32>
        %gather3A_2528 = tpu.vector_load_idx %arg5[%select_n3A_2527] masked %broadcast_in_dim3A_71 : memref<32768xf32, #tpu.memory_space<vmem>>[vector<16xi32>], vector<16xf32>, vector<16xi1>
        %add3A_2529 = arith.constant 112 : i32
        %add3A_2530 = arith.addi %add3A_2468, %add3A_2529 : i32
        %swap3A_2531 = arith.index_cast %add3A_2488 : i32 to index
        %swap3A_2532 = tpu.vector_load %arg7[%swap3A_2531] {strides = array<i32>} : memref<49152xf32, #tpu.memory_space<vmem>>, vector<16xf32>,
        tpu.vector_store %arg7[%swap3A_2531], %gather3A_2486 {strides = array<i32>} : memref<49152xf32, #tpu.memory_space<vmem>>, vector<16xf32>,
        %lt3A_2533 = arith.constant 0 : i32
        %lt3A_2534 = vector.broadcast %lt3A_2533 : i32 to vector<16xi32>
        %lt3A_2535 = arith.cmpi slt, %broadcast_in_dim3A_69, %lt3A_2534 : vector<16xi32>
        %add3A_2536 = arith.constant 16 : i32
        %add3A_2537 = vector.broadcast %add3A_2536 : i32 to vector<16xi32>
        %add3A_2538 = arith.addi %broadcast_in_dim3A_69, %add3A_2537 : vector<16xi32>
        %select_n3A_2539 = arith.select %lt3A_2535, %add3A_2538, %broadcast_in_dim3A_69 : vector<16xi1>, vector<16xi32>
        %broadcast_in_dim3A_2540 = vector.shape_cast %select_n3A_2539 : vector<16xi32> to vector<16x1xi32>
        %gather3A_2541 = vector.shape_cast %broadcast_in_dim3A_2540 : vector<16x1xi32> to vector<16xi32>
        %gather3A_2542 = tpu.dynamic_gather %get3A_131[%gather3A_2541] in [0] : vector<16xi32>, vector<16xi32> -> vector<16xi32>
        %lt3A_2543 = arith.cmpi slt, %gather3A_2542, %broadcast_in_dim3A_3 : vector<16xi32>
        %abs3A_2544 = math.absi %gather3A_2542 : vector<16xi32>
        %add3A_2545 = arith.constant 3968 : i32
        %add3A_2546 = arith.addi %add3A_134, %add3A_2545 : i32
        %shift_left3A_2547 = arith.shli %abs3A_2544, %broadcast_in_dim3A_5 : vector<16xi32>
        %and3A_2548 = arith.andi %shift_left3A_2547, %broadcast_in_dim3A_7 : vector<16xi32>
        %shift_right_arithmetic3A_2549 = arith.shrsi %abs3A_2544, %broadcast_in_dim3A_9 : vector<16xi32>
        %and3A_2550 = arith.andi %shift_right_arithmetic3A_2549, %broadcast_in_dim3A_7 : vector<16xi32>
        %shift_right_arithmetic3A_2551 = arith.shrsi %abs3A_2544, %broadcast_in_dim3A_11 : vector<16xi32>
        %and3A_2552 = arith.andi %shift_right_arithmetic3A_2551, %broadcast_in_dim3A_7 : vector<16xi32>
        %shift_right_arithmetic3A_2553 = arith.shrsi %abs3A_2544, %broadcast_in_dim3A_13 : vector<16xi32>
        %and3A_2554 = arith.andi %shift_right_arithmetic3A_2553, %broadcast_in_dim3A_7 : vector<16xi32>
        %add3A_2555 = arith.addi %and3A_2548, %add3A_16 : vector<16xi32>
        %select_n3A_2556 = arith.select %lt3A_2543, %add3A_16, %add3A_2555 : vector<16xi1>, vector<16xi32>
        %gather3A_2557 = tpu.vector_load_idx %arg5[%select_n3A_2556] masked %broadcast_in_dim3A_71 : memref<32768xf32, #tpu.memory_space<vmem>>[vector<16xi32>], vector<16xf32>, vector<16xi1>
        %add3A_2558 = arith.constant 0 : i32
        %add3A_2559 = arith.addi %add3A_2546, %add3A_2558 : i32
        %swap3A_2560 = arith.index_cast %add3A_2495 : i32 to index
        %swap3A_2561 = tpu.vector_load %arg7[%swap3A_2560] {strides = array<i32>} : memref<49152xf32, #tpu.memory_space<vmem>>, vector<16xf32>,
        tpu.vector_store %arg7[%swap3A_2560], %gather3A_2493 {strides = array<i32>} : memref<49152xf32, #tpu.memory_space<vmem>>, vector<16xf32>,
        %add3A_2562 = arith.addi %and3A_2550, %add3A_19 : vector<16xi32>
        %select_n3A_2563 = arith.select %lt3A_2543, %add3A_19, %add3A_2562 : vector<16xi1>, vector<16xi32>
        %gather3A_2564 = tpu.vector_load_idx %arg5[%select_n3A_2563] masked %broadcast_in_dim3A_71 : memref<32768xf32, #tpu.memory_space<vmem>>[vector<16xi32>], vector<16xf32>, vector<16xi1>
        %add3A_2565 = arith.constant 16 : i32
        %add3A_2566 = arith.addi %add3A_2546, %add3A_2565 : i32
        %swap3A_2567 = arith.index_cast %add3A_2502 : i32 to index
        %swap3A_2568 = tpu.vector_load %arg7[%swap3A_2567] {strides = array<i32>} : memref<49152xf32, #tpu.memory_space<vmem>>, vector<16xf32>,
        tpu.vector_store %arg7[%swap3A_2567], %gather3A_2500 {strides = array<i32>} : memref<49152xf32, #tpu.memory_space<vmem>>, vector<16xf32>,
        %add3A_2569 = arith.addi %and3A_2552, %add3A_22 : vector<16xi32>
        %select_n3A_2570 = arith.select %lt3A_2543, %add3A_22, %add3A_2569 : vector<16xi1>, vector<16xi32>
        %gather3A_2571 = tpu.vector_load_idx %arg5[%select_n3A_2570] masked %broadcast_in_dim3A_71 : memref<32768xf32, #tpu.memory_space<vmem>>[vector<16xi32>], vector<16xf32>, vector<16xi1>
        %add3A_2572 = arith.constant 32 : i32
        %add3A_2573 = arith.addi %add3A_2546, %add3A_2572 : i32
        %swap3A_2574 = arith.index_cast %add3A_2509 : i32 to index
        %swap3A_2575 = tpu.vector_load %arg7[%swap3A_2574] {strides = array<i32>} : memref<49152xf32, #tpu.memory_space<vmem>>, vector<16xf32>,
        tpu.vector_store %arg7[%swap3A_2574], %gather3A_2507 {strides = array<i32>} : memref<49152xf32, #tpu.memory_space<vmem>>, vector<16xf32>,
        %add3A_2576 = arith.addi %and3A_2554, %add3A_25 : vector<16xi32>
        %select_n3A_2577 = arith.select %lt3A_2543, %add3A_25, %add3A_2576 : vector<16xi1>, vector<16xi32>
        %gather3A_2578 = tpu.vector_load_idx %arg5[%select_n3A_2577] masked %broadcast_in_dim3A_71 : memref<32768xf32, #tpu.memory_space<vmem>>[vector<16xi32>], vector<16xf32>, vector<16xi1>
        %add3A_2579 = arith.constant 48 : i32
        %add3A_2580 = arith.addi %add3A_2546, %add3A_2579 : i32
        %swap3A_2581 = arith.index_cast %add3A_2516 : i32 to index
        %swap3A_2582 = tpu.vector_load %arg7[%swap3A_2581] {strides = array<i32>} : memref<49152xf32, #tpu.memory_space<vmem>>, vector<16xf32>,
        tpu.vector_store %arg7[%swap3A_2581], %gather3A_2514 {strides = array<i32>} : memref<49152xf32, #tpu.memory_space<vmem>>, vector<16xf32>,
        %add3A_2583 = arith.addi %and3A_2548, %add3A_28 : vector<16xi32>
        %select_n3A_2584 = arith.select %lt3A_2543, %add3A_2583, %add3A_28 : vector<16xi1>, vector<16xi32>
        %gather3A_2585 = tpu.vector_load_idx %arg5[%select_n3A_2584] masked %broadcast_in_dim3A_71 : memref<32768xf32, #tpu.memory_space<vmem>>[vector<16xi32>], vector<16xf32>, vector<16xi1>
        %add3A_2586 = arith.constant 64 : i32
        %add3A_2587 = arith.addi %add3A_2546, %add3A_2586 : i32
        %swap3A_2588 = arith.index_cast %add3A_2523 : i32 to index
        %swap3A_2589 = tpu.vector_load %arg7[%swap3A_2588] {strides = array<i32>} : memref<49152xf32, #tpu.memory_space<vmem>>, vector<16xf32>,
        tpu.vector_store %arg7[%swap3A_2588], %gather3A_2521 {strides = array<i32>} : memref<49152xf32, #tpu.memory_space<vmem>>, vector<16xf32>,
        %add3A_2590 = arith.addi %and3A_2550, %add3A_31 : vector<16xi32>
        %select_n3A_2591 = arith.select %lt3A_2543, %add3A_2590, %add3A_31 : vector<16xi1>, vector<16xi32>
        %gather3A_2592 = tpu.vector_load_idx %arg5[%select_n3A_2591] masked %broadcast_in_dim3A_71 : memref<32768xf32, #tpu.memory_space<vmem>>[vector<16xi32>], vector<16xf32>, vector<16xi1>
        %add3A_2593 = arith.constant 80 : i32
        %add3A_2594 = arith.addi %add3A_2546, %add3A_2593 : i32
        %swap3A_2595 = arith.index_cast %add3A_2530 : i32 to index
        %swap3A_2596 = tpu.vector_load %arg7[%swap3A_2595] {strides = array<i32>} : memref<49152xf32, #tpu.memory_space<vmem>>, vector<16xf32>,
        tpu.vector_store %arg7[%swap3A_2595], %gather3A_2528 {strides = array<i32>} : memref<49152xf32, #tpu.memory_space<vmem>>, vector<16xf32>,
        %add3A_2597 = arith.addi %and3A_2552, %add3A_34 : vector<16xi32>
        %select_n3A_2598 = arith.select %lt3A_2543, %add3A_2597, %add3A_34 : vector<16xi1>, vector<16xi32>
        %gather3A_2599 = tpu.vector_load_idx %arg5[%select_n3A_2598] masked %broadcast_in_dim3A_71 : memref<32768xf32, #tpu.memory_space<vmem>>[vector<16xi32>], vector<16xf32>, vector<16xi1>
        %add3A_2600 = arith.constant 96 : i32
        %add3A_2601 = arith.addi %add3A_2546, %add3A_2600 : i32
        %swap3A_2602 = arith.index_cast %add3A_2559 : i32 to index
        %swap3A_2603 = tpu.vector_load %arg7[%swap3A_2602] {strides = array<i32>} : memref<49152xf32, #tpu.memory_space<vmem>>, vector<16xf32>,
        tpu.vector_store %arg7[%swap3A_2602], %gather3A_2557 {strides = array<i32>} : memref<49152xf32, #tpu.memory_space<vmem>>, vector<16xf32>,
        %add3A_2604 = arith.addi %and3A_2554, %add3A_37 : vector<16xi32>
        %select_n3A_2605 = arith.select %lt3A_2543, %add3A_2604, %add3A_37 : vector<16xi1>, vector<16xi32>
        %gather3A_2606 = tpu.vector_load_idx %arg5[%select_n3A_2605] masked %broadcast_in_dim3A_71 : memref<32768xf32, #tpu.memory_space<vmem>>[vector<16xi32>], vector<16xf32>, vector<16xi1>
        %add3A_2607 = arith.constant 112 : i32
        %add3A_2608 = arith.addi %add3A_2546, %add3A_2607 : i32
        %swap3A_2609 = arith.index_cast %add3A_2566 : i32 to index
        %swap3A_2610 = tpu.vector_load %arg7[%swap3A_2609] {strides = array<i32>} : memref<49152xf32, #tpu.memory_space<vmem>>, vector<16xf32>,
        tpu.vector_store %arg7[%swap3A_2609], %gather3A_2564 {strides = array<i32>} : memref<49152xf32, #tpu.memory_space<vmem>>, vector<16xf32>,
        %swap3A_2611 = arith.index_cast %add3A_2573 : i32 to index
        %swap3A_2612 = tpu.vector_load %arg7[%swap3A_2611] {strides = array<i32>} : memref<49152xf32, #tpu.memory_space<vmem>>, vector<16xf32>,
        tpu.vector_store %arg7[%swap3A_2611], %gather3A_2571 {strides = array<i32>} : memref<49152xf32, #tpu.memory_space<vmem>>, vector<16xf32>,
        %swap3A_2613 = arith.index_cast %add3A_2580 : i32 to index
        %swap3A_2614 = tpu.vector_load %arg7[%swap3A_2613] {strides = array<i32>} : memref<49152xf32, #tpu.memory_space<vmem>>, vector<16xf32>,
        tpu.vector_store %arg7[%swap3A_2613], %gather3A_2578 {strides = array<i32>} : memref<49152xf32, #tpu.memory_space<vmem>>, vector<16xf32>,
        %swap3A_2615 = arith.index_cast %add3A_2587 : i32 to index
        %swap3A_2616 = tpu.vector_load %arg7[%swap3A_2615] {strides = array<i32>} : memref<49152xf32, #tpu.memory_space<vmem>>, vector<16xf32>,
        tpu.vector_store %arg7[%swap3A_2615], %gather3A_2585 {strides = array<i32>} : memref<49152xf32, #tpu.memory_space<vmem>>, vector<16xf32>,
        %swap3A_2617 = arith.index_cast %add3A_2594 : i32 to index
        %swap3A_2618 = tpu.vector_load %arg7[%swap3A_2617] {strides = array<i32>} : memref<49152xf32, #tpu.memory_space<vmem>>, vector<16xf32>,
        tpu.vector_store %arg7[%swap3A_2617], %gather3A_2592 {strides = array<i32>} : memref<49152xf32, #tpu.memory_space<vmem>>, vector<16xf32>,
        %swap3A_2619 = arith.index_cast %add3A_2601 : i32 to index
        %swap3A_2620 = tpu.vector_load %arg7[%swap3A_2619] {strides = array<i32>} : memref<49152xf32, #tpu.memory_space<vmem>>, vector<16xf32>,
        tpu.vector_store %arg7[%swap3A_2619], %gather3A_2599 {strides = array<i32>} : memref<49152xf32, #tpu.memory_space<vmem>>, vector<16xf32>,
        %swap3A_2621 = arith.index_cast %add3A_2608 : i32 to index
        %swap3A_2622 = tpu.vector_load %arg7[%swap3A_2621] {strides = array<i32>} : memref<49152xf32, #tpu.memory_space<vmem>>, vector<16xf32>,
        tpu.vector_store %arg7[%swap3A_2621], %gather3A_2606 {strides = array<i32>} : memref<49152xf32, #tpu.memory_space<vmem>>, vector<16xf32>,
      }
      %scan3A_107 = arith.constant 4 : i32
      %mul3A_108 = arith.constant 16384 : i32
      %mul3A_109 = arith.muli %scan3A_96, %mul3A_108 : i32
      %add3A_110 = arith.addi %mul3A_73, %mul3A_109 : i32
      %dma_start3A = tpu.memref_slice %arg7[%mul3A_99] : memref<49152xf32, #tpu.memory_space<vmem>> -> memref<16384xf32, #tpu.memory_space<vmem>>
      %dma_start3A_111 = tpu.memref_slice %arg4[%add3A_110] : memref<54525952xf32, #tpu.memory_space<hbm>> -> memref<16384xf32, #tpu.memory_space<hbm>>
      %dma_start3A_112 = tpu.memref_slice %arg4[%add3A_110] : memref<54525952xf32, #tpu.memory_space<hbm>> -> memref<16384xf32, #tpu.memory_space<hbm>>
      %dma_start3A_113 = tpu.memref_slice %arg7[%mul3A_99] : memref<49152xf32, #tpu.memory_space<vmem>> -> memref<16384xf32, #tpu.memory_space<vmem>>
      tpu.enqueue_dma source(%dma_start3A_113 : memref<16384xf32, #tpu.memory_space<vmem>>) target(%dma_start3A_112 : memref<16384xf32, #tpu.memory_space<hbm>>) target_semaphore(%arg8 : memref<!tpu.dma_semaphore, #tpu.memory_space<semaphore_mem>>)
    }
    %scan3A_78 = arith.constant 104 : i32
    %dma_wait3A = arith.constant 0 : i32
    %dma_wait3A_79 = tpu.memref_slice %arg7[%dma_wait3A] : memref<49152xf32, #tpu.memory_space<vmem>> -> memref<16384xf32, #tpu.memory_space<vmem>>
    %dma_wait3A_80 = tpu.memref_slice %arg4[%mul3A_73] : memref<54525952xf32, #tpu.memory_space<hbm>> -> memref<16384xf32, #tpu.memory_space<hbm>>
    %dma_wait3A_81 = tpu.memref_slice %arg4[%mul3A_73] : memref<54525952xf32, #tpu.memory_space<hbm>> -> memref<16384xf32, #tpu.memory_space<hbm>>
    %dma_wait3A_82 = arith.constant 0 : i32
    %dma_wait3A_83 = tpu.memref_slice %arg7[%dma_wait3A_82] : memref<49152xf32, #tpu.memory_space<vmem>> -> memref<16384xf32, #tpu.memory_space<vmem>>
    tpu.wait_dma2 semaphore(%arg8 : memref<!tpu.dma_semaphore, #tpu.memory_space<semaphore_mem>>) src(%dma_wait3A_83 : memref<16384xf32, #tpu.memory_space<vmem>>) dst(%dma_wait3A_81 : memref<16384xf32, #tpu.memory_space<hbm>>)
    %dma_wait3A_84 = arith.constant 0 : i32
    %dma_wait3A_85 = tpu.memref_slice %arg7[%dma_wait3A_84] : memref<49152xf32, #tpu.memory_space<vmem>> -> memref<16384xf32, #tpu.memory_space<vmem>>
    %dma_wait3A_86 = tpu.memref_slice %arg4[%mul3A_73] : memref<54525952xf32, #tpu.memory_space<hbm>> -> memref<16384xf32, #tpu.memory_space<hbm>>
    %dma_wait3A_87 = tpu.memref_slice %arg4[%mul3A_73] : memref<54525952xf32, #tpu.memory_space<hbm>> -> memref<16384xf32, #tpu.memory_space<hbm>>
    %dma_wait3A_88 = arith.constant 0 : i32
    %dma_wait3A_89 = tpu.memref_slice %arg7[%dma_wait3A_88] : memref<49152xf32, #tpu.memory_space<vmem>> -> memref<16384xf32, #tpu.memory_space<vmem>>
    tpu.wait_dma2 semaphore(%arg8 : memref<!tpu.dma_semaphore, #tpu.memory_space<semaphore_mem>>) src(%dma_wait3A_89 : memref<16384xf32, #tpu.memory_space<vmem>>) dst(%dma_wait3A_87 : memref<16384xf32, #tpu.memory_space<hbm>>)
    %dma_wait3A_90 = arith.constant 0 : i32
    %dma_wait3A_91 = tpu.memref_slice %arg7[%dma_wait3A_90] : memref<49152xf32, #tpu.memory_space<vmem>> -> memref<16384xf32, #tpu.memory_space<vmem>>
    %dma_wait3A_92 = tpu.memref_slice %arg4[%mul3A_73] : memref<54525952xf32, #tpu.memory_space<hbm>> -> memref<16384xf32, #tpu.memory_space<hbm>>
    %dma_wait3A_93 = tpu.memref_slice %arg4[%mul3A_73] : memref<54525952xf32, #tpu.memory_space<hbm>> -> memref<16384xf32, #tpu.memory_space<hbm>>
    %dma_wait3A_94 = arith.constant 0 : i32
    %dma_wait3A_95 = tpu.memref_slice %arg7[%dma_wait3A_94] : memref<49152xf32, #tpu.memory_space<vmem>> -> memref<16384xf32, #tpu.memory_space<vmem>>
    tpu.wait_dma2 semaphore(%arg8 : memref<!tpu.dma_semaphore, #tpu.memory_space<semaphore_mem>>) src(%dma_wait3A_95 : memref<16384xf32, #tpu.memory_space<vmem>>) dst(%dma_wait3A_93 : memref<16384xf32, #tpu.memory_space<hbm>>)
    return
  }
}

</mosaic_0001>

<sc_bundles>
// kernel: kernel.3.cloned.1.call-start
scs
__scs_entry_jumppad:
0x0: {  	(pc) =	sbr.rel $0x88, $3  }
0x1: {  	(tag) =	ssettag $0x0;
	lr =	simm.s32 $0x1  }
0x2: {  	[smem:$0x3F9F] =	sst lr;
	_ =	strace $0xD0000000  }
0x3: {  	_ = 	snop  }
0x4: {  	_ = 	snop  }
0x5: {  	_ = 	snop  }
0x6: {  	_ = 	snop  }
0x7: {  	_ = 	snop  }
__scs_overlays_trampoline_lowered:
0x8: {  	[smem:$0x3FAE] =	sst s0  }
0x9: {  	[smem:$0x3FAF] =	sst s1  }
0xa: {  	[smem:$0x3FB0] =	sst s2  }
0xb: {  	[smem:$0x3FB1] =	sst s3  }
0xc: {  	[smem:$0x3FB2] =	sst s4  }
0xd: {  	[smem:$0x3FB3] =	sst s5  }
0xe: {  	[smem:$0x3FB4] =	sst s6  }
0xf: {  	[smem:$0x3FB5] =	sst s7  }
0x10: {  	[smem:$0x3FB6] =	sst s8  }
0x11: {  	[smem:$0x3FB7] =	sst s9;
	s0 =	simm.s32 @!p0 $0x0  }
0x12: {  	s1 =	sld [smem:$0x3F9D];
	s0 =	simm.s32 @p0 $0x1  }
0x13: {  	[smem:$0x3FB8] =	sst s0;
	s0 =	simm.s32 @!p1 $0x0  }
0x14: {  	s2 =	sld [smem:$0x3F9C];
	s0 =	simm.s32 @p1 $0x1  }
0x15: {  	[smem:$0x3FB9] =	sst s0;
	s0 =	simm.s32 @!p2 $0x0  }
0x16: {  	s3 =	sld [smem:$0x3FDB];
	s0 =	simm.s32 @p2 $0x1  }
0x17: {  	s4 =	simm.s32 $0x1BF5;
	[smem:$0x3FBB] =	sst s0  }
0x18: {  	s0 =	sld [smem:$0x3F9E];
	_ =	swait.ge [sflag:s4], $0x0  }
0x19: {  	s7 =	sld [smem:$0x3F9F]  }
0x1a: {  	s8 =	sadd.s32 $0xFFFFE003, lr  }
0x1b: {  	s9 =	sadd.s32 $0xFFFFFEF7, lr;
	s5 =	simm.s32 $0xFFFFFFFF;
	p2 =	slt.u32 s8, $0xFFFFF086  }
0x1c: {  	p1 =	slt.u32 s9, $0xF7A;
	s5 =	simm.s32 @!p2 $0x0  }
0x1d: {  	s5 =	simm.s32 @p1 $0x1;
	p0 =	seq.s32 s7, s2  }
0x1e: {  	s7 =	smul.u32 @!p0 $0xF7A, s2;
	p2 =	seq.s32 @!p0 s5, $0x0  }
0x1f: {  	s9 =	smul.u32 $0xF7A, s1;
	s8 =	simm.s32 @!p0 $0x1BF5;
	p2 =	por !p2, p0  }
0x20: {  	[sflag:s8] =	ssyncset.s32 @!p0 $0xFFFFF086;
	s6 =	sadd.s32 @!p0 s3, s7;
	s7 =	simm.s32 @!p0 $0x108  }
0x21: {  	s3 =	sadd.s32 s3, s9;
	s6 =	sadd.s32 @!p0 $0x88, s6;
	s7 =	simm.s32 @p2 $0x1082  }
0x22: {  	[simem:s7], [sflag:s8] =	dma.local @!p0 [hbm:s6], $0xF7A  }
0x23: {  	s9 =	sor.u32 $0xD0000000, s2;
	s6 =	simm.s32 $0x108;
	_ =	swait.ge @!p0 [sflag:s8], $0x0  }
0x24: {  	s3 =	sadd.s32 $0x88, s3;
	s6 =	simm.s32 @!p1 $0x1082;
	[sflag:s4] =	ssyncset.s32 $0xFFFFF086  }
0x25: {  	[simem:s6], [sflag:s4] =	dma.local [hbm:s3], $0xF7A  }
0x26: {  	[smem:$0x3F9F] =	sst s1;
	(tag) =	ssettag s2;
	_ =	strace s9  }
0x27: {  	s1 =	sld [smem:$0x3FAF]  }
0x28: {  	s2 =	sld [smem:$0x3FB0]  }
0x29: {  	s4 =	sld [smem:$0x3FB2]  }
0x2a: {  	p0 =	seq.s32 s5, $0x0;
	s5 =	sld [smem:$0x3FB3]  }
0x2b: {  	s6 =	sld [smem:$0x3FB4]  }
0x2c: {  	s7 =	sld [smem:$0x3FB5]  }
0x2d: {  	s3 =	simm.s32 $0x108;
	s8 =	sld [smem:$0x3FB6]  }
0x2e: {  	s3 =	simm.s32 @!p0 $0x1082;
	s9 =	sld [smem:$0x3FB7]  }
0x2f: {  	lr =	sadd.s32 s0, s3;
	s0 =	sld [smem:$0x3FAE]  }
0x30: {  	s3 =	sld [smem:$0x3FB1]  }
0x31: {  	[smem:$0x3FBA] =	sst s10  }
0x32: {  	s10 =	sld [smem:$0x3FB8];
	_ =	sdelay $0x3  }
0x33: {  	p0 =	seq.s32 s10, $0x1;
	s10 =	sld [smem:$0x3FBA];
	_ =	sdelay $0x3  }
0x34: {  	[smem:$0x3FBA] =	sst s10  }
0x35: {  	s10 =	sld [smem:$0x3FB9];
	_ =	sdelay $0x3  }
0x36: {  	p1 =	seq.s32 s10, $0x1;
	s10 =	sld [smem:$0x3FBA];
	_ =	sdelay $0x3  }
0x37: {  	[smem:$0x3FBA] =	sst s10  }
0x38: {  	s10 =	sld [smem:$0x3FBB]  }
0x39: {  	_ = 	snop;
	(pc) =	sbr.ind lr, $3  }
0x3a: {  	_ = 	snop  }
0x3b: {  	_ = 	snop  }
0x3c: {  	p2 =	seq.s32 s10, $0x1;
	s10 =	sld [smem:$0x3FBA]  }
0x3d: {  	_ =	shalt  }
0x3e: {  	_ =	shalt  }
0x3f: {  	_ =	shalt  }
0x40: {  	_ =	shalt  }
0x41: {  	_ =	shalt  }
0x42: {  	_ =	shalt  }
0x43: {  	_ =	shalt  }
0x44: {  	_ =	shalt  }
0x45: {  	_ =	shalt  }
0x46: {  	_ =	shalt  }
0x47: {  	_ =	shalt  }
0x48: {  	_ =	shalt  }
0x49: {  	_ =	shalt  }
0x4a: {  	_ =	shalt  }
0x4b: {  	_ =	shalt  }
0x4c: {  	_ =	shalt  }
0x4d: {  	_ =	shalt  }
0x4e: {  	_ =	shalt  }
0x4f: {  	_ =	shalt  }
0x50: {  	_ =	shalt  }
0x51: {  	_ =	shalt  }
0x52: {  	_ =	shalt  }
0x53: {  	_ =	shalt  }
0x54: {  	_ =	shalt  }
0x55: {  	_ =	shalt  }
0x56: {  	_ =	shalt  }
0x57: {  	_ =	shalt  }
0x58: {  	_ =	shalt  }
0x59: {  	_ =	shalt  }
0x5a: {  	_ =	shalt  }
0x5b: {  	_ =	shalt  }
0x5c: {  	_ =	shalt  }
0x5d: {  	_ =	shalt  }
0x5e: {  	_ =	shalt  }
0x5f: {  	_ =	shalt  }
0x60: {  	_ =	shalt  }
0x61: {  	_ =	shalt  }
0x62: {  	_ =	shalt  }
0x63: {  	_ =	shalt  }
0x64: {  	_ =	shalt  }
0x65: {  	_ =	shalt  }
0x66: {  	_ =	shalt  }
0x67: {  	_ =	shalt  }
0x68: {  	_ =	shalt  }
0x69: {  	_ =	shalt  }
0x6a: {  	_ =	shalt  }
0x6b: {  	_ =	shalt  }
0x6c: {  	_ =	shalt  }
0x6d: {  	_ =	shalt  }
0x6e: {  	_ =	shalt  }
0x6f: {  	_ =	shalt  }
0x70: {  	_ =	shalt  }
0x71: {  	_ =	shalt  }
0x72: {  	_ =	shalt  }
0x73: {  	_ =	shalt  }
0x74: {  	_ =	shalt  }
0x75: {  	_ =	shalt  }
0x76: {  	_ =	shalt  }
0x77: {  	_ =	shalt  }
0x78: {  	_ =	shalt  }
0x79: {  	_ =	shalt  }
0x7a: {  	_ =	shalt  }
0x7b: {  	_ =	shalt  }
0x7c: {  	_ =	shalt  }
0x7d: {  	_ =	shalt  }
0x7e: {  	_ =	shalt  }
0x7f: {  	_ =	shalt  }
0x80: {  	_ =	shalt  }
0x81: {  	_ =	shalt  }
0x82: {  	_ =	shalt  }
0x83: {  	_ =	shalt  }
0x84: {  	_ =	shalt  }
0x85: {  	_ =	shalt  }
0x86: {  	_ =	shalt  }
0x87: {  	_ =	shalt  }
.Lfunc_end0:
.L_simem_size_0:
called_computation_lowered:
.L_overlay_start_0:
0x88: {  	s2 =	sld [smem:$0x3FD9]  }
0x89: {  	s3 =	sld [smem:$0x3FFE];
	_ =	sdelay $0x1  }
0x8a: {  	s1 =	srdreg.scid  }
0x8b: {  	s0 =	sand.u32 $0x1, s1  }
0x8c: {  	s17 =	sshll.u32 s0, $0xA;
	s2 =	sadd.s32 s3, s2  }
0x8d: {  	s2 =	sadd.s32 s2, s17  }
0x8e: {  	[smem:$0x3FC6] =	sst s2  }
0x8f: {  	_ = 	snop  }
0x90: {  	s2 =	sld [smem:$0x3FC9]  }
0x91: {  	s18 =	sld [smem:$0x3FD0];
	(tm) =	ssettm $0x1  }
0x92: {  	s4 =	sld [smem:$0x3FFB];
	_ =	sdelay $0x3  }
0x93: {  	_ =	strace s4  }
0x94: {  	s4 =	sld [smem:$0x3FFC];
	_ =	sdelay $0x3  }
0x95: {  	_ =	strace s4  }
0x96: {  	s4 =	sld [smem:$0x3FFD];
	_ =	sdelay $0x3  }
0x97: {  	_ =	strace s4  }
0x98: {  	_ =	strace $0x8FFFFFFF  }
0x99: {  	s19 =	sld [smem:$0x3FDB];
	_ =	sdelay $0x1  }
0x9a: {  	s5 =	simm.s32 $_scs_section_size  }
0x9b: {  	s6 =	simm.s32 $_size__tile_overlayer_lowered;
	s7 =	simm.s32 $_tile_overlayer_lowered  }
0x9c: {  	s22 =	simm.s32 $0x1BFF;
	s21 =	sshll.u32 s7, $0x1;
	s4 =	sadd.s32 s5, s19  }
0x9d: {  	s8 =	simm.s32 $0x0;
	s20 =	sshll.u32 s6, $0x1;
	s6 =	sadd.s32 s21, s4  }
0x9e: {  	[timem:s8], [sflag:s22] =	dma.local [hbm:s6], s20  }
0x9f: {  	_ =	swait.ge [sflag:s22], s20  }
0xa0: {  	s5 =	ssub.s32 $0x0, s20;
	[sflag:s22] =	ssyncset.done $0x0  }
0xa1: {  	[sflag:s22] =	ssyncadd.s32 s5;
	_ =	sdelay $0x1  }
0xa2: {  	s23 =	simm.s32 $0x1B8B  }
0xa3: {  	_ =	swait.ge [sflag:s23], $0x1  }
0xa4: {  	[sflag:s23] =	ssyncset.done $0x0  }
0xa5: {  	s25 =	simm.s32 $0x1B8E;
	s24 =	sld [smem:$0x3FFE];
	[sflag:s23] =	ssyncadd.s32 $0xFFFFFFFF  }
0xa6: {  	s26 =	simm.s32 $execute0_lowered;
	[smem:$0x3FD2] =	sst s25  }
0xa7: {  	s6 =	sshll.u32 s26, $0x1;
	_ =	strace $0x80000046;
	[dreg:$0x1] =	wrdreg $0xFFFFFFFF  }
0xa8: {  	s28 =	simm.s32 $_size_execute0_lowered;
	s4 =	sadd.s32 s4, s6;
	[dreg:$0x0] =	wrdreg $0x0  }
0xa9: {  	s6 =	sshll.u32 s28, $0x1;
	[dreg:$0x2] =	wrdreg s4  }
0xaa: {  	[dreg:$0x3] =	wrdreg s6  }
0xab: {  	[dreg:$0x4] =	wrdreg $0xC0  }
0xac: {  	_ =	task [dreg:s8], $0x5FFFF  }
0xad: {  	[dreg:$0x1] =	wrdreg $0xFFFFFFFF  }
0xae: {  	[dreg:$0x0] =	wrdreg $0x60  }
0xaf: {  	[dreg:$0x2] =	wrdreg s2  }
0xb0: {  	[dreg:$0x3] =	wrdreg s24  }
0xb1: {  	[dreg:$0x4] =	wrdreg s18  }
0xb2: {  	[dreg:$0x5] =	wrdreg $0x9  }
0xb3: {  	_ =	task.clear_ibuf [dreg:s8], $0x6FFFF;
	_ =	strace $0x90000046  }
0xb4: {  	s29 =	simm.s32 $0x9;
	_ =	strace $0x80000048  }
0xb5: {  	_ =	swait.ge [sflag:s29], $0x1  }
0xb6: {  	[sflag:s29] =	ssyncadd.s32 $0xFFFFFFFF  }
0xb7: {  	_ =	strace $0x90000048  }
0xb8: {  	_ =	sfence  }
0xb9: {  	s30 =	sld [smem:$0x0];
	_ =	sdelay $0x2  }
0xba: {  	s31 =	sshll.u32 s1, $0xD;
	s1 =	sshrl.u32 s1, $0x2  }
0xbb: {  	s3 =	sand.u32 $0x4000, s31;
	s1 =	sadd.s32 s1, s30  }
0xbc: {  	s0 =	sor.u32 s3, s0;
	s1 =	sshll.u32 s1, $0x11  }
0xbd: {  	s0 =	sor.u32 s1, s0  }
0xbe: {  	s0 =	sadd.s32 $0x8F2B, s0  }
0xbf: {  	[sflag:s0] =	ssyncadd.remote.s32 $0x1  }
0xc0: {  	_ =	sfence.sel $0xFFFF  }
0xc1: {  	[dreg:$0x0] =	wrdreg $0xFFFFFFFF;
	(pc) =	sbr.abs _section_cstart, $3  }
0xc2: {  	[dreg:$0x1] =	wrdreg $0xFFFFFFFF  }
0xc3: {  	_ =	task.clear_ibuf [dreg:s8], $0x2FFFF;
	_ =	strace $0x9FFFFFFF  }
0xc4: {  	(tm) =	ssettm $0x7FFFFFFF  }
0xc5: {  	_ =	shalt  }
tec
execute0_lowered:
.L_overlay_start_1:
0x0: {  	(tag) =	ssettag $0x1  }
0x1: {  	s5 =	rddreg [dreg:$0x0]  }
0x2: {  	s4 =	rddreg [dreg:$0x1];
	s1 =	srdreg.scid;
	v0 =	vimm.s32 $0x0;
	v1 =	vimm.s32 $0x4;
	v2 =	vlaneseq.u32  }
0x3: {  	s0 =	stileid.u32;
	s2 =	rddreg [dreg:$0x2];
	v3 =	vimm.s32 $0xC;
	s3 =	simm.s32 $0x0;
	v11 =	vimm.s32 $0x1;
	v12 =	vimm.s32 $0x2  }
0x4: {  	v13 =	vimm.s32 $0x3;
	v14 =	vimm.s32 $0x5;
	v15 =	vimm.s32 $0x6;
	s10 =	simm.s32 $0x1;
	s6 =	sand.u32 $0x1, s1;
	s7 =	sshll.u32 s0, $0x1  }
0x5: {  	v16 =	vimm.s32 $0x7;
	v17 =	vimm.s32 $0x8;
	v18 =	vimm.s32 $0x9;
	s11 =	simm.s32 $0x0;
	s1 =	rddreg [dreg:$0x3];
	s7 =	sor.u32 s6, s7  }
0x6: {  	v19 =	vimm.s32 $0xA;
	v20 =	vimm.s32 $0xB;
	v21 =	vimm.s32 $0xD;
	[smem:$0x7FF] =	sst s3;
	s6 =	ssub.s32 $0x2, s6;
	s8 =	smul.u32 $0x680, s7  }
0x7: {  	v22 =	vimm.s32 $0xE;
	v23 =	vimm.s32 $0xF;
	v4 =	vor.u32 $0x1000, v2;
	s4 =	sadd.s32 $0x400, s4;
	_ =	strace $0x80000047;
	s9 =	sshrl.u32 s6, $0x1  }
0x8: {  	v5 =	vor.u32 $0x2000, v2;
	v6 =	vor.u32 $0x3000, v2;
	v7 =	vor.u32 $0x4000, v2;
	s9 =	ssub.s32 s6, s9;
	s6 =	smul.u32 $0x1A0000, s7;
	s5 =	sadd.s32 s5, s8  }
0x9: {  	v8 =	vor.u32 $0x5000, v2;
	v9 =	vor.u32 $0x6000, v2;
	v10 =	vor.u32 $0x7000, v2;
	s7 =	smax.u32 s9, $0x1;
	s8 =	simm.s32 $0x2;
	s9 =	simm.s32 $0x8000  }
.LBB2_1:
0xa: {  	[tilespmem:s3], [sflag:$0x2] =	stream.linear.gather [hbm4b:s4+s3], $0x8000, $0x38;
	[tilespmem:$0x17400] =	vst v63  }
0xb: {  	_ =	swait.ge [sflag:s8], $0x8000  }
0xc: {  	[sflag:s8] =	ssyncset.done $0x0  }
0xd: {  	[sflag:s8] =	ssyncadd.s32 $0xFFFF8000  }
0xe: {  	[tilespmem:s9], [sflag:$0x2] =	stream.linear.gather [hbm4b:s5+s3], $0x3400, $0x38;
	[tilespmem:$0x17400] =	vst v63  }
0xf: {  	_ =	swait.ge [sflag:s8], $0x3400  }
0x10: {  	[sflag:s8] =	ssyncset.done $0x0  }
0x11: {  	s12 =	simm.s32 $0x0;
	[sflag:s8] =	ssyncadd.s32 $0xFFFFCC00  }
.LBB2_2:
0x12: {  	s13 =	smul.u32 $0xAB, s12;
	_ =	sdelay $0x1  }
0x13: {  	s13 =	sshrl.u32 s13, $0x9  }
0x14: {  	s13 =	sand.u32 $0x7F, s13  }
0x15: {  	s13 =	smul.u32 $0x3, s13  }
0x16: {  	s15 =	sshll.u32 s12, $0x7  }
0x17: {  	p0 =	slt.u32 s12, $0x3;
	s15 =	sand.u32 $0x3FFFFF80, s15;
	s13 =	ssub.s32 s12, s13  }
0x18: {  	s14 =	simm.s32 @!p0 $0x1;
	s15 =	sadd.s32 $0x8000, s15;
	s13 =	sand.u32 $0xFF, s13  }
0x19: {  	_ =	swait.ge @!p0 [sflag:s14], $0x4000;
	v24 =	vmov s15;
	s13 =	sshll.u32 s13, $0xE  }
0x1a: {  	[sflag:s14] =	ssyncset.done @!p0 $0x0;
	s13 =	sadd.s32 $0xB400, s13  }
0x1b: {  	[sflag:s14] =	ssyncadd.s32 @!p0 $0xFFFFC000;
	s14 =	simm.s32 $0x0;
	v25 =	vmov s13  }
.LBB2_3:
0x1c: {  	s15 =	sshll.u32 s14, $0x5  }
0x1d: {  	s15 =	sand.u32 $0x3FFFFFE0, s15  }
0x1e: {  	v27 =	vld.idx.msk [tilespmem:v24+s15+$0x0 ss:$0x1], $0xffff;
	_ =	sdelay $0x4  }
0x1f: {  	v26 =	vperm.xlane v27, v0  }
0x20: {  	v36 =	vperm.xlane v27, v11  }
0x21: {  	v47 =	vperm.xlane v27, v12;
	v42 =	vperm.xlane v27, v1;
	v28 =	vsub.s32 $0x0, v26  }
0x22: {  	vm0 =	vgt.s32 v0, v26;
	v37 =	vsub.s32 $0x0, v36;
	vm9 =	vgt.s32 v0, v36  }
0x23: {  	v49 =	vsub.s32 $0x0, v47;
	vm10 =	vgt.s32 v0, v47;
	vm12 =	vgt.s32 v0, v42  }
0x24: {  	v28 =	vmin.u32 v26, v28;
	v37 =	vmin.u32 v36, v37;
	v51 =	vmin.u32 v47, v49  }
0x25: {  	v26 =	vshll.u32 v28, $0x4;
	v29 =	vshrl.u32 v28, $0x4;
	v30 =	vshrl.u32 v28, $0xC  }
0x26: {  	v28 =	vshrl.u32 v28, $0x14;
	v38 =	vshll.u32 v37, $0x4;
	v58 =	vshrl.u32 v37, $0x4  }
0x27: {  	v40 =	vshrl.u32 v37, $0xC;
	v37 =	vshrl.u32 v37, $0x14;
	v54 =	vshrl.u32 v51, $0x4  }
0x28: {  	v26 =	vand.u32 $0xFF0, v26;
	v29 =	vand.u32 $0xFF0, v29;
	v30 =	vand.u32 $0xFF0, v30  }
0x29: {  	v28 =	vand.u32 $0xFF0, v28;
	v38 =	vand.u32 $0xFF0, v38;
	v36 =	vand.u32 $0xFF0, v58  }
0x2a: {  	v59 =	vand.u32 $0xFF0, v40;
	v62 =	vand.u32 $0xFF0, v37;
	v31 =	vor.u32 v2, v26  }
0x2b: {  	v56 =	vand.u32 $0xFF0, v54;
	v32 =	vor.u32 v4, v29;
	v31 =	vsel vm0, v2, v31  }
0x2c: {  	v58 =	vshrl.u32 v51, $0xC;
	v33 =	vor.u32 v5, v30;
	v32 =	vsel vm0, v4, v32  }
0x2d: {  	v34 =	vor.u32 v6, v28;
	v35 =	vor.u32 v7, v26;
	v33 =	vsel vm0, v5, v33  }
0x2e: {  	v29 =	vor.u32 v8, v29;
	v30 =	vor.u32 v9, v30;
	v34 =	vsel vm0, v6, v34  }
0x2f: {  	v26 =	vld.idx.msk [tilespmem:v24+s15+$0x10 ss:$0x1], $0xffff;
	v28 =	vor.u32 v10, v28;
	v39 =	vor.u32 v2, v38;
	v35 =	vsel vm0, v35, v7  }
0x30: {  	v41 =	vor.u32 v4, v36;
	v61 =	vor.u32 v5, v59;
	v29 =	vsel vm0, v29, v8;
	v31 =	vld.idx.msk [tilespmem:v31+s3+$0x0], $0xffff  }
0x31: {  	v44 =	vor.u32 v6, v62;
	v38 =	vor.u32 v7, v38;
	v30 =	vsel vm0, v30, v9;
	v32 =	vld.idx.msk [tilespmem:v32+s3+$0x0], $0xffff  }
0x32: {  	v36 =	vor.u32 v8, v36;
	v28 =	vsel vm0, v28, v10;
	v39 =	vsel vm9, v2, v39;
	v33 =	vld.idx.msk [tilespmem:v33+s3+$0x0], $0xffff  }
0x33: {  	v60 =	vsel vm9, v4, v41;
	v63 =	vsel vm9, v5, v61;
	v46 =	vsel vm9, v38, v7;
	v34 =	vld.idx.msk [tilespmem:v34+s3+$0x0], $0xffff  }
0x34: {  	s31 =	sshll.u32 s14, $0xC;
	v48 =	vsel vm9, v36, v8;
	v36 =	vshll.u32 v51, $0x4;
	v38 =	vand.u32 $0xFF0, v58;
	v35 =	vld.idx.msk [tilespmem:v35+s3+$0x0], $0xffff  }
0x35: {  	s15 =	sand.u32 $0x3FFFF000, s31;
	v45 =	vsel vm9, v6, v44;
	v53 =	vand.u32 $0xFF0, v36;
	v61 =	vor.u32 v5, v38;
	v29 =	vld.idx.msk [tilespmem:v29+s3+$0x0], $0xffff  }
0x36: {  	v55 =	vor.u32 v2, v53;
	v30 =	vld.idx.msk [tilespmem:v30+s3+$0x0], $0xffff;
	[tilespmem:v25+s15+$0x0 ss:$0x1] =	vst.idx.msk $0xffff, v31;
	v31 =	vor.u32 v9, v59  }
0x37: {  	v57 =	vsel vm10, v2, v55;
	v59 =	vor.u32 v4, v56;
	v28 =	vld.idx.msk [tilespmem:v28+s3+$0x0], $0xffff;
	v50 =	vsel vm9, v31, v9  }
0x38: {  	[tilespmem:v25+s15+$0x10 ss:$0x1] =	vst.idx.msk $0xffff, v32;
	v32 =	vor.u32 v10, v62;
	v31 =	vshrl.u32 v51, $0x14;
	v62 =	vsel vm10, v5, v61  }
0x39: {  	v39 =	vld.idx.msk [tilespmem:v39+s3+$0x0], $0xffff;
	[tilespmem:v25+s15+$0x20 ss:$0x1] =	vst.idx.msk $0xffff, v33;
	v52 =	vsel vm9, v32, v10;
	v31 =	vand.u32 $0xFF0, v31  }
0x3a: {  	v32 =	vor.u32 v7, v53;
	v40 =	vld.idx.msk [tilespmem:v60+s3+$0x0], $0xffff;
	[tilespmem:v25+s15+$0x30 ss:$0x1] =	vst.idx.msk $0xffff, v34;
	v60 =	vsel vm10, v4, v59  }
0x3b: {  	v32 =	vsel vm10, v32, v7;
	v37 =	vld.idx.msk [tilespmem:v63+s3+$0x0], $0xffff;
	[tilespmem:v25+s15+$0x40 ss:$0x1] =	vst.idx.msk $0xffff, v35;
	v63 =	vor.u32 v6, v31  }
0x3c: {  	v31 =	vor.u32 v10, v31;
	v33 =	vld.idx.msk [tilespmem:v45+s3+$0x0], $0xffff;
	[tilespmem:v25+s15+$0x50 ss:$0x1] =	vst.idx.msk $0xffff, v29;
	v45 =	vperm.xlane v27, v13  }
0x3d: {  	v44 =	vsel vm10, v6, v63;
	v34 =	vld.idx.msk [tilespmem:v46+s3+$0x0], $0xffff;
	[tilespmem:v25+s15+$0x60 ss:$0x1] =	vst.idx.msk $0xffff, v30;
	v46 =	vor.u32 v9, v38  }
0x3e: {  	v35 =	vld.idx.msk [tilespmem:v48+s3+$0x0], $0xffff;
	[tilespmem:v25+s15+$0x70 ss:$0x1] =	vst.idx.msk $0xffff, v28;
	v28 =	vor.u32 v8, v56;
	v47 =	vsub.s32 $0x0, v45  }
0x3f: {  	v48 =	vsel vm10, v46, v9;
	vm11 =	vgt.s32 v0, v45;
	v29 =	vld.idx.msk [tilespmem:v50+s3+$0x0], $0xffff;
	v49 =	vmin.u32 v45, v47  }
0x40: {  	[tilespmem:v25+s15+$0x80 ss:$0x1] =	vst.idx.msk $0xffff, v39;
	v28 =	vsel vm10, v28, v8;
	v50 =	vsel vm10, v31, v10;
	v38 =	vshll.u32 v49, $0x4  }
0x41: {  	v30 =	vld.idx.msk [tilespmem:v52+s3+$0x0], $0xffff;
	[tilespmem:v25+s15+$0x90 ss:$0x1] =	vst.idx.msk $0xffff, v40;
	v52 =	vshrl.u32 v49, $0x4;
	v56 =	vshrl.u32 v49, $0xC;
	v51 =	vand.u32 $0xFF0, v38  }
0x42: {  	v36 =	vld.idx.msk [tilespmem:v57+s3+$0x0], $0xffff;
	[tilespmem:v25+s15+$0xA0 ss:$0x1] =	vst.idx.msk $0xffff, v37;
	v54 =	vand.u32 $0xFF0, v52;
	v58 =	vand.u32 $0xFF0, v56;
	v37 =	vshrl.u32 v49, $0x14  }
0x43: {  	v39 =	vld.idx.msk [tilespmem:v60+s3+$0x0], $0xffff;
	v53 =	vor.u32 v2, v51;
	v57 =	vor.u32 v4, v54;
	v60 =	vor.u32 v5, v58  }
0x44: {  	[tilespmem:v25+s15+$0xB0 ss:$0x1] =	vst.idx.msk $0xffff, v33;
	v37 =	vand.u32 $0xFF0, v37;
	v31 =	vor.u32 v7, v51;
	v43 =	vor.u32 v9, v58  }
0x45: {  	v33 =	vld.idx.msk [tilespmem:v62+s3+$0x0], $0xffff;
	[tilespmem:v25+s15+$0xC0 ss:$0x1] =	vst.idx.msk $0xffff, v34;
	v55 =	vsel vm11, v2, v53;
	v59 =	vsel vm11, v4, v57  }
0x46: {  	v61 =	vsel vm11, v5, v60;
	v62 =	vor.u32 v6, v37;
	v31 =	vsel vm11, v31, v7  }
0x47: {  	v45 =	vsel vm11, v43, v9;
	v47 =	vor.u32 v10, v37;
	v34 =	vld.idx.msk [tilespmem:v44+s3+$0x0], $0xffff;
	[tilespmem:v25+s15+$0xD0 ss:$0x1] =	vst.idx.msk $0xffff, v35  }
0x48: {  	v63 =	vsel vm11, v6, v62;
	v44 =	vsub.s32 $0x0, v42;
	v32 =	vld.idx.msk [tilespmem:v32+s3+$0x0], $0xffff;
	[tilespmem:v25+s15+$0xE0 ss:$0x1] =	vst.idx.msk $0xffff, v29  }
0x49: {  	v49 =	vsel vm11, v47, v10;
	v46 =	vmin.u32 v42, v44;
	v28 =	vld.idx.msk [tilespmem:v28+s3+$0x0], $0xffff;
	[tilespmem:v25+s15+$0xF0 ss:$0x1] =	vst.idx.msk $0xffff, v30  }
0x4a: {  	v30 =	vor.u32 v8, v54;
	v51 =	vshrl.u32 v46, $0x4;
	v35 =	vld.idx.msk [tilespmem:v48+s3+$0x0], $0xffff;
	[tilespmem:v25+s15+$0x100 ss:$0x1] =	vst.idx.msk $0xffff, v36  }
0x4b: {  	v30 =	vsel vm11, v30, v8;
	v48 =	vshll.u32 v46, $0x4;
	v53 =	vand.u32 $0xFF0, v51;
	v29 =	vld.idx.msk [tilespmem:v50+s3+$0x0], $0xffff;
	[tilespmem:v25+s15+$0x110 ss:$0x1] =	vst.idx.msk $0xffff, v39  }
0x4c: {  	v50 =	vand.u32 $0xFF0, v48;
	v56 =	vor.u32 v4, v53;
	v38 =	vld.idx.msk [tilespmem:v55+s3+$0x0], $0xffff;
	[tilespmem:v25+s15+$0x120 ss:$0x1] =	vst.idx.msk $0xffff, v33  }
0x4d: {  	v52 =	vor.u32 v2, v50;
	v55 =	vshrl.u32 v46, $0xC;
	v40 =	vld.idx.msk [tilespmem:v59+s3+$0x0], $0xffff;
	[tilespmem:v25+s15+$0x130 ss:$0x1] =	vst.idx.msk $0xffff, v34  }
0x4e: {  	v58 =	vsel vm12, v4, v56;
	v36 =	vor.u32 v7, v50;
	v34 =	vld.idx.msk [tilespmem:v61+s3+$0x0], $0xffff;
	[tilespmem:v25+s15+$0x140 ss:$0x1] =	vst.idx.msk $0xffff, v32  }
0x4f: {  	v33 =	vshrl.u32 v46, $0x14;
	v54 =	vsel vm12, v2, v52;
	v57 =	vand.u32 $0xFF0, v55;
	v32 =	vld.idx.msk [tilespmem:v63+s3+$0x0], $0xffff;
	[tilespmem:v25+s15+$0x150 ss:$0x1] =	vst.idx.msk $0xffff, v28  }
0x50: {  	v33 =	vand.u32 $0xFF0, v33;
	v59 =	vor.u32 v5, v57;
	v31 =	vld.idx.msk [tilespmem:v31+s3+$0x0], $0xffff;
	[tilespmem:v25+s15+$0x160 ss:$0x1] =	vst.idx.msk $0xffff, v35  }
0x51: {  	v61 =	vor.u32 v6, v33;
	v46 =	vor.u32 v9, v57;
	v30 =	vld.idx.msk [tilespmem:v30+s3+$0x0], $0xffff;
	[tilespmem:v25+s15+$0x170 ss:$0x1] =	vst.idx.msk $0xffff, v29  }
0x52: {  	v33 =	vor.u32 v10, v33;
	v60 =	vsel vm12, v5, v59;
	v28 =	vld.idx.msk [tilespmem:v45+s3+$0x0], $0xffff;
	v45 =	vperm.xlane v27, v14  }
0x53: {  	v62 =	vsel vm12, v6, v61;
	v63 =	vsel vm12, v36, v7;
	v48 =	vsel vm12, v46, v9  }
0x54: {  	v50 =	vsel vm12, v33, v10;
	v29 =	vor.u32 v8, v53;
	[tilespmem:v25+s15+$0x180 ss:$0x1] =	vst.idx.msk $0xffff, v38;
	v47 =	vsub.s32 $0x0, v45  }
0x55: {  	v29 =	vsel vm12, v29, v8;
	v35 =	vld.idx.msk [tilespmem:v49+s3+$0x0], $0xffff;
	[tilespmem:v25+s15+$0x190 ss:$0x1] =	vst.idx.msk $0xffff, v40;
	v49 =	vmin.u32 v45, v47  }
0x56: {  	v37 =	vld.idx.msk [tilespmem:v54+s3+$0x0], $0xffff;
	[tilespmem:v25+s15+$0x1A0 ss:$0x1] =	vst.idx.msk $0xffff, v34;
	vm13 =	vgt.s32 v0, v45;
	v38 =	vshll.u32 v49, $0x4  }
0x57: {  	v39 =	vld.idx.msk [tilespmem:v58+s3+$0x0], $0xffff;
	[tilespmem:v25+s15+$0x1B0 ss:$0x1] =	vst.idx.msk $0xffff, v32;
	v52 =	vshrl.u32 v49, $0x4;
	v56 =	vshrl.u32 v49, $0xC;
	v51 =	vand.u32 $0xFF0, v38  }
0x58: {  	v44 =	vld.idx.msk [tilespmem:v60+s3+$0x0], $0xffff;
	[tilespmem:v25+s15+$0x1C0 ss:$0x1] =	vst.idx.msk $0xffff, v31;
	v34 =	vshrl.u32 v49, $0x14;
	v54 =	vand.u32 $0xFF0, v52;
	v53 =	vor.u32 v2, v51  }
0x59: {  	v31 =	vld.idx.msk [tilespmem:v62+s3+$0x0], $0xffff;
	[tilespmem:v25+s15+$0x1D0 ss:$0x1] =	vst.idx.msk $0xffff, v30;
	v58 =	vand.u32 $0xFF0, v56;
	v34 =	vand.u32 $0xFF0, v34;
	v55 =	vsel vm13, v2, v53  }
0x5a: {  	v32 =	vld.idx.msk [tilespmem:v63+s3+$0x0], $0xffff;
	[tilespmem:v25+s15+$0x1E0 ss:$0x1] =	vst.idx.msk $0xffff, v28;
	v57 =	vor.u32 v4, v54;
	v60 =	vor.u32 v5, v58  }
0x5b: {  	v62 =	vor.u32 v6, v34;
	v29 =	vld.idx.msk [tilespmem:v29+s3+$0x0], $0xffff;
	[tilespmem:v25+s15+$0x1F0 ss:$0x1] =	vst.idx.msk $0xffff, v35;
	v59 =	vsel vm13, v4, v57  }
0x5c: {  	v33 =	vor.u32 v7, v51;
	v61 =	vsel vm13, v5, v60;
	v30 =	vld.idx.msk [tilespmem:v48+s3+$0x0], $0xffff;
	[tilespmem:v25+s15+$0x200 ss:$0x1] =	vst.idx.msk $0xffff, v37  }
0x5d: {  	v63 =	vsel vm13, v6, v62;
	v43 =	vsel vm13, v33, v7;
	v28 =	vld.idx.msk [tilespmem:v50+s3+$0x0], $0xffff;
	[tilespmem:v25+s15+$0x210 ss:$0x1] =	vst.idx.msk $0xffff, v39  }
0x5e: {  	v35 =	vor.u32 v8, v54;
	v38 =	vld.idx.msk [tilespmem:v55+s3+$0x0], $0xffff;
	[tilespmem:v25+s15+$0x220 ss:$0x1] =	vst.idx.msk $0xffff, v44;
	v44 =	vperm.xlane v27, v15  }
0x5f: {  	v47 =	vor.u32 v9, v58;
	v34 =	vor.u32 v10, v34;
	v45 =	vsel vm13, v35, v8  }
0x60: {  	v49 =	vsel vm13, v47, v9;
	v40 =	vld.idx.msk [tilespmem:v59+s3+$0x0], $0xffff;
	[tilespmem:v25+s15+$0x230 ss:$0x1] =	vst.idx.msk $0xffff, v31;
	v48 =	vsub.s32 $0x0, v44  }
0x61: {  	v51 =	vsel vm13, v34, v10;
	v33 =	vld.idx.msk [tilespmem:v61+s3+$0x0], $0xffff;
	[tilespmem:v25+s15+$0x240 ss:$0x1] =	vst.idx.msk $0xffff, v32;
	v50 =	vmin.u32 v44, v48  }
0x62: {  	vm14 =	vgt.s32 v0, v44;
	v46 =	vld.idx.msk [tilespmem:v63+s3+$0x0], $0xffff;
	[tilespmem:v25+s15+$0x250 ss:$0x1] =	vst.idx.msk $0xffff, v29;
	v37 =	vshll.u32 v50, $0x4;
	v53 =	vshrl.u32 v50, $0x4  }
0x63: {  	v31 =	vld.idx.msk [tilespmem:v43+s3+$0x0], $0xffff;
	[tilespmem:v25+s15+$0x260 ss:$0x1] =	vst.idx.msk $0xffff, v30;
	v57 =	vshrl.u32 v50, $0xC;
	v36 =	vshrl.u32 v50, $0x14;
	v52 =	vand.u32 $0xFF0, v37  }
0x64: {  	v32 =	vld.idx.msk [tilespmem:v45+s3+$0x0], $0xffff;
	[tilespmem:v25+s15+$0x270 ss:$0x1] =	vst.idx.msk $0xffff, v28;
	v55 =	vand.u32 $0xFF0, v53;
	v59 =	vand.u32 $0xFF0, v57;
	v36 =	vand.u32 $0xFF0, v36  }
0x65: {  	v45 =	vperm.xlane v27, v16;
	v54 =	vor.u32 v2, v52;
	v58 =	vor.u32 v4, v55  }
0x66: {  	v61 =	vor.u32 v5, v59;
	v63 =	vor.u32 v6, v36;
	v34 =	vor.u32 v7, v52  }
0x67: {  	v28 =	vor.u32 v8, v55;
	v36 =	vor.u32 v10, v36;
	v56 =	vsel vm14, v2, v54  }
0x68: {  	v60 =	vsel vm14, v4, v58;
	v62 =	vsel vm14, v5, v61;
	v47 =	vsub.s32 $0x0, v45  }
0x69: {  	v29 =	vld.idx.msk [tilespmem:v49+s3+$0x0], $0xffff;
	v44 =	vsel vm14, v6, v63;
	v34 =	vsel vm14, v34, v7;
	v49 =	vmin.u32 v45, v47  }
0x6a: {  	[tilespmem:v25+s15+$0x280 ss:$0x1] =	vst.idx.msk $0xffff, v38;
	v28 =	vsel vm14, v28, v8;
	v38 =	vshll.u32 v49, $0x4;
	v52 =	vshrl.u32 v49, $0x4  }
0x6b: {  	v30 =	vld.idx.msk [tilespmem:v51+s3+$0x0], $0xffff;
	[tilespmem:v25+s15+$0x290 ss:$0x1] =	vst.idx.msk $0xffff, v40;
	v50 =	vsel vm14, v36, v10;
	v51 =	vand.u32 $0xFF0, v38;
	v54 =	vand.u32 $0xFF0, v52  }
0x6c: {  	vm15 =	vgt.s32 v0, v45;
	v53 =	vor.u32 v2, v51;
	v57 =	vor.u32 v4, v54  }
0x6d: {  	v36 =	vor.u32 v7, v51;
	v37 =	vld.idx.msk [tilespmem:v56+s3+$0x0], $0xffff;
	[tilespmem:v25+s15+$0x2A0 ss:$0x1] =	vst.idx.msk $0xffff, v33;
	v55 =	vsel vm15, v2, v53  }
0x6e: {  	v56 =	vshrl.u32 v49, $0xC;
	v33 =	vshrl.u32 v49, $0x14;
	v39 =	vld.idx.msk [tilespmem:v60+s3+$0x0], $0xffff;
	[tilespmem:v25+s15+$0x2B0 ss:$0x1] =	vst.idx.msk $0xffff, v46;
	v46 =	vor.u32 v9, v59  }
0x6f: {  	v58 =	vand.u32 $0xFF0, v56;
	v59 =	vsel vm15, v4, v57;
	v33 =	vand.u32 $0xFF0, v33;
	v35 =	vld.idx.msk [tilespmem:v62+s3+$0x0], $0xffff;
	[tilespmem:v25+s15+$0x2C0 ss:$0x1] =	vst.idx.msk $0xffff, v31  }
0x70: {  	v48 =	vsel vm14, v46, v9;
	v60 =	vor.u32 v5, v58;
	v62 =	vor.u32 v6, v33  }
0x71: {  	v46 =	vperm.xlane v27, v17;
	v47 =	vor.u32 v9, v58;
	v33 =	vor.u32 v10, v33  }
0x72: {  	v31 =	vld.idx.msk [tilespmem:v44+s3+$0x0], $0xffff;
	[tilespmem:v25+s15+$0x2D0 ss:$0x1] =	vst.idx.msk $0xffff, v32;
	v61 =	vsel vm15, v5, v60;
	v63 =	vsel vm15, v6, v62  }
0x73: {  	v44 =	vsel vm15, v36, v7;
	v49 =	vsel vm15, v47, v9;
	v34 =	vld.idx.msk [tilespmem:v34+s3+$0x0], $0xffff;
	[tilespmem:v25+s15+$0x2E0 ss:$0x1] =	vst.idx.msk $0xffff, v29  }
0x74: {  	v51 =	vsel vm15, v33, v10;
	vm4 =	vgt.s32 v0, v46;
	v28 =	vld.idx.msk [tilespmem:v28+s3+$0x0], $0xffff;
	[tilespmem:v25+s15+$0x2F0 ss:$0x1] =	vst.idx.msk $0xffff, v30  }
0x75: {  	v30 =	vor.u32 v8, v54;
	v32 =	vld.idx.msk [tilespmem:v48+s3+$0x0], $0xffff;
	[tilespmem:v25+s15+$0x300 ss:$0x1] =	vst.idx.msk $0xffff, v37;
	v48 =	vsub.s32 $0x0, v46  }
0x76: {  	v30 =	vsel vm15, v30, v8;
	v29 =	vld.idx.msk [tilespmem:v50+s3+$0x0], $0xffff;
	[tilespmem:v25+s15+$0x310 ss:$0x1] =	vst.idx.msk $0xffff, v39;
	v50 =	vmin.u32 v46, v48  }
0x77: {  	v38 =	vld.idx.msk [tilespmem:v55+s3+$0x0], $0xffff;
	[tilespmem:v25+s15+$0x320 ss:$0x1] =	vst.idx.msk $0xffff, v35;
	v37 =	vshll.u32 v50, $0x4;
	v53 =	vshrl.u32 v50, $0x4;
	v57 =	vshrl.u32 v50, $0xC  }
0x78: {  	v35 =	vshrl.u32 v50, $0x14;
	v40 =	vld.idx.msk [tilespmem:v59+s3+$0x0], $0xffff;
	[tilespmem:v25+s15+$0x330 ss:$0x1] =	vst.idx.msk $0xffff, v31;
	v52 =	vand.u32 $0xFF0, v37;
	v55 =	vand.u32 $0xFF0, v53  }
0x79: {  	v59 =	vand.u32 $0xFF0, v57;
	v35 =	vand.u32 $0xFF0, v35;
	v45 =	vld.idx.msk [tilespmem:v61+s3+$0x0], $0xffff;
	[tilespmem:v25+s15+$0x340 ss:$0x1] =	vst.idx.msk $0xffff, v34;
	v54 =	vor.u32 v2, v52  }
0x7a: {  	v58 =	vor.u32 v4, v55;
	v34 =	vld.idx.msk [tilespmem:v63+s3+$0x0], $0xffff;
	[tilespmem:v25+s15+$0x350 ss:$0x1] =	vst.idx.msk $0xffff, v28;
	v56 =	vsel vm4, v2, v54  }
0x7b: {  	v61 =	vor.u32 v5, v59;
	v33 =	vor.u32 v7, v52;
	v31 =	vld.idx.msk [tilespmem:v44+s3+$0x0], $0xffff;
	[tilespmem:v25+s15+$0x360 ss:$0x1] =	vst.idx.msk $0xffff, v32  }
0x7c: {  	v46 =	vor.u32 v9, v59;
	v60 =	vsel vm4, v4, v58;
	v30 =	vld.idx.msk [tilespmem:v30+s3+$0x0], $0xffff;
	[tilespmem:v25+s15+$0x370 ss:$0x1] =	vst.idx.msk $0xffff, v29  }
0x7d: {  	v62 =	vsel vm4, v5, v61;
	v63 =	vor.u32 v6, v35;
	v28 =	vld.idx.msk [tilespmem:v49+s3+$0x0], $0xffff;
	[tilespmem:v25+s15+$0x380 ss:$0x1] =	vst.idx.msk $0xffff, v38  }
0x7e: {  	v33 =	vsel vm4, v33, v7;
	v44 =	vsel vm4, v6, v63;
	v32 =	vld.idx.msk [tilespmem:v51+s3+$0x0], $0xffff;
	[tilespmem:v25+s15+$0x390 ss:$0x1] =	vst.idx.msk $0xffff, v40  }
0x7f: {  	v29 =	vor.u32 v8, v55;
	v37 =	vld.idx.msk [tilespmem:v56+s3+$0x0], $0xffff;
	[tilespmem:v25+s15+$0x3A0 ss:$0x1] =	vst.idx.msk $0xffff, v45;
	v45 =	vperm.xlane v27, v18  }
0x80: {  	v48 =	vsel vm4, v46, v9;
	v35 =	vor.u32 v10, v35;
	v29 =	vsel vm4, v29, v8  }
0x81: {  	v50 =	vsel vm4, v35, v10;
	v39 =	vld.idx.msk [tilespmem:v60+s3+$0x0], $0xffff;
	[tilespmem:v25+s15+$0x3B0 ss:$0x1] =	vst.idx.msk $0xffff, v34;
	v47 =	vsub.s32 $0x0, v45  }
0x82: {  	v34 =	vld.idx.msk [tilespmem:v62+s3+$0x0], $0xffff;
	[tilespmem:v25+s15+$0x3C0 ss:$0x1] =	vst.idx.msk $0xffff, v31;
	vm5 =	vgt.s32 v0, v45;
	v49 =	vmin.u32 v45, v47  }
0x83: {  	v31 =	vld.idx.msk [tilespmem:v44+s3+$0x0], $0xffff;
	[tilespmem:v25+s15+$0x3D0 ss:$0x1] =	vst.idx.msk $0xffff, v30;
	v45 =	vperm.xlane v27, v19;
	v38 =	vshll.u32 v49, $0x4;
	v52 =	vshrl.u32 v49, $0x4  }
0x84: {  	v33 =	vld.idx.msk [tilespmem:v33+s3+$0x0], $0xffff;
	[tilespmem:v25+s15+$0x3E0 ss:$0x1] =	vst.idx.msk $0xffff, v28;
	v56 =	vshrl.u32 v49, $0xC;
	v36 =	vshrl.u32 v49, $0x14;
	v51 =	vand.u32 $0xFF0, v38  }
0x85: {  	v29 =	vld.idx.msk [tilespmem:v29+s3+$0x0], $0xffff;
	v54 =	vand.u32 $0xFF0, v52;
	v58 =	vand.u32 $0xFF0, v56;
	v36 =	vand.u32 $0xFF0, v36  }
0x86: {  	[tilespmem:v25+s15+$0x3F0 ss:$0x1] =	vst.idx.msk $0xffff, v32;
	v47 =	vsub.s32 $0x0, v45;
	vm6 =	vgt.s32 v0, v45;
	v53 =	vor.u32 v2, v51  }
0x87: {  	v30 =	vld.idx.msk [tilespmem:v48+s3+$0x0], $0xffff;
	v57 =	vor.u32 v4, v54;
	[tilespmem:v25+s15+$0x400 ss:$0x1] =	vst.idx.msk $0xffff, v37;
	v60 =	vor.u32 v5, v58  }
0x88: {  	v62 =	vor.u32 v6, v36;
	v35 =	vor.u32 v7, v51;
	v32 =	vor.u32 v8, v54  }
0x89: {  	v46 =	vor.u32 v9, v58;
	v49 =	vmin.u32 v45, v47;
	v36 =	vor.u32 v10, v36  }
0x8a: {  	v55 =	vsel vm5, v2, v53;
	v59 =	vsel vm5, v4, v57;
	v61 =	vsel vm5, v5, v60  }
0x8b: {  	v63 =	vsel vm5, v6, v62;
	v43 =	vsel vm5, v35, v7;
	v32 =	vsel vm5, v32, v8  }
0x8c: {  	v28 =	vld.idx.msk [tilespmem:v50+s3+$0x0], $0xffff;
	v48 =	vsel vm5, v46, v9;
	v37 =	vshll.u32 v49, $0x4;
	v50 =	vsel vm5, v36, v10  }
0x8d: {  	v52 =	vshrl.u32 v49, $0x4;
	v56 =	vshrl.u32 v49, $0xC;
	v46 =	vperm.xlane v27, v20  }
0x8e: {  	[tilespmem:v25+s15+$0x410 ss:$0x1] =	vst.idx.msk $0xffff, v39;
	v51 =	vand.u32 $0xFF0, v37;
	v54 =	vand.u32 $0xFF0, v52;
	v58 =	vand.u32 $0xFF0, v56  }
0x8f: {  	v53 =	vor.u32 v2, v51;
	v57 =	vor.u32 v4, v54;
	v60 =	vor.u32 v5, v58  }
0x90: {  	v36 =	vor.u32 v7, v51;
	v47 =	vor.u32 v9, v58;
	vm7 =	vgt.s32 v0, v46  }
0x91: {  	v38 =	vld.idx.msk [tilespmem:v55+s3+$0x0], $0xffff;
	[tilespmem:v25+s15+$0x420 ss:$0x1] =	vst.idx.msk $0xffff, v34;
	v55 =	vsel vm6, v2, v53;
	v34 =	vshrl.u32 v49, $0x14  }
0x92: {  	v49 =	vsel vm6, v47, v9;
	v47 =	vperm.xlane v27, v3;
	v40 =	vld.idx.msk [tilespmem:v59+s3+$0x0], $0xffff;
	[tilespmem:v25+s15+$0x430 ss:$0x1] =	vst.idx.msk $0xffff, v31  }
0x93: {  	v59 =	vsel vm6, v4, v57;
	v34 =	vand.u32 $0xFF0, v34;
	v44 =	vld.idx.msk [tilespmem:v61+s3+$0x0], $0xffff;
	[tilespmem:v25+s15+$0x440 ss:$0x1] =	vst.idx.msk $0xffff, v33  }
0x94: {  	v61 =	vsel vm6, v5, v60;
	v62 =	vor.u32 v6, v34;
	v33 =	vld.idx.msk [tilespmem:v63+s3+$0x0], $0xffff;
	[tilespmem:v25+s15+$0x450 ss:$0x1] =	vst.idx.msk $0xffff, v29  }
0x95: {  	v34 =	vor.u32 v10, v34;
	vm8 =	vgt.s32 v0, v47;
	v31 =	vld.idx.msk [tilespmem:v43+s3+$0x0], $0xffff;
	[tilespmem:v25+s15+$0x460 ss:$0x1] =	vst.idx.msk $0xffff, v30  }
0x96: {  	v63 =	vsel vm6, v6, v62;
	v51 =	vsel vm6, v34, v10;
	v32 =	vld.idx.msk [tilespmem:v32+s3+$0x0], $0xffff;
	[tilespmem:v25+s15+$0x470 ss:$0x1] =	vst.idx.msk $0xffff, v28  }
0x97: {  	v28 =	vor.u32 v8, v54;
	v29 =	vld.idx.msk [tilespmem:v48+s3+$0x0], $0xffff;
	[tilespmem:v25+s15+$0x480 ss:$0x1] =	vst.idx.msk $0xffff, v38;
	v48 =	vsub.s32 $0x0, v46  }
0x98: {  	v28 =	vsel vm6, v28, v8;
	v30 =	vld.idx.msk [tilespmem:v50+s3+$0x0], $0xffff;
	[tilespmem:v25+s15+$0x490 ss:$0x1] =	vst.idx.msk $0xffff, v40;
	v50 =	vmin.u32 v46, v48  }
0x99: {  	v37 =	vld.idx.msk [tilespmem:v55+s3+$0x0], $0xffff;
	[tilespmem:v25+s15+$0x4A0 ss:$0x1] =	vst.idx.msk $0xffff, v44;
	v44 =	vsel vm6, v36, v7;
	v38 =	vshll.u32 v50, $0x4;
	v53 =	vshrl.u32 v50, $0x4  }
0x9a: {  	v57 =	vshrl.u32 v50, $0xC;
	v35 =	vshrl.u32 v50, $0x14;
	v52 =	vand.u32 $0xFF0, v38  }
0x9b: {  	v39 =	vld.idx.msk [tilespmem:v59+s3+$0x0], $0xffff;
	[tilespmem:v25+s15+$0x4B0 ss:$0x1] =	vst.idx.msk $0xffff, v33;
	v55 =	vand.u32 $0xFF0, v53;
	v59 =	vand.u32 $0xFF0, v57;
	v35 =	vand.u32 $0xFF0, v35  }
0x9c: {  	v45 =	vld.idx.msk [tilespmem:v61+s3+$0x0], $0xffff;
	[tilespmem:v25+s15+$0x4C0 ss:$0x1] =	vst.idx.msk $0xffff, v31;
	v54 =	vor.u32 v2, v52;
	v58 =	vor.u32 v4, v55  }
0x9d: {  	v61 =	vor.u32 v5, v59;
	v34 =	vor.u32 v7, v52;
	v48 =	vor.u32 v9, v59  }
0x9e: {  	v31 =	vld.idx.msk [tilespmem:v63+s3+$0x0], $0xffff;
	[tilespmem:v25+s15+$0x4D0 ss:$0x1] =	vst.idx.msk $0xffff, v32;
	v56 =	vsel vm7, v2, v54;
	v60 =	vsel vm7, v4, v58  }
0x9f: {  	v62 =	vsel vm7, v5, v61;
	v63 =	vor.u32 v6, v35;
	v50 =	vsel vm7, v48, v9  }
0xa0: {  	v35 =	vor.u32 v10, v35;
	v48 =	vperm.xlane v27, v21;
	v33 =	vld.idx.msk [tilespmem:v44+s3+$0x0], $0xffff;
	[tilespmem:v25+s15+$0x4E0 ss:$0x1] =	vst.idx.msk $0xffff, v29  }
0xa1: {  	v52 =	vsel vm7, v35, v10;
	v44 =	vsel vm7, v6, v63;
	v28 =	vld.idx.msk [tilespmem:v28+s3+$0x0], $0xffff;
	[tilespmem:v25+s15+$0x4F0 ss:$0x1] =	vst.idx.msk $0xffff, v30  }
0xa2: {  	vm9 =	vgt.s32 v0, v48;
	v30 =	vor.u32 v8, v55;
	v32 =	vld.idx.msk [tilespmem:v49+s3+$0x0], $0xffff;
	[tilespmem:v25+s15+$0x500 ss:$0x1] =	vst.idx.msk $0xffff, v37  }
0xa3: {  	v30 =	vsel vm7, v30, v8;
	v49 =	vsub.s32 $0x0, v47;
	v29 =	vld.idx.msk [tilespmem:v51+s3+$0x0], $0xffff;
	[tilespmem:v25+s15+$0x510 ss:$0x1] =	vst.idx.msk $0xffff, v39  }
0xa4: {  	v51 =	vmin.u32 v47, v49;
	v38 =	vld.idx.msk [tilespmem:v56+s3+$0x0], $0xffff;
	[tilespmem:v25+s15+$0x520 ss:$0x1] =	vst.idx.msk $0xffff, v45;
	v45 =	vsel vm7, v34, v7  }
0xa5: {  	v37 =	vshll.u32 v51, $0x4;
	v54 =	vshrl.u32 v51, $0x4;
	v58 =	vshrl.u32 v51, $0xC  }
0xa6: {  	v36 =	vshrl.u32 v51, $0x14;
	v40 =	vld.idx.msk [tilespmem:v60+s3+$0x0], $0xffff;
	[tilespmem:v25+s15+$0x530 ss:$0x1] =	vst.idx.msk $0xffff, v31;
	v53 =	vand.u32 $0xFF0, v37;
	v56 =	vand.u32 $0xFF0, v54  }
0xa7: {  	v60 =	vand.u32 $0xFF0, v58;
	v36 =	vand.u32 $0xFF0, v36;
	v46 =	vld.idx.msk [tilespmem:v62+s3+$0x0], $0xffff;
	[tilespmem:v25+s15+$0x540 ss:$0x1] =	vst.idx.msk $0xffff, v33;
	v55 =	vor.u32 v2, v53  }
0xa8: {  	v59 =	vor.u32 v4, v56;
	v62 =	vor.u32 v5, v60;
	v35 =	vor.u32 v7, v53  }
0xa9: {  	v49 =	vor.u32 v9, v60;
	v33 =	vld.idx.msk [tilespmem:v44+s3+$0x0], $0xffff;
	[tilespmem:v25+s15+$0x550 ss:$0x1] =	vst.idx.msk $0xffff, v28;
	v57 =	vsel vm8, v2, v55  }
0xaa: {  	v61 =	vsel vm8, v4, v59;
	v63 =	vsel vm8, v5, v62;
	v44 =	vor.u32 v6, v36  }
0xab: {  	v51 =	vsel vm8, v49, v9;
	v36 =	vor.u32 v10, v36;
	v49 =	vperm.xlane v27, v22  }
0xac: {  	v27 =	vperm.xlane v27, v23;
	v53 =	vsel vm8, v36, v10;
	v31 =	vld.idx.msk [tilespmem:v45+s3+$0x0], $0xffff;
	[tilespmem:v25+s15+$0x560 ss:$0x1] =	vst.idx.msk $0xffff, v32  }
0xad: {  	v45 =	vsel vm8, v6, v44;
	vm10 =	vgt.s32 v0, v49;
	v30 =	vld.idx.msk [tilespmem:v30+s3+$0x0], $0xffff;
	[tilespmem:v25+s15+$0x570 ss:$0x1] =	vst.idx.msk $0xffff, v29  }
0xae: {  	vm11 =	vgt.s32 v0, v27;
	v29 =	vor.u32 v8, v56;
	v28 =	vld.idx.msk [tilespmem:v50+s3+$0x0], $0xffff;
	[tilespmem:v25+s15+$0x580 ss:$0x1] =	vst.idx.msk $0xffff, v38  }
0xaf: {  	v29 =	vsel vm8, v29, v8;
	v50 =	vsub.s32 $0x0, v48;
	v32 =	vld.idx.msk [tilespmem:v52+s3+$0x0], $0xffff;
	[tilespmem:v25+s15+$0x590 ss:$0x1] =	vst.idx.msk $0xffff, v40  }
0xb0: {  	v52 =	vmin.u32 v48, v50;
	v37 =	vld.idx.msk [tilespmem:v57+s3+$0x0], $0xffff;
	[tilespmem:v25+s15+$0x5A0 ss:$0x1] =	vst.idx.msk $0xffff, v46;
	v46 =	vsel vm8, v35, v7  }
0xb1: {  	v38 =	vshll.u32 v52, $0x4;
	v55 =	vshrl.u32 v52, $0x4;
	v59 =	vshrl.u32 v52, $0xC  }
0xb2: {  	v34 =	vshrl.u32 v52, $0x14;
	v39 =	vld.idx.msk [tilespmem:v61+s3+$0x0], $0xffff;
	[tilespmem:v25+s15+$0x5B0 ss:$0x1] =	vst.idx.msk $0xffff, v33;
	v54 =	vand.u32 $0xFF0, v38;
	v57 =	vand.u32 $0xFF0, v55  }
0xb3: {  	v61 =	vand.u32 $0xFF0, v59;
	v34 =	vand.u32 $0xFF0, v34;
	v47 =	vld.idx.msk [tilespmem:v63+s3+$0x0], $0xffff;
	[tilespmem:v25+s15+$0x5C0 ss:$0x1] =	vst.idx.msk $0xffff, v31;
	v56 =	vor.u32 v2, v54  }
0xb4: {  	v60 =	vor.u32 v4, v57;
	v63 =	vor.u32 v5, v61;
	v36 =	vor.u32 v7, v54  }
0xb5: {  	v50 =	vor.u32 v9, v61;
	v31 =	vld.idx.msk [tilespmem:v45+s3+$0x0], $0xffff;
	[tilespmem:v25+s15+$0x5D0 ss:$0x1] =	vst.idx.msk $0xffff, v30;
	v58 =	vsel vm9, v2, v56  }
0xb6: {  	v62 =	vsel vm9, v4, v60;
	v44 =	vsel vm9, v5, v63;
	v45 =	vor.u32 v6, v34  }
0xb7: {  	v52 =	vsel vm9, v50, v9;
	v34 =	vor.u32 v10, v34;
	v33 =	vld.idx.msk [tilespmem:v46+s3+$0x0], $0xffff;
	[tilespmem:v25+s15+$0x5E0 ss:$0x1] =	vst.idx.msk $0xffff, v28  }
0xb8: {  	v54 =	vsel vm9, v34, v10;
	v46 =	vsel vm9, v6, v45;
	v29 =	vld.idx.msk [tilespmem:v29+s3+$0x0], $0xffff;
	[tilespmem:v25+s15+$0x5F0 ss:$0x1] =	vst.idx.msk $0xffff, v32  }
0xb9: {  	v32 =	vor.u32 v8, v57;
	v30 =	vld.idx.msk [tilespmem:v51+s3+$0x0], $0xffff;
	[tilespmem:v25+s15+$0x600 ss:$0x1] =	vst.idx.msk $0xffff, v37;
	v51 =	vsub.s32 $0x0, v49  }
0xba: {  	v32 =	vsel vm9, v32, v8;
	v28 =	vld.idx.msk [tilespmem:v53+s3+$0x0], $0xffff;
	[tilespmem:v25+s15+$0x610 ss:$0x1] =	vst.idx.msk $0xffff, v39;
	v53 =	vmin.u32 v49, v51  }
0xbb: {  	v51 =	vsub.s32 $0x0, v27;
	v38 =	vld.idx.msk [tilespmem:v58+s3+$0x0], $0xffff;
	[tilespmem:v25+s15+$0x620 ss:$0x1] =	vst.idx.msk $0xffff, v47;
	v47 =	vsel vm9, v36, v7;
	v37 =	vshll.u32 v53, $0x4  }
0xbc: {  	v56 =	vshrl.u32 v53, $0x4;
	v60 =	vshrl.u32 v53, $0xC;
	v35 =	vshrl.u32 v53, $0x14  }
0xbd: {  	v53 =	vmin.u32 v27, v51;
	v55 =	vand.u32 $0xFF0, v37;
	v58 =	vand.u32 $0xFF0, v56  }
0xbe: {  	v40 =	vld.idx.msk [tilespmem:v62+s3+$0x0], $0xffff;
	[tilespmem:v25+s15+$0x630 ss:$0x1] =	vst.idx.msk $0xffff, v31;
	v62 =	vand.u32 $0xFF0, v60;
	v35 =	vand.u32 $0xFF0, v35;
	v27 =	vshrl.u32 v53, $0x4  }
0xbf: {  	v48 =	vld.idx.msk [tilespmem:v44+s3+$0x0], $0xffff;
	v57 =	vor.u32 v2, v55;
	v61 =	vor.u32 v4, v58;
	v44 =	vor.u32 v5, v62  }
0xc0: {  	[tilespmem:v25+s15+$0x640 ss:$0x1] =	vst.idx.msk $0xffff, v33;
	v34 =	vor.u32 v7, v55;
	v50 =	vor.u32 v9, v62;
	v27 =	vand.u32 $0xFF0, v27  }
0xc1: {  	v33 =	vld.idx.msk [tilespmem:v46+s3+$0x0], $0xffff;
	[tilespmem:v25+s15+$0x650 ss:$0x1] =	vst.idx.msk $0xffff, v29;
	v59 =	vsel vm10, v2, v57;
	v63 =	vsel vm10, v4, v61  }
0xc2: {  	v45 =	vsel vm10, v5, v44;
	v46 =	vor.u32 v6, v35;
	v31 =	vld.idx.msk [tilespmem:v47+s3+$0x0], $0xffff;
	[tilespmem:v25+s15+$0x660 ss:$0x1] =	vst.idx.msk $0xffff, v30  }
0xc3: {  	v35 =	vor.u32 v10, v35;
	v47 =	vsel vm10, v6, v46;
	v32 =	vld.idx.msk [tilespmem:v32+s3+$0x0], $0xffff;
	[tilespmem:v25+s15+$0x670 ss:$0x1] =	vst.idx.msk $0xffff, v28  }
0xc4: {  	v28 =	vor.u32 v8, v58;
	v58 =	vor.u32 v4, v27;
	v27 =	vor.u32 v8, v27  }
0xc5: {  	v29 =	vld.idx.msk [tilespmem:v52+s3+$0x0], $0xffff;
	[tilespmem:v25+s15+$0x680 ss:$0x1] =	vst.idx.msk $0xffff, v38;
	v28 =	vsel vm10, v28, v8;
	v52 =	vsel vm10, v50, v9  }
0xc6: {  	v36 =	vshrl.u32 v53, $0x14;
	v38 =	vshll.u32 v53, $0x4;
	v60 =	vsel vm11, v4, v58;
	v30 =	vld.idx.msk [tilespmem:v54+s3+$0x0], $0xffff;
	[tilespmem:v25+s15+$0x690 ss:$0x1] =	vst.idx.msk $0xffff, v40  }
0xc7: {  	v57 =	vshrl.u32 v53, $0xC;
	v55 =	vand.u32 $0xFF0, v38;
	v37 =	vld.idx.msk [tilespmem:v59+s3+$0x0], $0xffff;
	[tilespmem:v25+s15+$0x6A0 ss:$0x1] =	vst.idx.msk $0xffff, v48;
	v48 =	vsel vm10, v34, v7  }
0xc8: {  	v27 =	vsel vm11, v27, v8;
	v54 =	vsel vm10, v35, v10;
	v38 =	vor.u32 v2, v55  }
0xc9: {  	v36 =	vand.u32 $0xFF0, v36;
	v59 =	vand.u32 $0xFF0, v57;
	v35 =	vor.u32 v7, v55;
	v39 =	vld.idx.msk [tilespmem:v63+s3+$0x0], $0xffff;
	[tilespmem:v25+s15+$0x6B0 ss:$0x1] =	vst.idx.msk $0xffff, v33  }
0xca: {  	v56 =	vsel vm11, v2, v38;
	v61 =	vor.u32 v5, v59;
	v49 =	vld.idx.msk [tilespmem:v45+s3+$0x0], $0xffff;
	[tilespmem:v25+s15+$0x6C0 ss:$0x1] =	vst.idx.msk $0xffff, v31  }
0xcb: {  	v63 =	vor.u32 v6, v36;
	v36 =	vor.u32 v10, v36;
	v31 =	vld.idx.msk [tilespmem:v47+s3+$0x0], $0xffff;
	[tilespmem:v25+s15+$0x6D0 ss:$0x1] =	vst.idx.msk $0xffff, v32  }
0xcc: {  	v62 =	vsel vm11, v5, v61;
	v47 =	vperm.xlane v26, v0;
	v33 =	vld.idx.msk [tilespmem:v48+s3+$0x0], $0xffff;
	[tilespmem:v25+s15+$0x6E0 ss:$0x1] =	vst.idx.msk $0xffff, v29  }
0xcd: {  	v44 =	vsel vm11, v6, v63;
	v45 =	vsel vm11, v35, v7;
	v28 =	vld.idx.msk [tilespmem:v28+s3+$0x0], $0xffff;
	[tilespmem:v25+s15+$0x6F0 ss:$0x1] =	vst.idx.msk $0xffff, v30  }
0xce: {  	v48 =	vor.u32 v9, v59;
	vm12 =	vgt.s32 v0, v47;
	v32 =	vld.idx.msk [tilespmem:v52+s3+$0x0], $0xffff;
	[tilespmem:v25+s15+$0x700 ss:$0x1] =	vst.idx.msk $0xffff, v37  }
0xcf: {  	v50 =	vsel vm11, v48, v9;
	v48 =	vperm.xlane v26, v11;
	v29 =	vld.idx.msk [tilespmem:v54+s3+$0x0], $0xffff;
	[tilespmem:v25+s15+$0x710 ss:$0x1] =	vst.idx.msk $0xffff, v39  }
0xd0: {  	v52 =	vsel vm11, v36, v10;
	v30 =	vld.idx.msk [tilespmem:v56+s3+$0x0], $0xffff;
	[tilespmem:v25+s15+$0x720 ss:$0x1] =	vst.idx.msk $0xffff, v49;
	v49 =	vsub.s32 $0x0, v47  }
0xd1: {  	vm13 =	vgt.s32 v0, v48;
	v51 =	vmin.u32 v47, v49;
	v49 =	vsub.s32 $0x0, v48  }
0xd2: {  	v38 =	vld.idx.msk [tilespmem:v60+s3+$0x0], $0xffff;
	[tilespmem:v25+s15+$0x730 ss:$0x1] =	vst.idx.msk $0xffff, v31;
	v37 =	vshll.u32 v51, $0x4;
	v54 =	vshrl.u32 v51, $0x4;
	v58 =	vshrl.u32 v51, $0xC  }
0xd3: {  	v46 =	vld.idx.msk [tilespmem:v62+s3+$0x0], $0xffff;
	[tilespmem:v25+s15+$0x740 ss:$0x1] =	vst.idx.msk $0xffff, v33;
	v34 =	vshrl.u32 v51, $0x14;
	v53 =	vand.u32 $0xFF0, v37;
	v56 =	vand.u32 $0xFF0, v54  }
0xd4: {  	v33 =	vld.idx.msk [tilespmem:v44+s3+$0x0], $0xffff;
	[tilespmem:v25+s15+$0x750 ss:$0x1] =	vst.idx.msk $0xffff, v28;
	v60 =	vand.u32 $0xFF0, v58;
	v34 =	vand.u32 $0xFF0, v34;
	v55 =	vor.u32 v2, v53  }
0xd5: {  	v31 =	vld.idx.msk [tilespmem:v45+s3+$0x0], $0xffff;
	[tilespmem:v25+s15+$0x760 ss:$0x1] =	vst.idx.msk $0xffff, v32;
	v59 =	vor.u32 v4, v56;
	v57 =	vsel vm12, v2, v55  }
0xd6: {  	v62 =	vor.u32 v5, v60;
	v44 =	vor.u32 v6, v34;
	v61 =	vsel vm12, v4, v59  }
0xd7: {  	v36 =	vor.u32 v7, v53;
	v27 =	vld.idx.msk [tilespmem:v27+s3+$0x0], $0xffff;
	[tilespmem:v25+s15+$0x770 ss:$0x1] =	vst.idx.msk $0xffff, v29;
	v63 =	vsel vm12, v5, v62  }
0xd8: {  	v34 =	vor.u32 v10, v34;
	v45 =	vsel vm12, v6, v44;
	v28 =	vld.idx.msk [tilespmem:v50+s3+$0x0], $0xffff;
	[tilespmem:v25+s15+$0x780 ss:$0x1] =	vst.idx.msk $0xffff, v30  }
0xd9: {  	v29 =	vor.u32 v8, v56;
	v51 =	vsel vm12, v34, v10;
	v32 =	vld.idx.msk [tilespmem:v52+s3+$0x0], $0xffff;
	[tilespmem:v25+s15+$0x790 ss:$0x1] =	vst.idx.msk $0xffff, v38  }
0xda: {  	v29 =	vsel vm12, v29, v8;
	v50 =	vmin.u32 v48, v49;
	v37 =	vld.idx.msk [tilespmem:v57+s3+$0x0], $0xffff;
	[tilespmem:v25+s15+$0x7A0 ss:$0x1] =	vst.idx.msk $0xffff, v46  }
0xdb: {  	v35 =	vshll.u32 v50, $0x4;
	v53 =	vshrl.u32 v50, $0x4;
	v46 =	vsel vm12, v36, v7;
	v39 =	vld.idx.msk [tilespmem:v61+s3+$0x0], $0xffff;
	[tilespmem:v25+s15+$0x7B0 ss:$0x1] =	vst.idx.msk $0xffff, v33  }
0xdc: {  	v30 =	vor.u32 v9, v60;
	v52 =	vand.u32 $0xFF0, v35;
	v55 =	vand.u32 $0xFF0, v53;
	v47 =	vld.idx.msk [tilespmem:v63+s3+$0x0], $0xffff;
	[tilespmem:v25+s15+$0x7C0 ss:$0x1] =	vst.idx.msk $0xffff, v31  }
0xdd: {  	v54 =	vor.u32 v2, v52;
	v31 =	vld.idx.msk [tilespmem:v45+s3+$0x0], $0xffff;
	[tilespmem:v25+s15+$0x7D0 ss:$0x1] =	vst.idx.msk $0xffff, v27;
	v27 =	vsel vm12, v30, v9  }
0xde: {  	v58 =	vor.u32 v4, v55;
	v56 =	vsel vm13, v2, v54;
	v57 =	vshrl.u32 v50, $0xC  }
0xdf: {  	v60 =	vsel vm13, v4, v58;
	v59 =	vand.u32 $0xFF0, v57;
	v30 =	vshrl.u32 v50, $0x14  }
0xe0: {  	v61 =	vor.u32 v5, v59;
	v30 =	vand.u32 $0xFF0, v30;
	v33 =	vld.idx.msk [tilespmem:v46+s3+$0x0], $0xffff;
	[tilespmem:v25+s15+$0x7E0 ss:$0x1] =	vst.idx.msk $0xffff, v28  }
0xe1: {  	v62 =	vsel vm13, v5, v61;
	v63 =	vor.u32 v6, v30;
	v29 =	vld.idx.msk [tilespmem:v29+s3+$0x0], $0xffff;
	[tilespmem:v25+s15+$0x7F0 ss:$0x1] =	vst.idx.msk $0xffff, v32  }
0xe2: {  	v34 =	vor.u32 v7, v52;
	v44 =	vsel vm13, v6, v63;
	v27 =	vld.idx.msk [tilespmem:v27+s3+$0x0], $0xffff;
	[tilespmem:v25+s15+$0x800 ss:$0x1] =	vst.idx.msk $0xffff, v37  }
0xe3: {  	v48 =	vor.u32 v9, v59;
	v45 =	vsel vm13, v34, v7;
	v28 =	vld.idx.msk [tilespmem:v51+s3+$0x0], $0xffff;
	[tilespmem:v25+s15+$0x810 ss:$0x1] =	vst.idx.msk $0xffff, v39  }
0xe4: {  	v50 =	vsel vm13, v48, v9;
	v35 =	vld.idx.msk [tilespmem:v56+s3+$0x0], $0xffff;
	[tilespmem:v25+s15+$0x820 ss:$0x1] =	vst.idx.msk $0xffff, v47;
	v47 =	vperm.xlane v26, v12  }
0xe5: {  	v30 =	vor.u32 v10, v30;
	v32 =	vor.u32 v8, v55;
	v38 =	vld.idx.msk [tilespmem:v60+s3+$0x0], $0xffff;
	[tilespmem:v25+s15+$0x830 ss:$0x1] =	vst.idx.msk $0xffff, v31  }
0xe6: {  	v32 =	vsel vm13, v32, v8;
	v46 =	vld.idx.msk [tilespmem:v62+s3+$0x0], $0xffff;
	[tilespmem:v25+s15+$0x840 ss:$0x1] =	vst.idx.msk $0xffff, v33;
	v49 =	vsub.s32 $0x0, v47  }
0xe7: {  	vm14 =	vgt.s32 v0, v47;
	v33 =	vld.idx.msk [tilespmem:v44+s3+$0x0], $0xffff;
	[tilespmem:v25+s15+$0x850 ss:$0x1] =	vst.idx.msk $0xffff, v29;
	v51 =	vmin.u32 v47, v49  }
0xe8: {  	v31 =	vld.idx.msk [tilespmem:v45+s3+$0x0], $0xffff;
	v37 =	vshll.u32 v51, $0x4;
	[tilespmem:v25+s15+$0x860 ss:$0x1] =	vst.idx.msk $0xffff, v27;
	v27 =	vsel vm13, v30, v10  }
0xe9: {  	v53 =	vshrl.u32 v51, $0x4;
	v57 =	vshrl.u32 v51, $0xC;
	v36 =	vshrl.u32 v51, $0x14  }
0xea: {  	v45 =	vperm.xlane v26, v13;
	v52 =	vand.u32 $0xFF0, v37;
	v55 =	vand.u32 $0xFF0, v53  }
0xeb: {  	v59 =	vand.u32 $0xFF0, v57;
	v36 =	vand.u32 $0xFF0, v36;
	v54 =	vor.u32 v2, v52  }
0xec: {  	v32 =	vld.idx.msk [tilespmem:v32+s3+$0x0], $0xffff;
	v58 =	vor.u32 v4, v55;
	v61 =	vor.u32 v5, v59;
	v63 =	vor.u32 v6, v36  }
0xed: {  	[tilespmem:v25+s15+$0x870 ss:$0x1] =	vst.idx.msk $0xffff, v28;
	v30 =	vor.u32 v7, v52;
	v28 =	vor.u32 v8, v55;
	v47 =	vsub.s32 $0x0, v45  }
0xee: {  	v29 =	vld.idx.msk [tilespmem:v50+s3+$0x0], $0xffff;
	v50 =	vor.u32 v10, v36;
	vm15 =	vgt.s32 v0, v45;
	v56 =	vsel vm14, v2, v54  }
0xef: {  	v60 =	vsel vm14, v4, v58;
	v62 =	vsel vm14, v5, v61;
	v44 =	vsel vm14, v6, v63  }
0xf0: {  	v30 =	vsel vm14, v30, v7;
	v28 =	vsel vm14, v28, v8;
	v49 =	vmin.u32 v45, v47  }
0xf1: {  	v52 =	vsel vm14, v50, v10;
	v51 =	vshll.u32 v49, $0x4;
	v34 =	vshrl.u32 v49, $0x14  }
0xf2: {  	[tilespmem:v25+s15+$0x880 ss:$0x1] =	vst.idx.msk $0xffff, v35;
	v57 =	vshrl.u32 v49, $0xC;
	v53 =	vand.u32 $0xFF0, v51;
	v34 =	vand.u32 $0xFF0, v34  }
0xf3: {  	v27 =	vld.idx.msk [tilespmem:v27+s3+$0x0], $0xffff;
	[tilespmem:v25+s15+$0x890 ss:$0x1] =	vst.idx.msk $0xffff, v38;
	v55 =	vor.u32 v2, v53;
	v63 =	vor.u32 v6, v34  }
0xf4: {  	v35 =	vor.u32 v7, v53;
	v34 =	vor.u32 v10, v34;
	v43 =	vsel vm15, v6, v63  }
0xf5: {  	v51 =	vsel vm15, v34, v10;
	v37 =	vld.idx.msk [tilespmem:v56+s3+$0x0], $0xffff;
	[tilespmem:v25+s15+$0x8A0 ss:$0x1] =	vst.idx.msk $0xffff, v46;
	v46 =	vor.u32 v9, v59  }
0xf6: {  	v54 =	vshrl.u32 v49, $0x4;
	v56 =	vsel vm15, v2, v55;
	v59 =	vand.u32 $0xFF0, v57;
	v39 =	vld.idx.msk [tilespmem:v60+s3+$0x0], $0xffff;
	[tilespmem:v25+s15+$0x8B0 ss:$0x1] =	vst.idx.msk $0xffff, v33  }
0xf7: {  	v48 =	vsel vm14, v46, v9;
	v61 =	vor.u32 v5, v59;
	v33 =	vld.idx.msk [tilespmem:v62+s3+$0x0], $0xffff;
	[tilespmem:v25+s15+$0x8C0 ss:$0x1] =	vst.idx.msk $0xffff, v31  }
0xf8: {  	v46 =	vperm.xlane v26, v1;
	v47 =	vor.u32 v9, v59;
	v31 =	vld.idx.msk [tilespmem:v44+s3+$0x0], $0xffff;
	[tilespmem:v25+s15+$0x8D0 ss:$0x1] =	vst.idx.msk $0xffff, v32  }
0xf9: {  	v62 =	vsel vm15, v5, v61;
	v49 =	vsel vm15, v47, v9;
	v30 =	vld.idx.msk [tilespmem:v30+s3+$0x0], $0xffff;
	[tilespmem:v25+s15+$0x8E0 ss:$0x1] =	vst.idx.msk $0xffff, v29  }
0xfa: {  	v47 =	vperm.xlane v26, v14;
	v28 =	vld.idx.msk [tilespmem:v28+s3+$0x0], $0xffff;
	[tilespmem:v25+s15+$0x8F0 ss:$0x1] =	vst.idx.msk $0xffff, v27;
	v27 =	vand.u32 $0xFF0, v54  }
0xfb: {  	v44 =	vsel vm15, v35, v7;
	vm4 =	vgt.s32 v0, v46;
	v58 =	vor.u32 v4, v27  }
0xfc: {  	vm5 =	vgt.s32 v0, v47;
	v32 =	vld.idx.msk [tilespmem:v48+s3+$0x0], $0xffff;
	v48 =	vsub.s32 $0x0, v46;
	v60 =	vsel vm15, v4, v58  }
0xfd: {  	[tilespmem:v25+s15+$0x900 ss:$0x1] =	vst.idx.msk $0xffff, v37;
	v27 =	vor.u32 v8, v27;
	v50 =	vmin.u32 v46, v48  }
0xfe: {  	v29 =	vld.idx.msk [tilespmem:v52+s3+$0x0], $0xffff;
	[tilespmem:v25+s15+$0x910 ss:$0x1] =	vst.idx.msk $0xffff, v39;
	v27 =	vsel vm15, v27, v8;
	v37 =	vshll.u32 v50, $0x4;
	v53 =	vshrl.u32 v50, $0x4  }
0xff: {  	v36 =	vld.idx.msk [tilespmem:v56+s3+$0x0], $0xffff;
	[tilespmem:v25+s15+$0x920 ss:$0x1] =	vst.idx.msk $0xffff, v33;
	v57 =	vshrl.u32 v50, $0xC;
	v33 =	vshrl.u32 v50, $0x14;
	v52 =	vand.u32 $0xFF0, v37  }
0x100: {  	v55 =	vand.u32 $0xFF0, v53;
	v59 =	vand.u32 $0xFF0, v57;
	v33 =	vand.u32 $0xFF0, v33  }
0x101: {  	v54 =	vor.u32 v2, v52;
	v58 =	vor.u32 v4, v55;
	v38 =	vld.idx.msk [tilespmem:v60+s3+$0x0], $0xffff;
	[tilespmem:v25+s15+$0x930 ss:$0x1] =	vst.idx.msk $0xffff, v31  }
0x102: {  	v61 =	vor.u32 v5, v59;
	v63 =	vor.u32 v6, v33;
	v45 =	vld.idx.msk [tilespmem:v62+s3+$0x0], $0xffff;
	[tilespmem:v25+s15+$0x940 ss:$0x1] =	vst.idx.msk $0xffff, v30  }
0x103: {  	v34 =	vor.u32 v7, v52;
	v56 =	vsel vm4, v2, v54;
	v30 =	vld.idx.msk [tilespmem:v43+s3+$0x0], $0xffff;
	[tilespmem:v25+s15+$0x950 ss:$0x1] =	vst.idx.msk $0xffff, v28  }
0x104: {  	v48 =	vor.u32 v9, v59;
	v60 =	vsel vm4, v4, v58;
	v31 =	vld.idx.msk [tilespmem:v44+s3+$0x0], $0xffff;
	[tilespmem:v25+s15+$0x960 ss:$0x1] =	vst.idx.msk $0xffff, v32  }
0x105: {  	v33 =	vor.u32 v10, v33;
	v62 =	vsel vm4, v5, v61;
	v27 =	vld.idx.msk [tilespmem:v27+s3+$0x0], $0xffff;
	[tilespmem:v25+s15+$0x970 ss:$0x1] =	vst.idx.msk $0xffff, v29  }
0x106: {  	v44 =	vsel vm4, v6, v63;
	v29 =	vor.u32 v8, v55;
	v28 =	vld.idx.msk [tilespmem:v49+s3+$0x0], $0xffff;
	[tilespmem:v25+s15+$0x980 ss:$0x1] =	vst.idx.msk $0xffff, v36  }
0x107: {  	v29 =	vsel vm4, v29, v8;
	v49 =	vsub.s32 $0x0, v47;
	v32 =	vld.idx.msk [tilespmem:v51+s3+$0x0], $0xffff;
	[tilespmem:v25+s15+$0x990 ss:$0x1] =	vst.idx.msk $0xffff, v38  }
0x108: {  	v50 =	vmin.u32 v47, v49;
	v51 =	vsel vm4, v33, v10;
	v37 =	vld.idx.msk [tilespmem:v56+s3+$0x0], $0xffff;
	[tilespmem:v25+s15+$0x9A0 ss:$0x1] =	vst.idx.msk $0xffff, v45  }
0x109: {  	v45 =	vsel vm4, v34, v7;
	v36 =	vshll.u32 v50, $0x4;
	v53 =	vshrl.u32 v50, $0x4;
	v39 =	vld.idx.msk [tilespmem:v60+s3+$0x0], $0xffff;
	[tilespmem:v25+s15+$0x9B0 ss:$0x1] =	vst.idx.msk $0xffff, v30  }
0x10a: {  	v57 =	vshrl.u32 v50, $0xC;
	v35 =	vshrl.u32 v50, $0x14;
	v52 =	vand.u32 $0xFF0, v36;
	v46 =	vld.idx.msk [tilespmem:v62+s3+$0x0], $0xffff;
	[tilespmem:v25+s15+$0x9C0 ss:$0x1] =	vst.idx.msk $0xffff, v31  }
0x10b: {  	v55 =	vand.u32 $0xFF0, v53;
	v59 =	vand.u32 $0xFF0, v57;
	v31 =	vld.idx.msk [tilespmem:v44+s3+$0x0], $0xffff;
	[tilespmem:v25+s15+$0x9D0 ss:$0x1] =	vst.idx.msk $0xffff, v27;
	v27 =	vsel vm4, v48, v9  }
0x10c: {  	v35 =	vand.u32 $0xFF0, v35;
	v54 =	vor.u32 v2, v52;
	v58 =	vor.u32 v4, v55  }
0x10d: {  	v61 =	vor.u32 v5, v59;
	v63 =	vor.u32 v6, v35;
	v56 =	vsel vm5, v2, v54  }
0x10e: {  	v33 =	vor.u32 v7, v52;
	v60 =	vsel vm5, v4, v58;
	v30 =	vld.idx.msk [tilespmem:v45+s3+$0x0], $0xffff;
	[tilespmem:v25+s15+$0x9E0 ss:$0x1] =	vst.idx.msk $0xffff, v28  }
0x10f: {  	v35 =	vor.u32 v10, v35;
	v62 =	vsel vm5, v5, v61;
	v29 =	vld.idx.msk [tilespmem:v29+s3+$0x0], $0xffff;
	[tilespmem:v25+s15+$0x9F0 ss:$0x1] =	vst.idx.msk $0xffff, v32  }
0x110: {  	v42 =	vsel vm5, v6, v63;
	v45 =	vperm.xlane v26, v15;
	v27 =	vld.idx.msk [tilespmem:v27+s3+$0x0], $0xffff;
	[tilespmem:v25+s15+$0xA00 ss:$0x1] =	vst.idx.msk $0xffff, v37  }
0x111: {  	v43 =	vsel vm5, v33, v7;
	v48 =	vor.u32 v9, v59;
	v28 =	vld.idx.msk [tilespmem:v51+s3+$0x0], $0xffff;
	[tilespmem:v25+s15+$0xA10 ss:$0x1] =	vst.idx.msk $0xffff, v39  }
0x112: {  	v50 =	vsel vm5, v48, v9;
	v49 =	vsub.s32 $0x0, v45;
	v36 =	vld.idx.msk [tilespmem:v56+s3+$0x0], $0xffff;
	[tilespmem:v25+s15+$0xA20 ss:$0x1] =	vst.idx.msk $0xffff, v46  }
0x113: {  	v32 =	vor.u32 v8, v55;
	v51 =	vmin.u32 v45, v49;
	v38 =	vld.idx.msk [tilespmem:v60+s3+$0x0], $0xffff;
	[tilespmem:v25+s15+$0xA30 ss:$0x1] =	vst.idx.msk $0xffff, v31  }
0x114: {  	v46 =	vsel vm5, v32, v8;
	v37 =	vshll.u32 v51, $0x4;
	v53 =	vshrl.u32 v51, $0x4;
	v44 =	vld.idx.msk [tilespmem:v62+s3+$0x0], $0xffff;
	[tilespmem:v25+s15+$0xA40 ss:$0x1] =	vst.idx.msk $0xffff, v30  }
0x115: {  	vm6 =	vgt.s32 v0, v45;
	v52 =	vand.u32 $0xFF0, v37;
	v55 =	vand.u32 $0xFF0, v53;
	v47 =	vld.idx.msk [tilespmem:v42+s3+$0x0], $0xffff;
	[tilespmem:v25+s15+$0xA50 ss:$0x1] =	vst.idx.msk $0xffff, v29  }
0x116: {  	v54 =	vor.u32 v2, v52;
	v31 =	vld.idx.msk [tilespmem:v43+s3+$0x0], $0xffff;
	[tilespmem:v25+s15+$0xA60 ss:$0x1] =	vst.idx.msk $0xffff, v27;
	v27 =	vsel vm5, v35, v10  }
0x117: {  	v58 =	vor.u32 v4, v55;
	v56 =	vsel vm6, v2, v54  }
0x118: {  	v60 =	vsel vm6, v4, v58  }
0x119: {  	v57 =	vshrl.u32 v51, $0xC;
	v34 =	vshrl.u32 v51, $0x14;
	v30 =	vld.idx.msk [tilespmem:v46+s3+$0x0], $0xffff;
	[tilespmem:v25+s15+$0xA70 ss:$0x1] =	vst.idx.msk $0xffff, v28  }
0x11a: {  	v59 =	vand.u32 $0xFF0, v57;
	v34 =	vand.u32 $0xFF0, v34;
	v29 =	vld.idx.msk [tilespmem:v50+s3+$0x0], $0xffff;
	[tilespmem:v25+s15+$0xA80 ss:$0x1] =	vst.idx.msk $0xffff, v36  }
0x11b: {  	v61 =	vor.u32 v5, v59;
	v63 =	vor.u32 v6, v34;
	v27 =	vld.idx.msk [tilespmem:v27+s3+$0x0], $0xffff;
	[tilespmem:v25+s15+$0xA90 ss:$0x1] =	vst.idx.msk $0xffff, v38  }
0x11c: {  	v62 =	vsel vm6, v5, v61;
	v35 =	vor.u32 v7, v52;
	v37 =	vld.idx.msk [tilespmem:v56+s3+$0x0], $0xffff;
	[tilespmem:v25+s15+$0xAA0 ss:$0x1] =	vst.idx.msk $0xffff, v44  }
0x11d: {  	v44 =	vsel vm6, v6, v63;
	v39 =	vld.idx.msk [tilespmem:v60+s3+$0x0], $0xffff;
	[tilespmem:v25+s15+$0xAB0 ss:$0x1] =	vst.idx.msk $0xffff, v47;
	v47 =	vperm.xlane v26, v16  }
0x11e: {  	v48 =	vor.u32 v9, v59;
	v45 =	vsel vm6, v35, v7;
	v28 =	vor.u32 v8, v55  }
0x11f: {  	v34 =	vor.u32 v10, v34;
	v28 =	vsel vm6, v28, v8;
	v49 =	vsub.s32 $0x0, v47  }
0x120: {  	v52 =	vsel vm6, v34, v10;
	v50 =	vsel vm6, v48, v9;
	v51 =	vmin.u32 v47, v49  }
0x121: {  	v46 =	vld.idx.msk [tilespmem:v62+s3+$0x0], $0xffff;
	[tilespmem:v25+s15+$0xAC0 ss:$0x1] =	vst.idx.msk $0xffff, v31;
	vm7 =	vgt.s32 v0, v47;
	v36 =	vshll.u32 v51, $0x4  }
0x122: {  	v31 =	vld.idx.msk [tilespmem:v44+s3+$0x0], $0xffff;
	[tilespmem:v25+s15+$0xAD0 ss:$0x1] =	vst.idx.msk $0xffff, v30;
	v54 =	vshrl.u32 v51, $0x4;
	v57 =	vshrl.u32 v51, $0xC;
	v53 =	vand.u32 $0xFF0, v36  }
0x123: {  	v33 =	vshrl.u32 v51, $0x14;
	v32 =	vld.idx.msk [tilespmem:v45+s3+$0x0], $0xffff;
	[tilespmem:v25+s15+$0xAE0 ss:$0x1] =	vst.idx.msk $0xffff, v29;
	v59 =	vand.u32 $0xFF0, v57;
	v55 =	vor.u32 v2, v53  }
0x124: {  	v33 =	vand.u32 $0xFF0, v33;
	v28 =	vld.idx.msk [tilespmem:v28+s3+$0x0], $0xffff;
	[tilespmem:v25+s15+$0xAF0 ss:$0x1] =	vst.idx.msk $0xffff, v27;
	v27 =	vand.u32 $0xFF0, v54;
	v56 =	vsel vm7, v2, v55  }
0x125: {  	v61 =	vor.u32 v5, v59;
	v63 =	vor.u32 v6, v33;
	v58 =	vor.u32 v4, v27  }
0x126: {  	v34 =	vor.u32 v7, v53;
	v47 =	vor.u32 v9, v59;
	v60 =	vsel vm7, v4, v58  }
0x127: {  	v33 =	vor.u32 v10, v33;
	v30 =	vld.idx.msk [tilespmem:v50+s3+$0x0], $0xffff;
	[tilespmem:v25+s15+$0xB00 ss:$0x1] =	vst.idx.msk $0xffff, v37;
	v62 =	vsel vm7, v5, v61  }
0x128: {  	v43 =	vsel vm7, v6, v63;
	v44 =	vsel vm7, v34, v7;
	v29 =	vld.idx.msk [tilespmem:v52+s3+$0x0], $0xffff;
	[tilespmem:v25+s15+$0xB10 ss:$0x1] =	vst.idx.msk $0xffff, v39  }
0x129: {  	v27 =	vor.u32 v8, v27;
	v36 =	vld.idx.msk [tilespmem:v56+s3+$0x0], $0xffff;
	[tilespmem:v25+s15+$0xB20 ss:$0x1] =	vst.idx.msk $0xffff, v46;
	v46 =	vperm.xlane v26, v17  }
0x12a: {  	v49 =	vsel vm7, v47, v9;
	v47 =	vperm.xlane v26, v18;
	v27 =	vsel vm7, v27, v8  }
0x12b: {  	v51 =	vsel vm7, v33, v10;
	v38 =	vld.idx.msk [tilespmem:v60+s3+$0x0], $0xffff;
	[tilespmem:v25+s15+$0xB30 ss:$0x1] =	vst.idx.msk $0xffff, v31;
	v48 =	vsub.s32 $0x0, v46  }
0x12c: {  	vm9 =	vgt.s32 v0, v47;
	v45 =	vld.idx.msk [tilespmem:v62+s3+$0x0], $0xffff;
	[tilespmem:v25+s15+$0xB40 ss:$0x1] =	vst.idx.msk $0xffff, v32;
	v50 =	vmin.u32 v46, v48  }
0x12d: {  	vm8 =	vgt.s32 v0, v46;
	v32 =	vld.idx.msk [tilespmem:v43+s3+$0x0], $0xffff;
	[tilespmem:v25+s15+$0xB50 ss:$0x1] =	vst.idx.msk $0xffff, v28;
	v37 =	vshll.u32 v50, $0x4;
	v53 =	vshrl.u32 v50, $0x4  }
0x12e: {  	v31 =	vld.idx.msk [tilespmem:v44+s3+$0x0], $0xffff;
	[tilespmem:v25+s15+$0xB60 ss:$0x1] =	vst.idx.msk $0xffff, v30;
	v57 =	vshrl.u32 v50, $0xC;
	v35 =	vshrl.u32 v50, $0x14;
	v52 =	vand.u32 $0xFF0, v37  }
0x12f: {  	v27 =	vld.idx.msk [tilespmem:v27+s3+$0x0], $0xffff;
	[tilespmem:v25+s15+$0xB70 ss:$0x1] =	vst.idx.msk $0xffff, v29;
	v55 =	vand.u32 $0xFF0, v53;
	v59 =	vand.u32 $0xFF0, v57;
	v35 =	vand.u32 $0xFF0, v35  }
0x130: {  	v54 =	vor.u32 v2, v52;
	v58 =	vor.u32 v4, v55;
	v61 =	vor.u32 v5, v59  }
0x131: {  	v28 =	vld.idx.msk [tilespmem:v49+s3+$0x0], $0xffff;
	v63 =	vor.u32 v6, v35;
	v33 =	vor.u32 v7, v52;
	v29 =	vor.u32 v8, v55  }
0x132: {  	[tilespmem:v25+s15+$0xB80 ss:$0x1] =	vst.idx.msk $0xffff, v36;
	v48 =	vor.u32 v9, v59;
	v49 =	vsub.s32 $0x0, v47;
	v56 =	vsel vm8, v2, v54  }
0x133: {  	v35 =	vor.u32 v10, v35;
	v60 =	vsel vm8, v4, v58;
	v62 =	vsel vm8, v5, v61  }
0x134: {  	v44 =	vsel vm8, v6, v63;
	v29 =	vsel vm8, v29, v8;
	v50 =	vmin.u32 v47, v49  }
0x135: {  	v30 =	vld.idx.msk [tilespmem:v51+s3+$0x0], $0xffff;
	v51 =	vsel vm8, v35, v10;
	v47 =	vperm.xlane v26, v19;
	v36 =	vshll.u32 v50, $0x4  }
0x136: {  	[tilespmem:v25+s15+$0xB90 ss:$0x1] =	vst.idx.msk $0xffff, v38;
	v53 =	vshrl.u32 v50, $0x4;
	v57 =	vshrl.u32 v50, $0xC;
	v34 =	vshrl.u32 v50, $0x14  }
0x137: {  	v52 =	vand.u32 $0xFF0, v36;
	v55 =	vand.u32 $0xFF0, v53;
	v59 =	vand.u32 $0xFF0, v57;
	v37 =	vld.idx.msk [tilespmem:v56+s3+$0x0], $0xffff;
	[tilespmem:v25+s15+$0xBA0 ss:$0x1] =	vst.idx.msk $0xffff, v45  }
0x138: {  	v34 =	vand.u32 $0xFF0, v34;
	v49 =	vsub.s32 $0x0, v47;
	v45 =	vsel vm8, v33, v7;
	v39 =	vld.idx.msk [tilespmem:v60+s3+$0x0], $0xffff;
	[tilespmem:v25+s15+$0xBB0 ss:$0x1] =	vst.idx.msk $0xffff, v32  }
0x139: {  	vm10 =	vgt.s32 v0, v47;
	v54 =	vor.u32 v2, v52;
	v46 =	vld.idx.msk [tilespmem:v62+s3+$0x0], $0xffff;
	[tilespmem:v25+s15+$0xBC0 ss:$0x1] =	vst.idx.msk $0xffff, v31  }
0x13a: {  	v58 =	vor.u32 v4, v55;
	v31 =	vld.idx.msk [tilespmem:v44+s3+$0x0], $0xffff;
	[tilespmem:v25+s15+$0xBD0 ss:$0x1] =	vst.idx.msk $0xffff, v27;
	v27 =	vsel vm8, v48, v9  }
0x13b: {  	v61 =	vor.u32 v5, v59;
	v63 =	vor.u32 v6, v34;
	v35 =	vor.u32 v7, v52  }
0x13c: {  	v34 =	vor.u32 v10, v34;
	v56 =	vsel vm9, v2, v54;
	v60 =	vsel vm9, v4, v58  }
0x13d: {  	v62 =	vsel vm9, v5, v61;
	v48 =	vor.u32 v9, v59;
	v32 =	vld.idx.msk [tilespmem:v45+s3+$0x0], $0xffff;
	[tilespmem:v25+s15+$0xBE0 ss:$0x1] =	vst.idx.msk $0xffff, v28  }
0x13e: {  	v44 =	vsel vm9, v6, v63;
	v50 =	vsel vm9, v48, v9;
	v29 =	vld.idx.msk [tilespmem:v29+s3+$0x0], $0xffff;
	[tilespmem:v25+s15+$0xBF0 ss:$0x1] =	vst.idx.msk $0xffff, v30  }
0x13f: {  	v45 =	vsel vm9, v35, v7;
	v30 =	vor.u32 v8, v55;
	v27 =	vld.idx.msk [tilespmem:v27+s3+$0x0], $0xffff;
	[tilespmem:v25+s15+$0xC00 ss:$0x1] =	vst.idx.msk $0xffff, v37  }
0x140: {  	v30 =	vsel vm9, v30, v8;
	v28 =	vld.idx.msk [tilespmem:v51+s3+$0x0], $0xffff;
	v51 =	vmin.u32 v47, v49;
	v47 =	vperm.xlane v26, v20  }
0x141: {  	[tilespmem:v25+s15+$0xC10 ss:$0x1] =	vst.idx.msk $0xffff, v39;
	v37 =	vshll.u32 v51, $0x4;
	v53 =	vshrl.u32 v51, $0x4;
	v57 =	vshrl.u32 v51, $0xC  }
0x142: {  	v36 =	vld.idx.msk [tilespmem:v56+s3+$0x0], $0xffff;
	[tilespmem:v25+s15+$0xC20 ss:$0x1] =	vst.idx.msk $0xffff, v46;
	v33 =	vshrl.u32 v51, $0x14;
	v52 =	vand.u32 $0xFF0, v37;
	v55 =	vand.u32 $0xFF0, v53  }
0x143: {  	v38 =	vld.idx.msk [tilespmem:v60+s3+$0x0], $0xffff;
	[tilespmem:v25+s15+$0xC30 ss:$0x1] =	vst.idx.msk $0xffff, v31;
	v59 =	vand.u32 $0xFF0, v57;
	v33 =	vand.u32 $0xFF0, v33;
	v49 =	vsub.s32 $0x0, v47  }
0x144: {  	vm11 =	vgt.s32 v0, v47;
	v46 =	vld.idx.msk [tilespmem:v62+s3+$0x0], $0xffff;
	[tilespmem:v25+s15+$0xC40 ss:$0x1] =	vst.idx.msk $0xffff, v32;
	v54 =	vor.u32 v2, v52  }
0x145: {  	v58 =	vor.u32 v4, v55;
	v61 =	vor.u32 v5, v59;
	v32 =	vld.idx.msk [tilespmem:v44+s3+$0x0], $0xffff;
	[tilespmem:v25+s15+$0xC50 ss:$0x1] =	vst.idx.msk $0xffff, v29  }
0x146: {  	v63 =	vor.u32 v6, v33;
	v31 =	vld.idx.msk [tilespmem:v45+s3+$0x0], $0xffff;
	[tilespmem:v25+s15+$0xC60 ss:$0x1] =	vst.idx.msk $0xffff, v27;
	v27 =	vsel vm9, v34, v10  }
0x147: {  	v48 =	vor.u32 v9, v59;
	v51 =	vmin.u32 v47, v49;
	v56 =	vsel vm10, v2, v54  }
0x148: {  	v33 =	vor.u32 v10, v33;
	v60 =	vsel vm10, v4, v58;
	v62 =	vsel vm10, v5, v61  }
0x149: {  	v44 =	vsel vm10, v6, v63;
	v54 =	vshrl.u32 v51, $0x4;
	v30 =	vld.idx.msk [tilespmem:v30+s3+$0x0], $0xffff;
	[tilespmem:v25+s15+$0xC70 ss:$0x1] =	vst.idx.msk $0xffff, v28  }
0x14a: {  	v34 =	vor.u32 v7, v52;
	v52 =	vsel vm10, v33, v10;
	v29 =	vld.idx.msk [tilespmem:v50+s3+$0x0], $0xffff;
	[tilespmem:v25+s15+$0xC80 ss:$0x1] =	vst.idx.msk $0xffff, v36  }
0x14b: {  	v45 =	vsel vm10, v34, v7;
	v28 =	vor.u32 v8, v55;
	v27 =	vld.idx.msk [tilespmem:v27+s3+$0x0], $0xffff;
	[tilespmem:v25+s15+$0xC90 ss:$0x1] =	vst.idx.msk $0xffff, v38  }
0x14c: {  	v57 =	vshrl.u32 v51, $0xC;
	v28 =	vsel vm10, v28, v8;
	v36 =	vshll.u32 v51, $0x4;
	v37 =	vld.idx.msk [tilespmem:v56+s3+$0x0], $0xffff;
	[tilespmem:v25+s15+$0xCA0 ss:$0x1] =	vst.idx.msk $0xffff, v46  }
0x14d: {  	v35 =	vshrl.u32 v51, $0x14;
	v50 =	vsel vm10, v48, v9;
	v53 =	vand.u32 $0xFF0, v36;
	v39 =	vld.idx.msk [tilespmem:v60+s3+$0x0], $0xffff;
	[tilespmem:v25+s15+$0xCB0 ss:$0x1] =	vst.idx.msk $0xffff, v32  }
0x14e: {  	v59 =	vand.u32 $0xFF0, v57;
	v35 =	vand.u32 $0xFF0, v35;
	v55 =	vor.u32 v2, v53;
	v46 =	vld.idx.msk [tilespmem:v62+s3+$0x0], $0xffff;
	[tilespmem:v25+s15+$0xCC0 ss:$0x1] =	vst.idx.msk $0xffff, v31  }
0x14f: {  	v61 =	vor.u32 v5, v59;
	v56 =	vsel vm11, v2, v55;
	v31 =	vld.idx.msk [tilespmem:v44+s3+$0x0], $0xffff;
	[tilespmem:v25+s15+$0xCD0 ss:$0x1] =	vst.idx.msk $0xffff, v30  }
0x150: {  	v63 =	vor.u32 v6, v35;
	v47 =	vor.u32 v9, v59;
	v32 =	vld.idx.msk [tilespmem:v45+s3+$0x0], $0xffff;
	[tilespmem:v25+s15+$0xCE0 ss:$0x1] =	vst.idx.msk $0xffff, v29  }
0x151: {  	v35 =	vor.u32 v10, v35;
	v43 =	vsel vm11, v6, v63;
	v28 =	vld.idx.msk [tilespmem:v28+s3+$0x0], $0xffff;
	[tilespmem:v25+s15+$0xCF0 ss:$0x1] =	vst.idx.msk $0xffff, v27  }
0x152: {  	v49 =	vsel vm11, v47, v9;
	v27 =	vand.u32 $0xFF0, v54;
	v30 =	vld.idx.msk [tilespmem:v50+s3+$0x0], $0xffff;
	[tilespmem:v25+s15+$0xD00 ss:$0x1] =	vst.idx.msk $0xffff, v37  }
0x153: {  	v47 =	vperm.xlane v26, v21;
	v58 =	vor.u32 v4, v27;
	v29 =	vld.idx.msk [tilespmem:v52+s3+$0x0], $0xffff;
	[tilespmem:v25+s15+$0xD10 ss:$0x1] =	vst.idx.msk $0xffff, v39  }
0x154: {  	v60 =	vsel vm11, v4, v58;
	v36 =	vld.idx.msk [tilespmem:v56+s3+$0x0], $0xffff;
	[tilespmem:v25+s15+$0xD20 ss:$0x1] =	vst.idx.msk $0xffff, v46;
	v46 =	vperm.xlane v26, v3  }
0x155: {  	v51 =	vsel vm11, v35, v10;
	v33 =	vor.u32 v7, v53;
	v62 =	vsel vm11, v5, v61  }
0x156: {  	vm13 =	vgt.s32 v0, v47;
	v27 =	vor.u32 v8, v27;
	v48 =	vsub.s32 $0x0, v46  }
0x157: {  	v44 =	vsel vm11, v33, v7;
	v27 =	vsel vm11, v27, v8;
	v50 =	vmin.u32 v46, v48  }
0x158: {  	vm12 =	vgt.s32 v0, v46;
	v37 =	vshll.u32 v50, $0x4;
	v53 =	vshrl.u32 v50, $0x4  }
0x159: {  	v38 =	vld.idx.msk [tilespmem:v60+s3+$0x0], $0xffff;
	[tilespmem:v25+s15+$0xD30 ss:$0x1] =	vst.idx.msk $0xffff, v31;
	v57 =	vshrl.u32 v50, $0xC;
	v34 =	vshrl.u32 v50, $0x14;
	v52 =	vand.u32 $0xFF0, v37  }
0x15a: {  	v45 =	vld.idx.msk [tilespmem:v62+s3+$0x0], $0xffff;
	[tilespmem:v25+s15+$0xD40 ss:$0x1] =	vst.idx.msk $0xffff, v32;
	v55 =	vand.u32 $0xFF0, v53;
	v59 =	vand.u32 $0xFF0, v57;
	v34 =	vand.u32 $0xFF0, v34  }
0x15b: {  	v32 =	vld.idx.msk [tilespmem:v43+s3+$0x0], $0xffff;
	[tilespmem:v25+s15+$0xD50 ss:$0x1] =	vst.idx.msk $0xffff, v28;
	v54 =	vor.u32 v2, v52;
	v58 =	vor.u32 v4, v55  }
0x15c: {  	v61 =	vor.u32 v5, v59;
	v63 =	vor.u32 v6, v34;
	v35 =	vor.u32 v7, v52  }
0x15d: {  	v48 =	vor.u32 v9, v59;
	v34 =	vor.u32 v10, v34;
	v31 =	vld.idx.msk [tilespmem:v44+s3+$0x0], $0xffff;
	[tilespmem:v25+s15+$0xD60 ss:$0x1] =	vst.idx.msk $0xffff, v30  }
0x15e: {  	v56 =	vsel vm12, v2, v54;
	v60 =	vsel vm12, v4, v58;
	v62 =	vsel vm12, v5, v61  }
0x15f: {  	v44 =	vsel vm12, v6, v63;
	v27 =	vld.idx.msk [tilespmem:v27+s3+$0x0], $0xffff;
	[tilespmem:v25+s15+$0xD70 ss:$0x1] =	vst.idx.msk $0xffff, v29;
	v29 =	vor.u32 v8, v55  }
0x160: {  	v28 =	vld.idx.msk [tilespmem:v49+s3+$0x0], $0xffff;
	[tilespmem:v25+s15+$0xD80 ss:$0x1] =	vst.idx.msk $0xffff, v36;
	v29 =	vsel vm12, v29, v8;
	v49 =	vsub.s32 $0x0, v47  }
0x161: {  	v30 =	vld.idx.msk [tilespmem:v51+s3+$0x0], $0xffff;
	v50 =	vmin.u32 v47, v49;
	v51 =	vsel vm12, v34, v10;
	v47 =	vperm.xlane v26, v22  }
0x162: {  	[tilespmem:v25+s15+$0xD90 ss:$0x1] =	vst.idx.msk $0xffff, v38;
	v26 =	vperm.xlane v26, v23;
	v36 =	vshll.u32 v50, $0x4;
	v53 =	vshrl.u32 v50, $0x4  }
0x163: {  	v57 =	vshrl.u32 v50, $0xC;
	v33 =	vshrl.u32 v50, $0x14;
	v37 =	vld.idx.msk [tilespmem:v56+s3+$0x0], $0xffff;
	[tilespmem:v25+s15+$0xDA0 ss:$0x1] =	vst.idx.msk $0xffff, v45;
	v45 =	vsel vm12, v35, v7  }
0x164: {  	v52 =	vand.u32 $0xFF0, v36;
	v55 =	vand.u32 $0xFF0, v53;
	v59 =	vand.u32 $0xFF0, v57;
	v39 =	vld.idx.msk [tilespmem:v60+s3+$0x0], $0xffff;
	[tilespmem:v25+s15+$0xDB0 ss:$0x1] =	vst.idx.msk $0xffff, v32  }
0x165: {  	v33 =	vand.u32 $0xFF0, v33;
	v49 =	vsub.s32 $0x0, v47;
	vm14 =	vgt.s32 v0, v47;
	v46 =	vld.idx.msk [tilespmem:v62+s3+$0x0], $0xffff;
	[tilespmem:v25+s15+$0xDC0 ss:$0x1] =	vst.idx.msk $0xffff, v31  }
0x166: {  	vm15 =	vgt.s32 v0, v26;
	v31 =	vld.idx.msk [tilespmem:v44+s3+$0x0], $0xffff;
	[tilespmem:v25+s15+$0xDD0 ss:$0x1] =	vst.idx.msk $0xffff, v27;
	v27 =	vsel vm12, v48, v9  }
0x167: {  	v54 =	vor.u32 v2, v52;
	v58 =	vor.u32 v4, v55;
	v61 =	vor.u32 v5, v59  }
0x168: {  	v63 =	vor.u32 v6, v33;
	v34 =	vor.u32 v7, v52;
	v56 =	vsel vm13, v2, v54  }
0x169: {  	v33 =	vor.u32 v10, v33;
	v60 =	vsel vm13, v4, v58;
	v32 =	vld.idx.msk [tilespmem:v45+s3+$0x0], $0xffff;
	[tilespmem:v25+s15+$0xDE0 ss:$0x1] =	vst.idx.msk $0xffff, v28  }
0x16a: {  	v62 =	vsel vm13, v5, v61;
	v48 =	vor.u32 v9, v59;
	v29 =	vld.idx.msk [tilespmem:v29+s3+$0x0], $0xffff;
	[tilespmem:v25+s15+$0xDF0 ss:$0x1] =	vst.idx.msk $0xffff, v30  }
0x16b: {  	v44 =	vsel vm13, v6, v63;
	v50 =	vsel vm13, v48, v9;
	v27 =	vld.idx.msk [tilespmem:v27+s3+$0x0], $0xffff;
	[tilespmem:v25+s15+$0xE00 ss:$0x1] =	vst.idx.msk $0xffff, v37  }
0x16c: {  	v45 =	vsel vm13, v34, v7;
	v30 =	vor.u32 v8, v55;
	v28 =	vld.idx.msk [tilespmem:v51+s3+$0x0], $0xffff;
	[tilespmem:v25+s15+$0xE10 ss:$0x1] =	vst.idx.msk $0xffff, v39  }
0x16d: {  	v30 =	vsel vm13, v30, v8;
	v51 =	vmin.u32 v47, v49;
	v36 =	vld.idx.msk [tilespmem:v56+s3+$0x0], $0xffff;
	[tilespmem:v25+s15+$0xE20 ss:$0x1] =	vst.idx.msk $0xffff, v46  }
0x16e: {  	v47 =	vsub.s32 $0x0, v26;
	v37 =	vshll.u32 v51, $0x4;
	v53 =	vshrl.u32 v51, $0x4;
	v38 =	vld.idx.msk [tilespmem:v60+s3+$0x0], $0xffff;
	[tilespmem:v25+s15+$0xE30 ss:$0x1] =	vst.idx.msk $0xffff, v31  }
0x16f: {  	v57 =	vshrl.u32 v51, $0xC;
	v35 =	vshrl.u32 v51, $0x14;
	v49 =	vmin.u32 v26, v47;
	v46 =	vld.idx.msk [tilespmem:v62+s3+$0x0], $0xffff;
	[tilespmem:v25+s15+$0xE40 ss:$0x1] =	vst.idx.msk $0xffff, v32  }
0x170: {  	v52 =	vand.u32 $0xFF0, v37;
	v55 =	vand.u32 $0xFF0, v53;
	v59 =	vand.u32 $0xFF0, v57;
	v32 =	vld.idx.msk [tilespmem:v44+s3+$0x0], $0xffff;
	[tilespmem:v25+s15+$0xE50 ss:$0x1] =	vst.idx.msk $0xffff, v29  }
0x171: {  	v54 =	vor.u32 v2, v52;
	v31 =	vld.idx.msk [tilespmem:v45+s3+$0x0], $0xffff;
	[tilespmem:v25+s15+$0xE60 ss:$0x1] =	vst.idx.msk $0xffff, v27;
	v27 =	vsel vm13, v33, v10  }
0x172: {  	v35 =	vand.u32 $0xFF0, v35;
	v58 =	vor.u32 v4, v55;
	v56 =	vsel vm14, v2, v54  }
0x173: {  	v26 =	vshrl.u32 v49, $0x4;
	v61 =	vor.u32 v5, v59;
	v60 =	vsel vm14, v4, v58  }
0x174: {  	v63 =	vor.u32 v6, v35;
	v62 =	vsel vm14, v5, v61;
	v30 =	vld.idx.msk [tilespmem:v30+s3+$0x0], $0xffff;
	[tilespmem:v25+s15+$0xE70 ss:$0x1] =	vst.idx.msk $0xffff, v28  }
0x175: {  	v43 =	vsel vm14, v6, v63;
	v33 =	vor.u32 v7, v52;
	v29 =	vld.idx.msk [tilespmem:v50+s3+$0x0], $0xffff;
	[tilespmem:v25+s15+$0xE80 ss:$0x1] =	vst.idx.msk $0xffff, v36  }
0x176: {  	v44 =	vsel vm14, v33, v7;
	v28 =	vor.u32 v8, v55;
	v27 =	vld.idx.msk [tilespmem:v27+s3+$0x0], $0xffff;
	[tilespmem:v25+s15+$0xE90 ss:$0x1] =	vst.idx.msk $0xffff, v38  }
0x177: {  	v26 =	vand.u32 $0xFF0, v26;
	v28 =	vsel vm14, v28, v8;
	v37 =	vld.idx.msk [tilespmem:v56+s3+$0x0], $0xffff;
	[tilespmem:v25+s15+$0xEA0 ss:$0x1] =	vst.idx.msk $0xffff, v46  }
0x178: {  	v35 =	vor.u32 v10, v35;
	v53 =	vor.u32 v4, v26;
	v39 =	vld.idx.msk [tilespmem:v60+s3+$0x0], $0xffff;
	[tilespmem:v25+s15+$0xEB0 ss:$0x1] =	vst.idx.msk $0xffff, v32  }
0x179: {  	v36 =	vshll.u32 v49, $0x4;
	v46 =	vor.u32 v9, v59;
	v45 =	vld.idx.msk [tilespmem:v62+s3+$0x0], $0xffff;
	[tilespmem:v25+s15+$0xEC0 ss:$0x1] =	vst.idx.msk $0xffff, v31  }
0x17a: {  	v52 =	vshrl.u32 v49, $0xC;
	v51 =	vand.u32 $0xFF0, v36;
	v48 =	vsel vm14, v46, v9;
	v31 =	vld.idx.msk [tilespmem:v43+s3+$0x0], $0xffff;
	[tilespmem:v25+s15+$0xED0 ss:$0x1] =	vst.idx.msk $0xffff, v30  }
0x17b: {  	v50 =	vsel vm14, v35, v10;
	v36 =	vor.u32 v2, v51;
	v32 =	vld.idx.msk [tilespmem:v44+s3+$0x0], $0xffff;
	[tilespmem:v25+s15+$0xEE0 ss:$0x1] =	vst.idx.msk $0xffff, v29  }
0x17c: {  	v34 =	vshrl.u32 v49, $0x14;
	v28 =	vld.idx.msk [tilespmem:v28+s3+$0x0], $0xffff;
	[tilespmem:v25+s15+$0xEF0 ss:$0x1] =	vst.idx.msk $0xffff, v27;
	v27 =	vsel vm15, v2, v36;
	v36 =	vand.u32 $0xFF0, v52  }
0x17d: {  	v34 =	vand.u32 $0xFF0, v34;
	v54 =	vsel vm15, v4, v53;
	v55 =	vor.u32 v5, v36  }
0x17e: {  	v56 =	vor.u32 v6, v34;
	v38 =	vsel vm15, v5, v55  }
0x17f: {  	v35 =	vor.u32 v7, v51;
	v57 =	vsel vm15, v6, v56;
	v30 =	vld.idx.msk [tilespmem:v48+s3+$0x0], $0xffff;
	[tilespmem:v25+s15+$0xF00 ss:$0x1] =	vst.idx.msk $0xffff, v37  }
0x180: {  	v26 =	vor.u32 v8, v26;
	v58 =	vsel vm15, v35, v7;
	v29 =	vld.idx.msk [tilespmem:v50+s3+$0x0], $0xffff;
	[tilespmem:v25+s15+$0xF10 ss:$0x1] =	vst.idx.msk $0xffff, v39  }
0x181: {  	v26 =	vsel vm15, v26, v8;
	v60 =	vor.u32 v9, v36;
	v27 =	vld.idx.msk [tilespmem:v27+s3+$0x0], $0xffff;
	[tilespmem:v25+s15+$0xF20 ss:$0x1] =	vst.idx.msk $0xffff, v45  }
0x182: {  	v62 =	vor.u32 v10, v34;
	v61 =	vsel vm15, v60, v9;
	v37 =	vld.idx.msk [tilespmem:v54+s3+$0x0], $0xffff;
	[tilespmem:v25+s15+$0xF30 ss:$0x1] =	vst.idx.msk $0xffff, v31  }
0x183: {  	v63 =	vsel vm15, v62, v10;
	v59 =	vld.idx.msk [tilespmem:v38+s3+$0x0], $0xffff;
	[tilespmem:v25+s15+$0xF40 ss:$0x1] =	vst.idx.msk $0xffff, v32  }
0x184: {  	v32 =	vld.idx.msk [tilespmem:v57+s3+$0x0], $0xffff;
	[tilespmem:v25+s15+$0xF50 ss:$0x1] =	vst.idx.msk $0xffff, v28  }
0x185: {  	v31 =	vld.idx.msk [tilespmem:v58+s3+$0x0], $0xffff;
	[tilespmem:v25+s15+$0xF60 ss:$0x1] =	vst.idx.msk $0xffff, v30  }
0x186: {  	v26 =	vld.idx.msk [tilespmem:v26+s3+$0x0], $0xffff;
	[tilespmem:v25+s15+$0xF70 ss:$0x1] =	vst.idx.msk $0xffff, v29  }
0x187: {  	v28 =	vld.idx.msk [tilespmem:v61+s3+$0x0], $0xffff;
	[tilespmem:v25+s15+$0xF80 ss:$0x1] =	vst.idx.msk $0xffff, v27  }
0x188: {  	v27 =	vld.idx.msk [tilespmem:v63+s3+$0x0], $0xffff;
	[tilespmem:v25+s15+$0xF90 ss:$0x1] =	vst.idx.msk $0xffff, v37  }
0x189: {  	p0 =	sne.s32 s14, $0x3;
	[tilespmem:v25+s15+$0xFA0 ss:$0x1] =	vst.idx.msk $0xffff, v59  }
.Ltmp0:
0x18a: {  	[tilespmem:v25+s15+$0xFB0 ss:$0x1] =	vst.idx.msk $0xffff, v32;
	(pc) =	sbr.rel @p0 .LBB2_3-.Ltmp0, $4  }
0x18b: {  	[tilespmem:v25+s15+$0xFC0 ss:$0x1] =	vst.idx.msk $0xffff, v31  }
0x18c: {  	[tilespmem:v25+s15+$0xFD0 ss:$0x1] =	vst.idx.msk $0xffff, v26  }
0x18d: {  	[tilespmem:v25+s15+$0xFE0 ss:$0x1] =	vst.idx.msk $0xffff, v28  }
0x18e: {  	s14 =	sadd.s32 $0x1, s14;
	[tilespmem:v25+s15+$0xFF0 ss:$0x1] =	vst.idx.msk $0xffff, v27  }
0x18f: {  	s14 =	sshll.u32 s12, $0xE;
	s12 =	sadd.s32 $0x1, s12  }
0x190: {  	p0 =	sne.s32 s12, $0x68  }
.Ltmp1:
0x191: {  	_ = 	snop;
	(pc) =	sbr.rel @p0 .LBB2_2-.Ltmp1, $4  }
0x192: {  	s14 =	sadd.s32 s6, s14  }
0x193: {  	s14 =	sshrl.u32 s14, $0x3  }
0x194: {  	s14 =	sadd.s32 s2, s14  }
0x195: {  	[hbm4b:s14+s3] =	stream.linear.scatter [tilespmem:s13], [sflag:$0x1], $0x4000, $0x38;
	[tilespmem:$0x17400] =	vst v63  }
0x196: {  	_ =	swait.ge [sflag:s10], $0x4000  }
0x197: {  	[sflag:s10] =	ssyncset.done $0x0  }
0x198: {  	s11 =	sadd.s32 $0x1, s11;
	[sflag:s10] =	ssyncadd.s32 $0xFFFFC000  }
0x199: {  	p0 =	sne.s32 s11, s7;
	_ =	swait.ge [sflag:s10], $0x4000  }
.Ltmp2:
0x19a: {  	[sflag:s10] =	ssyncset.done $0x0;
	(pc) =	sbr.rel @p0 .LBB2_1-.Ltmp2, $4  }
0x19b: {  	[sflag:s10] =	ssyncadd.s32 $0xFFFFC000  }
0x19c: {  	_ =	swait.ge [sflag:s10], $0x4000  }
0x19d: {  	[sflag:s10] =	ssyncset.done $0x0  }
0x19e: {  	[sflag:s10] =	ssyncadd.s32 $0xFFFFC000  }
0x19f: {  	_ =	sfence.sel $0x180000  }
0x1a0: {  	[bflag:$0x0] =	sbarrier.arrive $0xFFFF  }
0x1a1: {  	p0 =	sne.s32 s0, $0x0;
	_ =	strace $0x90000047  }
0x1a2: {  	s0 =	sadd.s32 @!p0 $0x100000, s1;
	[bflag:$0x2] =	sbarrier.arrive $0xFFFF  }
0x1a3: {  	[sflag:s0] =	ssyncadd.tile.s32 @!p0 $0x1;
	_ =	shalt  }
.Lfunc_end2:
_tile_overlayer_lowered:
.L_overlay_start_2:
0x1a4: {  	(tag) =	ssettag $0x2  }
0x1a5: {  	s0 =	rddreg [dreg:$0x0];
	s2 =	stileid.u32  }
0x1a6: {  	s1 =	rddreg [dreg:$0x1];
	p0 =	sne.s32 s2, $0x0  }
0x1a7: {  	s3 =	rddreg [dreg:$0x2];
	[bflag:$0x3] =	sbarrier.arrive $0xFFFF;
	s2 =	simm.s32 @!p0 $0x1C02  }
0x1a8: {  	[timem:s3], [sflag:s2] =	dma.local @!p0 [hbm:s0], s1  }
0x1a9: {  	s0 =	simm.s32 @!p0 $0x2  }
0x1aa: {  	_ =	swait.ge @!p0 [sflag:s0], s1  }
0x1ab: {  	s1 =	ssub.s32 @!p0 $0x0, s1;
	[sflag:s0] =	ssyncset.done @!p0 $0x0  }
0x1ac: {  	[sflag:s0] =	ssyncadd.s32 @!p0 s1  }
0x1ad: {  	[bflag:$0x3] =	sbarrier.arrive $0xFFFF  }
0x1ae: {  	_ =	shalt  }

</sc_bundles>
